<compile_context>
chip_gen: v7x
topology: tpu7x:2x2x1
jax: 0.10.2.dev20260603
libtpu: 0.0.44.dev20260713+nightly
codegen_flags: <defaults>
</compile_context>

<pallas_src>
import functools

import jax
import jax.numpy as jnp
from jax import lax
from jax.experimental import pallas as pl
from jax.experimental.pallas import tpu as pltpu
from jax.experimental.pallas import tpu_sc as plsc

N = 10000
E = 320000
N_PAD = 10240
NC = 2
NS = 16
NW = NC * NS
CHUNK = 128
ACC_ROWS_PER_TILE = N_PAD // NS
OUT_ROWS_PER_TILE = N // NS

ALPHA = 0.9
EPS_BN = 0.001
QEXP = (ALPHA + 1.0) / 2.0

BLK = 2000



NCH = E // CHUNK
CH_BASE = NCH // NW
CH_REM = NCH % NW


def _sc_degree(raw):
    mesh = plsc.VectorSubcoreMesh(
        core_axis_name="c", subcore_axis_name="s", num_cores=NC, num_subcores=NS)

    @functools.partial(
        pl.kernel,
        out_type=jax.ShapeDtypeStruct((NC, N_PAD), jnp.float32),
        mesh=mesh,
        compiler_params=pltpu.CompilerParams(use_tc_tiling_on_sc=False),
        scratch_types=[
            pltpu.VMEM((CH_BASE + 1, 2, CHUNK), jnp.int32),
            pltpu.VMEM((CHUNK,), jnp.float32),
            pltpu.VMEM_SHARED((N_PAD,), jnp.float32),
            pltpu.SemaphoreType.DMA,
        ],
    )
    def k(raw_hbm, out_hbm, idx_v, buf_v, acc, sem):
        c = lax.axis_index("c")
        s = lax.axis_index("s")
        w = s * NC + c
        extra = w < CH_REM
        base = CH_BASE * w + jnp.minimum(w, CH_REM)
        pltpu.sync_copy(raw_hbm.at[pl.ds(base, CH_BASE)],
                        idx_v.at[pl.ds(0, CH_BASE)])

        @pl.when(extra)
        def _():
            pltpu.sync_copy(raw_hbm.at[pl.ds(base + CH_BASE, 1)],
                            idx_v.at[pl.ds(CH_BASE, 1)])

        for i in range(CHUNK // 16):
            buf_v[pl.ds(i * 16, 16)] = jnp.zeros((16,), jnp.float32)
        for kk in range(ACC_ROWS_PER_TILE // CHUNK):
            pltpu.sync_copy(
                buf_v, acc.at[pl.ds(s * ACC_ROWS_PER_TILE + kk * CHUNK, CHUNK)])
        for i in range(CHUNK // 16):
            buf_v[pl.ds(i * 16, 16)] = jnp.ones((16,), jnp.float32)
        plsc.subcore_barrier()

        grp = 13

        def body(g, carry):
            for i in range(grp):
                pltpu.async_copy(buf_v, acc.at[idx_v.at[g * grp + i, 1]], sem,
                                 add=True)
            for i in range(grp):
                pltpu.make_async_copy(
                    buf_v, acc.at[idx_v.at[g * grp + i, 1]], sem).wait()
            return carry

        lax.fori_loop(0, CH_BASE // grp, body, 0)

        @pl.when(extra)
        def _():
            pltpu.async_copy(buf_v, acc.at[idx_v.at[CH_BASE, 1]], sem,
                             add=True)
            pltpu.make_async_copy(buf_v, acc.at[idx_v.at[CH_BASE, 1]],
                                  sem).wait()

        plsc.subcore_barrier()
        pltpu.sync_copy(
            acc.at[pl.ds(s * ACC_ROWS_PER_TILE, ACC_ROWS_PER_TILE)],
            out_hbm.at[c, pl.ds(s * ACC_ROWS_PER_TILE, ACC_ROWS_PER_TILE)])

    return k(raw)


def _sc_propagate(xs, raw, f, stage):
    mesh = plsc.VectorSubcoreMesh(
        core_axis_name="c", subcore_axis_name="s", num_cores=NC, num_subcores=NS)

    scratch = [
        pltpu.VMEM((CH_BASE + 1, 2, CHUNK), jnp.int32),
        pltpu.VMEM((4, CHUNK, f), jnp.float32),
        pltpu.VMEM_SHARED((N_PAD, f), jnp.float32),
        [pltpu.SemaphoreType.DMA] * 4,
        [pltpu.SemaphoreType.DMA] * 4,
    ]
    if stage:
        scratch += [
            pltpu.VMEM((OUT_ROWS_PER_TILE, f), jnp.float32),
            pltpu.VMEM_SHARED((N, f), jnp.float32),
        ]

    @functools.partial(
        pl.kernel,
        out_type=jax.ShapeDtypeStruct((NC, N_PAD, f), jnp.float32),
        mesh=mesh,
        compiler_params=pltpu.CompilerParams(use_tc_tiling_on_sc=False),
        scratch_types=scratch,
    )
    def k(xs_hbm, raw_hbm, out_hbm, idx_v, rows_v,
          acc, gsem, ssem, *opt):
        c = lax.axis_index("c")
        s = lax.axis_index("s")
        w = s * NC + c
        extra = w < CH_REM
        nch = CH_BASE + extra.astype(jnp.int32)
        base = CH_BASE * w + jnp.minimum(w, CH_REM)
        pltpu.sync_copy(raw_hbm.at[pl.ds(base, CH_BASE)],
                        idx_v.at[pl.ds(0, CH_BASE)])

        @pl.when(extra)
        def _():
            pltpu.sync_copy(raw_hbm.at[pl.ds(base + CH_BASE, 1)],
                            idx_v.at[pl.ds(CH_BASE, 1)])

        if stage:
            stage_v, xs_s = opt
            pltpu.sync_copy(
                xs_hbm.at[pl.ds(s * OUT_ROWS_PER_TILE, OUT_ROWS_PER_TILE)],
                stage_v)
            pltpu.sync_copy(
                stage_v,
                xs_s.at[pl.ds(s * OUT_ROWS_PER_TILE, OUT_ROWS_PER_TILE)])
            gsrc = xs_s
        else:
            gsrc = xs_hbm

        zero16 = jnp.zeros((16,), jnp.float32)

        def zrow(r, carry):
            for i in range(0, f - 15, 16):
                rows_v[0, r, pl.ds(i, 16)] = zero16
            if f % 16:
                rows_v[0, r, pl.ds(f - 16, 16)] = zero16
            return carry

        lax.fori_loop(0, CHUNK, zrow, 0)
        for kk in range(ACC_ROWS_PER_TILE // CHUNK):
            pltpu.sync_copy(
                rows_v.at[0],
                acc.at[pl.ds(s * ACC_ROWS_PER_TILE + kk * CHUNK, CHUNK)])
        plsc.subcore_barrier()

        for b in range(4):
            pltpu.async_copy(gsrc.at[idx_v.at[b, 0]], rows_v.at[b], gsem[b])

        def body(jo, carry):
            j0 = 4 * jo
            for b in range(4):
                j = j0 + b

                @pl.when(j < nch)
                def _():
                    pltpu.make_async_copy(
                        gsrc.at[idx_v.at[j, 0]], rows_v.at[b], gsem[b]).wait()
                    pltpu.async_copy(rows_v.at[b], acc.at[idx_v.at[j, 1]],
                                     ssem[b], add=True)
            for b in range(4):
                j = j0 + b

                @pl.when(j + 4 < nch)
                def _():
                    pltpu.make_async_copy(
                        rows_v.at[b], acc.at[idx_v.at[j, 1]], ssem[b]).wait()
                    pltpu.async_copy(
                        gsrc.at[idx_v.at[j + 4, 0]], rows_v.at[b], gsem[b])
            return carry

        lax.fori_loop(0, (CH_BASE + 1 + 3) // 4, body, 0)

        @pl.when(extra)
        def _():
            for j in range(CH_BASE + 1 - 4, CH_BASE + 1):
                pltpu.make_async_copy(
                    rows_v.at[j % 4], acc.at[idx_v.at[j, 1]],
                    ssem[j % 4]).wait()

        @pl.when(jnp.logical_not(extra))
        def _():
            for j in range(CH_BASE - 4, CH_BASE):
                pltpu.make_async_copy(
                    rows_v.at[j % 4], acc.at[idx_v.at[j, 1]],
                    ssem[j % 4]).wait()

        plsc.subcore_barrier()
        pltpu.sync_copy(
            acc.at[pl.ds(s * ACC_ROWS_PER_TILE, ACC_ROWS_PER_TILE)],
            out_hbm.at[c].at[pl.ds(s * ACC_ROWS_PER_TILE, ACC_ROWS_PER_TILE)])

    return k(xs, raw)



def _elu(v):
    return jnp.where(v > 0.0, v, jnp.exp(v) - 1.0)


def _enc_body(x_ref, w0_ref, b0_ref, w1_ref, b1_ref, feat_ref):
    h = _elu(jnp.dot(x_ref[...], w0_ref[...],
                     preferred_element_type=jnp.float32) + b0_ref[...])
    feat_ref[...] = _elu(
        jnp.dot(h, w1_ref[...], preferred_element_type=jnp.float32)
        + b1_ref[...])


def _tc_encoder(x, w0, b0, w1, b1):
    return pl.pallas_call(
        _enc_body,
        grid=(N // BLK,),
        in_specs=[
            pl.BlockSpec((BLK, 128), lambda i: (i, 0)),
            pl.BlockSpec((128, 32), lambda i: (0, 0)),
            pl.BlockSpec((1, 32), lambda i: (0, 0)),
            pl.BlockSpec((32, 32), lambda i: (0, 0)),
            pl.BlockSpec((1, 32), lambda i: (0, 0)),
        ],
        out_specs=pl.BlockSpec((BLK, 32), lambda i: (i, 0)),
        out_shape=jax.ShapeDtypeStruct((N, 32), jnp.float32),
    )(x, w0, b0, w1, b1)


BLK2 = 2048


def _scale_body(feat_ref, deg_ref, xs1_ref, dinv_ref):
    dt = jnp.transpose(deg_ref[...])
    dinv = lax.rsqrt(dt[:, 0:1] + dt[:, 1:2] + 1.0)
    xs1_ref[...] = feat_ref[...] * dinv
    dinv_ref[...] = dinv


def _tc_scale(feat, deg):
    return pl.pallas_call(
        _scale_body,
        grid=(N_PAD // BLK2,),
        in_specs=[
            pl.BlockSpec((BLK2, 32), lambda i: (i, 0)),
            pl.BlockSpec((NC, BLK2), lambda i: (0, i)),
        ],
        out_specs=[
            pl.BlockSpec((BLK2, 32), lambda i: (i, 0)),
            pl.BlockSpec((BLK2, 1), lambda i: (i, 0)),
        ],
        out_shape=[
            jax.ShapeDtypeStruct((N, 32), jnp.float32),
            jax.ShapeDtypeStruct((N, 1), jnp.float32),
        ],
    )(feat, deg)


def _mid_body(p1_ref, xs1_ref, dinv_ref, wc_ref, bc_ref, wcat_ref, xs2_ref):
    a = p1_ref[...]
    pf = (a[0] + a[1] + xs1_ref[...]) * dinv_ref[...]
    cc = jnp.maximum(
        jnp.dot(pf, wc_ref[...], preferred_element_type=jnp.float32)
        + bc_ref[...], 0.0)
    t = jnp.dot(cc, wcat_ref[...], preferred_element_type=jnp.float32)
    xs2_ref[...] = t * dinv_ref[...]


def _tc_mid(p1, xs1, dinv, wc, bc, wcat):
    return pl.pallas_call(
        _mid_body,
        grid=(N // BLK,),
        in_specs=[
            pl.BlockSpec((NC, BLK, 32), lambda i: (0, i, 0)),
            pl.BlockSpec((BLK, 32), lambda i: (i, 0)),
            pl.BlockSpec((BLK, 1), lambda i: (i, 0)),
            pl.BlockSpec((32, 64), lambda i: (0, 0)),
            pl.BlockSpec((1, 64), lambda i: (0, 0)),
            pl.BlockSpec((64, 16), lambda i: (0, 0)),
        ],
        out_specs=pl.BlockSpec((BLK, 16), lambda i: (i, 0)),
        out_shape=jax.ShapeDtypeStruct((N, 16), jnp.float32),
    )(p1, xs1, dinv, wc, bc, wcat)


def _tail_body(p2_ref, xs2_ref, dinv_ref, feat_ref, bcatt_ref,
               wd0t_ref, bd0t_ref, wd1_ref, bd1_ref, cl_ref, csqt_ref,
               zt_ref, mut_ref, lvt_ref, de_ref, qt_ref, f20t_ref):
    a = p2_ref[...]
    pt = (a[0] + a[1] + xs2_ref[...]) * dinv_ref[...]
    ptt = jnp.transpose(pt) + bcatt_ref[...]
    mut = ptt[0:8, :]
    featt = jnp.transpose(feat_ref[...])
    f20t = featt[0:20, :]
    zt = jnp.concatenate([f20t, mut], axis=0)
    dht = _elu(
        jnp.dot(wd0t_ref[...], zt, preferred_element_type=jnp.float32)
        + bd0t_ref[...])
    de = jnp.dot(jnp.transpose(dht), wd1_ref[...],
                 preferred_element_type=jnp.float32) + bd1_ref[...]
    zsqt = jnp.sum(zt * zt, axis=0, keepdims=True)
    zct = jnp.dot(cl_ref[...], zt, preferred_element_type=jnp.float32)
    qdt = zsqt - 2.0 * zct + csqt_ref[...]
    u = 1.0 / (1.0 + qdt * (1.0 / ALPHA))
    qq = jnp.exp(QEXP * jnp.log(u))
    zt_ref[...] = zt
    mut_ref[...] = mut
    lvt_ref[...] = ptt[8:16, :]
    de_ref[...] = de
    qt_ref[...] = qq / jnp.sum(qq, axis=0, keepdims=True)
    f20t_ref[...] = f20t


def _tc_tail(p2, xs2, dinv, feat, bcat_t, wd0_t, bd0_t, wd1, bd1, cl, csq_t):
    return pl.pallas_call(
        _tail_body,
        grid=(1,),
        in_specs=[
            pl.BlockSpec((NC, N, 16), lambda i: (0, 0, 0)),
            pl.BlockSpec((N, 16), lambda i: (0, 0)),
            pl.BlockSpec((N, 1), lambda i: (0, 0)),
            pl.BlockSpec((N, 32), lambda i: (0, 0)),
            pl.BlockSpec((16, 1), lambda i: (0, 0)),
            pl.BlockSpec((32, 28), lambda i: (0, 0)),
            pl.BlockSpec((32, 1), lambda i: (0, 0)),
            pl.BlockSpec((32, 128), lambda i: (0, 0)),
            pl.BlockSpec((1, 128), lambda i: (0, 0)),
            pl.BlockSpec((15, 28), lambda i: (0, 0)),
            pl.BlockSpec((15, 1), lambda i: (0, 0)),
        ],
        out_specs=[
            pl.BlockSpec((28, N), lambda i: (0, 0)),
            pl.BlockSpec((8, N), lambda i: (0, 0)),
            pl.BlockSpec((8, N), lambda i: (0, 0)),
            pl.BlockSpec((N, 128), lambda i: (0, 0)),
            pl.BlockSpec((15, N), lambda i: (0, 0)),
            pl.BlockSpec((20, N), lambda i: (0, 0)),
        ],
        out_shape=[
            jax.ShapeDtypeStruct((28, N), jnp.float32),
            jax.ShapeDtypeStruct((8, N), jnp.float32),
            jax.ShapeDtypeStruct((8, N), jnp.float32),
            jax.ShapeDtypeStruct((N, 128), jnp.float32),
            jax.ShapeDtypeStruct((15, N), jnp.float32),
            jax.ShapeDtypeStruct((20, N), jnp.float32),
        ],
    )(p2, xs2, dinv, feat, bcat_t, wd0_t, bd0_t, wd1, bd1, cl, csq_t)



def kernel(x, params, adj):
    p = params
    s_bn = (1.0 + EPS_BN) ** -0.5

    w0 = p["enc_W0"] * (p["enc_g0"] * s_bn)[None, :]
    b0 = (p["enc_b0"] * p["enc_g0"] * s_bn + p["enc_be0"])[None, :]
    w1 = p["enc_W1"] * (p["enc_g1"] * s_bn)[None, :]
    b1 = (p["enc_b1"] * p["enc_g1"] * s_bn + p["enc_be1"])[None, :]
    w1p = jnp.pad(w1, ((0, 0), (0, 12)))
    b1p = jnp.pad(b1, ((0, 0), (0, 12)))
    wc = p["conv_W"] * (p["conv_g"] * s_bn)[None, :]
    bc = (p["conv_b"] * p["conv_g"] * s_bn + p["conv_be"])[None, :]
    wcp = jnp.pad(wc, ((0, 12), (0, 0)))
    wcat = jnp.concatenate([p["mean_W"], p["logv_W"]], axis=1)
    bcat = jnp.concatenate([p["mean_b"], p["logv_b"]])[None, :]
    wd0 = p["dec_W0"] * (p["dec_g0"] * s_bn)[None, :]
    bd0_t = (p["dec_b0"] * p["dec_g0"] * s_bn + p["dec_be0"])[:, None]
    wd0_t = wd0.T
    bcat_t = bcat.T
    wd1 = p["dec_W1"]
    bd1 = p["dec_b1"][None, :]
    cl = p["cluster"]
    csq_t = jnp.sum(cl * cl, axis=1)[:, None]

    raw = jnp.transpose(jnp.reshape(adj, (2, NCH, CHUNK)), (1, 0, 2))

    deg = _sc_degree(raw)
    feat = _tc_encoder(x, w0, b0, w1p, b1p)
    xs1, dinv = _tc_scale(feat, deg)
    p1 = _sc_propagate(xs1, raw, 32, stage=False)
    xs2 = _tc_mid(p1, xs1, dinv, wcp, bc, wcat)
    p2 = _sc_propagate(xs2, raw, 16, stage=True)
    zt, mut, lvt, de_feat, qt, f20t = _tc_tail(
        p2, xs2, dinv, feat, bcat_t, wd0_t, bd0_t, wd1, bd1, cl, csq_t)

    mu = mut.T
    return (zt.T, mu, lvt.T, de_feat, qt.T, f20t.T, mu)

# --- scband reference (transcript-rebuilt; emitter-appended) ---
"""Pipeline reference for scband-plant-st-model-37074157699314 (READ-ONLY COPY).

The authoritative reference and input builder live on the scoring server;
editing this copy changes nothing except your own understanding.
"""

import jax, jax.numpy as jnp
import numpy as np

N = 10000
E = 320000
D_IN = 128
ENC = [32, 20]
CONV = [32, 8]
DEC = [32]
K_CLUSTER = 15
ALPHA = 0.9
EPS_BN = 0.001
Z_DIM = ENC[-1] + CONV[-1]  # 28


def _w(key, shape, scale=0.05):
    return jax.random.normal(key, shape, dtype=jnp.float32) * scale


def setup_inputs(seed: int = 0) -> dict:
    key = jax.random.key(seed)
    ks = jax.random.split(key, 16)
    x = jax.random.normal(ks[0], (N, D_IN), dtype=jnp.float32)
    edge_index = jax.random.randint(ks[1], (2, E), 0, N, dtype=jnp.int32)
    params = {
        'enc_W0': _w(ks[2], (D_IN, ENC[0])), 'enc_b0': jnp.zeros((ENC[0],), jnp.float32),
        'enc_g0': jnp.ones((ENC[0],), jnp.float32), 'enc_be0': jnp.zeros((ENC[0],), jnp.float32),
        'enc_W1': _w(ks[3], (ENC[0], ENC[1])), 'enc_b1': jnp.zeros((ENC[1],), jnp.float32),
        'enc_g1': jnp.ones((ENC[1],), jnp.float32), 'enc_be1': jnp.zeros((ENC[1],), jnp.float32),
        'conv_W': _w(ks[4], (ENC[1], CONV[0] * 2)), 'conv_b': jnp.zeros((CONV[0] * 2,), jnp.float32),
        'conv_g': jnp.ones((CONV[0] * 2,), jnp.float32), 'conv_be': jnp.zeros((CONV[0] * 2,), jnp.float32),
        'mean_W': _w(ks[5], (CONV[0] * 2, CONV[1])), 'mean_b': jnp.zeros((CONV[1],), jnp.float32),
        'logv_W': _w(ks[6], (CONV[0] * 2, CONV[1])), 'logv_b': jnp.zeros((CONV[1],), jnp.float32),
        'dec_W0': _w(ks[7], (Z_DIM, DEC[0])), 'dec_b0': jnp.zeros((DEC[0],), jnp.float32),
        'dec_g0': jnp.ones((DEC[0],), jnp.float32), 'dec_be0': jnp.zeros((DEC[0],), jnp.float32),
        'dec_W1': _w(ks[8], (DEC[0], D_IN)), 'dec_b1': jnp.zeros((D_IN,), jnp.float32),
        'cluster': _w(ks[9], (K_CLUSTER, Z_DIM), scale=0.2),
    }
    return {'x': x, 'params': params, 'adj': edge_index}


def _bn_eval(h, g, b):
    # BatchNorm in eval mode with running_mean=0, running_var=1
    return h / jnp.sqrt(1.0 + EPS_BN) * g + b


def _gcn_conv(h, edge_index, W, b, n):
    # PyG GCNConv: add self-loops, symmetric deg^-1/2 normalization, scatter-add
    src = edge_index[0]
    dst = edge_index[1]
    loop = jnp.arange(n, dtype=src.dtype)
    s = jnp.concatenate([src, loop])
    d = jnp.concatenate([dst, loop])
    deg = jnp.zeros((n,), h.dtype).at[d].add(1.0)
    dinv = jnp.where(deg > 0, jax.lax.rsqrt(jnp.maximum(deg, 1e-12)), 0.0)
    m = h @ W
    msg = jnp.take(m, s, axis=0) * (dinv[s] * dinv[d])[:, None]
    out = jnp.zeros((n, W.shape[1]), h.dtype).at[d].add(msg)
    return out + b


def _forward(x, params, edge_index):
    p = params
    # linear encoder (dropout off in eval)
    h = jax.nn.elu(_bn_eval(x @ p['enc_W0'] + p['enc_b0'], p['enc_g0'], p['enc_be0']))
    feat_x = jax.nn.elu(_bn_eval(h @ p['enc_W1'] + p['enc_b1'], p['enc_g1'], p['enc_be1']))
    # GCN tower
    c = _gcn_conv(feat_x, edge_index, p['conv_W'], p['conv_b'], N)
    c = jax.nn.relu(_bn_eval(c, p['conv_g'], p['conv_be']))
    mu = _gcn_conv(c, edge_index, p['mean_W'], p['mean_b'], N)
    logvar = _gcn_conv(c, edge_index, p['logv_W'], p['logv_b'], N)
    gnn_z = mu  # reparameterize in eval mode returns mu
    z = jnp.concatenate([feat_x, gnn_z], axis=1)
    # linear decoder
    dh = jax.nn.elu(_bn_eval(z @ p['dec_W0'] + p['dec_b0'], p['dec_g0'], p['dec_be0']))
    de_feat = dh @ p['dec_W1'] + p['dec_b1']
    # DEC soft assignment q
    qd = jnp.sum((z[:, None, :] - p['cluster'][None, :, :]) ** 2, axis=2)
    q = 1.0 / (1.0 + qd / ALPHA)
    q = q ** ((ALPHA + 1.0) / 2.0)
    q = q / jnp.sum(q, axis=1, keepdims=True)
    return z, mu, logvar, de_feat, q, feat_x, gnn_z


def reference(x, params, adj):
    return _forward(x, params, adj)

if __name__ == "__main__":
    import jax
    _d = setup_inputs()
    print(jax.jit(kernel)(*tuple(_d.values())))

</pallas_src>

<mosaic_0001>
#map = affine_map<(d0, d1) -> (0, 0)>
#map1 = affine_map<(d0, d1) -> (0, 0, 0)>
module attributes {stable_mosaic.version = 14 : i64} {
  func.func @k(%arg0: i32, %arg1: i32, %arg2: memref<10000x16xf32, #tpu.memory_space<hbm>>, %arg3: memref<2500x2x128xi32, #tpu.memory_space<hbm>>, %arg4: memref<2x10240x16xf32, #tpu.memory_space<hbm>>, %arg5: memref<79x2x128xi32, #tpu.memory_space<vmem>>, %arg6: memref<4x128x16xf32, #tpu.memory_space<vmem>>, %arg7: memref<10240x16xf32, #tpu.memory_space<vmem_shared>>, %arg8: memref<!tpu.dma_semaphore, #tpu.memory_space<semaphore_mem>>, %arg9: memref<!tpu.dma_semaphore, #tpu.memory_space<semaphore_mem>>, %arg10: memref<!tpu.dma_semaphore, #tpu.memory_space<semaphore_mem>>, %arg11: memref<!tpu.dma_semaphore, #tpu.memory_space<semaphore_mem>>, %arg12: memref<!tpu.dma_semaphore, #tpu.memory_space<semaphore_mem>>, %arg13: memref<!tpu.dma_semaphore, #tpu.memory_space<semaphore_mem>>, %arg14: memref<!tpu.dma_semaphore, #tpu.memory_space<semaphore_mem>>, %arg15: memref<!tpu.dma_semaphore, #tpu.memory_space<semaphore_mem>>, %arg16: memref<625x16xf32, #tpu.memory_space<vmem>>, %arg17: memref<10000x16xf32, #tpu.memory_space<vmem_shared>>) attributes {dimension_semantics = [#tpu.dimension_semantics<core_parallel>, #tpu.dimension_semantics<subcore_parallel>], iteration_bounds = array<i64: 2, 16>, scalar_prefetch = 0 : i64, scratch_operands = 13 : i64, tpu.core_type = #tpu.core_type<sc_vector_subcore>, window_params = [{transform_indices = #map}, {transform_indices = #map1}, {transform_indices = #map1}]} {
    %mul3A = arith.constant 2 : i32
    %mul3A_0 = arith.muli %arg1, %mul3A : i32
    %add3A = arith.addi %mul3A_0, %arg0 : i32
    %lt3A = arith.constant 4 : i32
    %lt3A_1 = arith.cmpi slt, %add3A, %lt3A : i32
    %convert_element_type3A = arith.extui %lt3A_1 : i1 to i32
    %add3A_2 = arith.constant 78 : i32
    %add3A_3 = arith.addi %add3A_2, %convert_element_type3A : i32
    %mul3A_4 = arith.constant 78 : i32
    %mul3A_5 = arith.muli %mul3A_4, %add3A : i32
    %min3A = arith.constant 4 : i32
    %min3A_6 = arith.minsi %add3A, %min3A : i32
    %add3A_7 = arith.addi %mul3A_5, %min3A_6 : i32
    "tpu.region"() ({
      %run_scoped3A_113 = tpu.sem_alloc : memref<!tpu.dma_semaphore, #tpu.memory_space<semaphore_mem>>
      %dma_start3A_114 = arith.constant 0 : i32
      %dma_start3A_115 = arith.constant 0 : i32
      %dma_start3A_116 = arith.constant 0 : i32
      %dma_start3A_117 = tpu.memref_slice %arg5[%dma_start3A_114, %dma_start3A_115, %dma_start3A_116] : memref<79x2x128xi32, #tpu.memory_space<vmem>> -> memref<78x2x128xi32, #tpu.memory_space<vmem>>
      %dma_start3A_118 = arith.constant 0 : i32
      %dma_start3A_119 = arith.constant 0 : i32
      %dma_start3A_120 = tpu.memref_slice %arg3[%add3A_7, %dma_start3A_118, %dma_start3A_119] : memref<2500x2x128xi32, #tpu.memory_space<hbm>> -> memref<78x2x128xi32, #tpu.memory_space<hbm>>
      %dma_start3A_121 = arith.constant 0 : i32
      %dma_start3A_122 = arith.constant 0 : i32
      %dma_start3A_123 = arith.constant 0 : i32
      %dma_start3A_124 = tpu.memref_slice %arg5[%dma_start3A_121, %dma_start3A_122, %dma_start3A_123] : memref<79x2x128xi32, #tpu.memory_space<vmem>> -> memref<78x2x128xi32, #tpu.memory_space<vmem>>
      %dma_start3A_125 = arith.constant 0 : i32
      %dma_start3A_126 = arith.constant 0 : i32
      %dma_start3A_127 = tpu.memref_slice %arg3[%add3A_7, %dma_start3A_125, %dma_start3A_126] : memref<2500x2x128xi32, #tpu.memory_space<hbm>> -> memref<78x2x128xi32, #tpu.memory_space<hbm>>
      tpu.enqueue_dma source(%dma_start3A_127 : memref<78x2x128xi32, #tpu.memory_space<hbm>>) target(%dma_start3A_124 : memref<78x2x128xi32, #tpu.memory_space<vmem>>) target_semaphore(%run_scoped3A_113 : memref<!tpu.dma_semaphore, #tpu.memory_space<semaphore_mem>>)
      %dma_wait3A = arith.constant 0 : i32
      %dma_wait3A_128 = arith.constant 0 : i32
      %dma_wait3A_129 = arith.constant 0 : i32
      %dma_wait3A_130 = tpu.memref_slice %arg5[%dma_wait3A, %dma_wait3A_128, %dma_wait3A_129] : memref<79x2x128xi32, #tpu.memory_space<vmem>> -> memref<78x2x128xi32, #tpu.memory_space<vmem>>
      %dma_wait3A_131 = arith.constant 0 : i32
      %dma_wait3A_132 = arith.constant 0 : i32
      %dma_wait3A_133 = tpu.memref_slice %arg3[%add3A_7, %dma_wait3A_131, %dma_wait3A_132] : memref<2500x2x128xi32, #tpu.memory_space<hbm>> -> memref<78x2x128xi32, #tpu.memory_space<hbm>>
      %dma_wait3A_134 = arith.constant 0 : i32
      %dma_wait3A_135 = arith.constant 0 : i32
      %dma_wait3A_136 = arith.constant 0 : i32
      %dma_wait3A_137 = tpu.memref_slice %arg5[%dma_wait3A_134, %dma_wait3A_135, %dma_wait3A_136] : memref<79x2x128xi32, #tpu.memory_space<vmem>> -> memref<78x2x128xi32, #tpu.memory_space<vmem>>
      %dma_wait3A_138 = arith.constant 0 : i32
      %dma_wait3A_139 = arith.constant 0 : i32
      %dma_wait3A_140 = tpu.memref_slice %arg3[%add3A_7, %dma_wait3A_138, %dma_wait3A_139] : memref<2500x2x128xi32, #tpu.memory_space<hbm>> -> memref<78x2x128xi32, #tpu.memory_space<hbm>>
      tpu.wait_dma2 semaphore(%run_scoped3A_113 : memref<!tpu.dma_semaphore, #tpu.memory_space<semaphore_mem>>) src(%dma_wait3A_140 : memref<78x2x128xi32, #tpu.memory_space<hbm>>) dst(%dma_wait3A_137 : memref<78x2x128xi32, #tpu.memory_space<vmem>>)
      tpu.yield
    }) : () -> ()
    %convert_element_type3A_8 = arith.extui %lt3A_1 : i1 to i32
    %cond3A = arith.constant 0 : i32
    %cond3A_9 = arith.cmpi ne, %convert_element_type3A_8, %cond3A : i32
    scf.if %cond3A_9 {
      %add3A_113 = arith.constant 78 : i32
      %add3A_114 = arith.addi %add3A_7, %add3A_113 : i32
      "tpu.region"() ({
        %run_scoped3A_115 = tpu.sem_alloc : memref<!tpu.dma_semaphore, #tpu.memory_space<semaphore_mem>>
        %dma_start3A_116 = arith.constant 78 : i32
        %dma_start3A_117 = arith.constant 0 : i32
        %dma_start3A_118 = arith.constant 0 : i32
        %dma_start3A_119 = tpu.memref_slice %arg5[%dma_start3A_116, %dma_start3A_117, %dma_start3A_118] : memref<79x2x128xi32, #tpu.memory_space<vmem>> -> memref<1x2x128xi32, #tpu.memory_space<vmem>>
        %dma_start3A_120 = arith.constant 0 : i32
        %dma_start3A_121 = arith.constant 0 : i32
        %dma_start3A_122 = tpu.memref_slice %arg3[%add3A_114, %dma_start3A_120, %dma_start3A_121] : memref<2500x2x128xi32, #tpu.memory_space<hbm>> -> memref<1x2x128xi32, #tpu.memory_space<hbm>>
        %dma_start3A_123 = arith.constant 78 : i32
        %dma_start3A_124 = arith.constant 0 : i32
        %dma_start3A_125 = arith.constant 0 : i32
        %dma_start3A_126 = tpu.memref_slice %arg5[%dma_start3A_123, %dma_start3A_124, %dma_start3A_125] : memref<79x2x128xi32, #tpu.memory_space<vmem>> -> memref<1x2x128xi32, #tpu.memory_space<vmem>>
        %dma_start3A_127 = arith.constant 0 : i32
        %dma_start3A_128 = arith.constant 0 : i32
        %dma_start3A_129 = tpu.memref_slice %arg3[%add3A_114, %dma_start3A_127, %dma_start3A_128] : memref<2500x2x128xi32, #tpu.memory_space<hbm>> -> memref<1x2x128xi32, #tpu.memory_space<hbm>>
        tpu.enqueue_dma source(%dma_start3A_129 : memref<1x2x128xi32, #tpu.memory_space<hbm>>) target(%dma_start3A_126 : memref<1x2x128xi32, #tpu.memory_space<vmem>>) target_semaphore(%run_scoped3A_115 : memref<!tpu.dma_semaphore, #tpu.memory_space<semaphore_mem>>)
        %dma_wait3A = arith.constant 78 : i32
        %dma_wait3A_130 = arith.constant 0 : i32
        %dma_wait3A_131 = arith.constant 0 : i32
        %dma_wait3A_132 = tpu.memref_slice %arg5[%dma_wait3A, %dma_wait3A_130, %dma_wait3A_131] : memref<79x2x128xi32, #tpu.memory_space<vmem>> -> memref<1x2x128xi32, #tpu.memory_space<vmem>>
        %dma_wait3A_133 = arith.constant 0 : i32
        %dma_wait3A_134 = arith.constant 0 : i32
        %dma_wait3A_135 = tpu.memref_slice %arg3[%add3A_114, %dma_wait3A_133, %dma_wait3A_134] : memref<2500x2x128xi32, #tpu.memory_space<hbm>> -> memref<1x2x128xi32, #tpu.memory_space<hbm>>
        %dma_wait3A_136 = arith.constant 78 : i32
        %dma_wait3A_137 = arith.constant 0 : i32
        %dma_wait3A_138 = arith.constant 0 : i32
        %dma_wait3A_139 = tpu.memref_slice %arg5[%dma_wait3A_136, %dma_wait3A_137, %dma_wait3A_138] : memref<79x2x128xi32, #tpu.memory_space<vmem>> -> memref<1x2x128xi32, #tpu.memory_space<vmem>>
        %dma_wait3A_140 = arith.constant 0 : i32
        %dma_wait3A_141 = arith.constant 0 : i32
        %dma_wait3A_142 = tpu.memref_slice %arg3[%add3A_114, %dma_wait3A_140, %dma_wait3A_141] : memref<2500x2x128xi32, #tpu.memory_space<hbm>> -> memref<1x2x128xi32, #tpu.memory_space<hbm>>
        tpu.wait_dma2 semaphore(%run_scoped3A_115 : memref<!tpu.dma_semaphore, #tpu.memory_space<semaphore_mem>>) src(%dma_wait3A_142 : memref<1x2x128xi32, #tpu.memory_space<hbm>>) dst(%dma_wait3A_139 : memref<1x2x128xi32, #tpu.memory_space<vmem>>)
        tpu.yield
      }) : () -> ()
    } else {
    }
    %mul3A_10 = arith.constant 625 : i32
    %mul3A_11 = arith.muli %arg1, %mul3A_10 : i32
    "tpu.region"() ({
      %run_scoped3A_113 = tpu.sem_alloc : memref<!tpu.dma_semaphore, #tpu.memory_space<semaphore_mem>>
      %dma_start3A_114 = arith.constant 0 : i32
      %dma_start3A_115 = tpu.memref_slice %arg2[%mul3A_11, %dma_start3A_114] : memref<10000x16xf32, #tpu.memory_space<hbm>> -> memref<625x16xf32, #tpu.memory_space<hbm>>
      %dma_start3A_116 = arith.constant 0 : i32
      %dma_start3A_117 = tpu.memref_slice %arg2[%mul3A_11, %dma_start3A_116] : memref<10000x16xf32, #tpu.memory_space<hbm>> -> memref<625x16xf32, #tpu.memory_space<hbm>>
      tpu.enqueue_dma source(%dma_start3A_117 : memref<625x16xf32, #tpu.memory_space<hbm>>) target(%arg16 : memref<625x16xf32, #tpu.memory_space<vmem>>) target_semaphore(%run_scoped3A_113 : memref<!tpu.dma_semaphore, #tpu.memory_space<semaphore_mem>>)
      %dma_wait3A = arith.constant 0 : i32
      %dma_wait3A_118 = tpu.memref_slice %arg2[%mul3A_11, %dma_wait3A] : memref<10000x16xf32, #tpu.memory_space<hbm>> -> memref<625x16xf32, #tpu.memory_space<hbm>>
      %dma_wait3A_119 = arith.constant 0 : i32
      %dma_wait3A_120 = tpu.memref_slice %arg2[%mul3A_11, %dma_wait3A_119] : memref<10000x16xf32, #tpu.memory_space<hbm>> -> memref<625x16xf32, #tpu.memory_space<hbm>>
      tpu.wait_dma2 semaphore(%run_scoped3A_113 : memref<!tpu.dma_semaphore, #tpu.memory_space<semaphore_mem>>) src(%dma_wait3A_120 : memref<625x16xf32, #tpu.memory_space<hbm>>) dst(%arg16 : memref<625x16xf32, #tpu.memory_space<vmem>>)
      tpu.yield
    }) : () -> ()
    %mul3A_12 = arith.constant 625 : i32
    %mul3A_13 = arith.muli %arg1, %mul3A_12 : i32
    "tpu.region"() ({
      %run_scoped3A_113 = tpu.sem_alloc : memref<!tpu.dma_semaphore, #tpu.memory_space<semaphore_mem>>
      %dma_start3A_114 = arith.constant 0 : i32
      %dma_start3A_115 = tpu.memref_slice %arg17[%mul3A_13, %dma_start3A_114] : memref<10000x16xf32, #tpu.memory_space<vmem_shared>> -> memref<625x16xf32, #tpu.memory_space<vmem_shared>>
      %dma_start3A_116 = arith.constant 0 : i32
      %dma_start3A_117 = tpu.memref_slice %arg17[%mul3A_13, %dma_start3A_116] : memref<10000x16xf32, #tpu.memory_space<vmem_shared>> -> memref<625x16xf32, #tpu.memory_space<vmem_shared>>
      tpu.enqueue_dma source(%arg16 : memref<625x16xf32, #tpu.memory_space<vmem>>) target(%dma_start3A_117 : memref<625x16xf32, #tpu.memory_space<vmem_shared>>) target_semaphore(%run_scoped3A_113 : memref<!tpu.dma_semaphore, #tpu.memory_space<semaphore_mem>>)
      %dma_wait3A = arith.constant 0 : i32
      %dma_wait3A_118 = tpu.memref_slice %arg17[%mul3A_13, %dma_wait3A] : memref<10000x16xf32, #tpu.memory_space<vmem_shared>> -> memref<625x16xf32, #tpu.memory_space<vmem_shared>>
      %dma_wait3A_119 = arith.constant 0 : i32
      %dma_wait3A_120 = tpu.memref_slice %arg17[%mul3A_13, %dma_wait3A_119] : memref<10000x16xf32, #tpu.memory_space<vmem_shared>> -> memref<625x16xf32, #tpu.memory_space<vmem_shared>>
      tpu.wait_dma2 semaphore(%run_scoped3A_113 : memref<!tpu.dma_semaphore, #tpu.memory_space<semaphore_mem>>) src(%arg16 : memref<625x16xf32, #tpu.memory_space<vmem>>) dst(%dma_wait3A_120 : memref<625x16xf32, #tpu.memory_space<vmem_shared>>)
      tpu.yield
    }) : () -> ()
    %broadcast_in_dim3A = arith.constant 0.000000e+00 : f32
    %broadcast_in_dim3A_14 = vector.broadcast %broadcast_in_dim3A : f32 to vector<16xf32>
    %scan3A = arith.constant 0 : i32
    %scan3A_15 = arith.constant 0 : i32
    %scan3A_16 = arith.constant 128 : i32
    %scan3A_17 = arith.addi %scan3A_15, %scan3A_16 : i32
    %scan3A_18 = arith.constant 1 : i32
    scf.for %scan3A_113 = %scan3A_15 to %scan3A_17 step %scan3A_18  : i32 {
      %swap3A = arith.constant 0 : i32
      %swap3A_114 = arith.index_cast %swap3A : i32 to index
      %swap3A_115 = arith.index_cast %scan3A_113 : i32 to index
      %swap3A_116 = arith.constant 0 : index
      %swap3A_117 = tpu.vector_load %arg6[%swap3A_114, %swap3A_115, %swap3A_116] {strides = array<i32>} : memref<4x128x16xf32, #tpu.memory_space<vmem>>, vector<1x1x16xf32>,
      %swap3A_118 = vector.shape_cast %swap3A_117 : vector<1x1x16xf32> to vector<16xf32>
      %swap3A_119 = vector.shape_cast %broadcast_in_dim3A_14 : vector<16xf32> to vector<1x1x16xf32>
      tpu.vector_store %arg6[%swap3A_114, %swap3A_115, %swap3A_116], %swap3A_119 {strides = array<i32>} : memref<4x128x16xf32, #tpu.memory_space<vmem>>, vector<1x1x16xf32>,
    }
    %scan3A_19 = arith.constant 128 : i32
    %mul3A_20 = arith.constant 640 : i32
    %mul3A_21 = arith.muli %arg1, %mul3A_20 : i32
    %add3A_22 = arith.constant 0 : i32
    %add3A_23 = arith.addi %mul3A_21, %add3A_22 : i32
    %run_scoped3A = arith.constant 0 : i32
    "tpu.region"() ({
      %run_scoped3A_113 = tpu.sem_alloc : memref<!tpu.dma_semaphore, #tpu.memory_space<semaphore_mem>>
      %dma_start3A_114 = arith.constant 0 : i32
      %dma_start3A_115 = arith.constant 0 : i32
      %dma_start3A_116 = tpu.memref_slice %arg6[%run_scoped3A, %dma_start3A_114, %dma_start3A_115] : memref<4x128x16xf32, #tpu.memory_space<vmem>> -> memref<1x128x16xf32, #tpu.memory_space<vmem>>
      %dma_start3A_117 = tpu.memref_squeeze %dma_start3A_116 : memref<1x128x16xf32, #tpu.memory_space<vmem>> -> memref<128x16xf32, #tpu.memory_space<vmem>>
      %dma_start3A_118 = arith.constant 0 : i32
      %dma_start3A_119 = tpu.memref_slice %arg7[%add3A_23, %dma_start3A_118] : memref<10240x16xf32, #tpu.memory_space<vmem_shared>> -> memref<128x16xf32, #tpu.memory_space<vmem_shared>>
      %dma_start3A_120 = arith.constant 0 : i32
      %dma_start3A_121 = tpu.memref_slice %arg7[%add3A_23, %dma_start3A_120] : memref<10240x16xf32, #tpu.memory_space<vmem_shared>> -> memref<128x16xf32, #tpu.memory_space<vmem_shared>>
      %dma_start3A_122 = arith.constant 0 : i32
      %dma_start3A_123 = arith.constant 0 : i32
      %dma_start3A_124 = tpu.memref_slice %arg6[%run_scoped3A, %dma_start3A_122, %dma_start3A_123] : memref<4x128x16xf32, #tpu.memory_space<vmem>> -> memref<1x128x16xf32, #tpu.memory_space<vmem>>
      %dma_start3A_125 = tpu.memref_squeeze %dma_start3A_124 : memref<1x128x16xf32, #tpu.memory_space<vmem>> -> memref<128x16xf32, #tpu.memory_space<vmem>>
      tpu.enqueue_dma source(%dma_start3A_125 : memref<128x16xf32, #tpu.memory_space<vmem>>) target(%dma_start3A_121 : memref<128x16xf32, #tpu.memory_space<vmem_shared>>) target_semaphore(%run_scoped3A_113 : memref<!tpu.dma_semaphore, #tpu.memory_space<semaphore_mem>>)
      %dma_wait3A = arith.constant 0 : i32
      %dma_wait3A_126 = arith.constant 0 : i32
      %dma_wait3A_127 = tpu.memref_slice %arg6[%run_scoped3A, %dma_wait3A, %dma_wait3A_126] : memref<4x128x16xf32, #tpu.memory_space<vmem>> -> memref<1x128x16xf32, #tpu.memory_space<vmem>>
      %dma_wait3A_128 = tpu.memref_squeeze %dma_wait3A_127 : memref<1x128x16xf32, #tpu.memory_space<vmem>> -> memref<128x16xf32, #tpu.memory_space<vmem>>
      %dma_wait3A_129 = arith.constant 0 : i32
      %dma_wait3A_130 = tpu.memref_slice %arg7[%add3A_23, %dma_wait3A_129] : memref<10240x16xf32, #tpu.memory_space<vmem_shared>> -> memref<128x16xf32, #tpu.memory_space<vmem_shared>>
      %dma_wait3A_131 = arith.constant 0 : i32
      %dma_wait3A_132 = tpu.memref_slice %arg7[%add3A_23, %dma_wait3A_131] : memref<10240x16xf32, #tpu.memory_space<vmem_shared>> -> memref<128x16xf32, #tpu.memory_space<vmem_shared>>
      %dma_wait3A_133 = arith.constant 0 : i32
      %dma_wait3A_134 = arith.constant 0 : i32
      %dma_wait3A_135 = tpu.memref_slice %arg6[%run_scoped3A, %dma_wait3A_133, %dma_wait3A_134] : memref<4x128x16xf32, #tpu.memory_space<vmem>> -> memref<1x128x16xf32, #tpu.memory_space<vmem>>
      %dma_wait3A_136 = tpu.memref_squeeze %dma_wait3A_135 : memref<1x128x16xf32, #tpu.memory_space<vmem>> -> memref<128x16xf32, #tpu.memory_space<vmem>>
      tpu.wait_dma2 semaphore(%run_scoped3A_113 : memref<!tpu.dma_semaphore, #tpu.memory_space<semaphore_mem>>) src(%dma_wait3A_136 : memref<128x16xf32, #tpu.memory_space<vmem>>) dst(%dma_wait3A_132 : memref<128x16xf32, #tpu.memory_space<vmem_shared>>)
      tpu.yield
    }) : () -> ()
    %mul3A_24 = arith.constant 640 : i32
    %mul3A_25 = arith.muli %arg1, %mul3A_24 : i32
    %add3A_26 = arith.constant 128 : i32
    %add3A_27 = arith.addi %mul3A_25, %add3A_26 : i32
    %run_scoped3A_28 = arith.constant 0 : i32
    "tpu.region"() ({
      %run_scoped3A_113 = tpu.sem_alloc : memref<!tpu.dma_semaphore, #tpu.memory_space<semaphore_mem>>
      %dma_start3A_114 = arith.constant 0 : i32
      %dma_start3A_115 = arith.constant 0 : i32
      %dma_start3A_116 = tpu.memref_slice %arg6[%run_scoped3A_28, %dma_start3A_114, %dma_start3A_115] : memref<4x128x16xf32, #tpu.memory_space<vmem>> -> memref<1x128x16xf32, #tpu.memory_space<vmem>>
      %dma_start3A_117 = tpu.memref_squeeze %dma_start3A_116 : memref<1x128x16xf32, #tpu.memory_space<vmem>> -> memref<128x16xf32, #tpu.memory_space<vmem>>
      %dma_start3A_118 = arith.constant 0 : i32
      %dma_start3A_119 = tpu.memref_slice %arg7[%add3A_27, %dma_start3A_118] : memref<10240x16xf32, #tpu.memory_space<vmem_shared>> -> memref<128x16xf32, #tpu.memory_space<vmem_shared>>
      %dma_start3A_120 = arith.constant 0 : i32
      %dma_start3A_121 = tpu.memref_slice %arg7[%add3A_27, %dma_start3A_120] : memref<10240x16xf32, #tpu.memory_space<vmem_shared>> -> memref<128x16xf32, #tpu.memory_space<vmem_shared>>
      %dma_start3A_122 = arith.constant 0 : i32
      %dma_start3A_123 = arith.constant 0 : i32
      %dma_start3A_124 = tpu.memref_slice %arg6[%run_scoped3A_28, %dma_start3A_122, %dma_start3A_123] : memref<4x128x16xf32, #tpu.memory_space<vmem>> -> memref<1x128x16xf32, #tpu.memory_space<vmem>>
      %dma_start3A_125 = tpu.memref_squeeze %dma_start3A_124 : memref<1x128x16xf32, #tpu.memory_space<vmem>> -> memref<128x16xf32, #tpu.memory_space<vmem>>
      tpu.enqueue_dma source(%dma_start3A_125 : memref<128x16xf32, #tpu.memory_space<vmem>>) target(%dma_start3A_121 : memref<128x16xf32, #tpu.memory_space<vmem_shared>>) target_semaphore(%run_scoped3A_113 : memref<!tpu.dma_semaphore, #tpu.memory_space<semaphore_mem>>)
      %dma_wait3A = arith.constant 0 : i32
      %dma_wait3A_126 = arith.constant 0 : i32
      %dma_wait3A_127 = tpu.memref_slice %arg6[%run_scoped3A_28, %dma_wait3A, %dma_wait3A_126] : memref<4x128x16xf32, #tpu.memory_space<vmem>> -> memref<1x128x16xf32, #tpu.memory_space<vmem>>
      %dma_wait3A_128 = tpu.memref_squeeze %dma_wait3A_127 : memref<1x128x16xf32, #tpu.memory_space<vmem>> -> memref<128x16xf32, #tpu.memory_space<vmem>>
      %dma_wait3A_129 = arith.constant 0 : i32
      %dma_wait3A_130 = tpu.memref_slice %arg7[%add3A_27, %dma_wait3A_129] : memref<10240x16xf32, #tpu.memory_space<vmem_shared>> -> memref<128x16xf32, #tpu.memory_space<vmem_shared>>
      %dma_wait3A_131 = arith.constant 0 : i32
      %dma_wait3A_132 = tpu.memref_slice %arg7[%add3A_27, %dma_wait3A_131] : memref<10240x16xf32, #tpu.memory_space<vmem_shared>> -> memref<128x16xf32, #tpu.memory_space<vmem_shared>>
      %dma_wait3A_133 = arith.constant 0 : i32
      %dma_wait3A_134 = arith.constant 0 : i32
      %dma_wait3A_135 = tpu.memref_slice %arg6[%run_scoped3A_28, %dma_wait3A_133, %dma_wait3A_134] : memref<4x128x16xf32, #tpu.memory_space<vmem>> -> memref<1x128x16xf32, #tpu.memory_space<vmem>>
      %dma_wait3A_136 = tpu.memref_squeeze %dma_wait3A_135 : memref<1x128x16xf32, #tpu.memory_space<vmem>> -> memref<128x16xf32, #tpu.memory_space<vmem>>
      tpu.wait_dma2 semaphore(%run_scoped3A_113 : memref<!tpu.dma_semaphore, #tpu.memory_space<semaphore_mem>>) src(%dma_wait3A_136 : memref<128x16xf32, #tpu.memory_space<vmem>>) dst(%dma_wait3A_132 : memref<128x16xf32, #tpu.memory_space<vmem_shared>>)
      tpu.yield
    }) : () -> ()
    %mul3A_29 = arith.constant 640 : i32
    %mul3A_30 = arith.muli %arg1, %mul3A_29 : i32
    %add3A_31 = arith.constant 256 : i32
    %add3A_32 = arith.addi %mul3A_30, %add3A_31 : i32
    %run_scoped3A_33 = arith.constant 0 : i32
    "tpu.region"() ({
      %run_scoped3A_113 = tpu.sem_alloc : memref<!tpu.dma_semaphore, #tpu.memory_space<semaphore_mem>>
      %dma_start3A_114 = arith.constant 0 : i32
      %dma_start3A_115 = arith.constant 0 : i32
      %dma_start3A_116 = tpu.memref_slice %arg6[%run_scoped3A_33, %dma_start3A_114, %dma_start3A_115] : memref<4x128x16xf32, #tpu.memory_space<vmem>> -> memref<1x128x16xf32, #tpu.memory_space<vmem>>
      %dma_start3A_117 = tpu.memref_squeeze %dma_start3A_116 : memref<1x128x16xf32, #tpu.memory_space<vmem>> -> memref<128x16xf32, #tpu.memory_space<vmem>>
      %dma_start3A_118 = arith.constant 0 : i32
      %dma_start3A_119 = tpu.memref_slice %arg7[%add3A_32, %dma_start3A_118] : memref<10240x16xf32, #tpu.memory_space<vmem_shared>> -> memref<128x16xf32, #tpu.memory_space<vmem_shared>>
      %dma_start3A_120 = arith.constant 0 : i32
      %dma_start3A_121 = tpu.memref_slice %arg7[%add3A_32, %dma_start3A_120] : memref<10240x16xf32, #tpu.memory_space<vmem_shared>> -> memref<128x16xf32, #tpu.memory_space<vmem_shared>>
      %dma_start3A_122 = arith.constant 0 : i32
      %dma_start3A_123 = arith.constant 0 : i32
      %dma_start3A_124 = tpu.memref_slice %arg6[%run_scoped3A_33, %dma_start3A_122, %dma_start3A_123] : memref<4x128x16xf32, #tpu.memory_space<vmem>> -> memref<1x128x16xf32, #tpu.memory_space<vmem>>
      %dma_start3A_125 = tpu.memref_squeeze %dma_start3A_124 : memref<1x128x16xf32, #tpu.memory_space<vmem>> -> memref<128x16xf32, #tpu.memory_space<vmem>>
      tpu.enqueue_dma source(%dma_start3A_125 : memref<128x16xf32, #tpu.memory_space<vmem>>) target(%dma_start3A_121 : memref<128x16xf32, #tpu.memory_space<vmem_shared>>) target_semaphore(%run_scoped3A_113 : memref<!tpu.dma_semaphore, #tpu.memory_space<semaphore_mem>>)
      %dma_wait3A = arith.constant 0 : i32
      %dma_wait3A_126 = arith.constant 0 : i32
      %dma_wait3A_127 = tpu.memref_slice %arg6[%run_scoped3A_33, %dma_wait3A, %dma_wait3A_126] : memref<4x128x16xf32, #tpu.memory_space<vmem>> -> memref<1x128x16xf32, #tpu.memory_space<vmem>>
      %dma_wait3A_128 = tpu.memref_squeeze %dma_wait3A_127 : memref<1x128x16xf32, #tpu.memory_space<vmem>> -> memref<128x16xf32, #tpu.memory_space<vmem>>
      %dma_wait3A_129 = arith.constant 0 : i32
      %dma_wait3A_130 = tpu.memref_slice %arg7[%add3A_32, %dma_wait3A_129] : memref<10240x16xf32, #tpu.memory_space<vmem_shared>> -> memref<128x16xf32, #tpu.memory_space<vmem_shared>>
      %dma_wait3A_131 = arith.constant 0 : i32
      %dma_wait3A_132 = tpu.memref_slice %arg7[%add3A_32, %dma_wait3A_131] : memref<10240x16xf32, #tpu.memory_space<vmem_shared>> -> memref<128x16xf32, #tpu.memory_space<vmem_shared>>
      %dma_wait3A_133 = arith.constant 0 : i32
      %dma_wait3A_134 = arith.constant 0 : i32
      %dma_wait3A_135 = tpu.memref_slice %arg6[%run_scoped3A_33, %dma_wait3A_133, %dma_wait3A_134] : memref<4x128x16xf32, #tpu.memory_space<vmem>> -> memref<1x128x16xf32, #tpu.memory_space<vmem>>
      %dma_wait3A_136 = tpu.memref_squeeze %dma_wait3A_135 : memref<1x128x16xf32, #tpu.memory_space<vmem>> -> memref<128x16xf32, #tpu.memory_space<vmem>>
      tpu.wait_dma2 semaphore(%run_scoped3A_113 : memref<!tpu.dma_semaphore, #tpu.memory_space<semaphore_mem>>) src(%dma_wait3A_136 : memref<128x16xf32, #tpu.memory_space<vmem>>) dst(%dma_wait3A_132 : memref<128x16xf32, #tpu.memory_space<vmem_shared>>)
      tpu.yield
    }) : () -> ()
    %mul3A_34 = arith.constant 640 : i32
    %mul3A_35 = arith.muli %arg1, %mul3A_34 : i32
    %add3A_36 = arith.constant 384 : i32
    %add3A_37 = arith.addi %mul3A_35, %add3A_36 : i32
    %run_scoped3A_38 = arith.constant 0 : i32
    "tpu.region"() ({
      %run_scoped3A_113 = tpu.sem_alloc : memref<!tpu.dma_semaphore, #tpu.memory_space<semaphore_mem>>
      %dma_start3A_114 = arith.constant 0 : i32
      %dma_start3A_115 = arith.constant 0 : i32
      %dma_start3A_116 = tpu.memref_slice %arg6[%run_scoped3A_38, %dma_start3A_114, %dma_start3A_115] : memref<4x128x16xf32, #tpu.memory_space<vmem>> -> memref<1x128x16xf32, #tpu.memory_space<vmem>>
      %dma_start3A_117 = tpu.memref_squeeze %dma_start3A_116 : memref<1x128x16xf32, #tpu.memory_space<vmem>> -> memref<128x16xf32, #tpu.memory_space<vmem>>
      %dma_start3A_118 = arith.constant 0 : i32
      %dma_start3A_119 = tpu.memref_slice %arg7[%add3A_37, %dma_start3A_118] : memref<10240x16xf32, #tpu.memory_space<vmem_shared>> -> memref<128x16xf32, #tpu.memory_space<vmem_shared>>
      %dma_start3A_120 = arith.constant 0 : i32
      %dma_start3A_121 = tpu.memref_slice %arg7[%add3A_37, %dma_start3A_120] : memref<10240x16xf32, #tpu.memory_space<vmem_shared>> -> memref<128x16xf32, #tpu.memory_space<vmem_shared>>
      %dma_start3A_122 = arith.constant 0 : i32
      %dma_start3A_123 = arith.constant 0 : i32
      %dma_start3A_124 = tpu.memref_slice %arg6[%run_scoped3A_38, %dma_start3A_122, %dma_start3A_123] : memref<4x128x16xf32, #tpu.memory_space<vmem>> -> memref<1x128x16xf32, #tpu.memory_space<vmem>>
      %dma_start3A_125 = tpu.memref_squeeze %dma_start3A_124 : memref<1x128x16xf32, #tpu.memory_space<vmem>> -> memref<128x16xf32, #tpu.memory_space<vmem>>
      tpu.enqueue_dma source(%dma_start3A_125 : memref<128x16xf32, #tpu.memory_space<vmem>>) target(%dma_start3A_121 : memref<128x16xf32, #tpu.memory_space<vmem_shared>>) target_semaphore(%run_scoped3A_113 : memref<!tpu.dma_semaphore, #tpu.memory_space<semaphore_mem>>)
      %dma_wait3A = arith.constant 0 : i32
      %dma_wait3A_126 = arith.constant 0 : i32
      %dma_wait3A_127 = tpu.memref_slice %arg6[%run_scoped3A_38, %dma_wait3A, %dma_wait3A_126] : memref<4x128x16xf32, #tpu.memory_space<vmem>> -> memref<1x128x16xf32, #tpu.memory_space<vmem>>
      %dma_wait3A_128 = tpu.memref_squeeze %dma_wait3A_127 : memref<1x128x16xf32, #tpu.memory_space<vmem>> -> memref<128x16xf32, #tpu.memory_space<vmem>>
      %dma_wait3A_129 = arith.constant 0 : i32
      %dma_wait3A_130 = tpu.memref_slice %arg7[%add3A_37, %dma_wait3A_129] : memref<10240x16xf32, #tpu.memory_space<vmem_shared>> -> memref<128x16xf32, #tpu.memory_space<vmem_shared>>
      %dma_wait3A_131 = arith.constant 0 : i32
      %dma_wait3A_132 = tpu.memref_slice %arg7[%add3A_37, %dma_wait3A_131] : memref<10240x16xf32, #tpu.memory_space<vmem_shared>> -> memref<128x16xf32, #tpu.memory_space<vmem_shared>>
      %dma_wait3A_133 = arith.constant 0 : i32
      %dma_wait3A_134 = arith.constant 0 : i32
      %dma_wait3A_135 = tpu.memref_slice %arg6[%run_scoped3A_38, %dma_wait3A_133, %dma_wait3A_134] : memref<4x128x16xf32, #tpu.memory_space<vmem>> -> memref<1x128x16xf32, #tpu.memory_space<vmem>>
      %dma_wait3A_136 = tpu.memref_squeeze %dma_wait3A_135 : memref<1x128x16xf32, #tpu.memory_space<vmem>> -> memref<128x16xf32, #tpu.memory_space<vmem>>
      tpu.wait_dma2 semaphore(%run_scoped3A_113 : memref<!tpu.dma_semaphore, #tpu.memory_space<semaphore_mem>>) src(%dma_wait3A_136 : memref<128x16xf32, #tpu.memory_space<vmem>>) dst(%dma_wait3A_132 : memref<128x16xf32, #tpu.memory_space<vmem_shared>>)
      tpu.yield
    }) : () -> ()
    %mul3A_39 = arith.constant 640 : i32
    %mul3A_40 = arith.muli %arg1, %mul3A_39 : i32
    %add3A_41 = arith.constant 512 : i32
    %add3A_42 = arith.addi %mul3A_40, %add3A_41 : i32
    %run_scoped3A_43 = arith.constant 0 : i32
    "tpu.region"() ({
      %run_scoped3A_113 = tpu.sem_alloc : memref<!tpu.dma_semaphore, #tpu.memory_space<semaphore_mem>>
      %dma_start3A_114 = arith.constant 0 : i32
      %dma_start3A_115 = arith.constant 0 : i32
      %dma_start3A_116 = tpu.memref_slice %arg6[%run_scoped3A_43, %dma_start3A_114, %dma_start3A_115] : memref<4x128x16xf32, #tpu.memory_space<vmem>> -> memref<1x128x16xf32, #tpu.memory_space<vmem>>
      %dma_start3A_117 = tpu.memref_squeeze %dma_start3A_116 : memref<1x128x16xf32, #tpu.memory_space<vmem>> -> memref<128x16xf32, #tpu.memory_space<vmem>>
      %dma_start3A_118 = arith.constant 0 : i32
      %dma_start3A_119 = tpu.memref_slice %arg7[%add3A_42, %dma_start3A_118] : memref<10240x16xf32, #tpu.memory_space<vmem_shared>> -> memref<128x16xf32, #tpu.memory_space<vmem_shared>>
      %dma_start3A_120 = arith.constant 0 : i32
      %dma_start3A_121 = tpu.memref_slice %arg7[%add3A_42, %dma_start3A_120] : memref<10240x16xf32, #tpu.memory_space<vmem_shared>> -> memref<128x16xf32, #tpu.memory_space<vmem_shared>>
      %dma_start3A_122 = arith.constant 0 : i32
      %dma_start3A_123 = arith.constant 0 : i32
      %dma_start3A_124 = tpu.memref_slice %arg6[%run_scoped3A_43, %dma_start3A_122, %dma_start3A_123] : memref<4x128x16xf32, #tpu.memory_space<vmem>> -> memref<1x128x16xf32, #tpu.memory_space<vmem>>
      %dma_start3A_125 = tpu.memref_squeeze %dma_start3A_124 : memref<1x128x16xf32, #tpu.memory_space<vmem>> -> memref<128x16xf32, #tpu.memory_space<vmem>>
      tpu.enqueue_dma source(%dma_start3A_125 : memref<128x16xf32, #tpu.memory_space<vmem>>) target(%dma_start3A_121 : memref<128x16xf32, #tpu.memory_space<vmem_shared>>) target_semaphore(%run_scoped3A_113 : memref<!tpu.dma_semaphore, #tpu.memory_space<semaphore_mem>>)
      %dma_wait3A = arith.constant 0 : i32
      %dma_wait3A_126 = arith.constant 0 : i32
      %dma_wait3A_127 = tpu.memref_slice %arg6[%run_scoped3A_43, %dma_wait3A, %dma_wait3A_126] : memref<4x128x16xf32, #tpu.memory_space<vmem>> -> memref<1x128x16xf32, #tpu.memory_space<vmem>>
      %dma_wait3A_128 = tpu.memref_squeeze %dma_wait3A_127 : memref<1x128x16xf32, #tpu.memory_space<vmem>> -> memref<128x16xf32, #tpu.memory_space<vmem>>
      %dma_wait3A_129 = arith.constant 0 : i32
      %dma_wait3A_130 = tpu.memref_slice %arg7[%add3A_42, %dma_wait3A_129] : memref<10240x16xf32, #tpu.memory_space<vmem_shared>> -> memref<128x16xf32, #tpu.memory_space<vmem_shared>>
      %dma_wait3A_131 = arith.constant 0 : i32
      %dma_wait3A_132 = tpu.memref_slice %arg7[%add3A_42, %dma_wait3A_131] : memref<10240x16xf32, #tpu.memory_space<vmem_shared>> -> memref<128x16xf32, #tpu.memory_space<vmem_shared>>
      %dma_wait3A_133 = arith.constant 0 : i32
      %dma_wait3A_134 = arith.constant 0 : i32
      %dma_wait3A_135 = tpu.memref_slice %arg6[%run_scoped3A_43, %dma_wait3A_133, %dma_wait3A_134] : memref<4x128x16xf32, #tpu.memory_space<vmem>> -> memref<1x128x16xf32, #tpu.memory_space<vmem>>
      %dma_wait3A_136 = tpu.memref_squeeze %dma_wait3A_135 : memref<1x128x16xf32, #tpu.memory_space<vmem>> -> memref<128x16xf32, #tpu.memory_space<vmem>>
      tpu.wait_dma2 semaphore(%run_scoped3A_113 : memref<!tpu.dma_semaphore, #tpu.memory_space<semaphore_mem>>) src(%dma_wait3A_136 : memref<128x16xf32, #tpu.memory_space<vmem>>) dst(%dma_wait3A_132 : memref<128x16xf32, #tpu.memory_space<vmem_shared>>)
      tpu.yield
    }) : () -> ()
    %barrier3A = arith.constant 0 : index
    tpu.barrier barrier_id(%barrier3A)
    %dma_start3A = arith.constant 0 : i32
    %dma_start3A_44 = arith.constant 0 : i32
    %dma_start3A_45 = arith.constant 0 : i32
    %dma_start3A_46 = arith.constant 0 : i32
    %dma_start3A_47 = arith.constant 0 : i32
    %dma_start3A_48 = tpu.memref_slice %arg6[%dma_start3A_45, %dma_start3A_46, %dma_start3A_47] : memref<4x128x16xf32, #tpu.memory_space<vmem>> -> memref<1x128x16xf32, #tpu.memory_space<vmem>>
    %dma_start3A_49 = tpu.memref_squeeze %dma_start3A_48 : memref<1x128x16xf32, #tpu.memory_space<vmem>> -> memref<128x16xf32, #tpu.memory_space<vmem>>
    %dma_start3A_50 = arith.constant 0 : i32
    %dma_start3A_51 = tpu.memref_slice %arg5[%dma_start3A, %dma_start3A_44, %dma_start3A_50] : memref<79x2x128xi32, #tpu.memory_space<vmem>> -> memref<1x1x128xi32, #tpu.memory_space<vmem>>
    %dma_start3A_52 = tpu.memref_squeeze %dma_start3A_51 : memref<1x1x128xi32, #tpu.memory_space<vmem>> -> memref<128xi32, #tpu.memory_space<vmem>>
    %dma_start3A_53 = arith.constant 0 : i32
    %dma_start3A_54 = arith.constant 0 : i32
    %dma_start3A_55 = tpu.memref_slice %arg17[%dma_start3A_53, %dma_start3A_54] : memref<10000x16xf32, #tpu.memory_space<vmem_shared>> -> memref<10000x16xf32, #tpu.memory_space<vmem_shared>>
    tpu.enqueue_indirect_dma source(%dma_start3A_55 : memref<10000x16xf32, #tpu.memory_space<vmem_shared>>) target(%dma_start3A_49 : memref<128x16xf32, #tpu.memory_space<vmem>>) offsets(%dma_start3A_52 : memref<128xi32, #tpu.memory_space<vmem>>) semaphore(%arg8 : memref<!tpu.dma_semaphore, #tpu.memory_space<semaphore_mem>>)
    %dma_start3A_56 = arith.constant 1 : i32
    %dma_start3A_57 = arith.constant 0 : i32
    %dma_start3A_58 = arith.constant 1 : i32
    %dma_start3A_59 = arith.constant 0 : i32
    %dma_start3A_60 = arith.constant 0 : i32
    %dma_start3A_61 = tpu.memref_slice %arg6[%dma_start3A_58, %dma_start3A_59, %dma_start3A_60] : memref<4x128x16xf32, #tpu.memory_space<vmem>> -> memref<1x128x16xf32, #tpu.memory_space<vmem>>
    %dma_start3A_62 = tpu.memref_squeeze %dma_start3A_61 : memref<1x128x16xf32, #tpu.memory_space<vmem>> -> memref<128x16xf32, #tpu.memory_space<vmem>>
    %dma_start3A_63 = arith.constant 0 : i32
    %dma_start3A_64 = tpu.memref_slice %arg5[%dma_start3A_56, %dma_start3A_57, %dma_start3A_63] : memref<79x2x128xi32, #tpu.memory_space<vmem>> -> memref<1x1x128xi32, #tpu.memory_space<vmem>>
    %dma_start3A_65 = tpu.memref_squeeze %dma_start3A_64 : memref<1x1x128xi32, #tpu.memory_space<vmem>> -> memref<128xi32, #tpu.memory_space<vmem>>
    %dma_start3A_66 = arith.constant 0 : i32
    %dma_start3A_67 = arith.constant 0 : i32
    %dma_start3A_68 = tpu.memref_slice %arg17[%dma_start3A_66, %dma_start3A_67] : memref<10000x16xf32, #tpu.memory_space<vmem_shared>> -> memref<10000x16xf32, #tpu.memory_space<vmem_shared>>
    tpu.enqueue_indirect_dma source(%dma_start3A_68 : memref<10000x16xf32, #tpu.memory_space<vmem_shared>>) target(%dma_start3A_62 : memref<128x16xf32, #tpu.memory_space<vmem>>) offsets(%dma_start3A_65 : memref<128xi32, #tpu.memory_space<vmem>>) semaphore(%arg9 : memref<!tpu.dma_semaphore, #tpu.memory_space<semaphore_mem>>)
    %dma_start3A_69 = arith.constant 2 : i32
    %dma_start3A_70 = arith.constant 0 : i32
    %dma_start3A_71 = arith.constant 2 : i32
    %dma_start3A_72 = arith.constant 0 : i32
    %dma_start3A_73 = arith.constant 0 : i32
    %dma_start3A_74 = tpu.memref_slice %arg6[%dma_start3A_71, %dma_start3A_72, %dma_start3A_73] : memref<4x128x16xf32, #tpu.memory_space<vmem>> -> memref<1x128x16xf32, #tpu.memory_space<vmem>>
    %dma_start3A_75 = tpu.memref_squeeze %dma_start3A_74 : memref<1x128x16xf32, #tpu.memory_space<vmem>> -> memref<128x16xf32, #tpu.memory_space<vmem>>
    %dma_start3A_76 = arith.constant 0 : i32
    %dma_start3A_77 = tpu.memref_slice %arg5[%dma_start3A_69, %dma_start3A_70, %dma_start3A_76] : memref<79x2x128xi32, #tpu.memory_space<vmem>> -> memref<1x1x128xi32, #tpu.memory_space<vmem>>
    %dma_start3A_78 = tpu.memref_squeeze %dma_start3A_77 : memref<1x1x128xi32, #tpu.memory_space<vmem>> -> memref<128xi32, #tpu.memory_space<vmem>>
    %dma_start3A_79 = arith.constant 0 : i32
    %dma_start3A_80 = arith.constant 0 : i32
    %dma_start3A_81 = tpu.memref_slice %arg17[%dma_start3A_79, %dma_start3A_80] : memref<10000x16xf32, #tpu.memory_space<vmem_shared>> -> memref<10000x16xf32, #tpu.memory_space<vmem_shared>>
    tpu.enqueue_indirect_dma source(%dma_start3A_81 : memref<10000x16xf32, #tpu.memory_space<vmem_shared>>) target(%dma_start3A_75 : memref<128x16xf32, #tpu.memory_space<vmem>>) offsets(%dma_start3A_78 : memref<128xi32, #tpu.memory_space<vmem>>) semaphore(%arg10 : memref<!tpu.dma_semaphore, #tpu.memory_space<semaphore_mem>>)
    %dma_start3A_82 = arith.constant 3 : i32
    %dma_start3A_83 = arith.constant 0 : i32
    %dma_start3A_84 = arith.constant 3 : i32
    %dma_start3A_85 = arith.constant 0 : i32
    %dma_start3A_86 = arith.constant 0 : i32
    %dma_start3A_87 = tpu.memref_slice %arg6[%dma_start3A_84, %dma_start3A_85, %dma_start3A_86] : memref<4x128x16xf32, #tpu.memory_space<vmem>> -> memref<1x128x16xf32, #tpu.memory_space<vmem>>
    %dma_start3A_88 = tpu.memref_squeeze %dma_start3A_87 : memref<1x128x16xf32, #tpu.memory_space<vmem>> -> memref<128x16xf32, #tpu.memory_space<vmem>>
    %dma_start3A_89 = arith.constant 0 : i32
    %dma_start3A_90 = tpu.memref_slice %arg5[%dma_start3A_82, %dma_start3A_83, %dma_start3A_89] : memref<79x2x128xi32, #tpu.memory_space<vmem>> -> memref<1x1x128xi32, #tpu.memory_space<vmem>>
    %dma_start3A_91 = tpu.memref_squeeze %dma_start3A_90 : memref<1x1x128xi32, #tpu.memory_space<vmem>> -> memref<128xi32, #tpu.memory_space<vmem>>
    %dma_start3A_92 = arith.constant 0 : i32
    %dma_start3A_93 = arith.constant 0 : i32
    %dma_start3A_94 = tpu.memref_slice %arg17[%dma_start3A_92, %dma_start3A_93] : memref<10000x16xf32, #tpu.memory_space<vmem_shared>> -> memref<10000x16xf32, #tpu.memory_space<vmem_shared>>
    tpu.enqueue_indirect_dma source(%dma_start3A_94 : memref<10000x16xf32, #tpu.memory_space<vmem_shared>>) target(%dma_start3A_88 : memref<128x16xf32, #tpu.memory_space<vmem>>) offsets(%dma_start3A_91 : memref<128xi32, #tpu.memory_space<vmem>>) semaphore(%arg11 : memref<!tpu.dma_semaphore, #tpu.memory_space<semaphore_mem>>)
    %scan3A_95 = arith.constant 0 : i32
    %scan3A_96 = arith.constant 0 : i32
    %scan3A_97 = arith.constant 20 : i32
    %scan3A_98 = arith.addi %scan3A_96, %scan3A_97 : i32
    %scan3A_99 = arith.constant 1 : i32
    scf.for %scan3A_113 = %scan3A_96 to %scan3A_98 step %scan3A_99  : i32 {
      %mul3A_114 = arith.constant 4 : i32
      %mul3A_115 = arith.muli %mul3A_114, %scan3A_113 : i32
      %add3A_116 = arith.constant 0 : i32
      %add3A_117 = arith.addi %mul3A_115, %add3A_116 : i32
      %lt3A_118 = arith.cmpi slt, %add3A_117, %add3A_3 : i32
      %convert_element_type3A_119 = arith.extui %lt3A_118 : i1 to i32
      %cond3A_120 = arith.constant 0 : i32
      %cond3A_121 = arith.cmpi ne, %convert_element_type3A_119, %cond3A_120 : i32
      scf.if %cond3A_121 {
        %dma_wait3A = arith.constant 0 : i32
        %dma_wait3A_172 = arith.constant 0 : i32
        %dma_wait3A_173 = arith.constant 0 : i32
        %dma_wait3A_174 = arith.constant 0 : i32
        %dma_wait3A_175 = tpu.memref_slice %arg6[%dma_wait3A_172, %dma_wait3A_173, %dma_wait3A_174] : memref<4x128x16xf32, #tpu.memory_space<vmem>> -> memref<1x128x16xf32, #tpu.memory_space<vmem>>
        %dma_wait3A_176 = tpu.memref_squeeze %dma_wait3A_175 : memref<1x128x16xf32, #tpu.memory_space<vmem>> -> memref<128x16xf32, #tpu.memory_space<vmem>>
        %dma_wait3A_177 = arith.constant 0 : i32
        %dma_wait3A_178 = tpu.memref_slice %arg5[%add3A_117, %dma_wait3A, %dma_wait3A_177] : memref<79x2x128xi32, #tpu.memory_space<vmem>> -> memref<1x1x128xi32, #tpu.memory_space<vmem>>
        %dma_wait3A_179 = tpu.memref_squeeze %dma_wait3A_178 : memref<1x1x128xi32, #tpu.memory_space<vmem>> -> memref<128xi32, #tpu.memory_space<vmem>>
        %dma_wait3A_180 = arith.constant 0 : i32
        %dma_wait3A_181 = arith.constant 0 : i32
        %dma_wait3A_182 = tpu.memref_slice %arg17[%dma_wait3A_180, %dma_wait3A_181] : memref<10000x16xf32, #tpu.memory_space<vmem_shared>> -> memref<10000x16xf32, #tpu.memory_space<vmem_shared>>
        tpu.wait_indirect_dma semaphore(%arg8 : memref<!tpu.dma_semaphore, #tpu.memory_space<semaphore_mem>>) src(%dma_wait3A_182 : memref<10000x16xf32, #tpu.memory_space<vmem_shared>>) dst(%dma_wait3A_176 : memref<128x16xf32, #tpu.memory_space<vmem>>)
        %dma_start3A_183 = arith.constant 0 : i32
        %dma_start3A_184 = arith.constant 1 : i32
        %dma_start3A_185 = arith.constant 0 : i32
        %dma_start3A_186 = arith.constant 0 : i32
        %dma_start3A_187 = tpu.memref_slice %arg6[%dma_start3A_183, %dma_start3A_185, %dma_start3A_186] : memref<4x128x16xf32, #tpu.memory_space<vmem>> -> memref<1x128x16xf32, #tpu.memory_space<vmem>>
        %dma_start3A_188 = tpu.memref_squeeze %dma_start3A_187 : memref<1x128x16xf32, #tpu.memory_space<vmem>> -> memref<128x16xf32, #tpu.memory_space<vmem>>
        %dma_start3A_189 = arith.constant 0 : i32
        %dma_start3A_190 = tpu.memref_slice %arg5[%add3A_117, %dma_start3A_184, %dma_start3A_189] : memref<79x2x128xi32, #tpu.memory_space<vmem>> -> memref<1x1x128xi32, #tpu.memory_space<vmem>>
        %dma_start3A_191 = tpu.memref_squeeze %dma_start3A_190 : memref<1x1x128xi32, #tpu.memory_space<vmem>> -> memref<128xi32, #tpu.memory_space<vmem>>
        %dma_start3A_192 = arith.constant 0 : i32
        %dma_start3A_193 = arith.constant 0 : i32
        %dma_start3A_194 = tpu.memref_slice %arg7[%dma_start3A_192, %dma_start3A_193] : memref<10240x16xf32, #tpu.memory_space<vmem_shared>> -> memref<10240x16xf32, #tpu.memory_space<vmem_shared>>
        tpu.enqueue_indirect_dma source(%dma_start3A_188 : memref<128x16xf32, #tpu.memory_space<vmem>>) target(%dma_start3A_194 : memref<10240x16xf32, #tpu.memory_space<vmem_shared>>) offsets(%dma_start3A_191 : memref<128xi32, #tpu.memory_space<vmem>>) semaphore(%arg12 : memref<!tpu.dma_semaphore, #tpu.memory_space<semaphore_mem>>) {add = true}
      } else {
      }
      %add3A_122 = arith.constant 1 : i32
      %add3A_123 = arith.addi %mul3A_115, %add3A_122 : i32
      %lt3A_124 = arith.cmpi slt, %add3A_123, %add3A_3 : i32
      %convert_element_type3A_125 = arith.extui %lt3A_124 : i1 to i32
      %cond3A_126 = arith.constant 0 : i32
      %cond3A_127 = arith.cmpi ne, %convert_element_type3A_125, %cond3A_126 : i32
      scf.if %cond3A_127 {
        %dma_wait3A = arith.constant 0 : i32
        %dma_wait3A_172 = arith.constant 1 : i32
        %dma_wait3A_173 = arith.constant 0 : i32
        %dma_wait3A_174 = arith.constant 0 : i32
        %dma_wait3A_175 = tpu.memref_slice %arg6[%dma_wait3A_172, %dma_wait3A_173, %dma_wait3A_174] : memref<4x128x16xf32, #tpu.memory_space<vmem>> -> memref<1x128x16xf32, #tpu.memory_space<vmem>>
        %dma_wait3A_176 = tpu.memref_squeeze %dma_wait3A_175 : memref<1x128x16xf32, #tpu.memory_space<vmem>> -> memref<128x16xf32, #tpu.memory_space<vmem>>
        %dma_wait3A_177 = arith.constant 0 : i32
        %dma_wait3A_178 = tpu.memref_slice %arg5[%add3A_123, %dma_wait3A, %dma_wait3A_177] : memref<79x2x128xi32, #tpu.memory_space<vmem>> -> memref<1x1x128xi32, #tpu.memory_space<vmem>>
        %dma_wait3A_179 = tpu.memref_squeeze %dma_wait3A_178 : memref<1x1x128xi32, #tpu.memory_space<vmem>> -> memref<128xi32, #tpu.memory_space<vmem>>
        %dma_wait3A_180 = arith.constant 0 : i32
        %dma_wait3A_181 = arith.constant 0 : i32
        %dma_wait3A_182 = tpu.memref_slice %arg17[%dma_wait3A_180, %dma_wait3A_181] : memref<10000x16xf32, #tpu.memory_space<vmem_shared>> -> memref<10000x16xf32, #tpu.memory_space<vmem_shared>>
        tpu.wait_indirect_dma semaphore(%arg9 : memref<!tpu.dma_semaphore, #tpu.memory_space<semaphore_mem>>) src(%dma_wait3A_182 : memref<10000x16xf32, #tpu.memory_space<vmem_shared>>) dst(%dma_wait3A_176 : memref<128x16xf32, #tpu.memory_space<vmem>>)
        %dma_start3A_183 = arith.constant 1 : i32
        %dma_start3A_184 = arith.constant 1 : i32
        %dma_start3A_185 = arith.constant 0 : i32
        %dma_start3A_186 = arith.constant 0 : i32
        %dma_start3A_187 = tpu.memref_slice %arg6[%dma_start3A_183, %dma_start3A_185, %dma_start3A_186] : memref<4x128x16xf32, #tpu.memory_space<vmem>> -> memref<1x128x16xf32, #tpu.memory_space<vmem>>
        %dma_start3A_188 = tpu.memref_squeeze %dma_start3A_187 : memref<1x128x16xf32, #tpu.memory_space<vmem>> -> memref<128x16xf32, #tpu.memory_space<vmem>>
        %dma_start3A_189 = arith.constant 0 : i32
        %dma_start3A_190 = tpu.memref_slice %arg5[%add3A_123, %dma_start3A_184, %dma_start3A_189] : memref<79x2x128xi32, #tpu.memory_space<vmem>> -> memref<1x1x128xi32, #tpu.memory_space<vmem>>
        %dma_start3A_191 = tpu.memref_squeeze %dma_start3A_190 : memref<1x1x128xi32, #tpu.memory_space<vmem>> -> memref<128xi32, #tpu.memory_space<vmem>>
        %dma_start3A_192 = arith.constant 0 : i32
        %dma_start3A_193 = arith.constant 0 : i32
        %dma_start3A_194 = tpu.memref_slice %arg7[%dma_start3A_192, %dma_start3A_193] : memref<10240x16xf32, #tpu.memory_space<vmem_shared>> -> memref<10240x16xf32, #tpu.memory_space<vmem_shared>>
        tpu.enqueue_indirect_dma source(%dma_start3A_188 : memref<128x16xf32, #tpu.memory_space<vmem>>) target(%dma_start3A_194 : memref<10240x16xf32, #tpu.memory_space<vmem_shared>>) offsets(%dma_start3A_191 : memref<128xi32, #tpu.memory_space<vmem>>) semaphore(%arg13 : memref<!tpu.dma_semaphore, #tpu.memory_space<semaphore_mem>>) {add = true}
      } else {
      }
      %add3A_128 = arith.constant 2 : i32
      %add3A_129 = arith.addi %mul3A_115, %add3A_128 : i32
      %lt3A_130 = arith.cmpi slt, %add3A_129, %add3A_3 : i32
      %convert_element_type3A_131 = arith.extui %lt3A_130 : i1 to i32
      %cond3A_132 = arith.constant 0 : i32
      %cond3A_133 = arith.cmpi ne, %convert_element_type3A_131, %cond3A_132 : i32
      scf.if %cond3A_133 {
        %dma_wait3A = arith.constant 0 : i32
        %dma_wait3A_172 = arith.constant 2 : i32
        %dma_wait3A_173 = arith.constant 0 : i32
        %dma_wait3A_174 = arith.constant 0 : i32
        %dma_wait3A_175 = tpu.memref_slice %arg6[%dma_wait3A_172, %dma_wait3A_173, %dma_wait3A_174] : memref<4x128x16xf32, #tpu.memory_space<vmem>> -> memref<1x128x16xf32, #tpu.memory_space<vmem>>
        %dma_wait3A_176 = tpu.memref_squeeze %dma_wait3A_175 : memref<1x128x16xf32, #tpu.memory_space<vmem>> -> memref<128x16xf32, #tpu.memory_space<vmem>>
        %dma_wait3A_177 = arith.constant 0 : i32
        %dma_wait3A_178 = tpu.memref_slice %arg5[%add3A_129, %dma_wait3A, %dma_wait3A_177] : memref<79x2x128xi32, #tpu.memory_space<vmem>> -> memref<1x1x128xi32, #tpu.memory_space<vmem>>
        %dma_wait3A_179 = tpu.memref_squeeze %dma_wait3A_178 : memref<1x1x128xi32, #tpu.memory_space<vmem>> -> memref<128xi32, #tpu.memory_space<vmem>>
        %dma_wait3A_180 = arith.constant 0 : i32
        %dma_wait3A_181 = arith.constant 0 : i32
        %dma_wait3A_182 = tpu.memref_slice %arg17[%dma_wait3A_180, %dma_wait3A_181] : memref<10000x16xf32, #tpu.memory_space<vmem_shared>> -> memref<10000x16xf32, #tpu.memory_space<vmem_shared>>
        tpu.wait_indirect_dma semaphore(%arg10 : memref<!tpu.dma_semaphore, #tpu.memory_space<semaphore_mem>>) src(%dma_wait3A_182 : memref<10000x16xf32, #tpu.memory_space<vmem_shared>>) dst(%dma_wait3A_176 : memref<128x16xf32, #tpu.memory_space<vmem>>)
        %dma_start3A_183 = arith.constant 2 : i32
        %dma_start3A_184 = arith.constant 1 : i32
        %dma_start3A_185 = arith.constant 0 : i32
        %dma_start3A_186 = arith.constant 0 : i32
        %dma_start3A_187 = tpu.memref_slice %arg6[%dma_start3A_183, %dma_start3A_185, %dma_start3A_186] : memref<4x128x16xf32, #tpu.memory_space<vmem>> -> memref<1x128x16xf32, #tpu.memory_space<vmem>>
        %dma_start3A_188 = tpu.memref_squeeze %dma_start3A_187 : memref<1x128x16xf32, #tpu.memory_space<vmem>> -> memref<128x16xf32, #tpu.memory_space<vmem>>
        %dma_start3A_189 = arith.constant 0 : i32
        %dma_start3A_190 = tpu.memref_slice %arg5[%add3A_129, %dma_start3A_184, %dma_start3A_189] : memref<79x2x128xi32, #tpu.memory_space<vmem>> -> memref<1x1x128xi32, #tpu.memory_space<vmem>>
        %dma_start3A_191 = tpu.memref_squeeze %dma_start3A_190 : memref<1x1x128xi32, #tpu.memory_space<vmem>> -> memref<128xi32, #tpu.memory_space<vmem>>
        %dma_start3A_192 = arith.constant 0 : i32
        %dma_start3A_193 = arith.constant 0 : i32
        %dma_start3A_194 = tpu.memref_slice %arg7[%dma_start3A_192, %dma_start3A_193] : memref<10240x16xf32, #tpu.memory_space<vmem_shared>> -> memref<10240x16xf32, #tpu.memory_space<vmem_shared>>
        tpu.enqueue_indirect_dma source(%dma_start3A_188 : memref<128x16xf32, #tpu.memory_space<vmem>>) target(%dma_start3A_194 : memref<10240x16xf32, #tpu.memory_space<vmem_shared>>) offsets(%dma_start3A_191 : memref<128xi32, #tpu.memory_space<vmem>>) semaphore(%arg14 : memref<!tpu.dma_semaphore, #tpu.memory_space<semaphore_mem>>) {add = true}
      } else {
      }
      %add3A_134 = arith.constant 3 : i32
      %add3A_135 = arith.addi %mul3A_115, %add3A_134 : i32
      %lt3A_136 = arith.cmpi slt, %add3A_135, %add3A_3 : i32
      %convert_element_type3A_137 = arith.extui %lt3A_136 : i1 to i32
      %cond3A_138 = arith.constant 0 : i32
      %cond3A_139 = arith.cmpi ne, %convert_element_type3A_137, %cond3A_138 : i32
      scf.if %cond3A_139 {
        %dma_wait3A = arith.constant 0 : i32
        %dma_wait3A_172 = arith.constant 3 : i32
        %dma_wait3A_173 = arith.constant 0 : i32
        %dma_wait3A_174 = arith.constant 0 : i32
        %dma_wait3A_175 = tpu.memref_slice %arg6[%dma_wait3A_172, %dma_wait3A_173, %dma_wait3A_174] : memref<4x128x16xf32, #tpu.memory_space<vmem>> -> memref<1x128x16xf32, #tpu.memory_space<vmem>>
        %dma_wait3A_176 = tpu.memref_squeeze %dma_wait3A_175 : memref<1x128x16xf32, #tpu.memory_space<vmem>> -> memref<128x16xf32, #tpu.memory_space<vmem>>
        %dma_wait3A_177 = arith.constant 0 : i32
        %dma_wait3A_178 = tpu.memref_slice %arg5[%add3A_135, %dma_wait3A, %dma_wait3A_177] : memref<79x2x128xi32, #tpu.memory_space<vmem>> -> memref<1x1x128xi32, #tpu.memory_space<vmem>>
        %dma_wait3A_179 = tpu.memref_squeeze %dma_wait3A_178 : memref<1x1x128xi32, #tpu.memory_space<vmem>> -> memref<128xi32, #tpu.memory_space<vmem>>
        %dma_wait3A_180 = arith.constant 0 : i32
        %dma_wait3A_181 = arith.constant 0 : i32
        %dma_wait3A_182 = tpu.memref_slice %arg17[%dma_wait3A_180, %dma_wait3A_181] : memref<10000x16xf32, #tpu.memory_space<vmem_shared>> -> memref<10000x16xf32, #tpu.memory_space<vmem_shared>>
        tpu.wait_indirect_dma semaphore(%arg11 : memref<!tpu.dma_semaphore, #tpu.memory_space<semaphore_mem>>) src(%dma_wait3A_182 : memref<10000x16xf32, #tpu.memory_space<vmem_shared>>) dst(%dma_wait3A_176 : memref<128x16xf32, #tpu.memory_space<vmem>>)
        %dma_start3A_183 = arith.constant 3 : i32
        %dma_start3A_184 = arith.constant 1 : i32
        %dma_start3A_185 = arith.constant 0 : i32
        %dma_start3A_186 = arith.constant 0 : i32
        %dma_start3A_187 = tpu.memref_slice %arg6[%dma_start3A_183, %dma_start3A_185, %dma_start3A_186] : memref<4x128x16xf32, #tpu.memory_space<vmem>> -> memref<1x128x16xf32, #tpu.memory_space<vmem>>
        %dma_start3A_188 = tpu.memref_squeeze %dma_start3A_187 : memref<1x128x16xf32, #tpu.memory_space<vmem>> -> memref<128x16xf32, #tpu.memory_space<vmem>>
        %dma_start3A_189 = arith.constant 0 : i32
        %dma_start3A_190 = tpu.memref_slice %arg5[%add3A_135, %dma_start3A_184, %dma_start3A_189] : memref<79x2x128xi32, #tpu.memory_space<vmem>> -> memref<1x1x128xi32, #tpu.memory_space<vmem>>
        %dma_start3A_191 = tpu.memref_squeeze %dma_start3A_190 : memref<1x1x128xi32, #tpu.memory_space<vmem>> -> memref<128xi32, #tpu.memory_space<vmem>>
        %dma_start3A_192 = arith.constant 0 : i32
        %dma_start3A_193 = arith.constant 0 : i32
        %dma_start3A_194 = tpu.memref_slice %arg7[%dma_start3A_192, %dma_start3A_193] : memref<10240x16xf32, #tpu.memory_space<vmem_shared>> -> memref<10240x16xf32, #tpu.memory_space<vmem_shared>>
        tpu.enqueue_indirect_dma source(%dma_start3A_188 : memref<128x16xf32, #tpu.memory_space<vmem>>) target(%dma_start3A_194 : memref<10240x16xf32, #tpu.memory_space<vmem_shared>>) offsets(%dma_start3A_191 : memref<128xi32, #tpu.memory_space<vmem>>) semaphore(%arg15 : memref<!tpu.dma_semaphore, #tpu.memory_space<semaphore_mem>>) {add = true}
      } else {
      }
      %add3A_140 = arith.constant 0 : i32
      %add3A_141 = arith.addi %mul3A_115, %add3A_140 : i32
      %add3A_142 = arith.constant 4 : i32
      %add3A_143 = arith.addi %add3A_141, %add3A_142 : i32
      %lt3A_144 = arith.cmpi slt, %add3A_143, %add3A_3 : i32
      %convert_element_type3A_145 = arith.extui %lt3A_144 : i1 to i32
      %cond3A_146 = arith.constant 0 : i32
      %cond3A_147 = arith.cmpi ne, %convert_element_type3A_145, %cond3A_146 : i32
      scf.if %cond3A_147 {
        %dma_wait3A = arith.constant 0 : i32
        %dma_wait3A_172 = arith.constant 1 : i32
        %dma_wait3A_173 = arith.constant 0 : i32
        %dma_wait3A_174 = arith.constant 0 : i32
        %dma_wait3A_175 = tpu.memref_slice %arg6[%dma_wait3A, %dma_wait3A_173, %dma_wait3A_174] : memref<4x128x16xf32, #tpu.memory_space<vmem>> -> memref<1x128x16xf32, #tpu.memory_space<vmem>>
        %dma_wait3A_176 = tpu.memref_squeeze %dma_wait3A_175 : memref<1x128x16xf32, #tpu.memory_space<vmem>> -> memref<128x16xf32, #tpu.memory_space<vmem>>
        %dma_wait3A_177 = arith.constant 0 : i32
        %dma_wait3A_178 = tpu.memref_slice %arg5[%add3A_141, %dma_wait3A_172, %dma_wait3A_177] : memref<79x2x128xi32, #tpu.memory_space<vmem>> -> memref<1x1x128xi32, #tpu.memory_space<vmem>>
        %dma_wait3A_179 = tpu.memref_squeeze %dma_wait3A_178 : memref<1x1x128xi32, #tpu.memory_space<vmem>> -> memref<128xi32, #tpu.memory_space<vmem>>
        %dma_wait3A_180 = arith.constant 0 : i32
        %dma_wait3A_181 = arith.constant 0 : i32
        %dma_wait3A_182 = tpu.memref_slice %arg7[%dma_wait3A_180, %dma_wait3A_181] : memref<10240x16xf32, #tpu.memory_space<vmem_shared>> -> memref<10240x16xf32, #tpu.memory_space<vmem_shared>>
        tpu.wait_indirect_dma semaphore(%arg12 : memref<!tpu.dma_semaphore, #tpu.memory_space<semaphore_mem>>) src(%dma_wait3A_176 : memref<128x16xf32, #tpu.memory_space<vmem>>) dst(%dma_wait3A_182 : memref<10240x16xf32, #tpu.memory_space<vmem_shared>>)
        %add3A_183 = arith.constant 4 : i32
        %add3A_184 = arith.addi %add3A_141, %add3A_183 : i32
        %dma_start3A_185 = arith.constant 0 : i32
        %dma_start3A_186 = arith.constant 0 : i32
        %dma_start3A_187 = arith.constant 0 : i32
        %dma_start3A_188 = arith.constant 0 : i32
        %dma_start3A_189 = tpu.memref_slice %arg6[%dma_start3A_186, %dma_start3A_187, %dma_start3A_188] : memref<4x128x16xf32, #tpu.memory_space<vmem>> -> memref<1x128x16xf32, #tpu.memory_space<vmem>>
        %dma_start3A_190 = tpu.memref_squeeze %dma_start3A_189 : memref<1x128x16xf32, #tpu.memory_space<vmem>> -> memref<128x16xf32, #tpu.memory_space<vmem>>
        %dma_start3A_191 = arith.constant 0 : i32
        %dma_start3A_192 = tpu.memref_slice %arg5[%add3A_184, %dma_start3A_185, %dma_start3A_191] : memref<79x2x128xi32, #tpu.memory_space<vmem>> -> memref<1x1x128xi32, #tpu.memory_space<vmem>>
        %dma_start3A_193 = tpu.memref_squeeze %dma_start3A_192 : memref<1x1x128xi32, #tpu.memory_space<vmem>> -> memref<128xi32, #tpu.memory_space<vmem>>
        %dma_start3A_194 = arith.constant 0 : i32
        %dma_start3A_195 = arith.constant 0 : i32
        %dma_start3A_196 = tpu.memref_slice %arg17[%dma_start3A_194, %dma_start3A_195] : memref<10000x16xf32, #tpu.memory_space<vmem_shared>> -> memref<10000x16xf32, #tpu.memory_space<vmem_shared>>
        tpu.enqueue_indirect_dma source(%dma_start3A_196 : memref<10000x16xf32, #tpu.memory_space<vmem_shared>>) target(%dma_start3A_190 : memref<128x16xf32, #tpu.memory_space<vmem>>) offsets(%dma_start3A_193 : memref<128xi32, #tpu.memory_space<vmem>>) semaphore(%arg8 : memref<!tpu.dma_semaphore, #tpu.memory_space<semaphore_mem>>)
      } else {
      }
      %add3A_148 = arith.constant 1 : i32
      %add3A_149 = arith.addi %mul3A_115, %add3A_148 : i32
      %add3A_150 = arith.constant 4 : i32
      %add3A_151 = arith.addi %add3A_149, %add3A_150 : i32
      %lt3A_152 = arith.cmpi slt, %add3A_151, %add3A_3 : i32
      %convert_element_type3A_153 = arith.extui %lt3A_152 : i1 to i32
      %cond3A_154 = arith.constant 0 : i32
      %cond3A_155 = arith.cmpi ne, %convert_element_type3A_153, %cond3A_154 : i32
      scf.if %cond3A_155 {
        %dma_wait3A = arith.constant 1 : i32
        %dma_wait3A_172 = arith.constant 1 : i32
        %dma_wait3A_173 = arith.constant 0 : i32
        %dma_wait3A_174 = arith.constant 0 : i32
        %dma_wait3A_175 = tpu.memref_slice %arg6[%dma_wait3A, %dma_wait3A_173, %dma_wait3A_174] : memref<4x128x16xf32, #tpu.memory_space<vmem>> -> memref<1x128x16xf32, #tpu.memory_space<vmem>>
        %dma_wait3A_176 = tpu.memref_squeeze %dma_wait3A_175 : memref<1x128x16xf32, #tpu.memory_space<vmem>> -> memref<128x16xf32, #tpu.memory_space<vmem>>
        %dma_wait3A_177 = arith.constant 0 : i32
        %dma_wait3A_178 = tpu.memref_slice %arg5[%add3A_149, %dma_wait3A_172, %dma_wait3A_177] : memref<79x2x128xi32, #tpu.memory_space<vmem>> -> memref<1x1x128xi32, #tpu.memory_space<vmem>>
        %dma_wait3A_179 = tpu.memref_squeeze %dma_wait3A_178 : memref<1x1x128xi32, #tpu.memory_space<vmem>> -> memref<128xi32, #tpu.memory_space<vmem>>
        %dma_wait3A_180 = arith.constant 0 : i32
        %dma_wait3A_181 = arith.constant 0 : i32
        %dma_wait3A_182 = tpu.memref_slice %arg7[%dma_wait3A_180, %dma_wait3A_181] : memref<10240x16xf32, #tpu.memory_space<vmem_shared>> -> memref<10240x16xf32, #tpu.memory_space<vmem_shared>>
        tpu.wait_indirect_dma semaphore(%arg13 : memref<!tpu.dma_semaphore, #tpu.memory_space<semaphore_mem>>) src(%dma_wait3A_176 : memref<128x16xf32, #tpu.memory_space<vmem>>) dst(%dma_wait3A_182 : memref<10240x16xf32, #tpu.memory_space<vmem_shared>>)
        %add3A_183 = arith.constant 4 : i32
        %add3A_184 = arith.addi %add3A_149, %add3A_183 : i32
        %dma_start3A_185 = arith.constant 0 : i32
        %dma_start3A_186 = arith.constant 1 : i32
        %dma_start3A_187 = arith.constant 0 : i32
        %dma_start3A_188 = arith.constant 0 : i32
        %dma_start3A_189 = tpu.memref_slice %arg6[%dma_start3A_186, %dma_start3A_187, %dma_start3A_188] : memref<4x128x16xf32, #tpu.memory_space<vmem>> -> memref<1x128x16xf32, #tpu.memory_space<vmem>>
        %dma_start3A_190 = tpu.memref_squeeze %dma_start3A_189 : memref<1x128x16xf32, #tpu.memory_space<vmem>> -> memref<128x16xf32, #tpu.memory_space<vmem>>
        %dma_start3A_191 = arith.constant 0 : i32
        %dma_start3A_192 = tpu.memref_slice %arg5[%add3A_184, %dma_start3A_185, %dma_start3A_191] : memref<79x2x128xi32, #tpu.memory_space<vmem>> -> memref<1x1x128xi32, #tpu.memory_space<vmem>>
        %dma_start3A_193 = tpu.memref_squeeze %dma_start3A_192 : memref<1x1x128xi32, #tpu.memory_space<vmem>> -> memref<128xi32, #tpu.memory_space<vmem>>
        %dma_start3A_194 = arith.constant 0 : i32
        %dma_start3A_195 = arith.constant 0 : i32
        %dma_start3A_196 = tpu.memref_slice %arg17[%dma_start3A_194, %dma_start3A_195] : memref<10000x16xf32, #tpu.memory_space<vmem_shared>> -> memref<10000x16xf32, #tpu.memory_space<vmem_shared>>
        tpu.enqueue_indirect_dma source(%dma_start3A_196 : memref<10000x16xf32, #tpu.memory_space<vmem_shared>>) target(%dma_start3A_190 : memref<128x16xf32, #tpu.memory_space<vmem>>) offsets(%dma_start3A_193 : memref<128xi32, #tpu.memory_space<vmem>>) semaphore(%arg9 : memref<!tpu.dma_semaphore, #tpu.memory_space<semaphore_mem>>)
      } else {
      }
      %add3A_156 = arith.constant 2 : i32
      %add3A_157 = arith.addi %mul3A_115, %add3A_156 : i32
      %add3A_158 = arith.constant 4 : i32
      %add3A_159 = arith.addi %add3A_157, %add3A_158 : i32
      %lt3A_160 = arith.cmpi slt, %add3A_159, %add3A_3 : i32
      %convert_element_type3A_161 = arith.extui %lt3A_160 : i1 to i32
      %cond3A_162 = arith.constant 0 : i32
      %cond3A_163 = arith.cmpi ne, %convert_element_type3A_161, %cond3A_162 : i32
      scf.if %cond3A_163 {
        %dma_wait3A = arith.constant 2 : i32
        %dma_wait3A_172 = arith.constant 1 : i32
        %dma_wait3A_173 = arith.constant 0 : i32
        %dma_wait3A_174 = arith.constant 0 : i32
        %dma_wait3A_175 = tpu.memref_slice %arg6[%dma_wait3A, %dma_wait3A_173, %dma_wait3A_174] : memref<4x128x16xf32, #tpu.memory_space<vmem>> -> memref<1x128x16xf32, #tpu.memory_space<vmem>>
        %dma_wait3A_176 = tpu.memref_squeeze %dma_wait3A_175 : memref<1x128x16xf32, #tpu.memory_space<vmem>> -> memref<128x16xf32, #tpu.memory_space<vmem>>
        %dma_wait3A_177 = arith.constant 0 : i32
        %dma_wait3A_178 = tpu.memref_slice %arg5[%add3A_157, %dma_wait3A_172, %dma_wait3A_177] : memref<79x2x128xi32, #tpu.memory_space<vmem>> -> memref<1x1x128xi32, #tpu.memory_space<vmem>>
        %dma_wait3A_179 = tpu.memref_squeeze %dma_wait3A_178 : memref<1x1x128xi32, #tpu.memory_space<vmem>> -> memref<128xi32, #tpu.memory_space<vmem>>
        %dma_wait3A_180 = arith.constant 0 : i32
        %dma_wait3A_181 = arith.constant 0 : i32
        %dma_wait3A_182 = tpu.memref_slice %arg7[%dma_wait3A_180, %dma_wait3A_181] : memref<10240x16xf32, #tpu.memory_space<vmem_shared>> -> memref<10240x16xf32, #tpu.memory_space<vmem_shared>>
        tpu.wait_indirect_dma semaphore(%arg14 : memref<!tpu.dma_semaphore, #tpu.memory_space<semaphore_mem>>) src(%dma_wait3A_176 : memref<128x16xf32, #tpu.memory_space<vmem>>) dst(%dma_wait3A_182 : memref<10240x16xf32, #tpu.memory_space<vmem_shared>>)
        %add3A_183 = arith.constant 4 : i32
        %add3A_184 = arith.addi %add3A_157, %add3A_183 : i32
        %dma_start3A_185 = arith.constant 0 : i32
        %dma_start3A_186 = arith.constant 2 : i32
        %dma_start3A_187 = arith.constant 0 : i32
        %dma_start3A_188 = arith.constant 0 : i32
        %dma_start3A_189 = tpu.memref_slice %arg6[%dma_start3A_186, %dma_start3A_187, %dma_start3A_188] : memref<4x128x16xf32, #tpu.memory_space<vmem>> -> memref<1x128x16xf32, #tpu.memory_space<vmem>>
        %dma_start3A_190 = tpu.memref_squeeze %dma_start3A_189 : memref<1x128x16xf32, #tpu.memory_space<vmem>> -> memref<128x16xf32, #tpu.memory_space<vmem>>
        %dma_start3A_191 = arith.constant 0 : i32
        %dma_start3A_192 = tpu.memref_slice %arg5[%add3A_184, %dma_start3A_185, %dma_start3A_191] : memref<79x2x128xi32, #tpu.memory_space<vmem>> -> memref<1x1x128xi32, #tpu.memory_space<vmem>>
        %dma_start3A_193 = tpu.memref_squeeze %dma_start3A_192 : memref<1x1x128xi32, #tpu.memory_space<vmem>> -> memref<128xi32, #tpu.memory_space<vmem>>
        %dma_start3A_194 = arith.constant 0 : i32
        %dma_start3A_195 = arith.constant 0 : i32
        %dma_start3A_196 = tpu.memref_slice %arg17[%dma_start3A_194, %dma_start3A_195] : memref<10000x16xf32, #tpu.memory_space<vmem_shared>> -> memref<10000x16xf32, #tpu.memory_space<vmem_shared>>
        tpu.enqueue_indirect_dma source(%dma_start3A_196 : memref<10000x16xf32, #tpu.memory_space<vmem_shared>>) target(%dma_start3A_190 : memref<128x16xf32, #tpu.memory_space<vmem>>) offsets(%dma_start3A_193 : memref<128xi32, #tpu.memory_space<vmem>>) semaphore(%arg10 : memref<!tpu.dma_semaphore, #tpu.memory_space<semaphore_mem>>)
      } else {
      }
      %add3A_164 = arith.constant 3 : i32
      %add3A_165 = arith.addi %mul3A_115, %add3A_164 : i32
      %add3A_166 = arith.constant 4 : i32
      %add3A_167 = arith.addi %add3A_165, %add3A_166 : i32
      %lt3A_168 = arith.cmpi slt, %add3A_167, %add3A_3 : i32
      %convert_element_type3A_169 = arith.extui %lt3A_168 : i1 to i32
      %cond3A_170 = arith.constant 0 : i32
      %cond3A_171 = arith.cmpi ne, %convert_element_type3A_169, %cond3A_170 : i32
      scf.if %cond3A_171 {
        %dma_wait3A = arith.constant 3 : i32
        %dma_wait3A_172 = arith.constant 1 : i32
        %dma_wait3A_173 = arith.constant 0 : i32
        %dma_wait3A_174 = arith.constant 0 : i32
        %dma_wait3A_175 = tpu.memref_slice %arg6[%dma_wait3A, %dma_wait3A_173, %dma_wait3A_174] : memref<4x128x16xf32, #tpu.memory_space<vmem>> -> memref<1x128x16xf32, #tpu.memory_space<vmem>>
        %dma_wait3A_176 = tpu.memref_squeeze %dma_wait3A_175 : memref<1x128x16xf32, #tpu.memory_space<vmem>> -> memref<128x16xf32, #tpu.memory_space<vmem>>
        %dma_wait3A_177 = arith.constant 0 : i32
        %dma_wait3A_178 = tpu.memref_slice %arg5[%add3A_165, %dma_wait3A_172, %dma_wait3A_177] : memref<79x2x128xi32, #tpu.memory_space<vmem>> -> memref<1x1x128xi32, #tpu.memory_space<vmem>>
        %dma_wait3A_179 = tpu.memref_squeeze %dma_wait3A_178 : memref<1x1x128xi32, #tpu.memory_space<vmem>> -> memref<128xi32, #tpu.memory_space<vmem>>
        %dma_wait3A_180 = arith.constant 0 : i32
        %dma_wait3A_181 = arith.constant 0 : i32
        %dma_wait3A_182 = tpu.memref_slice %arg7[%dma_wait3A_180, %dma_wait3A_181] : memref<10240x16xf32, #tpu.memory_space<vmem_shared>> -> memref<10240x16xf32, #tpu.memory_space<vmem_shared>>
        tpu.wait_indirect_dma semaphore(%arg15 : memref<!tpu.dma_semaphore, #tpu.memory_space<semaphore_mem>>) src(%dma_wait3A_176 : memref<128x16xf32, #tpu.memory_space<vmem>>) dst(%dma_wait3A_182 : memref<10240x16xf32, #tpu.memory_space<vmem_shared>>)
        %add3A_183 = arith.constant 4 : i32
        %add3A_184 = arith.addi %add3A_165, %add3A_183 : i32
        %dma_start3A_185 = arith.constant 0 : i32
        %dma_start3A_186 = arith.constant 3 : i32
        %dma_start3A_187 = arith.constant 0 : i32
        %dma_start3A_188 = arith.constant 0 : i32
        %dma_start3A_189 = tpu.memref_slice %arg6[%dma_start3A_186, %dma_start3A_187, %dma_start3A_188] : memref<4x128x16xf32, #tpu.memory_space<vmem>> -> memref<1x128x16xf32, #tpu.memory_space<vmem>>
        %dma_start3A_190 = tpu.memref_squeeze %dma_start3A_189 : memref<1x128x16xf32, #tpu.memory_space<vmem>> -> memref<128x16xf32, #tpu.memory_space<vmem>>
        %dma_start3A_191 = arith.constant 0 : i32
        %dma_start3A_192 = tpu.memref_slice %arg5[%add3A_184, %dma_start3A_185, %dma_start3A_191] : memref<79x2x128xi32, #tpu.memory_space<vmem>> -> memref<1x1x128xi32, #tpu.memory_space<vmem>>
        %dma_start3A_193 = tpu.memref_squeeze %dma_start3A_192 : memref<1x1x128xi32, #tpu.memory_space<vmem>> -> memref<128xi32, #tpu.memory_space<vmem>>
        %dma_start3A_194 = arith.constant 0 : i32
        %dma_start3A_195 = arith.constant 0 : i32
        %dma_start3A_196 = tpu.memref_slice %arg17[%dma_start3A_194, %dma_start3A_195] : memref<10000x16xf32, #tpu.memory_space<vmem_shared>> -> memref<10000x16xf32, #tpu.memory_space<vmem_shared>>
        tpu.enqueue_indirect_dma source(%dma_start3A_196 : memref<10000x16xf32, #tpu.memory_space<vmem_shared>>) target(%dma_start3A_190 : memref<128x16xf32, #tpu.memory_space<vmem>>) offsets(%dma_start3A_193 : memref<128xi32, #tpu.memory_space<vmem>>) semaphore(%arg11 : memref<!tpu.dma_semaphore, #tpu.memory_space<semaphore_mem>>)
      } else {
      }
    }
    %scan3A_100 = arith.constant 20 : i32
    %convert_element_type3A_101 = arith.extui %lt3A_1 : i1 to i32
    %cond3A_102 = arith.constant 0 : i32
    %cond3A_103 = arith.cmpi ne, %convert_element_type3A_101, %cond3A_102 : i32
    scf.if %cond3A_103 {
      %dma_wait3A = arith.constant 3 : i32
      %dma_wait3A_113 = arith.constant 75 : i32
      %dma_wait3A_114 = arith.constant 1 : i32
      %dma_wait3A_115 = arith.constant 0 : i32
      %dma_wait3A_116 = arith.constant 0 : i32
      %dma_wait3A_117 = tpu.memref_slice %arg6[%dma_wait3A, %dma_wait3A_115, %dma_wait3A_116] : memref<4x128x16xf32, #tpu.memory_space<vmem>> -> memref<1x128x16xf32, #tpu.memory_space<vmem>>
      %dma_wait3A_118 = tpu.memref_squeeze %dma_wait3A_117 : memref<1x128x16xf32, #tpu.memory_space<vmem>> -> memref<128x16xf32, #tpu.memory_space<vmem>>
      %dma_wait3A_119 = arith.constant 0 : i32
      %dma_wait3A_120 = tpu.memref_slice %arg5[%dma_wait3A_113, %dma_wait3A_114, %dma_wait3A_119] : memref<79x2x128xi32, #tpu.memory_space<vmem>> -> memref<1x1x128xi32, #tpu.memory_space<vmem>>
      %dma_wait3A_121 = tpu.memref_squeeze %dma_wait3A_120 : memref<1x1x128xi32, #tpu.memory_space<vmem>> -> memref<128xi32, #tpu.memory_space<vmem>>
      %dma_wait3A_122 = arith.constant 0 : i32
      %dma_wait3A_123 = arith.constant 0 : i32
      %dma_wait3A_124 = tpu.memref_slice %arg7[%dma_wait3A_122, %dma_wait3A_123] : memref<10240x16xf32, #tpu.memory_space<vmem_shared>> -> memref<10240x16xf32, #tpu.memory_space<vmem_shared>>
      tpu.wait_indirect_dma semaphore(%arg15 : memref<!tpu.dma_semaphore, #tpu.memory_space<semaphore_mem>>) src(%dma_wait3A_118 : memref<128x16xf32, #tpu.memory_space<vmem>>) dst(%dma_wait3A_124 : memref<10240x16xf32, #tpu.memory_space<vmem_shared>>)
      %dma_wait3A_125 = arith.constant 0 : i32
      %dma_wait3A_126 = arith.constant 76 : i32
      %dma_wait3A_127 = arith.constant 1 : i32
      %dma_wait3A_128 = arith.constant 0 : i32
      %dma_wait3A_129 = arith.constant 0 : i32
      %dma_wait3A_130 = tpu.memref_slice %arg6[%dma_wait3A_125, %dma_wait3A_128, %dma_wait3A_129] : memref<4x128x16xf32, #tpu.memory_space<vmem>> -> memref<1x128x16xf32, #tpu.memory_space<vmem>>
      %dma_wait3A_131 = tpu.memref_squeeze %dma_wait3A_130 : memref<1x128x16xf32, #tpu.memory_space<vmem>> -> memref<128x16xf32, #tpu.memory_space<vmem>>
      %dma_wait3A_132 = arith.constant 0 : i32
      %dma_wait3A_133 = tpu.memref_slice %arg5[%dma_wait3A_126, %dma_wait3A_127, %dma_wait3A_132] : memref<79x2x128xi32, #tpu.memory_space<vmem>> -> memref<1x1x128xi32, #tpu.memory_space<vmem>>
      %dma_wait3A_134 = tpu.memref_squeeze %dma_wait3A_133 : memref<1x1x128xi32, #tpu.memory_space<vmem>> -> memref<128xi32, #tpu.memory_space<vmem>>
      %dma_wait3A_135 = arith.constant 0 : i32
      %dma_wait3A_136 = arith.constant 0 : i32
      %dma_wait3A_137 = tpu.memref_slice %arg7[%dma_wait3A_135, %dma_wait3A_136] : memref<10240x16xf32, #tpu.memory_space<vmem_shared>> -> memref<10240x16xf32, #tpu.memory_space<vmem_shared>>
      tpu.wait_indirect_dma semaphore(%arg12 : memref<!tpu.dma_semaphore, #tpu.memory_space<semaphore_mem>>) src(%dma_wait3A_131 : memref<128x16xf32, #tpu.memory_space<vmem>>) dst(%dma_wait3A_137 : memref<10240x16xf32, #tpu.memory_space<vmem_shared>>)
      %dma_wait3A_138 = arith.constant 1 : i32
      %dma_wait3A_139 = arith.constant 77 : i32
      %dma_wait3A_140 = arith.constant 1 : i32
      %dma_wait3A_141 = arith.constant 0 : i32
      %dma_wait3A_142 = arith.constant 0 : i32
      %dma_wait3A_143 = tpu.memref_slice %arg6[%dma_wait3A_138, %dma_wait3A_141, %dma_wait3A_142] : memref<4x128x16xf32, #tpu.memory_space<vmem>> -> memref<1x128x16xf32, #tpu.memory_space<vmem>>
      %dma_wait3A_144 = tpu.memref_squeeze %dma_wait3A_143 : memref<1x128x16xf32, #tpu.memory_space<vmem>> -> memref<128x16xf32, #tpu.memory_space<vmem>>
      %dma_wait3A_145 = arith.constant 0 : i32
      %dma_wait3A_146 = tpu.memref_slice %arg5[%dma_wait3A_139, %dma_wait3A_140, %dma_wait3A_145] : memref<79x2x128xi32, #tpu.memory_space<vmem>> -> memref<1x1x128xi32, #tpu.memory_space<vmem>>
      %dma_wait3A_147 = tpu.memref_squeeze %dma_wait3A_146 : memref<1x1x128xi32, #tpu.memory_space<vmem>> -> memref<128xi32, #tpu.memory_space<vmem>>
      %dma_wait3A_148 = arith.constant 0 : i32
      %dma_wait3A_149 = arith.constant 0 : i32
      %dma_wait3A_150 = tpu.memref_slice %arg7[%dma_wait3A_148, %dma_wait3A_149] : memref<10240x16xf32, #tpu.memory_space<vmem_shared>> -> memref<10240x16xf32, #tpu.memory_space<vmem_shared>>
      tpu.wait_indirect_dma semaphore(%arg13 : memref<!tpu.dma_semaphore, #tpu.memory_space<semaphore_mem>>) src(%dma_wait3A_144 : memref<128x16xf32, #tpu.memory_space<vmem>>) dst(%dma_wait3A_150 : memref<10240x16xf32, #tpu.memory_space<vmem_shared>>)
      %dma_wait3A_151 = arith.constant 2 : i32
      %dma_wait3A_152 = arith.constant 78 : i32
      %dma_wait3A_153 = arith.constant 1 : i32
      %dma_wait3A_154 = arith.constant 0 : i32
      %dma_wait3A_155 = arith.constant 0 : i32
      %dma_wait3A_156 = tpu.memref_slice %arg6[%dma_wait3A_151, %dma_wait3A_154, %dma_wait3A_155] : memref<4x128x16xf32, #tpu.memory_space<vmem>> -> memref<1x128x16xf32, #tpu.memory_space<vmem>>
      %dma_wait3A_157 = tpu.memref_squeeze %dma_wait3A_156 : memref<1x128x16xf32, #tpu.memory_space<vmem>> -> memref<128x16xf32, #tpu.memory_space<vmem>>
      %dma_wait3A_158 = arith.constant 0 : i32
      %dma_wait3A_159 = tpu.memref_slice %arg5[%dma_wait3A_152, %dma_wait3A_153, %dma_wait3A_158] : memref<79x2x128xi32, #tpu.memory_space<vmem>> -> memref<1x1x128xi32, #tpu.memory_space<vmem>>
      %dma_wait3A_160 = tpu.memref_squeeze %dma_wait3A_159 : memref<1x1x128xi32, #tpu.memory_space<vmem>> -> memref<128xi32, #tpu.memory_space<vmem>>
      %dma_wait3A_161 = arith.constant 0 : i32
      %dma_wait3A_162 = arith.constant 0 : i32
      %dma_wait3A_163 = tpu.memref_slice %arg7[%dma_wait3A_161, %dma_wait3A_162] : memref<10240x16xf32, #tpu.memory_space<vmem_shared>> -> memref<10240x16xf32, #tpu.memory_space<vmem_shared>>
      tpu.wait_indirect_dma semaphore(%arg14 : memref<!tpu.dma_semaphore, #tpu.memory_space<semaphore_mem>>) src(%dma_wait3A_157 : memref<128x16xf32, #tpu.memory_space<vmem>>) dst(%dma_wait3A_163 : memref<10240x16xf32, #tpu.memory_space<vmem_shared>>)
    } else {
    }
    %not3A = arith.constant true
    %not3A_104 = arith.xori %lt3A_1, %not3A : i1
    %convert_element_type3A_105 = arith.extui %not3A_104 : i1 to i32
    %cond3A_106 = arith.constant 0 : i32
    %cond3A_107 = arith.cmpi ne, %convert_element_type3A_105, %cond3A_106 : i32
    scf.if %cond3A_107 {
      %dma_wait3A = arith.constant 2 : i32
      %dma_wait3A_113 = arith.constant 74 : i32
      %dma_wait3A_114 = arith.constant 1 : i32
      %dma_wait3A_115 = arith.constant 0 : i32
      %dma_wait3A_116 = arith.constant 0 : i32
      %dma_wait3A_117 = tpu.memref_slice %arg6[%dma_wait3A, %dma_wait3A_115, %dma_wait3A_116] : memref<4x128x16xf32, #tpu.memory_space<vmem>> -> memref<1x128x16xf32, #tpu.memory_space<vmem>>
      %dma_wait3A_118 = tpu.memref_squeeze %dma_wait3A_117 : memref<1x128x16xf32, #tpu.memory_space<vmem>> -> memref<128x16xf32, #tpu.memory_space<vmem>>
      %dma_wait3A_119 = arith.constant 0 : i32
      %dma_wait3A_120 = tpu.memref_slice %arg5[%dma_wait3A_113, %dma_wait3A_114, %dma_wait3A_119] : memref<79x2x128xi32, #tpu.memory_space<vmem>> -> memref<1x1x128xi32, #tpu.memory_space<vmem>>
      %dma_wait3A_121 = tpu.memref_squeeze %dma_wait3A_120 : memref<1x1x128xi32, #tpu.memory_space<vmem>> -> memref<128xi32, #tpu.memory_space<vmem>>
      %dma_wait3A_122 = arith.constant 0 : i32
      %dma_wait3A_123 = arith.constant 0 : i32
      %dma_wait3A_124 = tpu.memref_slice %arg7[%dma_wait3A_122, %dma_wait3A_123] : memref<10240x16xf32, #tpu.memory_space<vmem_shared>> -> memref<10240x16xf32, #tpu.memory_space<vmem_shared>>
      tpu.wait_indirect_dma semaphore(%arg14 : memref<!tpu.dma_semaphore, #tpu.memory_space<semaphore_mem>>) src(%dma_wait3A_118 : memref<128x16xf32, #tpu.memory_space<vmem>>) dst(%dma_wait3A_124 : memref<10240x16xf32, #tpu.memory_space<vmem_shared>>)
      %dma_wait3A_125 = arith.constant 3 : i32
      %dma_wait3A_126 = arith.constant 75 : i32
      %dma_wait3A_127 = arith.constant 1 : i32
      %dma_wait3A_128 = arith.constant 0 : i32
      %dma_wait3A_129 = arith.constant 0 : i32
      %dma_wait3A_130 = tpu.memref_slice %arg6[%dma_wait3A_125, %dma_wait3A_128, %dma_wait3A_129] : memref<4x128x16xf32, #tpu.memory_space<vmem>> -> memref<1x128x16xf32, #tpu.memory_space<vmem>>
      %dma_wait3A_131 = tpu.memref_squeeze %dma_wait3A_130 : memref<1x128x16xf32, #tpu.memory_space<vmem>> -> memref<128x16xf32, #tpu.memory_space<vmem>>
      %dma_wait3A_132 = arith.constant 0 : i32
      %dma_wait3A_133 = tpu.memref_slice %arg5[%dma_wait3A_126, %dma_wait3A_127, %dma_wait3A_132] : memref<79x2x128xi32, #tpu.memory_space<vmem>> -> memref<1x1x128xi32, #tpu.memory_space<vmem>>
      %dma_wait3A_134 = tpu.memref_squeeze %dma_wait3A_133 : memref<1x1x128xi32, #tpu.memory_space<vmem>> -> memref<128xi32, #tpu.memory_space<vmem>>
      %dma_wait3A_135 = arith.constant 0 : i32
      %dma_wait3A_136 = arith.constant 0 : i32
      %dma_wait3A_137 = tpu.memref_slice %arg7[%dma_wait3A_135, %dma_wait3A_136] : memref<10240x16xf32, #tpu.memory_space<vmem_shared>> -> memref<10240x16xf32, #tpu.memory_space<vmem_shared>>
      tpu.wait_indirect_dma semaphore(%arg15 : memref<!tpu.dma_semaphore, #tpu.memory_space<semaphore_mem>>) src(%dma_wait3A_131 : memref<128x16xf32, #tpu.memory_space<vmem>>) dst(%dma_wait3A_137 : memref<10240x16xf32, #tpu.memory_space<vmem_shared>>)
      %dma_wait3A_138 = arith.constant 0 : i32
      %dma_wait3A_139 = arith.constant 76 : i32
      %dma_wait3A_140 = arith.constant 1 : i32
      %dma_wait3A_141 = arith.constant 0 : i32
      %dma_wait3A_142 = arith.constant 0 : i32
      %dma_wait3A_143 = tpu.memref_slice %arg6[%dma_wait3A_138, %dma_wait3A_141, %dma_wait3A_142] : memref<4x128x16xf32, #tpu.memory_space<vmem>> -> memref<1x128x16xf32, #tpu.memory_space<vmem>>
      %dma_wait3A_144 = tpu.memref_squeeze %dma_wait3A_143 : memref<1x128x16xf32, #tpu.memory_space<vmem>> -> memref<128x16xf32, #tpu.memory_space<vmem>>
      %dma_wait3A_145 = arith.constant 0 : i32
      %dma_wait3A_146 = tpu.memref_slice %arg5[%dma_wait3A_139, %dma_wait3A_140, %dma_wait3A_145] : memref<79x2x128xi32, #tpu.memory_space<vmem>> -> memref<1x1x128xi32, #tpu.memory_space<vmem>>
      %dma_wait3A_147 = tpu.memref_squeeze %dma_wait3A_146 : memref<1x1x128xi32, #tpu.memory_space<vmem>> -> memref<128xi32, #tpu.memory_space<vmem>>
      %dma_wait3A_148 = arith.constant 0 : i32
      %dma_wait3A_149 = arith.constant 0 : i32
      %dma_wait3A_150 = tpu.memref_slice %arg7[%dma_wait3A_148, %dma_wait3A_149] : memref<10240x16xf32, #tpu.memory_space<vmem_shared>> -> memref<10240x16xf32, #tpu.memory_space<vmem_shared>>
      tpu.wait_indirect_dma semaphore(%arg12 : memref<!tpu.dma_semaphore, #tpu.memory_space<semaphore_mem>>) src(%dma_wait3A_144 : memref<128x16xf32, #tpu.memory_space<vmem>>) dst(%dma_wait3A_150 : memref<10240x16xf32, #tpu.memory_space<vmem_shared>>)
      %dma_wait3A_151 = arith.constant 1 : i32
      %dma_wait3A_152 = arith.constant 77 : i32
      %dma_wait3A_153 = arith.constant 1 : i32
      %dma_wait3A_154 = arith.constant 0 : i32
      %dma_wait3A_155 = arith.constant 0 : i32
      %dma_wait3A_156 = tpu.memref_slice %arg6[%dma_wait3A_151, %dma_wait3A_154, %dma_wait3A_155] : memref<4x128x16xf32, #tpu.memory_space<vmem>> -> memref<1x128x16xf32, #tpu.memory_space<vmem>>
      %dma_wait3A_157 = tpu.memref_squeeze %dma_wait3A_156 : memref<1x128x16xf32, #tpu.memory_space<vmem>> -> memref<128x16xf32, #tpu.memory_space<vmem>>
      %dma_wait3A_158 = arith.constant 0 : i32
      %dma_wait3A_159 = tpu.memref_slice %arg5[%dma_wait3A_152, %dma_wait3A_153, %dma_wait3A_158] : memref<79x2x128xi32, #tpu.memory_space<vmem>> -> memref<1x1x128xi32, #tpu.memory_space<vmem>>
      %dma_wait3A_160 = tpu.memref_squeeze %dma_wait3A_159 : memref<1x1x128xi32, #tpu.memory_space<vmem>> -> memref<128xi32, #tpu.memory_space<vmem>>
      %dma_wait3A_161 = arith.constant 0 : i32
      %dma_wait3A_162 = arith.constant 0 : i32
      %dma_wait3A_163 = tpu.memref_slice %arg7[%dma_wait3A_161, %dma_wait3A_162] : memref<10240x16xf32, #tpu.memory_space<vmem_shared>> -> memref<10240x16xf32, #tpu.memory_space<vmem_shared>>
      tpu.wait_indirect_dma semaphore(%arg13 : memref<!tpu.dma_semaphore, #tpu.memory_space<semaphore_mem>>) src(%dma_wait3A_157 : memref<128x16xf32, #tpu.memory_space<vmem>>) dst(%dma_wait3A_163 : memref<10240x16xf32, #tpu.memory_space<vmem_shared>>)
    } else {
    }
    %barrier3A_108 = arith.constant 0 : index
    tpu.barrier barrier_id(%barrier3A_108)
    %mul3A_109 = arith.constant 640 : i32
    %mul3A_110 = arith.muli %arg1, %mul3A_109 : i32
    %mul3A_111 = arith.constant 640 : i32
    %mul3A_112 = arith.muli %arg1, %mul3A_111 : i32
    "tpu.region"() ({
      %run_scoped3A_113 = tpu.sem_alloc : memref<!tpu.dma_semaphore, #tpu.memory_space<semaphore_mem>>
      %dma_start3A_114 = arith.constant 0 : i32
      %dma_start3A_115 = arith.constant 0 : i32
      %dma_start3A_116 = tpu.memref_slice %arg4[%arg0, %dma_start3A_114, %dma_start3A_115] : memref<2x10240x16xf32, #tpu.memory_space<hbm>> -> memref<1x10240x16xf32, #tpu.memory_space<hbm>>
      %dma_start3A_117 = tpu.memref_squeeze %dma_start3A_116 : memref<1x10240x16xf32, #tpu.memory_space<hbm>> -> memref<10240x16xf32, #tpu.memory_space<hbm>>
      %dma_start3A_118 = arith.constant 0 : i32
      %dma_start3A_119 = tpu.memref_slice %dma_start3A_117[%mul3A_112, %dma_start3A_118] : memref<10240x16xf32, #tpu.memory_space<hbm>> -> memref<640x16xf32, #tpu.memory_space<hbm>>
      %dma_start3A_120 = arith.constant 0 : i32
      %dma_start3A_121 = tpu.memref_slice %arg7[%mul3A_110, %dma_start3A_120] : memref<10240x16xf32, #tpu.memory_space<vmem_shared>> -> memref<640x16xf32, #tpu.memory_space<vmem_shared>>
      tpu.enqueue_dma source(%dma_start3A_121 : memref<640x16xf32, #tpu.memory_space<vmem_shared>>) target(%dma_start3A_119 : memref<640x16xf32, #tpu.memory_space<hbm>>) target_semaphore(%run_scoped3A_113 : memref<!tpu.dma_semaphore, #tpu.memory_space<semaphore_mem>>)
      %dma_wait3A = arith.constant 0 : i32
      %dma_wait3A_122 = arith.constant 0 : i32
      %dma_wait3A_123 = tpu.memref_slice %arg4[%arg0, %dma_wait3A, %dma_wait3A_122] : memref<2x10240x16xf32, #tpu.memory_space<hbm>> -> memref<1x10240x16xf32, #tpu.memory_space<hbm>>
      %dma_wait3A_124 = tpu.memref_squeeze %dma_wait3A_123 : memref<1x10240x16xf32, #tpu.memory_space<hbm>> -> memref<10240x16xf32, #tpu.memory_space<hbm>>
      %dma_wait3A_125 = arith.constant 0 : i32
      %dma_wait3A_126 = tpu.memref_slice %dma_wait3A_124[%mul3A_112, %dma_wait3A_125] : memref<10240x16xf32, #tpu.memory_space<hbm>> -> memref<640x16xf32, #tpu.memory_space<hbm>>
      %dma_wait3A_127 = arith.constant 0 : i32
      %dma_wait3A_128 = tpu.memref_slice %arg7[%mul3A_110, %dma_wait3A_127] : memref<10240x16xf32, #tpu.memory_space<vmem_shared>> -> memref<640x16xf32, #tpu.memory_space<vmem_shared>>
      tpu.wait_dma2 semaphore(%run_scoped3A_113 : memref<!tpu.dma_semaphore, #tpu.memory_space<semaphore_mem>>) src(%dma_wait3A_128 : memref<640x16xf32, #tpu.memory_space<vmem_shared>>) dst(%dma_wait3A_126 : memref<640x16xf32, #tpu.memory_space<hbm>>)
      tpu.yield
    }) : () -> ()
    return
  }
}

#map = affine_map<(d0, d1) -> (0, 0, 0)>
#map1 = affine_map<(d0, d1) -> (0, 0)>
module attributes {stable_mosaic.version = 14 : i64} {
  func.func @k(%arg0: i32, %arg1: i32, %arg2: memref<2500x2x128xi32, #tpu.memory_space<hbm>>, %arg3: memref<2x10240xf32, #tpu.memory_space<hbm>>, %arg4: memref<79x2x128xi32, #tpu.memory_space<vmem>>, %arg5: memref<128xf32, #tpu.memory_space<vmem>>, %arg6: memref<10240xf32, #tpu.memory_space<vmem_shared>>, %arg7: memref<!tpu.dma_semaphore, #tpu.memory_space<semaphore_mem>>) attributes {dimension_semantics = [#tpu.dimension_semantics<core_parallel>, #tpu.dimension_semantics<subcore_parallel>], iteration_bounds = array<i64: 2, 16>, scalar_prefetch = 0 : i64, scratch_operands = 4 : i64, tpu.core_type = #tpu.core_type<sc_vector_subcore>, window_params = [{transform_indices = #map}, {transform_indices = #map1}]} {
    %mul3A = arith.constant 2 : i32
    %mul3A_0 = arith.muli %arg1, %mul3A : i32
    %add3A = arith.addi %mul3A_0, %arg0 : i32
    %lt3A = arith.constant 4 : i32
    %lt3A_1 = arith.cmpi slt, %add3A, %lt3A : i32
    %mul3A_2 = arith.constant 78 : i32
    %mul3A_3 = arith.muli %mul3A_2, %add3A : i32
    %min3A = arith.constant 4 : i32
    %min3A_4 = arith.minsi %add3A, %min3A : i32
    %add3A_5 = arith.addi %mul3A_3, %min3A_4 : i32
    "tpu.region"() ({
      %run_scoped3A = tpu.sem_alloc : memref<!tpu.dma_semaphore, #tpu.memory_space<semaphore_mem>>
      %dma_start3A = arith.constant 0 : i32
      %dma_start3A_134 = arith.constant 0 : i32
      %dma_start3A_135 = arith.constant 0 : i32
      %dma_start3A_136 = tpu.memref_slice %arg4[%dma_start3A, %dma_start3A_134, %dma_start3A_135] : memref<79x2x128xi32, #tpu.memory_space<vmem>> -> memref<78x2x128xi32, #tpu.memory_space<vmem>>
      %dma_start3A_137 = arith.constant 0 : i32
      %dma_start3A_138 = arith.constant 0 : i32
      %dma_start3A_139 = tpu.memref_slice %arg2[%add3A_5, %dma_start3A_137, %dma_start3A_138] : memref<2500x2x128xi32, #tpu.memory_space<hbm>> -> memref<78x2x128xi32, #tpu.memory_space<hbm>>
      %dma_start3A_140 = arith.constant 0 : i32
      %dma_start3A_141 = arith.constant 0 : i32
      %dma_start3A_142 = arith.constant 0 : i32
      %dma_start3A_143 = tpu.memref_slice %arg4[%dma_start3A_140, %dma_start3A_141, %dma_start3A_142] : memref<79x2x128xi32, #tpu.memory_space<vmem>> -> memref<78x2x128xi32, #tpu.memory_space<vmem>>
      %dma_start3A_144 = arith.constant 0 : i32
      %dma_start3A_145 = arith.constant 0 : i32
      %dma_start3A_146 = tpu.memref_slice %arg2[%add3A_5, %dma_start3A_144, %dma_start3A_145] : memref<2500x2x128xi32, #tpu.memory_space<hbm>> -> memref<78x2x128xi32, #tpu.memory_space<hbm>>
      tpu.enqueue_dma source(%dma_start3A_146 : memref<78x2x128xi32, #tpu.memory_space<hbm>>) target(%dma_start3A_143 : memref<78x2x128xi32, #tpu.memory_space<vmem>>) target_semaphore(%run_scoped3A : memref<!tpu.dma_semaphore, #tpu.memory_space<semaphore_mem>>)
      %dma_wait3A = arith.constant 0 : i32
      %dma_wait3A_147 = arith.constant 0 : i32
      %dma_wait3A_148 = arith.constant 0 : i32
      %dma_wait3A_149 = tpu.memref_slice %arg4[%dma_wait3A, %dma_wait3A_147, %dma_wait3A_148] : memref<79x2x128xi32, #tpu.memory_space<vmem>> -> memref<78x2x128xi32, #tpu.memory_space<vmem>>
      %dma_wait3A_150 = arith.constant 0 : i32
      %dma_wait3A_151 = arith.constant 0 : i32
      %dma_wait3A_152 = tpu.memref_slice %arg2[%add3A_5, %dma_wait3A_150, %dma_wait3A_151] : memref<2500x2x128xi32, #tpu.memory_space<hbm>> -> memref<78x2x128xi32, #tpu.memory_space<hbm>>
      %dma_wait3A_153 = arith.constant 0 : i32
      %dma_wait3A_154 = arith.constant 0 : i32
      %dma_wait3A_155 = arith.constant 0 : i32
      %dma_wait3A_156 = tpu.memref_slice %arg4[%dma_wait3A_153, %dma_wait3A_154, %dma_wait3A_155] : memref<79x2x128xi32, #tpu.memory_space<vmem>> -> memref<78x2x128xi32, #tpu.memory_space<vmem>>
      %dma_wait3A_157 = arith.constant 0 : i32
      %dma_wait3A_158 = arith.constant 0 : i32
      %dma_wait3A_159 = tpu.memref_slice %arg2[%add3A_5, %dma_wait3A_157, %dma_wait3A_158] : memref<2500x2x128xi32, #tpu.memory_space<hbm>> -> memref<78x2x128xi32, #tpu.memory_space<hbm>>
      tpu.wait_dma2 semaphore(%run_scoped3A : memref<!tpu.dma_semaphore, #tpu.memory_space<semaphore_mem>>) src(%dma_wait3A_159 : memref<78x2x128xi32, #tpu.memory_space<hbm>>) dst(%dma_wait3A_156 : memref<78x2x128xi32, #tpu.memory_space<vmem>>)
      tpu.yield
    }) : () -> ()
    %convert_element_type3A = arith.extui %lt3A_1 : i1 to i32
    %cond3A = arith.constant 0 : i32
    %cond3A_6 = arith.cmpi ne, %convert_element_type3A, %cond3A : i32
    scf.if %cond3A_6 {
      %add3A_134 = arith.constant 78 : i32
      %add3A_135 = arith.addi %add3A_5, %add3A_134 : i32
      "tpu.region"() ({
        %run_scoped3A = tpu.sem_alloc : memref<!tpu.dma_semaphore, #tpu.memory_space<semaphore_mem>>
        %dma_start3A = arith.constant 78 : i32
        %dma_start3A_136 = arith.constant 0 : i32
        %dma_start3A_137 = arith.constant 0 : i32
        %dma_start3A_138 = tpu.memref_slice %arg4[%dma_start3A, %dma_start3A_136, %dma_start3A_137] : memref<79x2x128xi32, #tpu.memory_space<vmem>> -> memref<1x2x128xi32, #tpu.memory_space<vmem>>
        %dma_start3A_139 = arith.constant 0 : i32
        %dma_start3A_140 = arith.constant 0 : i32
        %dma_start3A_141 = tpu.memref_slice %arg2[%add3A_135, %dma_start3A_139, %dma_start3A_140] : memref<2500x2x128xi32, #tpu.memory_space<hbm>> -> memref<1x2x128xi32, #tpu.memory_space<hbm>>
        %dma_start3A_142 = arith.constant 78 : i32
        %dma_start3A_143 = arith.constant 0 : i32
        %dma_start3A_144 = arith.constant 0 : i32
        %dma_start3A_145 = tpu.memref_slice %arg4[%dma_start3A_142, %dma_start3A_143, %dma_start3A_144] : memref<79x2x128xi32, #tpu.memory_space<vmem>> -> memref<1x2x128xi32, #tpu.memory_space<vmem>>
        %dma_start3A_146 = arith.constant 0 : i32
        %dma_start3A_147 = arith.constant 0 : i32
        %dma_start3A_148 = tpu.memref_slice %arg2[%add3A_135, %dma_start3A_146, %dma_start3A_147] : memref<2500x2x128xi32, #tpu.memory_space<hbm>> -> memref<1x2x128xi32, #tpu.memory_space<hbm>>
        tpu.enqueue_dma source(%dma_start3A_148 : memref<1x2x128xi32, #tpu.memory_space<hbm>>) target(%dma_start3A_145 : memref<1x2x128xi32, #tpu.memory_space<vmem>>) target_semaphore(%run_scoped3A : memref<!tpu.dma_semaphore, #tpu.memory_space<semaphore_mem>>)
        %dma_wait3A = arith.constant 78 : i32
        %dma_wait3A_149 = arith.constant 0 : i32
        %dma_wait3A_150 = arith.constant 0 : i32
        %dma_wait3A_151 = tpu.memref_slice %arg4[%dma_wait3A, %dma_wait3A_149, %dma_wait3A_150] : memref<79x2x128xi32, #tpu.memory_space<vmem>> -> memref<1x2x128xi32, #tpu.memory_space<vmem>>
        %dma_wait3A_152 = arith.constant 0 : i32
        %dma_wait3A_153 = arith.constant 0 : i32
        %dma_wait3A_154 = tpu.memref_slice %arg2[%add3A_135, %dma_wait3A_152, %dma_wait3A_153] : memref<2500x2x128xi32, #tpu.memory_space<hbm>> -> memref<1x2x128xi32, #tpu.memory_space<hbm>>
        %dma_wait3A_155 = arith.constant 78 : i32
        %dma_wait3A_156 = arith.constant 0 : i32
        %dma_wait3A_157 = arith.constant 0 : i32
        %dma_wait3A_158 = tpu.memref_slice %arg4[%dma_wait3A_155, %dma_wait3A_156, %dma_wait3A_157] : memref<79x2x128xi32, #tpu.memory_space<vmem>> -> memref<1x2x128xi32, #tpu.memory_space<vmem>>
        %dma_wait3A_159 = arith.constant 0 : i32
        %dma_wait3A_160 = arith.constant 0 : i32
        %dma_wait3A_161 = tpu.memref_slice %arg2[%add3A_135, %dma_wait3A_159, %dma_wait3A_160] : memref<2500x2x128xi32, #tpu.memory_space<hbm>> -> memref<1x2x128xi32, #tpu.memory_space<hbm>>
        tpu.wait_dma2 semaphore(%run_scoped3A : memref<!tpu.dma_semaphore, #tpu.memory_space<semaphore_mem>>) src(%dma_wait3A_161 : memref<1x2x128xi32, #tpu.memory_space<hbm>>) dst(%dma_wait3A_158 : memref<1x2x128xi32, #tpu.memory_space<vmem>>)
        tpu.yield
      }) : () -> ()
    } else {
    }
    %broadcast_in_dim3A = arith.constant 0.000000e+00 : f32
    %broadcast_in_dim3A_7 = vector.broadcast %broadcast_in_dim3A : f32 to vector<16xf32>
    %swap3A = arith.constant 0 : index
    %swap3A_8 = tpu.vector_load %arg5[%swap3A] {strides = array<i32>} : memref<128xf32, #tpu.memory_space<vmem>>, vector<16xf32>,
    %swap3A_9 = vector.shape_cast %swap3A_8 : vector<16xf32> to vector<16xf32>
    %swap3A_10 = vector.shape_cast %broadcast_in_dim3A_7 : vector<16xf32> to vector<16xf32>
    tpu.vector_store %arg5[%swap3A], %swap3A_10 {strides = array<i32>} : memref<128xf32, #tpu.memory_space<vmem>>, vector<16xf32>,
    %broadcast_in_dim3A_11 = arith.constant 0.000000e+00 : f32
    %broadcast_in_dim3A_12 = vector.broadcast %broadcast_in_dim3A_11 : f32 to vector<16xf32>
    %swap3A_13 = arith.constant 16 : index
    %swap3A_14 = tpu.vector_load %arg5[%swap3A_13] {strides = array<i32>} : memref<128xf32, #tpu.memory_space<vmem>>, vector<16xf32>,
    %swap3A_15 = vector.shape_cast %swap3A_14 : vector<16xf32> to vector<16xf32>
    %swap3A_16 = vector.shape_cast %broadcast_in_dim3A_12 : vector<16xf32> to vector<16xf32>
    tpu.vector_store %arg5[%swap3A_13], %swap3A_16 {strides = array<i32>} : memref<128xf32, #tpu.memory_space<vmem>>, vector<16xf32>,
    %broadcast_in_dim3A_17 = arith.constant 0.000000e+00 : f32
    %broadcast_in_dim3A_18 = vector.broadcast %broadcast_in_dim3A_17 : f32 to vector<16xf32>
    %swap3A_19 = arith.constant 32 : index
    %swap3A_20 = tpu.vector_load %arg5[%swap3A_19] {strides = array<i32>} : memref<128xf32, #tpu.memory_space<vmem>>, vector<16xf32>,
    %swap3A_21 = vector.shape_cast %swap3A_20 : vector<16xf32> to vector<16xf32>
    %swap3A_22 = vector.shape_cast %broadcast_in_dim3A_18 : vector<16xf32> to vector<16xf32>
    tpu.vector_store %arg5[%swap3A_19], %swap3A_22 {strides = array<i32>} : memref<128xf32, #tpu.memory_space<vmem>>, vector<16xf32>,
    %broadcast_in_dim3A_23 = arith.constant 0.000000e+00 : f32
    %broadcast_in_dim3A_24 = vector.broadcast %broadcast_in_dim3A_23 : f32 to vector<16xf32>
    %swap3A_25 = arith.constant 48 : index
    %swap3A_26 = tpu.vector_load %arg5[%swap3A_25] {strides = array<i32>} : memref<128xf32, #tpu.memory_space<vmem>>, vector<16xf32>,
    %swap3A_27 = vector.shape_cast %swap3A_26 : vector<16xf32> to vector<16xf32>
    %swap3A_28 = vector.shape_cast %broadcast_in_dim3A_24 : vector<16xf32> to vector<16xf32>
    tpu.vector_store %arg5[%swap3A_25], %swap3A_28 {strides = array<i32>} : memref<128xf32, #tpu.memory_space<vmem>>, vector<16xf32>,
    %broadcast_in_dim3A_29 = arith.constant 0.000000e+00 : f32
    %broadcast_in_dim3A_30 = vector.broadcast %broadcast_in_dim3A_29 : f32 to vector<16xf32>
    %swap3A_31 = arith.constant 64 : index
    %swap3A_32 = tpu.vector_load %arg5[%swap3A_31] {strides = array<i32>} : memref<128xf32, #tpu.memory_space<vmem>>, vector<16xf32>,
    %swap3A_33 = vector.shape_cast %swap3A_32 : vector<16xf32> to vector<16xf32>
    %swap3A_34 = vector.shape_cast %broadcast_in_dim3A_30 : vector<16xf32> to vector<16xf32>
    tpu.vector_store %arg5[%swap3A_31], %swap3A_34 {strides = array<i32>} : memref<128xf32, #tpu.memory_space<vmem>>, vector<16xf32>,
    %broadcast_in_dim3A_35 = arith.constant 0.000000e+00 : f32
    %broadcast_in_dim3A_36 = vector.broadcast %broadcast_in_dim3A_35 : f32 to vector<16xf32>
    %swap3A_37 = arith.constant 80 : index
    %swap3A_38 = tpu.vector_load %arg5[%swap3A_37] {strides = array<i32>} : memref<128xf32, #tpu.memory_space<vmem>>, vector<16xf32>,
    %swap3A_39 = vector.shape_cast %swap3A_38 : vector<16xf32> to vector<16xf32>
    %swap3A_40 = vector.shape_cast %broadcast_in_dim3A_36 : vector<16xf32> to vector<16xf32>
    tpu.vector_store %arg5[%swap3A_37], %swap3A_40 {strides = array<i32>} : memref<128xf32, #tpu.memory_space<vmem>>, vector<16xf32>,
    %broadcast_in_dim3A_41 = arith.constant 0.000000e+00 : f32
    %broadcast_in_dim3A_42 = vector.broadcast %broadcast_in_dim3A_41 : f32 to vector<16xf32>
    %swap3A_43 = arith.constant 96 : index
    %swap3A_44 = tpu.vector_load %arg5[%swap3A_43] {strides = array<i32>} : memref<128xf32, #tpu.memory_space<vmem>>, vector<16xf32>,
    %swap3A_45 = vector.shape_cast %swap3A_44 : vector<16xf32> to vector<16xf32>
    %swap3A_46 = vector.shape_cast %broadcast_in_dim3A_42 : vector<16xf32> to vector<16xf32>
    tpu.vector_store %arg5[%swap3A_43], %swap3A_46 {strides = array<i32>} : memref<128xf32, #tpu.memory_space<vmem>>, vector<16xf32>,
    %broadcast_in_dim3A_47 = arith.constant 0.000000e+00 : f32
    %broadcast_in_dim3A_48 = vector.broadcast %broadcast_in_dim3A_47 : f32 to vector<16xf32>
    %swap3A_49 = arith.constant 112 : index
    %swap3A_50 = tpu.vector_load %arg5[%swap3A_49] {strides = array<i32>} : memref<128xf32, #tpu.memory_space<vmem>>, vector<16xf32>,
    %swap3A_51 = vector.shape_cast %swap3A_50 : vector<16xf32> to vector<16xf32>
    %swap3A_52 = vector.shape_cast %broadcast_in_dim3A_48 : vector<16xf32> to vector<16xf32>
    tpu.vector_store %arg5[%swap3A_49], %swap3A_52 {strides = array<i32>} : memref<128xf32, #tpu.memory_space<vmem>>, vector<16xf32>,
    %mul3A_53 = arith.constant 640 : i32
    %mul3A_54 = arith.muli %arg1, %mul3A_53 : i32
    %add3A_55 = arith.constant 0 : i32
    %add3A_56 = arith.addi %mul3A_54, %add3A_55 : i32
    "tpu.region"() ({
      %run_scoped3A = tpu.sem_alloc : memref<!tpu.dma_semaphore, #tpu.memory_space<semaphore_mem>>
      %dma_start3A = tpu.memref_slice %arg6[%add3A_56] : memref<10240xf32, #tpu.memory_space<vmem_shared>> -> memref<128xf32, #tpu.memory_space<vmem_shared>>
      %dma_start3A_134 = tpu.memref_slice %arg6[%add3A_56] : memref<10240xf32, #tpu.memory_space<vmem_shared>> -> memref<128xf32, #tpu.memory_space<vmem_shared>>
      tpu.enqueue_dma source(%arg5 : memref<128xf32, #tpu.memory_space<vmem>>) target(%dma_start3A_134 : memref<128xf32, #tpu.memory_space<vmem_shared>>) target_semaphore(%run_scoped3A : memref<!tpu.dma_semaphore, #tpu.memory_space<semaphore_mem>>)
      %dma_wait3A = tpu.memref_slice %arg6[%add3A_56] : memref<10240xf32, #tpu.memory_space<vmem_shared>> -> memref<128xf32, #tpu.memory_space<vmem_shared>>
      %dma_wait3A_135 = tpu.memref_slice %arg6[%add3A_56] : memref<10240xf32, #tpu.memory_space<vmem_shared>> -> memref<128xf32, #tpu.memory_space<vmem_shared>>
      tpu.wait_dma2 semaphore(%run_scoped3A : memref<!tpu.dma_semaphore, #tpu.memory_space<semaphore_mem>>) src(%arg5 : memref<128xf32, #tpu.memory_space<vmem>>) dst(%dma_wait3A_135 : memref<128xf32, #tpu.memory_space<vmem_shared>>)
      tpu.yield
    }) : () -> ()
    %mul3A_57 = arith.constant 640 : i32
    %mul3A_58 = arith.muli %arg1, %mul3A_57 : i32
    %add3A_59 = arith.constant 128 : i32
    %add3A_60 = arith.addi %mul3A_58, %add3A_59 : i32
    "tpu.region"() ({
      %run_scoped3A = tpu.sem_alloc : memref<!tpu.dma_semaphore, #tpu.memory_space<semaphore_mem>>
      %dma_start3A = tpu.memref_slice %arg6[%add3A_60] : memref<10240xf32, #tpu.memory_space<vmem_shared>> -> memref<128xf32, #tpu.memory_space<vmem_shared>>
      %dma_start3A_134 = tpu.memref_slice %arg6[%add3A_60] : memref<10240xf32, #tpu.memory_space<vmem_shared>> -> memref<128xf32, #tpu.memory_space<vmem_shared>>
      tpu.enqueue_dma source(%arg5 : memref<128xf32, #tpu.memory_space<vmem>>) target(%dma_start3A_134 : memref<128xf32, #tpu.memory_space<vmem_shared>>) target_semaphore(%run_scoped3A : memref<!tpu.dma_semaphore, #tpu.memory_space<semaphore_mem>>)
      %dma_wait3A = tpu.memref_slice %arg6[%add3A_60] : memref<10240xf32, #tpu.memory_space<vmem_shared>> -> memref<128xf32, #tpu.memory_space<vmem_shared>>
      %dma_wait3A_135 = tpu.memref_slice %arg6[%add3A_60] : memref<10240xf32, #tpu.memory_space<vmem_shared>> -> memref<128xf32, #tpu.memory_space<vmem_shared>>
      tpu.wait_dma2 semaphore(%run_scoped3A : memref<!tpu.dma_semaphore, #tpu.memory_space<semaphore_mem>>) src(%arg5 : memref<128xf32, #tpu.memory_space<vmem>>) dst(%dma_wait3A_135 : memref<128xf32, #tpu.memory_space<vmem_shared>>)
      tpu.yield
    }) : () -> ()
    %mul3A_61 = arith.constant 640 : i32
    %mul3A_62 = arith.muli %arg1, %mul3A_61 : i32
    %add3A_63 = arith.constant 256 : i32
    %add3A_64 = arith.addi %mul3A_62, %add3A_63 : i32
    "tpu.region"() ({
      %run_scoped3A = tpu.sem_alloc : memref<!tpu.dma_semaphore, #tpu.memory_space<semaphore_mem>>
      %dma_start3A = tpu.memref_slice %arg6[%add3A_64] : memref<10240xf32, #tpu.memory_space<vmem_shared>> -> memref<128xf32, #tpu.memory_space<vmem_shared>>
      %dma_start3A_134 = tpu.memref_slice %arg6[%add3A_64] : memref<10240xf32, #tpu.memory_space<vmem_shared>> -> memref<128xf32, #tpu.memory_space<vmem_shared>>
      tpu.enqueue_dma source(%arg5 : memref<128xf32, #tpu.memory_space<vmem>>) target(%dma_start3A_134 : memref<128xf32, #tpu.memory_space<vmem_shared>>) target_semaphore(%run_scoped3A : memref<!tpu.dma_semaphore, #tpu.memory_space<semaphore_mem>>)
      %dma_wait3A = tpu.memref_slice %arg6[%add3A_64] : memref<10240xf32, #tpu.memory_space<vmem_shared>> -> memref<128xf32, #tpu.memory_space<vmem_shared>>
      %dma_wait3A_135 = tpu.memref_slice %arg6[%add3A_64] : memref<10240xf32, #tpu.memory_space<vmem_shared>> -> memref<128xf32, #tpu.memory_space<vmem_shared>>
      tpu.wait_dma2 semaphore(%run_scoped3A : memref<!tpu.dma_semaphore, #tpu.memory_space<semaphore_mem>>) src(%arg5 : memref<128xf32, #tpu.memory_space<vmem>>) dst(%dma_wait3A_135 : memref<128xf32, #tpu.memory_space<vmem_shared>>)
      tpu.yield
    }) : () -> ()
    %mul3A_65 = arith.constant 640 : i32
    %mul3A_66 = arith.muli %arg1, %mul3A_65 : i32
    %add3A_67 = arith.constant 384 : i32
    %add3A_68 = arith.addi %mul3A_66, %add3A_67 : i32
    "tpu.region"() ({
      %run_scoped3A = tpu.sem_alloc : memref<!tpu.dma_semaphore, #tpu.memory_space<semaphore_mem>>
      %dma_start3A = tpu.memref_slice %arg6[%add3A_68] : memref<10240xf32, #tpu.memory_space<vmem_shared>> -> memref<128xf32, #tpu.memory_space<vmem_shared>>
      %dma_start3A_134 = tpu.memref_slice %arg6[%add3A_68] : memref<10240xf32, #tpu.memory_space<vmem_shared>> -> memref<128xf32, #tpu.memory_space<vmem_shared>>
      tpu.enqueue_dma source(%arg5 : memref<128xf32, #tpu.memory_space<vmem>>) target(%dma_start3A_134 : memref<128xf32, #tpu.memory_space<vmem_shared>>) target_semaphore(%run_scoped3A : memref<!tpu.dma_semaphore, #tpu.memory_space<semaphore_mem>>)
      %dma_wait3A = tpu.memref_slice %arg6[%add3A_68] : memref<10240xf32, #tpu.memory_space<vmem_shared>> -> memref<128xf32, #tpu.memory_space<vmem_shared>>
      %dma_wait3A_135 = tpu.memref_slice %arg6[%add3A_68] : memref<10240xf32, #tpu.memory_space<vmem_shared>> -> memref<128xf32, #tpu.memory_space<vmem_shared>>
      tpu.wait_dma2 semaphore(%run_scoped3A : memref<!tpu.dma_semaphore, #tpu.memory_space<semaphore_mem>>) src(%arg5 : memref<128xf32, #tpu.memory_space<vmem>>) dst(%dma_wait3A_135 : memref<128xf32, #tpu.memory_space<vmem_shared>>)
      tpu.yield
    }) : () -> ()
    %mul3A_69 = arith.constant 640 : i32
    %mul3A_70 = arith.muli %arg1, %mul3A_69 : i32
    %add3A_71 = arith.constant 512 : i32
    %add3A_72 = arith.addi %mul3A_70, %add3A_71 : i32
    "tpu.region"() ({
      %run_scoped3A = tpu.sem_alloc : memref<!tpu.dma_semaphore, #tpu.memory_space<semaphore_mem>>
      %dma_start3A = tpu.memref_slice %arg6[%add3A_72] : memref<10240xf32, #tpu.memory_space<vmem_shared>> -> memref<128xf32, #tpu.memory_space<vmem_shared>>
      %dma_start3A_134 = tpu.memref_slice %arg6[%add3A_72] : memref<10240xf32, #tpu.memory_space<vmem_shared>> -> memref<128xf32, #tpu.memory_space<vmem_shared>>
      tpu.enqueue_dma source(%arg5 : memref<128xf32, #tpu.memory_space<vmem>>) target(%dma_start3A_134 : memref<128xf32, #tpu.memory_space<vmem_shared>>) target_semaphore(%run_scoped3A : memref<!tpu.dma_semaphore, #tpu.memory_space<semaphore_mem>>)
      %dma_wait3A = tpu.memref_slice %arg6[%add3A_72] : memref<10240xf32, #tpu.memory_space<vmem_shared>> -> memref<128xf32, #tpu.memory_space<vmem_shared>>
      %dma_wait3A_135 = tpu.memref_slice %arg6[%add3A_72] : memref<10240xf32, #tpu.memory_space<vmem_shared>> -> memref<128xf32, #tpu.memory_space<vmem_shared>>
      tpu.wait_dma2 semaphore(%run_scoped3A : memref<!tpu.dma_semaphore, #tpu.memory_space<semaphore_mem>>) src(%arg5 : memref<128xf32, #tpu.memory_space<vmem>>) dst(%dma_wait3A_135 : memref<128xf32, #tpu.memory_space<vmem_shared>>)
      tpu.yield
    }) : () -> ()
    %broadcast_in_dim3A_73 = arith.constant 1.000000e+00 : f32
    %broadcast_in_dim3A_74 = vector.broadcast %broadcast_in_dim3A_73 : f32 to vector<16xf32>
    %swap3A_75 = arith.constant 0 : index
    %swap3A_76 = tpu.vector_load %arg5[%swap3A_75] {strides = array<i32>} : memref<128xf32, #tpu.memory_space<vmem>>, vector<16xf32>,
    %swap3A_77 = vector.shape_cast %swap3A_76 : vector<16xf32> to vector<16xf32>
    %swap3A_78 = vector.shape_cast %broadcast_in_dim3A_74 : vector<16xf32> to vector<16xf32>
    tpu.vector_store %arg5[%swap3A_75], %swap3A_78 {strides = array<i32>} : memref<128xf32, #tpu.memory_space<vmem>>, vector<16xf32>,
    %broadcast_in_dim3A_79 = arith.constant 1.000000e+00 : f32
    %broadcast_in_dim3A_80 = vector.broadcast %broadcast_in_dim3A_79 : f32 to vector<16xf32>
    %swap3A_81 = arith.constant 16 : index
    %swap3A_82 = tpu.vector_load %arg5[%swap3A_81] {strides = array<i32>} : memref<128xf32, #tpu.memory_space<vmem>>, vector<16xf32>,
    %swap3A_83 = vector.shape_cast %swap3A_82 : vector<16xf32> to vector<16xf32>
    %swap3A_84 = vector.shape_cast %broadcast_in_dim3A_80 : vector<16xf32> to vector<16xf32>
    tpu.vector_store %arg5[%swap3A_81], %swap3A_84 {strides = array<i32>} : memref<128xf32, #tpu.memory_space<vmem>>, vector<16xf32>,
    %broadcast_in_dim3A_85 = arith.constant 1.000000e+00 : f32
    %broadcast_in_dim3A_86 = vector.broadcast %broadcast_in_dim3A_85 : f32 to vector<16xf32>
    %swap3A_87 = arith.constant 32 : index
    %swap3A_88 = tpu.vector_load %arg5[%swap3A_87] {strides = array<i32>} : memref<128xf32, #tpu.memory_space<vmem>>, vector<16xf32>,
    %swap3A_89 = vector.shape_cast %swap3A_88 : vector<16xf32> to vector<16xf32>
    %swap3A_90 = vector.shape_cast %broadcast_in_dim3A_86 : vector<16xf32> to vector<16xf32>
    tpu.vector_store %arg5[%swap3A_87], %swap3A_90 {strides = array<i32>} : memref<128xf32, #tpu.memory_space<vmem>>, vector<16xf32>,
    %broadcast_in_dim3A_91 = arith.constant 1.000000e+00 : f32
    %broadcast_in_dim3A_92 = vector.broadcast %broadcast_in_dim3A_91 : f32 to vector<16xf32>
    %swap3A_93 = arith.constant 48 : index
    %swap3A_94 = tpu.vector_load %arg5[%swap3A_93] {strides = array<i32>} : memref<128xf32, #tpu.memory_space<vmem>>, vector<16xf32>,
    %swap3A_95 = vector.shape_cast %swap3A_94 : vector<16xf32> to vector<16xf32>
    %swap3A_96 = vector.shape_cast %broadcast_in_dim3A_92 : vector<16xf32> to vector<16xf32>
    tpu.vector_store %arg5[%swap3A_93], %swap3A_96 {strides = array<i32>} : memref<128xf32, #tpu.memory_space<vmem>>, vector<16xf32>,
    %broadcast_in_dim3A_97 = arith.constant 1.000000e+00 : f32
    %broadcast_in_dim3A_98 = vector.broadcast %broadcast_in_dim3A_97 : f32 to vector<16xf32>
    %swap3A_99 = arith.constant 64 : index
    %swap3A_100 = tpu.vector_load %arg5[%swap3A_99] {strides = array<i32>} : memref<128xf32, #tpu.memory_space<vmem>>, vector<16xf32>,
    %swap3A_101 = vector.shape_cast %swap3A_100 : vector<16xf32> to vector<16xf32>
    %swap3A_102 = vector.shape_cast %broadcast_in_dim3A_98 : vector<16xf32> to vector<16xf32>
    tpu.vector_store %arg5[%swap3A_99], %swap3A_102 {strides = array<i32>} : memref<128xf32, #tpu.memory_space<vmem>>, vector<16xf32>,
    %broadcast_in_dim3A_103 = arith.constant 1.000000e+00 : f32
    %broadcast_in_dim3A_104 = vector.broadcast %broadcast_in_dim3A_103 : f32 to vector<16xf32>
    %swap3A_105 = arith.constant 80 : index
    %swap3A_106 = tpu.vector_load %arg5[%swap3A_105] {strides = array<i32>} : memref<128xf32, #tpu.memory_space<vmem>>, vector<16xf32>,
    %swap3A_107 = vector.shape_cast %swap3A_106 : vector<16xf32> to vector<16xf32>
    %swap3A_108 = vector.shape_cast %broadcast_in_dim3A_104 : vector<16xf32> to vector<16xf32>
    tpu.vector_store %arg5[%swap3A_105], %swap3A_108 {strides = array<i32>} : memref<128xf32, #tpu.memory_space<vmem>>, vector<16xf32>,
    %broadcast_in_dim3A_109 = arith.constant 1.000000e+00 : f32
    %broadcast_in_dim3A_110 = vector.broadcast %broadcast_in_dim3A_109 : f32 to vector<16xf32>
    %swap3A_111 = arith.constant 96 : index
    %swap3A_112 = tpu.vector_load %arg5[%swap3A_111] {strides = array<i32>} : memref<128xf32, #tpu.memory_space<vmem>>, vector<16xf32>,
    %swap3A_113 = vector.shape_cast %swap3A_112 : vector<16xf32> to vector<16xf32>
    %swap3A_114 = vector.shape_cast %broadcast_in_dim3A_110 : vector<16xf32> to vector<16xf32>
    tpu.vector_store %arg5[%swap3A_111], %swap3A_114 {strides = array<i32>} : memref<128xf32, #tpu.memory_space<vmem>>, vector<16xf32>,
    %broadcast_in_dim3A_115 = arith.constant 1.000000e+00 : f32
    %broadcast_in_dim3A_116 = vector.broadcast %broadcast_in_dim3A_115 : f32 to vector<16xf32>
    %swap3A_117 = arith.constant 112 : index
    %swap3A_118 = tpu.vector_load %arg5[%swap3A_117] {strides = array<i32>} : memref<128xf32, #tpu.memory_space<vmem>>, vector<16xf32>,
    %swap3A_119 = vector.shape_cast %swap3A_118 : vector<16xf32> to vector<16xf32>
    %swap3A_120 = vector.shape_cast %broadcast_in_dim3A_116 : vector<16xf32> to vector<16xf32>
    tpu.vector_store %arg5[%swap3A_117], %swap3A_120 {strides = array<i32>} : memref<128xf32, #tpu.memory_space<vmem>>, vector<16xf32>,
    %barrier3A = arith.constant 0 : index
    tpu.barrier barrier_id(%barrier3A)
    %scan3A = arith.constant 0 : i32
    %scan3A_121 = arith.constant 0 : i32
    %scan3A_122 = arith.constant 6 : i32
    %scan3A_123 = arith.addi %scan3A_121, %scan3A_122 : i32
    %scan3A_124 = arith.constant 1 : i32
    scf.for %scan3A_134 = %scan3A_121 to %scan3A_123 step %scan3A_124  : i32 {
      %mul3A_135 = arith.constant 13 : i32
      %mul3A_136 = arith.muli %scan3A_134, %mul3A_135 : i32
      %add3A_137 = arith.constant 0 : i32
      %add3A_138 = arith.addi %mul3A_136, %add3A_137 : i32
      %dma_start3A = arith.constant 1 : i32
      %dma_start3A_139 = arith.constant 0 : i32
      %dma_start3A_140 = tpu.memref_slice %arg4[%add3A_138, %dma_start3A, %dma_start3A_139] : memref<79x2x128xi32, #tpu.memory_space<vmem>> -> memref<1x1x128xi32, #tpu.memory_space<vmem>>
      %dma_start3A_141 = tpu.memref_squeeze %dma_start3A_140 : memref<1x1x128xi32, #tpu.memory_space<vmem>> -> memref<128xi32, #tpu.memory_space<vmem>>
      %dma_start3A_142 = arith.constant 0 : i32
      %dma_start3A_143 = tpu.memref_slice %arg6[%dma_start3A_142] : memref<10240xf32, #tpu.memory_space<vmem_shared>> -> memref<10240xf32, #tpu.memory_space<vmem_shared>>
      tpu.enqueue_indirect_dma source(%arg5 : memref<128xf32, #tpu.memory_space<vmem>>) target(%dma_start3A_143 : memref<10240xf32, #tpu.memory_space<vmem_shared>>) offsets(%dma_start3A_141 : memref<128xi32, #tpu.memory_space<vmem>>) semaphore(%arg7 : memref<!tpu.dma_semaphore, #tpu.memory_space<semaphore_mem>>) {add = true}
      %mul3A_144 = arith.constant 13 : i32
      %mul3A_145 = arith.muli %scan3A_134, %mul3A_144 : i32
      %add3A_146 = arith.constant 1 : i32
      %add3A_147 = arith.addi %mul3A_145, %add3A_146 : i32
      %dma_start3A_148 = arith.constant 1 : i32
      %dma_start3A_149 = arith.constant 0 : i32
      %dma_start3A_150 = tpu.memref_slice %arg4[%add3A_147, %dma_start3A_148, %dma_start3A_149] : memref<79x2x128xi32, #tpu.memory_space<vmem>> -> memref<1x1x128xi32, #tpu.memory_space<vmem>>
      %dma_start3A_151 = tpu.memref_squeeze %dma_start3A_150 : memref<1x1x128xi32, #tpu.memory_space<vmem>> -> memref<128xi32, #tpu.memory_space<vmem>>
      %dma_start3A_152 = arith.constant 0 : i32
      %dma_start3A_153 = tpu.memref_slice %arg6[%dma_start3A_152] : memref<10240xf32, #tpu.memory_space<vmem_shared>> -> memref<10240xf32, #tpu.memory_space<vmem_shared>>
      tpu.enqueue_indirect_dma source(%arg5 : memref<128xf32, #tpu.memory_space<vmem>>) target(%dma_start3A_153 : memref<10240xf32, #tpu.memory_space<vmem_shared>>) offsets(%dma_start3A_151 : memref<128xi32, #tpu.memory_space<vmem>>) semaphore(%arg7 : memref<!tpu.dma_semaphore, #tpu.memory_space<semaphore_mem>>) {add = true}
      %mul3A_154 = arith.constant 13 : i32
      %mul3A_155 = arith.muli %scan3A_134, %mul3A_154 : i32
      %add3A_156 = arith.constant 2 : i32
      %add3A_157 = arith.addi %mul3A_155, %add3A_156 : i32
      %dma_start3A_158 = arith.constant 1 : i32
      %dma_start3A_159 = arith.constant 0 : i32
      %dma_start3A_160 = tpu.memref_slice %arg4[%add3A_157, %dma_start3A_158, %dma_start3A_159] : memref<79x2x128xi32, #tpu.memory_space<vmem>> -> memref<1x1x128xi32, #tpu.memory_space<vmem>>
      %dma_start3A_161 = tpu.memref_squeeze %dma_start3A_160 : memref<1x1x128xi32, #tpu.memory_space<vmem>> -> memref<128xi32, #tpu.memory_space<vmem>>
      %dma_start3A_162 = arith.constant 0 : i32
      %dma_start3A_163 = tpu.memref_slice %arg6[%dma_start3A_162] : memref<10240xf32, #tpu.memory_space<vmem_shared>> -> memref<10240xf32, #tpu.memory_space<vmem_shared>>
      tpu.enqueue_indirect_dma source(%arg5 : memref<128xf32, #tpu.memory_space<vmem>>) target(%dma_start3A_163 : memref<10240xf32, #tpu.memory_space<vmem_shared>>) offsets(%dma_start3A_161 : memref<128xi32, #tpu.memory_space<vmem>>) semaphore(%arg7 : memref<!tpu.dma_semaphore, #tpu.memory_space<semaphore_mem>>) {add = true}
      %mul3A_164 = arith.constant 13 : i32
      %mul3A_165 = arith.muli %scan3A_134, %mul3A_164 : i32
      %add3A_166 = arith.constant 3 : i32
      %add3A_167 = arith.addi %mul3A_165, %add3A_166 : i32
      %dma_start3A_168 = arith.constant 1 : i32
      %dma_start3A_169 = arith.constant 0 : i32
      %dma_start3A_170 = tpu.memref_slice %arg4[%add3A_167, %dma_start3A_168, %dma_start3A_169] : memref<79x2x128xi32, #tpu.memory_space<vmem>> -> memref<1x1x128xi32, #tpu.memory_space<vmem>>
      %dma_start3A_171 = tpu.memref_squeeze %dma_start3A_170 : memref<1x1x128xi32, #tpu.memory_space<vmem>> -> memref<128xi32, #tpu.memory_space<vmem>>
      %dma_start3A_172 = arith.constant 0 : i32
      %dma_start3A_173 = tpu.memref_slice %arg6[%dma_start3A_172] : memref<10240xf32, #tpu.memory_space<vmem_shared>> -> memref<10240xf32, #tpu.memory_space<vmem_shared>>
      tpu.enqueue_indirect_dma source(%arg5 : memref<128xf32, #tpu.memory_space<vmem>>) target(%dma_start3A_173 : memref<10240xf32, #tpu.memory_space<vmem_shared>>) offsets(%dma_start3A_171 : memref<128xi32, #tpu.memory_space<vmem>>) semaphore(%arg7 : memref<!tpu.dma_semaphore, #tpu.memory_space<semaphore_mem>>) {add = true}
      %mul3A_174 = arith.constant 13 : i32
      %mul3A_175 = arith.muli %scan3A_134, %mul3A_174 : i32
      %add3A_176 = arith.constant 4 : i32
      %add3A_177 = arith.addi %mul3A_175, %add3A_176 : i32
      %dma_start3A_178 = arith.constant 1 : i32
      %dma_start3A_179 = arith.constant 0 : i32
      %dma_start3A_180 = tpu.memref_slice %arg4[%add3A_177, %dma_start3A_178, %dma_start3A_179] : memref<79x2x128xi32, #tpu.memory_space<vmem>> -> memref<1x1x128xi32, #tpu.memory_space<vmem>>
      %dma_start3A_181 = tpu.memref_squeeze %dma_start3A_180 : memref<1x1x128xi32, #tpu.memory_space<vmem>> -> memref<128xi32, #tpu.memory_space<vmem>>
      %dma_start3A_182 = arith.constant 0 : i32
      %dma_start3A_183 = tpu.memref_slice %arg6[%dma_start3A_182] : memref<10240xf32, #tpu.memory_space<vmem_shared>> -> memref<10240xf32, #tpu.memory_space<vmem_shared>>
      tpu.enqueue_indirect_dma source(%arg5 : memref<128xf32, #tpu.memory_space<vmem>>) target(%dma_start3A_183 : memref<10240xf32, #tpu.memory_space<vmem_shared>>) offsets(%dma_start3A_181 : memref<128xi32, #tpu.memory_space<vmem>>) semaphore(%arg7 : memref<!tpu.dma_semaphore, #tpu.memory_space<semaphore_mem>>) {add = true}
      %mul3A_184 = arith.constant 13 : i32
      %mul3A_185 = arith.muli %scan3A_134, %mul3A_184 : i32
      %add3A_186 = arith.constant 5 : i32
      %add3A_187 = arith.addi %mul3A_185, %add3A_186 : i32
      %dma_start3A_188 = arith.constant 1 : i32
      %dma_start3A_189 = arith.constant 0 : i32
      %dma_start3A_190 = tpu.memref_slice %arg4[%add3A_187, %dma_start3A_188, %dma_start3A_189] : memref<79x2x128xi32, #tpu.memory_space<vmem>> -> memref<1x1x128xi32, #tpu.memory_space<vmem>>
      %dma_start3A_191 = tpu.memref_squeeze %dma_start3A_190 : memref<1x1x128xi32, #tpu.memory_space<vmem>> -> memref<128xi32, #tpu.memory_space<vmem>>
      %dma_start3A_192 = arith.constant 0 : i32
      %dma_start3A_193 = tpu.memref_slice %arg6[%dma_start3A_192] : memref<10240xf32, #tpu.memory_space<vmem_shared>> -> memref<10240xf32, #tpu.memory_space<vmem_shared>>
      tpu.enqueue_indirect_dma source(%arg5 : memref<128xf32, #tpu.memory_space<vmem>>) target(%dma_start3A_193 : memref<10240xf32, #tpu.memory_space<vmem_shared>>) offsets(%dma_start3A_191 : memref<128xi32, #tpu.memory_space<vmem>>) semaphore(%arg7 : memref<!tpu.dma_semaphore, #tpu.memory_space<semaphore_mem>>) {add = true}
      %mul3A_194 = arith.constant 13 : i32
      %mul3A_195 = arith.muli %scan3A_134, %mul3A_194 : i32
      %add3A_196 = arith.constant 6 : i32
      %add3A_197 = arith.addi %mul3A_195, %add3A_196 : i32
      %dma_start3A_198 = arith.constant 1 : i32
      %dma_start3A_199 = arith.constant 0 : i32
      %dma_start3A_200 = tpu.memref_slice %arg4[%add3A_197, %dma_start3A_198, %dma_start3A_199] : memref<79x2x128xi32, #tpu.memory_space<vmem>> -> memref<1x1x128xi32, #tpu.memory_space<vmem>>
      %dma_start3A_201 = tpu.memref_squeeze %dma_start3A_200 : memref<1x1x128xi32, #tpu.memory_space<vmem>> -> memref<128xi32, #tpu.memory_space<vmem>>
      %dma_start3A_202 = arith.constant 0 : i32
      %dma_start3A_203 = tpu.memref_slice %arg6[%dma_start3A_202] : memref<10240xf32, #tpu.memory_space<vmem_shared>> -> memref<10240xf32, #tpu.memory_space<vmem_shared>>
      tpu.enqueue_indirect_dma source(%arg5 : memref<128xf32, #tpu.memory_space<vmem>>) target(%dma_start3A_203 : memref<10240xf32, #tpu.memory_space<vmem_shared>>) offsets(%dma_start3A_201 : memref<128xi32, #tpu.memory_space<vmem>>) semaphore(%arg7 : memref<!tpu.dma_semaphore, #tpu.memory_space<semaphore_mem>>) {add = true}
      %mul3A_204 = arith.constant 13 : i32
      %mul3A_205 = arith.muli %scan3A_134, %mul3A_204 : i32
      %add3A_206 = arith.constant 7 : i32
      %add3A_207 = arith.addi %mul3A_205, %add3A_206 : i32
      %dma_start3A_208 = arith.constant 1 : i32
      %dma_start3A_209 = arith.constant 0 : i32
      %dma_start3A_210 = tpu.memref_slice %arg4[%add3A_207, %dma_start3A_208, %dma_start3A_209] : memref<79x2x128xi32, #tpu.memory_space<vmem>> -> memref<1x1x128xi32, #tpu.memory_space<vmem>>
      %dma_start3A_211 = tpu.memref_squeeze %dma_start3A_210 : memref<1x1x128xi32, #tpu.memory_space<vmem>> -> memref<128xi32, #tpu.memory_space<vmem>>
      %dma_start3A_212 = arith.constant 0 : i32
      %dma_start3A_213 = tpu.memref_slice %arg6[%dma_start3A_212] : memref<10240xf32, #tpu.memory_space<vmem_shared>> -> memref<10240xf32, #tpu.memory_space<vmem_shared>>
      tpu.enqueue_indirect_dma source(%arg5 : memref<128xf32, #tpu.memory_space<vmem>>) target(%dma_start3A_213 : memref<10240xf32, #tpu.memory_space<vmem_shared>>) offsets(%dma_start3A_211 : memref<128xi32, #tpu.memory_space<vmem>>) semaphore(%arg7 : memref<!tpu.dma_semaphore, #tpu.memory_space<semaphore_mem>>) {add = true}
      %mul3A_214 = arith.constant 13 : i32
      %mul3A_215 = arith.muli %scan3A_134, %mul3A_214 : i32
      %add3A_216 = arith.constant 8 : i32
      %add3A_217 = arith.addi %mul3A_215, %add3A_216 : i32
      %dma_start3A_218 = arith.constant 1 : i32
      %dma_start3A_219 = arith.constant 0 : i32
      %dma_start3A_220 = tpu.memref_slice %arg4[%add3A_217, %dma_start3A_218, %dma_start3A_219] : memref<79x2x128xi32, #tpu.memory_space<vmem>> -> memref<1x1x128xi32, #tpu.memory_space<vmem>>
      %dma_start3A_221 = tpu.memref_squeeze %dma_start3A_220 : memref<1x1x128xi32, #tpu.memory_space<vmem>> -> memref<128xi32, #tpu.memory_space<vmem>>
      %dma_start3A_222 = arith.constant 0 : i32
      %dma_start3A_223 = tpu.memref_slice %arg6[%dma_start3A_222] : memref<10240xf32, #tpu.memory_space<vmem_shared>> -> memref<10240xf32, #tpu.memory_space<vmem_shared>>
      tpu.enqueue_indirect_dma source(%arg5 : memref<128xf32, #tpu.memory_space<vmem>>) target(%dma_start3A_223 : memref<10240xf32, #tpu.memory_space<vmem_shared>>) offsets(%dma_start3A_221 : memref<128xi32, #tpu.memory_space<vmem>>) semaphore(%arg7 : memref<!tpu.dma_semaphore, #tpu.memory_space<semaphore_mem>>) {add = true}
      %mul3A_224 = arith.constant 13 : i32
      %mul3A_225 = arith.muli %scan3A_134, %mul3A_224 : i32
      %add3A_226 = arith.constant 9 : i32
      %add3A_227 = arith.addi %mul3A_225, %add3A_226 : i32
      %dma_start3A_228 = arith.constant 1 : i32
      %dma_start3A_229 = arith.constant 0 : i32
      %dma_start3A_230 = tpu.memref_slice %arg4[%add3A_227, %dma_start3A_228, %dma_start3A_229] : memref<79x2x128xi32, #tpu.memory_space<vmem>> -> memref<1x1x128xi32, #tpu.memory_space<vmem>>
      %dma_start3A_231 = tpu.memref_squeeze %dma_start3A_230 : memref<1x1x128xi32, #tpu.memory_space<vmem>> -> memref<128xi32, #tpu.memory_space<vmem>>
      %dma_start3A_232 = arith.constant 0 : i32
      %dma_start3A_233 = tpu.memref_slice %arg6[%dma_start3A_232] : memref<10240xf32, #tpu.memory_space<vmem_shared>> -> memref<10240xf32, #tpu.memory_space<vmem_shared>>
      tpu.enqueue_indirect_dma source(%arg5 : memref<128xf32, #tpu.memory_space<vmem>>) target(%dma_start3A_233 : memref<10240xf32, #tpu.memory_space<vmem_shared>>) offsets(%dma_start3A_231 : memref<128xi32, #tpu.memory_space<vmem>>) semaphore(%arg7 : memref<!tpu.dma_semaphore, #tpu.memory_space<semaphore_mem>>) {add = true}
      %mul3A_234 = arith.constant 13 : i32
      %mul3A_235 = arith.muli %scan3A_134, %mul3A_234 : i32
      %add3A_236 = arith.constant 10 : i32
      %add3A_237 = arith.addi %mul3A_235, %add3A_236 : i32
      %dma_start3A_238 = arith.constant 1 : i32
      %dma_start3A_239 = arith.constant 0 : i32
      %dma_start3A_240 = tpu.memref_slice %arg4[%add3A_237, %dma_start3A_238, %dma_start3A_239] : memref<79x2x128xi32, #tpu.memory_space<vmem>> -> memref<1x1x128xi32, #tpu.memory_space<vmem>>
      %dma_start3A_241 = tpu.memref_squeeze %dma_start3A_240 : memref<1x1x128xi32, #tpu.memory_space<vmem>> -> memref<128xi32, #tpu.memory_space<vmem>>
      %dma_start3A_242 = arith.constant 0 : i32
      %dma_start3A_243 = tpu.memref_slice %arg6[%dma_start3A_242] : memref<10240xf32, #tpu.memory_space<vmem_shared>> -> memref<10240xf32, #tpu.memory_space<vmem_shared>>
      tpu.enqueue_indirect_dma source(%arg5 : memref<128xf32, #tpu.memory_space<vmem>>) target(%dma_start3A_243 : memref<10240xf32, #tpu.memory_space<vmem_shared>>) offsets(%dma_start3A_241 : memref<128xi32, #tpu.memory_space<vmem>>) semaphore(%arg7 : memref<!tpu.dma_semaphore, #tpu.memory_space<semaphore_mem>>) {add = true}
      %mul3A_244 = arith.constant 13 : i32
      %mul3A_245 = arith.muli %scan3A_134, %mul3A_244 : i32
      %add3A_246 = arith.constant 11 : i32
      %add3A_247 = arith.addi %mul3A_245, %add3A_246 : i32
      %dma_start3A_248 = arith.constant 1 : i32
      %dma_start3A_249 = arith.constant 0 : i32
      %dma_start3A_250 = tpu.memref_slice %arg4[%add3A_247, %dma_start3A_248, %dma_start3A_249] : memref<79x2x128xi32, #tpu.memory_space<vmem>> -> memref<1x1x128xi32, #tpu.memory_space<vmem>>
      %dma_start3A_251 = tpu.memref_squeeze %dma_start3A_250 : memref<1x1x128xi32, #tpu.memory_space<vmem>> -> memref<128xi32, #tpu.memory_space<vmem>>
      %dma_start3A_252 = arith.constant 0 : i32
      %dma_start3A_253 = tpu.memref_slice %arg6[%dma_start3A_252] : memref<10240xf32, #tpu.memory_space<vmem_shared>> -> memref<10240xf32, #tpu.memory_space<vmem_shared>>
      tpu.enqueue_indirect_dma source(%arg5 : memref<128xf32, #tpu.memory_space<vmem>>) target(%dma_start3A_253 : memref<10240xf32, #tpu.memory_space<vmem_shared>>) offsets(%dma_start3A_251 : memref<128xi32, #tpu.memory_space<vmem>>) semaphore(%arg7 : memref<!tpu.dma_semaphore, #tpu.memory_space<semaphore_mem>>) {add = true}
      %mul3A_254 = arith.constant 13 : i32
      %mul3A_255 = arith.muli %scan3A_134, %mul3A_254 : i32
      %add3A_256 = arith.constant 12 : i32
      %add3A_257 = arith.addi %mul3A_255, %add3A_256 : i32
      %dma_start3A_258 = arith.constant 1 : i32
      %dma_start3A_259 = arith.constant 0 : i32
      %dma_start3A_260 = tpu.memref_slice %arg4[%add3A_257, %dma_start3A_258, %dma_start3A_259] : memref<79x2x128xi32, #tpu.memory_space<vmem>> -> memref<1x1x128xi32, #tpu.memory_space<vmem>>
      %dma_start3A_261 = tpu.memref_squeeze %dma_start3A_260 : memref<1x1x128xi32, #tpu.memory_space<vmem>> -> memref<128xi32, #tpu.memory_space<vmem>>
      %dma_start3A_262 = arith.constant 0 : i32
      %dma_start3A_263 = tpu.memref_slice %arg6[%dma_start3A_262] : memref<10240xf32, #tpu.memory_space<vmem_shared>> -> memref<10240xf32, #tpu.memory_space<vmem_shared>>
      tpu.enqueue_indirect_dma source(%arg5 : memref<128xf32, #tpu.memory_space<vmem>>) target(%dma_start3A_263 : memref<10240xf32, #tpu.memory_space<vmem_shared>>) offsets(%dma_start3A_261 : memref<128xi32, #tpu.memory_space<vmem>>) semaphore(%arg7 : memref<!tpu.dma_semaphore, #tpu.memory_space<semaphore_mem>>) {add = true}
      %mul3A_264 = arith.constant 13 : i32
      %mul3A_265 = arith.muli %scan3A_134, %mul3A_264 : i32
      %add3A_266 = arith.constant 0 : i32
      %add3A_267 = arith.addi %mul3A_265, %add3A_266 : i32
      %dma_wait3A = arith.constant 1 : i32
      %dma_wait3A_268 = arith.constant 0 : i32
      %dma_wait3A_269 = tpu.memref_slice %arg4[%add3A_267, %dma_wait3A, %dma_wait3A_268] : memref<79x2x128xi32, #tpu.memory_space<vmem>> -> memref<1x1x128xi32, #tpu.memory_space<vmem>>
      %dma_wait3A_270 = tpu.memref_squeeze %dma_wait3A_269 : memref<1x1x128xi32, #tpu.memory_space<vmem>> -> memref<128xi32, #tpu.memory_space<vmem>>
      %dma_wait3A_271 = arith.constant 0 : i32
      %dma_wait3A_272 = tpu.memref_slice %arg6[%dma_wait3A_271] : memref<10240xf32, #tpu.memory_space<vmem_shared>> -> memref<10240xf32, #tpu.memory_space<vmem_shared>>
      tpu.wait_indirect_dma semaphore(%arg7 : memref<!tpu.dma_semaphore, #tpu.memory_space<semaphore_mem>>) src(%arg5 : memref<128xf32, #tpu.memory_space<vmem>>) dst(%dma_wait3A_272 : memref<10240xf32, #tpu.memory_space<vmem_shared>>)
      %mul3A_273 = arith.constant 13 : i32
      %mul3A_274 = arith.muli %scan3A_134, %mul3A_273 : i32
      %add3A_275 = arith.constant 1 : i32
      %add3A_276 = arith.addi %mul3A_274, %add3A_275 : i32
      %dma_wait3A_277 = arith.constant 1 : i32
      %dma_wait3A_278 = arith.constant 0 : i32
      %dma_wait3A_279 = tpu.memref_slice %arg4[%add3A_276, %dma_wait3A_277, %dma_wait3A_278] : memref<79x2x128xi32, #tpu.memory_space<vmem>> -> memref<1x1x128xi32, #tpu.memory_space<vmem>>
      %dma_wait3A_280 = tpu.memref_squeeze %dma_wait3A_279 : memref<1x1x128xi32, #tpu.memory_space<vmem>> -> memref<128xi32, #tpu.memory_space<vmem>>
      %dma_wait3A_281 = arith.constant 0 : i32
      %dma_wait3A_282 = tpu.memref_slice %arg6[%dma_wait3A_281] : memref<10240xf32, #tpu.memory_space<vmem_shared>> -> memref<10240xf32, #tpu.memory_space<vmem_shared>>
      tpu.wait_indirect_dma semaphore(%arg7 : memref<!tpu.dma_semaphore, #tpu.memory_space<semaphore_mem>>) src(%arg5 : memref<128xf32, #tpu.memory_space<vmem>>) dst(%dma_wait3A_282 : memref<10240xf32, #tpu.memory_space<vmem_shared>>)
      %mul3A_283 = arith.constant 13 : i32
      %mul3A_284 = arith.muli %scan3A_134, %mul3A_283 : i32
      %add3A_285 = arith.constant 2 : i32
      %add3A_286 = arith.addi %mul3A_284, %add3A_285 : i32
      %dma_wait3A_287 = arith.constant 1 : i32
      %dma_wait3A_288 = arith.constant 0 : i32
      %dma_wait3A_289 = tpu.memref_slice %arg4[%add3A_286, %dma_wait3A_287, %dma_wait3A_288] : memref<79x2x128xi32, #tpu.memory_space<vmem>> -> memref<1x1x128xi32, #tpu.memory_space<vmem>>
      %dma_wait3A_290 = tpu.memref_squeeze %dma_wait3A_289 : memref<1x1x128xi32, #tpu.memory_space<vmem>> -> memref<128xi32, #tpu.memory_space<vmem>>
      %dma_wait3A_291 = arith.constant 0 : i32
      %dma_wait3A_292 = tpu.memref_slice %arg6[%dma_wait3A_291] : memref<10240xf32, #tpu.memory_space<vmem_shared>> -> memref<10240xf32, #tpu.memory_space<vmem_shared>>
      tpu.wait_indirect_dma semaphore(%arg7 : memref<!tpu.dma_semaphore, #tpu.memory_space<semaphore_mem>>) src(%arg5 : memref<128xf32, #tpu.memory_space<vmem>>) dst(%dma_wait3A_292 : memref<10240xf32, #tpu.memory_space<vmem_shared>>)
      %mul3A_293 = arith.constant 13 : i32
      %mul3A_294 = arith.muli %scan3A_134, %mul3A_293 : i32
      %add3A_295 = arith.constant 3 : i32
      %add3A_296 = arith.addi %mul3A_294, %add3A_295 : i32
      %dma_wait3A_297 = arith.constant 1 : i32
      %dma_wait3A_298 = arith.constant 0 : i32
      %dma_wait3A_299 = tpu.memref_slice %arg4[%add3A_296, %dma_wait3A_297, %dma_wait3A_298] : memref<79x2x128xi32, #tpu.memory_space<vmem>> -> memref<1x1x128xi32, #tpu.memory_space<vmem>>
      %dma_wait3A_300 = tpu.memref_squeeze %dma_wait3A_299 : memref<1x1x128xi32, #tpu.memory_space<vmem>> -> memref<128xi32, #tpu.memory_space<vmem>>
      %dma_wait3A_301 = arith.constant 0 : i32
      %dma_wait3A_302 = tpu.memref_slice %arg6[%dma_wait3A_301] : memref<10240xf32, #tpu.memory_space<vmem_shared>> -> memref<10240xf32, #tpu.memory_space<vmem_shared>>
      tpu.wait_indirect_dma semaphore(%arg7 : memref<!tpu.dma_semaphore, #tpu.memory_space<semaphore_mem>>) src(%arg5 : memref<128xf32, #tpu.memory_space<vmem>>) dst(%dma_wait3A_302 : memref<10240xf32, #tpu.memory_space<vmem_shared>>)
      %mul3A_303 = arith.constant 13 : i32
      %mul3A_304 = arith.muli %scan3A_134, %mul3A_303 : i32
      %add3A_305 = arith.constant 4 : i32
      %add3A_306 = arith.addi %mul3A_304, %add3A_305 : i32
      %dma_wait3A_307 = arith.constant 1 : i32
      %dma_wait3A_308 = arith.constant 0 : i32
      %dma_wait3A_309 = tpu.memref_slice %arg4[%add3A_306, %dma_wait3A_307, %dma_wait3A_308] : memref<79x2x128xi32, #tpu.memory_space<vmem>> -> memref<1x1x128xi32, #tpu.memory_space<vmem>>
      %dma_wait3A_310 = tpu.memref_squeeze %dma_wait3A_309 : memref<1x1x128xi32, #tpu.memory_space<vmem>> -> memref<128xi32, #tpu.memory_space<vmem>>
      %dma_wait3A_311 = arith.constant 0 : i32
      %dma_wait3A_312 = tpu.memref_slice %arg6[%dma_wait3A_311] : memref<10240xf32, #tpu.memory_space<vmem_shared>> -> memref<10240xf32, #tpu.memory_space<vmem_shared>>
      tpu.wait_indirect_dma semaphore(%arg7 : memref<!tpu.dma_semaphore, #tpu.memory_space<semaphore_mem>>) src(%arg5 : memref<128xf32, #tpu.memory_space<vmem>>) dst(%dma_wait3A_312 : memref<10240xf32, #tpu.memory_space<vmem_shared>>)
      %mul3A_313 = arith.constant 13 : i32
      %mul3A_314 = arith.muli %scan3A_134, %mul3A_313 : i32
      %add3A_315 = arith.constant 5 : i32
      %add3A_316 = arith.addi %mul3A_314, %add3A_315 : i32
      %dma_wait3A_317 = arith.constant 1 : i32
      %dma_wait3A_318 = arith.constant 0 : i32
      %dma_wait3A_319 = tpu.memref_slice %arg4[%add3A_316, %dma_wait3A_317, %dma_wait3A_318] : memref<79x2x128xi32, #tpu.memory_space<vmem>> -> memref<1x1x128xi32, #tpu.memory_space<vmem>>
      %dma_wait3A_320 = tpu.memref_squeeze %dma_wait3A_319 : memref<1x1x128xi32, #tpu.memory_space<vmem>> -> memref<128xi32, #tpu.memory_space<vmem>>
      %dma_wait3A_321 = arith.constant 0 : i32
      %dma_wait3A_322 = tpu.memref_slice %arg6[%dma_wait3A_321] : memref<10240xf32, #tpu.memory_space<vmem_shared>> -> memref<10240xf32, #tpu.memory_space<vmem_shared>>
      tpu.wait_indirect_dma semaphore(%arg7 : memref<!tpu.dma_semaphore, #tpu.memory_space<semaphore_mem>>) src(%arg5 : memref<128xf32, #tpu.memory_space<vmem>>) dst(%dma_wait3A_322 : memref<10240xf32, #tpu.memory_space<vmem_shared>>)
      %mul3A_323 = arith.constant 13 : i32
      %mul3A_324 = arith.muli %scan3A_134, %mul3A_323 : i32
      %add3A_325 = arith.constant 6 : i32
      %add3A_326 = arith.addi %mul3A_324, %add3A_325 : i32
      %dma_wait3A_327 = arith.constant 1 : i32
      %dma_wait3A_328 = arith.constant 0 : i32
      %dma_wait3A_329 = tpu.memref_slice %arg4[%add3A_326, %dma_wait3A_327, %dma_wait3A_328] : memref<79x2x128xi32, #tpu.memory_space<vmem>> -> memref<1x1x128xi32, #tpu.memory_space<vmem>>
      %dma_wait3A_330 = tpu.memref_squeeze %dma_wait3A_329 : memref<1x1x128xi32, #tpu.memory_space<vmem>> -> memref<128xi32, #tpu.memory_space<vmem>>
      %dma_wait3A_331 = arith.constant 0 : i32
      %dma_wait3A_332 = tpu.memref_slice %arg6[%dma_wait3A_331] : memref<10240xf32, #tpu.memory_space<vmem_shared>> -> memref<10240xf32, #tpu.memory_space<vmem_shared>>
      tpu.wait_indirect_dma semaphore(%arg7 : memref<!tpu.dma_semaphore, #tpu.memory_space<semaphore_mem>>) src(%arg5 : memref<128xf32, #tpu.memory_space<vmem>>) dst(%dma_wait3A_332 : memref<10240xf32, #tpu.memory_space<vmem_shared>>)
      %mul3A_333 = arith.constant 13 : i32
      %mul3A_334 = arith.muli %scan3A_134, %mul3A_333 : i32
      %add3A_335 = arith.constant 7 : i32
      %add3A_336 = arith.addi %mul3A_334, %add3A_335 : i32
      %dma_wait3A_337 = arith.constant 1 : i32
      %dma_wait3A_338 = arith.constant 0 : i32
      %dma_wait3A_339 = tpu.memref_slice %arg4[%add3A_336, %dma_wait3A_337, %dma_wait3A_338] : memref<79x2x128xi32, #tpu.memory_space<vmem>> -> memref<1x1x128xi32, #tpu.memory_space<vmem>>
      %dma_wait3A_340 = tpu.memref_squeeze %dma_wait3A_339 : memref<1x1x128xi32, #tpu.memory_space<vmem>> -> memref<128xi32, #tpu.memory_space<vmem>>
      %dma_wait3A_341 = arith.constant 0 : i32
      %dma_wait3A_342 = tpu.memref_slice %arg6[%dma_wait3A_341] : memref<10240xf32, #tpu.memory_space<vmem_shared>> -> memref<10240xf32, #tpu.memory_space<vmem_shared>>
      tpu.wait_indirect_dma semaphore(%arg7 : memref<!tpu.dma_semaphore, #tpu.memory_space<semaphore_mem>>) src(%arg5 : memref<128xf32, #tpu.memory_space<vmem>>) dst(%dma_wait3A_342 : memref<10240xf32, #tpu.memory_space<vmem_shared>>)
      %mul3A_343 = arith.constant 13 : i32
      %mul3A_344 = arith.muli %scan3A_134, %mul3A_343 : i32
      %add3A_345 = arith.constant 8 : i32
      %add3A_346 = arith.addi %mul3A_344, %add3A_345 : i32
      %dma_wait3A_347 = arith.constant 1 : i32
      %dma_wait3A_348 = arith.constant 0 : i32
      %dma_wait3A_349 = tpu.memref_slice %arg4[%add3A_346, %dma_wait3A_347, %dma_wait3A_348] : memref<79x2x128xi32, #tpu.memory_space<vmem>> -> memref<1x1x128xi32, #tpu.memory_space<vmem>>
      %dma_wait3A_350 = tpu.memref_squeeze %dma_wait3A_349 : memref<1x1x128xi32, #tpu.memory_space<vmem>> -> memref<128xi32, #tpu.memory_space<vmem>>
      %dma_wait3A_351 = arith.constant 0 : i32
      %dma_wait3A_352 = tpu.memref_slice %arg6[%dma_wait3A_351] : memref<10240xf32, #tpu.memory_space<vmem_shared>> -> memref<10240xf32, #tpu.memory_space<vmem_shared>>
      tpu.wait_indirect_dma semaphore(%arg7 : memref<!tpu.dma_semaphore, #tpu.memory_space<semaphore_mem>>) src(%arg5 : memref<128xf32, #tpu.memory_space<vmem>>) dst(%dma_wait3A_352 : memref<10240xf32, #tpu.memory_space<vmem_shared>>)
      %mul3A_353 = arith.constant 13 : i32
      %mul3A_354 = arith.muli %scan3A_134, %mul3A_353 : i32
      %add3A_355 = arith.constant 9 : i32
      %add3A_356 = arith.addi %mul3A_354, %add3A_355 : i32
      %dma_wait3A_357 = arith.constant 1 : i32
      %dma_wait3A_358 = arith.constant 0 : i32
      %dma_wait3A_359 = tpu.memref_slice %arg4[%add3A_356, %dma_wait3A_357, %dma_wait3A_358] : memref<79x2x128xi32, #tpu.memory_space<vmem>> -> memref<1x1x128xi32, #tpu.memory_space<vmem>>
      %dma_wait3A_360 = tpu.memref_squeeze %dma_wait3A_359 : memref<1x1x128xi32, #tpu.memory_space<vmem>> -> memref<128xi32, #tpu.memory_space<vmem>>
      %dma_wait3A_361 = arith.constant 0 : i32
      %dma_wait3A_362 = tpu.memref_slice %arg6[%dma_wait3A_361] : memref<10240xf32, #tpu.memory_space<vmem_shared>> -> memref<10240xf32, #tpu.memory_space<vmem_shared>>
      tpu.wait_indirect_dma semaphore(%arg7 : memref<!tpu.dma_semaphore, #tpu.memory_space<semaphore_mem>>) src(%arg5 : memref<128xf32, #tpu.memory_space<vmem>>) dst(%dma_wait3A_362 : memref<10240xf32, #tpu.memory_space<vmem_shared>>)
      %mul3A_363 = arith.constant 13 : i32
      %mul3A_364 = arith.muli %scan3A_134, %mul3A_363 : i32
      %add3A_365 = arith.constant 10 : i32
      %add3A_366 = arith.addi %mul3A_364, %add3A_365 : i32
      %dma_wait3A_367 = arith.constant 1 : i32
      %dma_wait3A_368 = arith.constant 0 : i32
      %dma_wait3A_369 = tpu.memref_slice %arg4[%add3A_366, %dma_wait3A_367, %dma_wait3A_368] : memref<79x2x128xi32, #tpu.memory_space<vmem>> -> memref<1x1x128xi32, #tpu.memory_space<vmem>>
      %dma_wait3A_370 = tpu.memref_squeeze %dma_wait3A_369 : memref<1x1x128xi32, #tpu.memory_space<vmem>> -> memref<128xi32, #tpu.memory_space<vmem>>
      %dma_wait3A_371 = arith.constant 0 : i32
      %dma_wait3A_372 = tpu.memref_slice %arg6[%dma_wait3A_371] : memref<10240xf32, #tpu.memory_space<vmem_shared>> -> memref<10240xf32, #tpu.memory_space<vmem_shared>>
      tpu.wait_indirect_dma semaphore(%arg7 : memref<!tpu.dma_semaphore, #tpu.memory_space<semaphore_mem>>) src(%arg5 : memref<128xf32, #tpu.memory_space<vmem>>) dst(%dma_wait3A_372 : memref<10240xf32, #tpu.memory_space<vmem_shared>>)
      %mul3A_373 = arith.constant 13 : i32
      %mul3A_374 = arith.muli %scan3A_134, %mul3A_373 : i32
      %add3A_375 = arith.constant 11 : i32
      %add3A_376 = arith.addi %mul3A_374, %add3A_375 : i32
      %dma_wait3A_377 = arith.constant 1 : i32
      %dma_wait3A_378 = arith.constant 0 : i32
      %dma_wait3A_379 = tpu.memref_slice %arg4[%add3A_376, %dma_wait3A_377, %dma_wait3A_378] : memref<79x2x128xi32, #tpu.memory_space<vmem>> -> memref<1x1x128xi32, #tpu.memory_space<vmem>>
      %dma_wait3A_380 = tpu.memref_squeeze %dma_wait3A_379 : memref<1x1x128xi32, #tpu.memory_space<vmem>> -> memref<128xi32, #tpu.memory_space<vmem>>
      %dma_wait3A_381 = arith.constant 0 : i32
      %dma_wait3A_382 = tpu.memref_slice %arg6[%dma_wait3A_381] : memref<10240xf32, #tpu.memory_space<vmem_shared>> -> memref<10240xf32, #tpu.memory_space<vmem_shared>>
      tpu.wait_indirect_dma semaphore(%arg7 : memref<!tpu.dma_semaphore, #tpu.memory_space<semaphore_mem>>) src(%arg5 : memref<128xf32, #tpu.memory_space<vmem>>) dst(%dma_wait3A_382 : memref<10240xf32, #tpu.memory_space<vmem_shared>>)
      %mul3A_383 = arith.constant 13 : i32
      %mul3A_384 = arith.muli %scan3A_134, %mul3A_383 : i32
      %add3A_385 = arith.constant 12 : i32
      %add3A_386 = arith.addi %mul3A_384, %add3A_385 : i32
      %dma_wait3A_387 = arith.constant 1 : i32
      %dma_wait3A_388 = arith.constant 0 : i32
      %dma_wait3A_389 = tpu.memref_slice %arg4[%add3A_386, %dma_wait3A_387, %dma_wait3A_388] : memref<79x2x128xi32, #tpu.memory_space<vmem>> -> memref<1x1x128xi32, #tpu.memory_space<vmem>>
      %dma_wait3A_390 = tpu.memref_squeeze %dma_wait3A_389 : memref<1x1x128xi32, #tpu.memory_space<vmem>> -> memref<128xi32, #tpu.memory_space<vmem>>
      %dma_wait3A_391 = arith.constant 0 : i32
      %dma_wait3A_392 = tpu.memref_slice %arg6[%dma_wait3A_391] : memref<10240xf32, #tpu.memory_space<vmem_shared>> -> memref<10240xf32, #tpu.memory_space<vmem_shared>>
      tpu.wait_indirect_dma semaphore(%arg7 : memref<!tpu.dma_semaphore, #tpu.memory_space<semaphore_mem>>) src(%arg5 : memref<128xf32, #tpu.memory_space<vmem>>) dst(%dma_wait3A_392 : memref<10240xf32, #tpu.memory_space<vmem_shared>>)
    }
    %scan3A_125 = arith.constant 6 : i32
    %convert_element_type3A_126 = arith.extui %lt3A_1 : i1 to i32
    %cond3A_127 = arith.constant 0 : i32
    %cond3A_128 = arith.cmpi ne, %convert_element_type3A_126, %cond3A_127 : i32
    scf.if %cond3A_128 {
      %dma_start3A = arith.constant 78 : i32
      %dma_start3A_134 = arith.constant 1 : i32
      %dma_start3A_135 = arith.constant 0 : i32
      %dma_start3A_136 = tpu.memref_slice %arg4[%dma_start3A, %dma_start3A_134, %dma_start3A_135] : memref<79x2x128xi32, #tpu.memory_space<vmem>> -> memref<1x1x128xi32, #tpu.memory_space<vmem>>
      %dma_start3A_137 = tpu.memref_squeeze %dma_start3A_136 : memref<1x1x128xi32, #tpu.memory_space<vmem>> -> memref<128xi32, #tpu.memory_space<vmem>>
      %dma_start3A_138 = arith.constant 0 : i32
      %dma_start3A_139 = tpu.memref_slice %arg6[%dma_start3A_138] : memref<10240xf32, #tpu.memory_space<vmem_shared>> -> memref<10240xf32, #tpu.memory_space<vmem_shared>>
      tpu.enqueue_indirect_dma source(%arg5 : memref<128xf32, #tpu.memory_space<vmem>>) target(%dma_start3A_139 : memref<10240xf32, #tpu.memory_space<vmem_shared>>) offsets(%dma_start3A_137 : memref<128xi32, #tpu.memory_space<vmem>>) semaphore(%arg7 : memref<!tpu.dma_semaphore, #tpu.memory_space<semaphore_mem>>) {add = true}
      %dma_wait3A = arith.constant 78 : i32
      %dma_wait3A_140 = arith.constant 1 : i32
      %dma_wait3A_141 = arith.constant 0 : i32
      %dma_wait3A_142 = tpu.memref_slice %arg4[%dma_wait3A, %dma_wait3A_140, %dma_wait3A_141] : memref<79x2x128xi32, #tpu.memory_space<vmem>> -> memref<1x1x128xi32, #tpu.memory_space<vmem>>
      %dma_wait3A_143 = tpu.memref_squeeze %dma_wait3A_142 : memref<1x1x128xi32, #tpu.memory_space<vmem>> -> memref<128xi32, #tpu.memory_space<vmem>>
      %dma_wait3A_144 = arith.constant 0 : i32
      %dma_wait3A_145 = tpu.memref_slice %arg6[%dma_wait3A_144] : memref<10240xf32, #tpu.memory_space<vmem_shared>> -> memref<10240xf32, #tpu.memory_space<vmem_shared>>
      tpu.wait_indirect_dma semaphore(%arg7 : memref<!tpu.dma_semaphore, #tpu.memory_space<semaphore_mem>>) src(%arg5 : memref<128xf32, #tpu.memory_space<vmem>>) dst(%dma_wait3A_145 : memref<10240xf32, #tpu.memory_space<vmem_shared>>)
    } else {
    }
    %barrier3A_129 = arith.constant 0 : index
    tpu.barrier barrier_id(%barrier3A_129)
    %mul3A_130 = arith.constant 640 : i32
    %mul3A_131 = arith.muli %arg1, %mul3A_130 : i32
    %mul3A_132 = arith.constant 640 : i32
    %mul3A_133 = arith.muli %arg1, %mul3A_132 : i32
    "tpu.region"() ({
      %run_scoped3A = tpu.sem_alloc : memref<!tpu.dma_semaphore, #tpu.memory_space<semaphore_mem>>
      %dma_start3A = tpu.memref_slice %arg3[%arg0, %mul3A_133] : memref<2x10240xf32, #tpu.memory_space<hbm>> -> memref<1x640xf32, #tpu.memory_space<hbm>>
      %dma_start3A_134 = tpu.memref_squeeze %dma_start3A : memref<1x640xf32, #tpu.memory_space<hbm>> -> memref<640xf32, #tpu.memory_space<hbm>>
      %dma_start3A_135 = tpu.memref_slice %arg6[%mul3A_131] : memref<10240xf32, #tpu.memory_space<vmem_shared>> -> memref<640xf32, #tpu.memory_space<vmem_shared>>
      tpu.enqueue_dma source(%dma_start3A_135 : memref<640xf32, #tpu.memory_space<vmem_shared>>) target(%dma_start3A_134 : memref<640xf32, #tpu.memory_space<hbm>>) target_semaphore(%run_scoped3A : memref<!tpu.dma_semaphore, #tpu.memory_space<semaphore_mem>>)
      %dma_wait3A = tpu.memref_slice %arg3[%arg0, %mul3A_133] : memref<2x10240xf32, #tpu.memory_space<hbm>> -> memref<1x640xf32, #tpu.memory_space<hbm>>
      %dma_wait3A_136 = tpu.memref_squeeze %dma_wait3A : memref<1x640xf32, #tpu.memory_space<hbm>> -> memref<640xf32, #tpu.memory_space<hbm>>
      %dma_wait3A_137 = tpu.memref_slice %arg6[%mul3A_131] : memref<10240xf32, #tpu.memory_space<vmem_shared>> -> memref<640xf32, #tpu.memory_space<vmem_shared>>
      tpu.wait_dma2 semaphore(%run_scoped3A : memref<!tpu.dma_semaphore, #tpu.memory_space<semaphore_mem>>) src(%dma_wait3A_137 : memref<640xf32, #tpu.memory_space<vmem_shared>>) dst(%dma_wait3A_136 : memref<640xf32, #tpu.memory_space<hbm>>)
      tpu.yield
    }) : () -> ()
    return
  }
}

#map = affine_map<(d0, d1) -> (0, 0)>
#map1 = affine_map<(d0, d1) -> (0, 0, 0)>
module attributes {stable_mosaic.version = 14 : i64} {
  func.func @k(%arg0: i32, %arg1: i32, %arg2: memref<10000x32xf32, #tpu.memory_space<hbm>>, %arg3: memref<2500x2x128xi32, #tpu.memory_space<hbm>>, %arg4: memref<2x10240x32xf32, #tpu.memory_space<hbm>>, %arg5: memref<79x2x128xi32, #tpu.memory_space<vmem>>, %arg6: memref<4x128x32xf32, #tpu.memory_space<vmem>>, %arg7: memref<10240x32xf32, #tpu.memory_space<vmem_shared>>, %arg8: memref<!tpu.dma_semaphore, #tpu.memory_space<semaphore_mem>>, %arg9: memref<!tpu.dma_semaphore, #tpu.memory_space<semaphore_mem>>, %arg10: memref<!tpu.dma_semaphore, #tpu.memory_space<semaphore_mem>>, %arg11: memref<!tpu.dma_semaphore, #tpu.memory_space<semaphore_mem>>, %arg12: memref<!tpu.dma_semaphore, #tpu.memory_space<semaphore_mem>>, %arg13: memref<!tpu.dma_semaphore, #tpu.memory_space<semaphore_mem>>, %arg14: memref<!tpu.dma_semaphore, #tpu.memory_space<semaphore_mem>>, %arg15: memref<!tpu.dma_semaphore, #tpu.memory_space<semaphore_mem>>) attributes {dimension_semantics = [#tpu.dimension_semantics<core_parallel>, #tpu.dimension_semantics<subcore_parallel>], iteration_bounds = array<i64: 2, 16>, scalar_prefetch = 0 : i64, scratch_operands = 11 : i64, tpu.core_type = #tpu.core_type<sc_vector_subcore>, window_params = [{transform_indices = #map}, {transform_indices = #map1}, {transform_indices = #map1}]} {
    %mul3A = arith.constant 2 : i32
    %mul3A_0 = arith.muli %arg1, %mul3A : i32
    %add3A = arith.addi %mul3A_0, %arg0 : i32
    %lt3A = arith.constant 4 : i32
    %lt3A_1 = arith.cmpi slt, %add3A, %lt3A : i32
    %convert_element_type3A = arith.extui %lt3A_1 : i1 to i32
    %add3A_2 = arith.constant 78 : i32
    %add3A_3 = arith.addi %add3A_2, %convert_element_type3A : i32
    %mul3A_4 = arith.constant 78 : i32
    %mul3A_5 = arith.muli %mul3A_4, %add3A : i32
    %min3A = arith.constant 4 : i32
    %min3A_6 = arith.minsi %add3A, %min3A : i32
    %add3A_7 = arith.addi %mul3A_5, %min3A_6 : i32
    "tpu.region"() ({
      %run_scoped3A_109 = tpu.sem_alloc : memref<!tpu.dma_semaphore, #tpu.memory_space<semaphore_mem>>
      %dma_start3A_110 = arith.constant 0 : i32
      %dma_start3A_111 = arith.constant 0 : i32
      %dma_start3A_112 = arith.constant 0 : i32
      %dma_start3A_113 = tpu.memref_slice %arg5[%dma_start3A_110, %dma_start3A_111, %dma_start3A_112] : memref<79x2x128xi32, #tpu.memory_space<vmem>> -> memref<78x2x128xi32, #tpu.memory_space<vmem>>
      %dma_start3A_114 = arith.constant 0 : i32
      %dma_start3A_115 = arith.constant 0 : i32
      %dma_start3A_116 = tpu.memref_slice %arg3[%add3A_7, %dma_start3A_114, %dma_start3A_115] : memref<2500x2x128xi32, #tpu.memory_space<hbm>> -> memref<78x2x128xi32, #tpu.memory_space<hbm>>
      %dma_start3A_117 = arith.constant 0 : i32
      %dma_start3A_118 = arith.constant 0 : i32
      %dma_start3A_119 = arith.constant 0 : i32
      %dma_start3A_120 = tpu.memref_slice %arg5[%dma_start3A_117, %dma_start3A_118, %dma_start3A_119] : memref<79x2x128xi32, #tpu.memory_space<vmem>> -> memref<78x2x128xi32, #tpu.memory_space<vmem>>
      %dma_start3A_121 = arith.constant 0 : i32
      %dma_start3A_122 = arith.constant 0 : i32
      %dma_start3A_123 = tpu.memref_slice %arg3[%add3A_7, %dma_start3A_121, %dma_start3A_122] : memref<2500x2x128xi32, #tpu.memory_space<hbm>> -> memref<78x2x128xi32, #tpu.memory_space<hbm>>
      tpu.enqueue_dma source(%dma_start3A_123 : memref<78x2x128xi32, #tpu.memory_space<hbm>>) target(%dma_start3A_120 : memref<78x2x128xi32, #tpu.memory_space<vmem>>) target_semaphore(%run_scoped3A_109 : memref<!tpu.dma_semaphore, #tpu.memory_space<semaphore_mem>>)
      %dma_wait3A = arith.constant 0 : i32
      %dma_wait3A_124 = arith.constant 0 : i32
      %dma_wait3A_125 = arith.constant 0 : i32
      %dma_wait3A_126 = tpu.memref_slice %arg5[%dma_wait3A, %dma_wait3A_124, %dma_wait3A_125] : memref<79x2x128xi32, #tpu.memory_space<vmem>> -> memref<78x2x128xi32, #tpu.memory_space<vmem>>
      %dma_wait3A_127 = arith.constant 0 : i32
      %dma_wait3A_128 = arith.constant 0 : i32
      %dma_wait3A_129 = tpu.memref_slice %arg3[%add3A_7, %dma_wait3A_127, %dma_wait3A_128] : memref<2500x2x128xi32, #tpu.memory_space<hbm>> -> memref<78x2x128xi32, #tpu.memory_space<hbm>>
      %dma_wait3A_130 = arith.constant 0 : i32
      %dma_wait3A_131 = arith.constant 0 : i32
      %dma_wait3A_132 = arith.constant 0 : i32
      %dma_wait3A_133 = tpu.memref_slice %arg5[%dma_wait3A_130, %dma_wait3A_131, %dma_wait3A_132] : memref<79x2x128xi32, #tpu.memory_space<vmem>> -> memref<78x2x128xi32, #tpu.memory_space<vmem>>
      %dma_wait3A_134 = arith.constant 0 : i32
      %dma_wait3A_135 = arith.constant 0 : i32
      %dma_wait3A_136 = tpu.memref_slice %arg3[%add3A_7, %dma_wait3A_134, %dma_wait3A_135] : memref<2500x2x128xi32, #tpu.memory_space<hbm>> -> memref<78x2x128xi32, #tpu.memory_space<hbm>>
      tpu.wait_dma2 semaphore(%run_scoped3A_109 : memref<!tpu.dma_semaphore, #tpu.memory_space<semaphore_mem>>) src(%dma_wait3A_136 : memref<78x2x128xi32, #tpu.memory_space<hbm>>) dst(%dma_wait3A_133 : memref<78x2x128xi32, #tpu.memory_space<vmem>>)
      tpu.yield
    }) : () -> ()
    %convert_element_type3A_8 = arith.extui %lt3A_1 : i1 to i32
    %cond3A = arith.constant 0 : i32
    %cond3A_9 = arith.cmpi ne, %convert_element_type3A_8, %cond3A : i32
    scf.if %cond3A_9 {
      %add3A_109 = arith.constant 78 : i32
      %add3A_110 = arith.addi %add3A_7, %add3A_109 : i32
      "tpu.region"() ({
        %run_scoped3A_111 = tpu.sem_alloc : memref<!tpu.dma_semaphore, #tpu.memory_space<semaphore_mem>>
        %dma_start3A_112 = arith.constant 78 : i32
        %dma_start3A_113 = arith.constant 0 : i32
        %dma_start3A_114 = arith.constant 0 : i32
        %dma_start3A_115 = tpu.memref_slice %arg5[%dma_start3A_112, %dma_start3A_113, %dma_start3A_114] : memref<79x2x128xi32, #tpu.memory_space<vmem>> -> memref<1x2x128xi32, #tpu.memory_space<vmem>>
        %dma_start3A_116 = arith.constant 0 : i32
        %dma_start3A_117 = arith.constant 0 : i32
        %dma_start3A_118 = tpu.memref_slice %arg3[%add3A_110, %dma_start3A_116, %dma_start3A_117] : memref<2500x2x128xi32, #tpu.memory_space<hbm>> -> memref<1x2x128xi32, #tpu.memory_space<hbm>>
        %dma_start3A_119 = arith.constant 78 : i32
        %dma_start3A_120 = arith.constant 0 : i32
        %dma_start3A_121 = arith.constant 0 : i32
        %dma_start3A_122 = tpu.memref_slice %arg5[%dma_start3A_119, %dma_start3A_120, %dma_start3A_121] : memref<79x2x128xi32, #tpu.memory_space<vmem>> -> memref<1x2x128xi32, #tpu.memory_space<vmem>>
        %dma_start3A_123 = arith.constant 0 : i32
        %dma_start3A_124 = arith.constant 0 : i32
        %dma_start3A_125 = tpu.memref_slice %arg3[%add3A_110, %dma_start3A_123, %dma_start3A_124] : memref<2500x2x128xi32, #tpu.memory_space<hbm>> -> memref<1x2x128xi32, #tpu.memory_space<hbm>>
        tpu.enqueue_dma source(%dma_start3A_125 : memref<1x2x128xi32, #tpu.memory_space<hbm>>) target(%dma_start3A_122 : memref<1x2x128xi32, #tpu.memory_space<vmem>>) target_semaphore(%run_scoped3A_111 : memref<!tpu.dma_semaphore, #tpu.memory_space<semaphore_mem>>)
        %dma_wait3A = arith.constant 78 : i32
        %dma_wait3A_126 = arith.constant 0 : i32
        %dma_wait3A_127 = arith.constant 0 : i32
        %dma_wait3A_128 = tpu.memref_slice %arg5[%dma_wait3A, %dma_wait3A_126, %dma_wait3A_127] : memref<79x2x128xi32, #tpu.memory_space<vmem>> -> memref<1x2x128xi32, #tpu.memory_space<vmem>>
        %dma_wait3A_129 = arith.constant 0 : i32
        %dma_wait3A_130 = arith.constant 0 : i32
        %dma_wait3A_131 = tpu.memref_slice %arg3[%add3A_110, %dma_wait3A_129, %dma_wait3A_130] : memref<2500x2x128xi32, #tpu.memory_space<hbm>> -> memref<1x2x128xi32, #tpu.memory_space<hbm>>
        %dma_wait3A_132 = arith.constant 78 : i32
        %dma_wait3A_133 = arith.constant 0 : i32
        %dma_wait3A_134 = arith.constant 0 : i32
        %dma_wait3A_135 = tpu.memref_slice %arg5[%dma_wait3A_132, %dma_wait3A_133, %dma_wait3A_134] : memref<79x2x128xi32, #tpu.memory_space<vmem>> -> memref<1x2x128xi32, #tpu.memory_space<vmem>>
        %dma_wait3A_136 = arith.constant 0 : i32
        %dma_wait3A_137 = arith.constant 0 : i32
        %dma_wait3A_138 = tpu.memref_slice %arg3[%add3A_110, %dma_wait3A_136, %dma_wait3A_137] : memref<2500x2x128xi32, #tpu.memory_space<hbm>> -> memref<1x2x128xi32, #tpu.memory_space<hbm>>
        tpu.wait_dma2 semaphore(%run_scoped3A_111 : memref<!tpu.dma_semaphore, #tpu.memory_space<semaphore_mem>>) src(%dma_wait3A_138 : memref<1x2x128xi32, #tpu.memory_space<hbm>>) dst(%dma_wait3A_135 : memref<1x2x128xi32, #tpu.memory_space<vmem>>)
        tpu.yield
      }) : () -> ()
    } else {
    }
    %broadcast_in_dim3A = arith.constant 0.000000e+00 : f32
    %broadcast_in_dim3A_10 = vector.broadcast %broadcast_in_dim3A : f32 to vector<16xf32>
    %scan3A = arith.constant 0 : i32
    %scan3A_11 = arith.constant 0 : i32
    %scan3A_12 = arith.constant 128 : i32
    %scan3A_13 = arith.addi %scan3A_11, %scan3A_12 : i32
    %scan3A_14 = arith.constant 1 : i32
    scf.for %scan3A_109 = %scan3A_11 to %scan3A_13 step %scan3A_14  : i32 {
      %swap3A = arith.constant 0 : i32
      %swap3A_110 = arith.index_cast %swap3A : i32 to index
      %swap3A_111 = arith.index_cast %scan3A_109 : i32 to index
      %swap3A_112 = arith.constant 0 : index
      %swap3A_113 = tpu.vector_load %arg6[%swap3A_110, %swap3A_111, %swap3A_112] {strides = array<i32>} : memref<4x128x32xf32, #tpu.memory_space<vmem>>, vector<1x1x16xf32>,
      %swap3A_114 = vector.shape_cast %swap3A_113 : vector<1x1x16xf32> to vector<16xf32>
      %swap3A_115 = vector.shape_cast %broadcast_in_dim3A_10 : vector<16xf32> to vector<1x1x16xf32>
      tpu.vector_store %arg6[%swap3A_110, %swap3A_111, %swap3A_112], %swap3A_115 {strides = array<i32>} : memref<4x128x32xf32, #tpu.memory_space<vmem>>, vector<1x1x16xf32>,
      %swap3A_116 = arith.constant 0 : i32
      %swap3A_117 = arith.index_cast %swap3A_116 : i32 to index
      %swap3A_118 = arith.index_cast %scan3A_109 : i32 to index
      %swap3A_119 = arith.constant 16 : index
      %swap3A_120 = tpu.vector_load %arg6[%swap3A_117, %swap3A_118, %swap3A_119] {strides = array<i32>} : memref<4x128x32xf32, #tpu.memory_space<vmem>>, vector<1x1x16xf32>,
      %swap3A_121 = vector.shape_cast %swap3A_120 : vector<1x1x16xf32> to vector<16xf32>
      %swap3A_122 = vector.shape_cast %broadcast_in_dim3A_10 : vector<16xf32> to vector<1x1x16xf32>
      tpu.vector_store %arg6[%swap3A_117, %swap3A_118, %swap3A_119], %swap3A_122 {strides = array<i32>} : memref<4x128x32xf32, #tpu.memory_space<vmem>>, vector<1x1x16xf32>,
    }
    %scan3A_15 = arith.constant 128 : i32
    %mul3A_16 = arith.constant 640 : i32
    %mul3A_17 = arith.muli %arg1, %mul3A_16 : i32
    %add3A_18 = arith.constant 0 : i32
    %add3A_19 = arith.addi %mul3A_17, %add3A_18 : i32
    %run_scoped3A = arith.constant 0 : i32
    "tpu.region"() ({
      %run_scoped3A_109 = tpu.sem_alloc : memref<!tpu.dma_semaphore, #tpu.memory_space<semaphore_mem>>
      %dma_start3A_110 = arith.constant 0 : i32
      %dma_start3A_111 = arith.constant 0 : i32
      %dma_start3A_112 = tpu.memref_slice %arg6[%run_scoped3A, %dma_start3A_110, %dma_start3A_111] : memref<4x128x32xf32, #tpu.memory_space<vmem>> -> memref<1x128x32xf32, #tpu.memory_space<vmem>>
      %dma_start3A_113 = tpu.memref_squeeze %dma_start3A_112 : memref<1x128x32xf32, #tpu.memory_space<vmem>> -> memref<128x32xf32, #tpu.memory_space<vmem>>
      %dma_start3A_114 = arith.constant 0 : i32
      %dma_start3A_115 = tpu.memref_slice %arg7[%add3A_19, %dma_start3A_114] : memref<10240x32xf32, #tpu.memory_space<vmem_shared>> -> memref<128x32xf32, #tpu.memory_space<vmem_shared>>
      %dma_start3A_116 = arith.constant 0 : i32
      %dma_start3A_117 = tpu.memref_slice %arg7[%add3A_19, %dma_start3A_116] : memref<10240x32xf32, #tpu.memory_space<vmem_shared>> -> memref<128x32xf32, #tpu.memory_space<vmem_shared>>
      %dma_start3A_118 = arith.constant 0 : i32
      %dma_start3A_119 = arith.constant 0 : i32
      %dma_start3A_120 = tpu.memref_slice %arg6[%run_scoped3A, %dma_start3A_118, %dma_start3A_119] : memref<4x128x32xf32, #tpu.memory_space<vmem>> -> memref<1x128x32xf32, #tpu.memory_space<vmem>>
      %dma_start3A_121 = tpu.memref_squeeze %dma_start3A_120 : memref<1x128x32xf32, #tpu.memory_space<vmem>> -> memref<128x32xf32, #tpu.memory_space<vmem>>
      tpu.enqueue_dma source(%dma_start3A_121 : memref<128x32xf32, #tpu.memory_space<vmem>>) target(%dma_start3A_117 : memref<128x32xf32, #tpu.memory_space<vmem_shared>>) target_semaphore(%run_scoped3A_109 : memref<!tpu.dma_semaphore, #tpu.memory_space<semaphore_mem>>)
      %dma_wait3A = arith.constant 0 : i32
      %dma_wait3A_122 = arith.constant 0 : i32
      %dma_wait3A_123 = tpu.memref_slice %arg6[%run_scoped3A, %dma_wait3A, %dma_wait3A_122] : memref<4x128x32xf32, #tpu.memory_space<vmem>> -> memref<1x128x32xf32, #tpu.memory_space<vmem>>
      %dma_wait3A_124 = tpu.memref_squeeze %dma_wait3A_123 : memref<1x128x32xf32, #tpu.memory_space<vmem>> -> memref<128x32xf32, #tpu.memory_space<vmem>>
      %dma_wait3A_125 = arith.constant 0 : i32
      %dma_wait3A_126 = tpu.memref_slice %arg7[%add3A_19, %dma_wait3A_125] : memref<10240x32xf32, #tpu.memory_space<vmem_shared>> -> memref<128x32xf32, #tpu.memory_space<vmem_shared>>
      %dma_wait3A_127 = arith.constant 0 : i32
      %dma_wait3A_128 = tpu.memref_slice %arg7[%add3A_19, %dma_wait3A_127] : memref<10240x32xf32, #tpu.memory_space<vmem_shared>> -> memref<128x32xf32, #tpu.memory_space<vmem_shared>>
      %dma_wait3A_129 = arith.constant 0 : i32
      %dma_wait3A_130 = arith.constant 0 : i32
      %dma_wait3A_131 = tpu.memref_slice %arg6[%run_scoped3A, %dma_wait3A_129, %dma_wait3A_130] : memref<4x128x32xf32, #tpu.memory_space<vmem>> -> memref<1x128x32xf32, #tpu.memory_space<vmem>>
      %dma_wait3A_132 = tpu.memref_squeeze %dma_wait3A_131 : memref<1x128x32xf32, #tpu.memory_space<vmem>> -> memref<128x32xf32, #tpu.memory_space<vmem>>
      tpu.wait_dma2 semaphore(%run_scoped3A_109 : memref<!tpu.dma_semaphore, #tpu.memory_space<semaphore_mem>>) src(%dma_wait3A_132 : memref<128x32xf32, #tpu.memory_space<vmem>>) dst(%dma_wait3A_128 : memref<128x32xf32, #tpu.memory_space<vmem_shared>>)
      tpu.yield
    }) : () -> ()
    %mul3A_20 = arith.constant 640 : i32
    %mul3A_21 = arith.muli %arg1, %mul3A_20 : i32
    %add3A_22 = arith.constant 128 : i32
    %add3A_23 = arith.addi %mul3A_21, %add3A_22 : i32
    %run_scoped3A_24 = arith.constant 0 : i32
    "tpu.region"() ({
      %run_scoped3A_109 = tpu.sem_alloc : memref<!tpu.dma_semaphore, #tpu.memory_space<semaphore_mem>>
      %dma_start3A_110 = arith.constant 0 : i32
      %dma_start3A_111 = arith.constant 0 : i32
      %dma_start3A_112 = tpu.memref_slice %arg6[%run_scoped3A_24, %dma_start3A_110, %dma_start3A_111] : memref<4x128x32xf32, #tpu.memory_space<vmem>> -> memref<1x128x32xf32, #tpu.memory_space<vmem>>
      %dma_start3A_113 = tpu.memref_squeeze %dma_start3A_112 : memref<1x128x32xf32, #tpu.memory_space<vmem>> -> memref<128x32xf32, #tpu.memory_space<vmem>>
      %dma_start3A_114 = arith.constant 0 : i32
      %dma_start3A_115 = tpu.memref_slice %arg7[%add3A_23, %dma_start3A_114] : memref<10240x32xf32, #tpu.memory_space<vmem_shared>> -> memref<128x32xf32, #tpu.memory_space<vmem_shared>>
      %dma_start3A_116 = arith.constant 0 : i32
      %dma_start3A_117 = tpu.memref_slice %arg7[%add3A_23, %dma_start3A_116] : memref<10240x32xf32, #tpu.memory_space<vmem_shared>> -> memref<128x32xf32, #tpu.memory_space<vmem_shared>>
      %dma_start3A_118 = arith.constant 0 : i32
      %dma_start3A_119 = arith.constant 0 : i32
      %dma_start3A_120 = tpu.memref_slice %arg6[%run_scoped3A_24, %dma_start3A_118, %dma_start3A_119] : memref<4x128x32xf32, #tpu.memory_space<vmem>> -> memref<1x128x32xf32, #tpu.memory_space<vmem>>
      %dma_start3A_121 = tpu.memref_squeeze %dma_start3A_120 : memref<1x128x32xf32, #tpu.memory_space<vmem>> -> memref<128x32xf32, #tpu.memory_space<vmem>>
      tpu.enqueue_dma source(%dma_start3A_121 : memref<128x32xf32, #tpu.memory_space<vmem>>) target(%dma_start3A_117 : memref<128x32xf32, #tpu.memory_space<vmem_shared>>) target_semaphore(%run_scoped3A_109 : memref<!tpu.dma_semaphore, #tpu.memory_space<semaphore_mem>>)
      %dma_wait3A = arith.constant 0 : i32
      %dma_wait3A_122 = arith.constant 0 : i32
      %dma_wait3A_123 = tpu.memref_slice %arg6[%run_scoped3A_24, %dma_wait3A, %dma_wait3A_122] : memref<4x128x32xf32, #tpu.memory_space<vmem>> -> memref<1x128x32xf32, #tpu.memory_space<vmem>>
      %dma_wait3A_124 = tpu.memref_squeeze %dma_wait3A_123 : memref<1x128x32xf32, #tpu.memory_space<vmem>> -> memref<128x32xf32, #tpu.memory_space<vmem>>
      %dma_wait3A_125 = arith.constant 0 : i32
      %dma_wait3A_126 = tpu.memref_slice %arg7[%add3A_23, %dma_wait3A_125] : memref<10240x32xf32, #tpu.memory_space<vmem_shared>> -> memref<128x32xf32, #tpu.memory_space<vmem_shared>>
      %dma_wait3A_127 = arith.constant 0 : i32
      %dma_wait3A_128 = tpu.memref_slice %arg7[%add3A_23, %dma_wait3A_127] : memref<10240x32xf32, #tpu.memory_space<vmem_shared>> -> memref<128x32xf32, #tpu.memory_space<vmem_shared>>
      %dma_wait3A_129 = arith.constant 0 : i32
      %dma_wait3A_130 = arith.constant 0 : i32
      %dma_wait3A_131 = tpu.memref_slice %arg6[%run_scoped3A_24, %dma_wait3A_129, %dma_wait3A_130] : memref<4x128x32xf32, #tpu.memory_space<vmem>> -> memref<1x128x32xf32, #tpu.memory_space<vmem>>
      %dma_wait3A_132 = tpu.memref_squeeze %dma_wait3A_131 : memref<1x128x32xf32, #tpu.memory_space<vmem>> -> memref<128x32xf32, #tpu.memory_space<vmem>>
      tpu.wait_dma2 semaphore(%run_scoped3A_109 : memref<!tpu.dma_semaphore, #tpu.memory_space<semaphore_mem>>) src(%dma_wait3A_132 : memref<128x32xf32, #tpu.memory_space<vmem>>) dst(%dma_wait3A_128 : memref<128x32xf32, #tpu.memory_space<vmem_shared>>)
      tpu.yield
    }) : () -> ()
    %mul3A_25 = arith.constant 640 : i32
    %mul3A_26 = arith.muli %arg1, %mul3A_25 : i32
    %add3A_27 = arith.constant 256 : i32
    %add3A_28 = arith.addi %mul3A_26, %add3A_27 : i32
    %run_scoped3A_29 = arith.constant 0 : i32
    "tpu.region"() ({
      %run_scoped3A_109 = tpu.sem_alloc : memref<!tpu.dma_semaphore, #tpu.memory_space<semaphore_mem>>
      %dma_start3A_110 = arith.constant 0 : i32
      %dma_start3A_111 = arith.constant 0 : i32
      %dma_start3A_112 = tpu.memref_slice %arg6[%run_scoped3A_29, %dma_start3A_110, %dma_start3A_111] : memref<4x128x32xf32, #tpu.memory_space<vmem>> -> memref<1x128x32xf32, #tpu.memory_space<vmem>>
      %dma_start3A_113 = tpu.memref_squeeze %dma_start3A_112 : memref<1x128x32xf32, #tpu.memory_space<vmem>> -> memref<128x32xf32, #tpu.memory_space<vmem>>
      %dma_start3A_114 = arith.constant 0 : i32
      %dma_start3A_115 = tpu.memref_slice %arg7[%add3A_28, %dma_start3A_114] : memref<10240x32xf32, #tpu.memory_space<vmem_shared>> -> memref<128x32xf32, #tpu.memory_space<vmem_shared>>
      %dma_start3A_116 = arith.constant 0 : i32
      %dma_start3A_117 = tpu.memref_slice %arg7[%add3A_28, %dma_start3A_116] : memref<10240x32xf32, #tpu.memory_space<vmem_shared>> -> memref<128x32xf32, #tpu.memory_space<vmem_shared>>
      %dma_start3A_118 = arith.constant 0 : i32
      %dma_start3A_119 = arith.constant 0 : i32
      %dma_start3A_120 = tpu.memref_slice %arg6[%run_scoped3A_29, %dma_start3A_118, %dma_start3A_119] : memref<4x128x32xf32, #tpu.memory_space<vmem>> -> memref<1x128x32xf32, #tpu.memory_space<vmem>>
      %dma_start3A_121 = tpu.memref_squeeze %dma_start3A_120 : memref<1x128x32xf32, #tpu.memory_space<vmem>> -> memref<128x32xf32, #tpu.memory_space<vmem>>
      tpu.enqueue_dma source(%dma_start3A_121 : memref<128x32xf32, #tpu.memory_space<vmem>>) target(%dma_start3A_117 : memref<128x32xf32, #tpu.memory_space<vmem_shared>>) target_semaphore(%run_scoped3A_109 : memref<!tpu.dma_semaphore, #tpu.memory_space<semaphore_mem>>)
      %dma_wait3A = arith.constant 0 : i32
      %dma_wait3A_122 = arith.constant 0 : i32
      %dma_wait3A_123 = tpu.memref_slice %arg6[%run_scoped3A_29, %dma_wait3A, %dma_wait3A_122] : memref<4x128x32xf32, #tpu.memory_space<vmem>> -> memref<1x128x32xf32, #tpu.memory_space<vmem>>
      %dma_wait3A_124 = tpu.memref_squeeze %dma_wait3A_123 : memref<1x128x32xf32, #tpu.memory_space<vmem>> -> memref<128x32xf32, #tpu.memory_space<vmem>>
      %dma_wait3A_125 = arith.constant 0 : i32
      %dma_wait3A_126 = tpu.memref_slice %arg7[%add3A_28, %dma_wait3A_125] : memref<10240x32xf32, #tpu.memory_space<vmem_shared>> -> memref<128x32xf32, #tpu.memory_space<vmem_shared>>
      %dma_wait3A_127 = arith.constant 0 : i32
      %dma_wait3A_128 = tpu.memref_slice %arg7[%add3A_28, %dma_wait3A_127] : memref<10240x32xf32, #tpu.memory_space<vmem_shared>> -> memref<128x32xf32, #tpu.memory_space<vmem_shared>>
      %dma_wait3A_129 = arith.constant 0 : i32
      %dma_wait3A_130 = arith.constant 0 : i32
      %dma_wait3A_131 = tpu.memref_slice %arg6[%run_scoped3A_29, %dma_wait3A_129, %dma_wait3A_130] : memref<4x128x32xf32, #tpu.memory_space<vmem>> -> memref<1x128x32xf32, #tpu.memory_space<vmem>>
      %dma_wait3A_132 = tpu.memref_squeeze %dma_wait3A_131 : memref<1x128x32xf32, #tpu.memory_space<vmem>> -> memref<128x32xf32, #tpu.memory_space<vmem>>
      tpu.wait_dma2 semaphore(%run_scoped3A_109 : memref<!tpu.dma_semaphore, #tpu.memory_space<semaphore_mem>>) src(%dma_wait3A_132 : memref<128x32xf32, #tpu.memory_space<vmem>>) dst(%dma_wait3A_128 : memref<128x32xf32, #tpu.memory_space<vmem_shared>>)
      tpu.yield
    }) : () -> ()
    %mul3A_30 = arith.constant 640 : i32
    %mul3A_31 = arith.muli %arg1, %mul3A_30 : i32
    %add3A_32 = arith.constant 384 : i32
    %add3A_33 = arith.addi %mul3A_31, %add3A_32 : i32
    %run_scoped3A_34 = arith.constant 0 : i32
    "tpu.region"() ({
      %run_scoped3A_109 = tpu.sem_alloc : memref<!tpu.dma_semaphore, #tpu.memory_space<semaphore_mem>>
      %dma_start3A_110 = arith.constant 0 : i32
      %dma_start3A_111 = arith.constant 0 : i32
      %dma_start3A_112 = tpu.memref_slice %arg6[%run_scoped3A_34, %dma_start3A_110, %dma_start3A_111] : memref<4x128x32xf32, #tpu.memory_space<vmem>> -> memref<1x128x32xf32, #tpu.memory_space<vmem>>
      %dma_start3A_113 = tpu.memref_squeeze %dma_start3A_112 : memref<1x128x32xf32, #tpu.memory_space<vmem>> -> memref<128x32xf32, #tpu.memory_space<vmem>>
      %dma_start3A_114 = arith.constant 0 : i32
      %dma_start3A_115 = tpu.memref_slice %arg7[%add3A_33, %dma_start3A_114] : memref<10240x32xf32, #tpu.memory_space<vmem_shared>> -> memref<128x32xf32, #tpu.memory_space<vmem_shared>>
      %dma_start3A_116 = arith.constant 0 : i32
      %dma_start3A_117 = tpu.memref_slice %arg7[%add3A_33, %dma_start3A_116] : memref<10240x32xf32, #tpu.memory_space<vmem_shared>> -> memref<128x32xf32, #tpu.memory_space<vmem_shared>>
      %dma_start3A_118 = arith.constant 0 : i32
      %dma_start3A_119 = arith.constant 0 : i32
      %dma_start3A_120 = tpu.memref_slice %arg6[%run_scoped3A_34, %dma_start3A_118, %dma_start3A_119] : memref<4x128x32xf32, #tpu.memory_space<vmem>> -> memref<1x128x32xf32, #tpu.memory_space<vmem>>
      %dma_start3A_121 = tpu.memref_squeeze %dma_start3A_120 : memref<1x128x32xf32, #tpu.memory_space<vmem>> -> memref<128x32xf32, #tpu.memory_space<vmem>>
      tpu.enqueue_dma source(%dma_start3A_121 : memref<128x32xf32, #tpu.memory_space<vmem>>) target(%dma_start3A_117 : memref<128x32xf32, #tpu.memory_space<vmem_shared>>) target_semaphore(%run_scoped3A_109 : memref<!tpu.dma_semaphore, #tpu.memory_space<semaphore_mem>>)
      %dma_wait3A = arith.constant 0 : i32
      %dma_wait3A_122 = arith.constant 0 : i32
      %dma_wait3A_123 = tpu.memref_slice %arg6[%run_scoped3A_34, %dma_wait3A, %dma_wait3A_122] : memref<4x128x32xf32, #tpu.memory_space<vmem>> -> memref<1x128x32xf32, #tpu.memory_space<vmem>>
      %dma_wait3A_124 = tpu.memref_squeeze %dma_wait3A_123 : memref<1x128x32xf32, #tpu.memory_space<vmem>> -> memref<128x32xf32, #tpu.memory_space<vmem>>
      %dma_wait3A_125 = arith.constant 0 : i32
      %dma_wait3A_126 = tpu.memref_slice %arg7[%add3A_33, %dma_wait3A_125] : memref<10240x32xf32, #tpu.memory_space<vmem_shared>> -> memref<128x32xf32, #tpu.memory_space<vmem_shared>>
      %dma_wait3A_127 = arith.constant 0 : i32
      %dma_wait3A_128 = tpu.memref_slice %arg7[%add3A_33, %dma_wait3A_127] : memref<10240x32xf32, #tpu.memory_space<vmem_shared>> -> memref<128x32xf32, #tpu.memory_space<vmem_shared>>
      %dma_wait3A_129 = arith.constant 0 : i32
      %dma_wait3A_130 = arith.constant 0 : i32
      %dma_wait3A_131 = tpu.memref_slice %arg6[%run_scoped3A_34, %dma_wait3A_129, %dma_wait3A_130] : memref<4x128x32xf32, #tpu.memory_space<vmem>> -> memref<1x128x32xf32, #tpu.memory_space<vmem>>
      %dma_wait3A_132 = tpu.memref_squeeze %dma_wait3A_131 : memref<1x128x32xf32, #tpu.memory_space<vmem>> -> memref<128x32xf32, #tpu.memory_space<vmem>>
      tpu.wait_dma2 semaphore(%run_scoped3A_109 : memref<!tpu.dma_semaphore, #tpu.memory_space<semaphore_mem>>) src(%dma_wait3A_132 : memref<128x32xf32, #tpu.memory_space<vmem>>) dst(%dma_wait3A_128 : memref<128x32xf32, #tpu.memory_space<vmem_shared>>)
      tpu.yield
    }) : () -> ()
    %mul3A_35 = arith.constant 640 : i32
    %mul3A_36 = arith.muli %arg1, %mul3A_35 : i32
    %add3A_37 = arith.constant 512 : i32
    %add3A_38 = arith.addi %mul3A_36, %add3A_37 : i32
    %run_scoped3A_39 = arith.constant 0 : i32
    "tpu.region"() ({
      %run_scoped3A_109 = tpu.sem_alloc : memref<!tpu.dma_semaphore, #tpu.memory_space<semaphore_mem>>
      %dma_start3A_110 = arith.constant 0 : i32
      %dma_start3A_111 = arith.constant 0 : i32
      %dma_start3A_112 = tpu.memref_slice %arg6[%run_scoped3A_39, %dma_start3A_110, %dma_start3A_111] : memref<4x128x32xf32, #tpu.memory_space<vmem>> -> memref<1x128x32xf32, #tpu.memory_space<vmem>>
      %dma_start3A_113 = tpu.memref_squeeze %dma_start3A_112 : memref<1x128x32xf32, #tpu.memory_space<vmem>> -> memref<128x32xf32, #tpu.memory_space<vmem>>
      %dma_start3A_114 = arith.constant 0 : i32
      %dma_start3A_115 = tpu.memref_slice %arg7[%add3A_38, %dma_start3A_114] : memref<10240x32xf32, #tpu.memory_space<vmem_shared>> -> memref<128x32xf32, #tpu.memory_space<vmem_shared>>
      %dma_start3A_116 = arith.constant 0 : i32
      %dma_start3A_117 = tpu.memref_slice %arg7[%add3A_38, %dma_start3A_116] : memref<10240x32xf32, #tpu.memory_space<vmem_shared>> -> memref<128x32xf32, #tpu.memory_space<vmem_shared>>
      %dma_start3A_118 = arith.constant 0 : i32
      %dma_start3A_119 = arith.constant 0 : i32
      %dma_start3A_120 = tpu.memref_slice %arg6[%run_scoped3A_39, %dma_start3A_118, %dma_start3A_119] : memref<4x128x32xf32, #tpu.memory_space<vmem>> -> memref<1x128x32xf32, #tpu.memory_space<vmem>>
      %dma_start3A_121 = tpu.memref_squeeze %dma_start3A_120 : memref<1x128x32xf32, #tpu.memory_space<vmem>> -> memref<128x32xf32, #tpu.memory_space<vmem>>
      tpu.enqueue_dma source(%dma_start3A_121 : memref<128x32xf32, #tpu.memory_space<vmem>>) target(%dma_start3A_117 : memref<128x32xf32, #tpu.memory_space<vmem_shared>>) target_semaphore(%run_scoped3A_109 : memref<!tpu.dma_semaphore, #tpu.memory_space<semaphore_mem>>)
      %dma_wait3A = arith.constant 0 : i32
      %dma_wait3A_122 = arith.constant 0 : i32
      %dma_wait3A_123 = tpu.memref_slice %arg6[%run_scoped3A_39, %dma_wait3A, %dma_wait3A_122] : memref<4x128x32xf32, #tpu.memory_space<vmem>> -> memref<1x128x32xf32, #tpu.memory_space<vmem>>
      %dma_wait3A_124 = tpu.memref_squeeze %dma_wait3A_123 : memref<1x128x32xf32, #tpu.memory_space<vmem>> -> memref<128x32xf32, #tpu.memory_space<vmem>>
      %dma_wait3A_125 = arith.constant 0 : i32
      %dma_wait3A_126 = tpu.memref_slice %arg7[%add3A_38, %dma_wait3A_125] : memref<10240x32xf32, #tpu.memory_space<vmem_shared>> -> memref<128x32xf32, #tpu.memory_space<vmem_shared>>
      %dma_wait3A_127 = arith.constant 0 : i32
      %dma_wait3A_128 = tpu.memref_slice %arg7[%add3A_38, %dma_wait3A_127] : memref<10240x32xf32, #tpu.memory_space<vmem_shared>> -> memref<128x32xf32, #tpu.memory_space<vmem_shared>>
      %dma_wait3A_129 = arith.constant 0 : i32
      %dma_wait3A_130 = arith.constant 0 : i32
      %dma_wait3A_131 = tpu.memref_slice %arg6[%run_scoped3A_39, %dma_wait3A_129, %dma_wait3A_130] : memref<4x128x32xf32, #tpu.memory_space<vmem>> -> memref<1x128x32xf32, #tpu.memory_space<vmem>>
      %dma_wait3A_132 = tpu.memref_squeeze %dma_wait3A_131 : memref<1x128x32xf32, #tpu.memory_space<vmem>> -> memref<128x32xf32, #tpu.memory_space<vmem>>
      tpu.wait_dma2 semaphore(%run_scoped3A_109 : memref<!tpu.dma_semaphore, #tpu.memory_space<semaphore_mem>>) src(%dma_wait3A_132 : memref<128x32xf32, #tpu.memory_space<vmem>>) dst(%dma_wait3A_128 : memref<128x32xf32, #tpu.memory_space<vmem_shared>>)
      tpu.yield
    }) : () -> ()
    %barrier3A = arith.constant 0 : index
    tpu.barrier barrier_id(%barrier3A)
    %dma_start3A = arith.constant 0 : i32
    %dma_start3A_40 = arith.constant 0 : i32
    %dma_start3A_41 = arith.constant 0 : i32
    %dma_start3A_42 = arith.constant 0 : i32
    %dma_start3A_43 = arith.constant 0 : i32
    %dma_start3A_44 = tpu.memref_slice %arg6[%dma_start3A_41, %dma_start3A_42, %dma_start3A_43] : memref<4x128x32xf32, #tpu.memory_space<vmem>> -> memref<1x128x32xf32, #tpu.memory_space<vmem>>
    %dma_start3A_45 = tpu.memref_squeeze %dma_start3A_44 : memref<1x128x32xf32, #tpu.memory_space<vmem>> -> memref<128x32xf32, #tpu.memory_space<vmem>>
    %dma_start3A_46 = arith.constant 0 : i32
    %dma_start3A_47 = tpu.memref_slice %arg5[%dma_start3A, %dma_start3A_40, %dma_start3A_46] : memref<79x2x128xi32, #tpu.memory_space<vmem>> -> memref<1x1x128xi32, #tpu.memory_space<vmem>>
    %dma_start3A_48 = tpu.memref_squeeze %dma_start3A_47 : memref<1x1x128xi32, #tpu.memory_space<vmem>> -> memref<128xi32, #tpu.memory_space<vmem>>
    %dma_start3A_49 = arith.constant 0 : i32
    %dma_start3A_50 = arith.constant 0 : i32
    %dma_start3A_51 = tpu.memref_slice %arg2[%dma_start3A_49, %dma_start3A_50] : memref<10000x32xf32, #tpu.memory_space<hbm>> -> memref<10000x32xf32, #tpu.memory_space<hbm>>
    tpu.enqueue_indirect_dma source(%dma_start3A_51 : memref<10000x32xf32, #tpu.memory_space<hbm>>) target(%dma_start3A_45 : memref<128x32xf32, #tpu.memory_space<vmem>>) offsets(%dma_start3A_48 : memref<128xi32, #tpu.memory_space<vmem>>) semaphore(%arg8 : memref<!tpu.dma_semaphore, #tpu.memory_space<semaphore_mem>>)
    %dma_start3A_52 = arith.constant 1 : i32
    %dma_start3A_53 = arith.constant 0 : i32
    %dma_start3A_54 = arith.constant 1 : i32
    %dma_start3A_55 = arith.constant 0 : i32
    %dma_start3A_56 = arith.constant 0 : i32
    %dma_start3A_57 = tpu.memref_slice %arg6[%dma_start3A_54, %dma_start3A_55, %dma_start3A_56] : memref<4x128x32xf32, #tpu.memory_space<vmem>> -> memref<1x128x32xf32, #tpu.memory_space<vmem>>
    %dma_start3A_58 = tpu.memref_squeeze %dma_start3A_57 : memref<1x128x32xf32, #tpu.memory_space<vmem>> -> memref<128x32xf32, #tpu.memory_space<vmem>>
    %dma_start3A_59 = arith.constant 0 : i32
    %dma_start3A_60 = tpu.memref_slice %arg5[%dma_start3A_52, %dma_start3A_53, %dma_start3A_59] : memref<79x2x128xi32, #tpu.memory_space<vmem>> -> memref<1x1x128xi32, #tpu.memory_space<vmem>>
    %dma_start3A_61 = tpu.memref_squeeze %dma_start3A_60 : memref<1x1x128xi32, #tpu.memory_space<vmem>> -> memref<128xi32, #tpu.memory_space<vmem>>
    %dma_start3A_62 = arith.constant 0 : i32
    %dma_start3A_63 = arith.constant 0 : i32
    %dma_start3A_64 = tpu.memref_slice %arg2[%dma_start3A_62, %dma_start3A_63] : memref<10000x32xf32, #tpu.memory_space<hbm>> -> memref<10000x32xf32, #tpu.memory_space<hbm>>
    tpu.enqueue_indirect_dma source(%dma_start3A_64 : memref<10000x32xf32, #tpu.memory_space<hbm>>) target(%dma_start3A_58 : memref<128x32xf32, #tpu.memory_space<vmem>>) offsets(%dma_start3A_61 : memref<128xi32, #tpu.memory_space<vmem>>) semaphore(%arg9 : memref<!tpu.dma_semaphore, #tpu.memory_space<semaphore_mem>>)
    %dma_start3A_65 = arith.constant 2 : i32
    %dma_start3A_66 = arith.constant 0 : i32
    %dma_start3A_67 = arith.constant 2 : i32
    %dma_start3A_68 = arith.constant 0 : i32
    %dma_start3A_69 = arith.constant 0 : i32
    %dma_start3A_70 = tpu.memref_slice %arg6[%dma_start3A_67, %dma_start3A_68, %dma_start3A_69] : memref<4x128x32xf32, #tpu.memory_space<vmem>> -> memref<1x128x32xf32, #tpu.memory_space<vmem>>
    %dma_start3A_71 = tpu.memref_squeeze %dma_start3A_70 : memref<1x128x32xf32, #tpu.memory_space<vmem>> -> memref<128x32xf32, #tpu.memory_space<vmem>>
    %dma_start3A_72 = arith.constant 0 : i32
    %dma_start3A_73 = tpu.memref_slice %arg5[%dma_start3A_65, %dma_start3A_66, %dma_start3A_72] : memref<79x2x128xi32, #tpu.memory_space<vmem>> -> memref<1x1x128xi32, #tpu.memory_space<vmem>>
    %dma_start3A_74 = tpu.memref_squeeze %dma_start3A_73 : memref<1x1x128xi32, #tpu.memory_space<vmem>> -> memref<128xi32, #tpu.memory_space<vmem>>
    %dma_start3A_75 = arith.constant 0 : i32
    %dma_start3A_76 = arith.constant 0 : i32
    %dma_start3A_77 = tpu.memref_slice %arg2[%dma_start3A_75, %dma_start3A_76] : memref<10000x32xf32, #tpu.memory_space<hbm>> -> memref<10000x32xf32, #tpu.memory_space<hbm>>
    tpu.enqueue_indirect_dma source(%dma_start3A_77 : memref<10000x32xf32, #tpu.memory_space<hbm>>) target(%dma_start3A_71 : memref<128x32xf32, #tpu.memory_space<vmem>>) offsets(%dma_start3A_74 : memref<128xi32, #tpu.memory_space<vmem>>) semaphore(%arg10 : memref<!tpu.dma_semaphore, #tpu.memory_space<semaphore_mem>>)
    %dma_start3A_78 = arith.constant 3 : i32
    %dma_start3A_79 = arith.constant 0 : i32
    %dma_start3A_80 = arith.constant 3 : i32
    %dma_start3A_81 = arith.constant 0 : i32
    %dma_start3A_82 = arith.constant 0 : i32
    %dma_start3A_83 = tpu.memref_slice %arg6[%dma_start3A_80, %dma_start3A_81, %dma_start3A_82] : memref<4x128x32xf32, #tpu.memory_space<vmem>> -> memref<1x128x32xf32, #tpu.memory_space<vmem>>
    %dma_start3A_84 = tpu.memref_squeeze %dma_start3A_83 : memref<1x128x32xf32, #tpu.memory_space<vmem>> -> memref<128x32xf32, #tpu.memory_space<vmem>>
    %dma_start3A_85 = arith.constant 0 : i32
    %dma_start3A_86 = tpu.memref_slice %arg5[%dma_start3A_78, %dma_start3A_79, %dma_start3A_85] : memref<79x2x128xi32, #tpu.memory_space<vmem>> -> memref<1x1x128xi32, #tpu.memory_space<vmem>>
    %dma_start3A_87 = tpu.memref_squeeze %dma_start3A_86 : memref<1x1x128xi32, #tpu.memory_space<vmem>> -> memref<128xi32, #tpu.memory_space<vmem>>
    %dma_start3A_88 = arith.constant 0 : i32
    %dma_start3A_89 = arith.constant 0 : i32
    %dma_start3A_90 = tpu.memref_slice %arg2[%dma_start3A_88, %dma_start3A_89] : memref<10000x32xf32, #tpu.memory_space<hbm>> -> memref<10000x32xf32, #tpu.memory_space<hbm>>
    tpu.enqueue_indirect_dma source(%dma_start3A_90 : memref<10000x32xf32, #tpu.memory_space<hbm>>) target(%dma_start3A_84 : memref<128x32xf32, #tpu.memory_space<vmem>>) offsets(%dma_start3A_87 : memref<128xi32, #tpu.memory_space<vmem>>) semaphore(%arg11 : memref<!tpu.dma_semaphore, #tpu.memory_space<semaphore_mem>>)
    %scan3A_91 = arith.constant 0 : i32
    %scan3A_92 = arith.constant 0 : i32
    %scan3A_93 = arith.constant 20 : i32
    %scan3A_94 = arith.addi %scan3A_92, %scan3A_93 : i32
    %scan3A_95 = arith.constant 1 : i32
    scf.for %scan3A_109 = %scan3A_92 to %scan3A_94 step %scan3A_95  : i32 {
      %mul3A_110 = arith.constant 4 : i32
      %mul3A_111 = arith.muli %mul3A_110, %scan3A_109 : i32
      %add3A_112 = arith.constant 0 : i32
      %add3A_113 = arith.addi %mul3A_111, %add3A_112 : i32
      %lt3A_114 = arith.cmpi slt, %add3A_113, %add3A_3 : i32
      %convert_element_type3A_115 = arith.extui %lt3A_114 : i1 to i32
      %cond3A_116 = arith.constant 0 : i32
      %cond3A_117 = arith.cmpi ne, %convert_element_type3A_115, %cond3A_116 : i32
      scf.if %cond3A_117 {
        %dma_wait3A = arith.constant 0 : i32
        %dma_wait3A_168 = arith.constant 0 : i32
        %dma_wait3A_169 = arith.constant 0 : i32
        %dma_wait3A_170 = arith.constant 0 : i32
        %dma_wait3A_171 = tpu.memref_slice %arg6[%dma_wait3A_168, %dma_wait3A_169, %dma_wait3A_170] : memref<4x128x32xf32, #tpu.memory_space<vmem>> -> memref<1x128x32xf32, #tpu.memory_space<vmem>>
        %dma_wait3A_172 = tpu.memref_squeeze %dma_wait3A_171 : memref<1x128x32xf32, #tpu.memory_space<vmem>> -> memref<128x32xf32, #tpu.memory_space<vmem>>
        %dma_wait3A_173 = arith.constant 0 : i32
        %dma_wait3A_174 = tpu.memref_slice %arg5[%add3A_113, %dma_wait3A, %dma_wait3A_173] : memref<79x2x128xi32, #tpu.memory_space<vmem>> -> memref<1x1x128xi32, #tpu.memory_space<vmem>>
        %dma_wait3A_175 = tpu.memref_squeeze %dma_wait3A_174 : memref<1x1x128xi32, #tpu.memory_space<vmem>> -> memref<128xi32, #tpu.memory_space<vmem>>
        %dma_wait3A_176 = arith.constant 0 : i32
        %dma_wait3A_177 = arith.constant 0 : i32
        %dma_wait3A_178 = tpu.memref_slice %arg2[%dma_wait3A_176, %dma_wait3A_177] : memref<10000x32xf32, #tpu.memory_space<hbm>> -> memref<10000x32xf32, #tpu.memory_space<hbm>>
        tpu.wait_indirect_dma semaphore(%arg8 : memref<!tpu.dma_semaphore, #tpu.memory_space<semaphore_mem>>) src(%dma_wait3A_178 : memref<10000x32xf32, #tpu.memory_space<hbm>>) dst(%dma_wait3A_172 : memref<128x32xf32, #tpu.memory_space<vmem>>)
        %dma_start3A_179 = arith.constant 0 : i32
        %dma_start3A_180 = arith.constant 1 : i32
        %dma_start3A_181 = arith.constant 0 : i32
        %dma_start3A_182 = arith.constant 0 : i32
        %dma_start3A_183 = tpu.memref_slice %arg6[%dma_start3A_179, %dma_start3A_181, %dma_start3A_182] : memref<4x128x32xf32, #tpu.memory_space<vmem>> -> memref<1x128x32xf32, #tpu.memory_space<vmem>>
        %dma_start3A_184 = tpu.memref_squeeze %dma_start3A_183 : memref<1x128x32xf32, #tpu.memory_space<vmem>> -> memref<128x32xf32, #tpu.memory_space<vmem>>
        %dma_start3A_185 = arith.constant 0 : i32
        %dma_start3A_186 = tpu.memref_slice %arg5[%add3A_113, %dma_start3A_180, %dma_start3A_185] : memref<79x2x128xi32, #tpu.memory_space<vmem>> -> memref<1x1x128xi32, #tpu.memory_space<vmem>>
        %dma_start3A_187 = tpu.memref_squeeze %dma_start3A_186 : memref<1x1x128xi32, #tpu.memory_space<vmem>> -> memref<128xi32, #tpu.memory_space<vmem>>
        %dma_start3A_188 = arith.constant 0 : i32
        %dma_start3A_189 = arith.constant 0 : i32
        %dma_start3A_190 = tpu.memref_slice %arg7[%dma_start3A_188, %dma_start3A_189] : memref<10240x32xf32, #tpu.memory_space<vmem_shared>> -> memref<10240x32xf32, #tpu.memory_space<vmem_shared>>
        tpu.enqueue_indirect_dma source(%dma_start3A_184 : memref<128x32xf32, #tpu.memory_space<vmem>>) target(%dma_start3A_190 : memref<10240x32xf32, #tpu.memory_space<vmem_shared>>) offsets(%dma_start3A_187 : memref<128xi32, #tpu.memory_space<vmem>>) semaphore(%arg12 : memref<!tpu.dma_semaphore, #tpu.memory_space<semaphore_mem>>) {add = true}
      } else {
      }
      %add3A_118 = arith.constant 1 : i32
      %add3A_119 = arith.addi %mul3A_111, %add3A_118 : i32
      %lt3A_120 = arith.cmpi slt, %add3A_119, %add3A_3 : i32
      %convert_element_type3A_121 = arith.extui %lt3A_120 : i1 to i32
      %cond3A_122 = arith.constant 0 : i32
      %cond3A_123 = arith.cmpi ne, %convert_element_type3A_121, %cond3A_122 : i32
      scf.if %cond3A_123 {
        %dma_wait3A = arith.constant 0 : i32
        %dma_wait3A_168 = arith.constant 1 : i32
        %dma_wait3A_169 = arith.constant 0 : i32
        %dma_wait3A_170 = arith.constant 0 : i32
        %dma_wait3A_171 = tpu.memref_slice %arg6[%dma_wait3A_168, %dma_wait3A_169, %dma_wait3A_170] : memref<4x128x32xf32, #tpu.memory_space<vmem>> -> memref<1x128x32xf32, #tpu.memory_space<vmem>>
        %dma_wait3A_172 = tpu.memref_squeeze %dma_wait3A_171 : memref<1x128x32xf32, #tpu.memory_space<vmem>> -> memref<128x32xf32, #tpu.memory_space<vmem>>
        %dma_wait3A_173 = arith.constant 0 : i32
        %dma_wait3A_174 = tpu.memref_slice %arg5[%add3A_119, %dma_wait3A, %dma_wait3A_173] : memref<79x2x128xi32, #tpu.memory_space<vmem>> -> memref<1x1x128xi32, #tpu.memory_space<vmem>>
        %dma_wait3A_175 = tpu.memref_squeeze %dma_wait3A_174 : memref<1x1x128xi32, #tpu.memory_space<vmem>> -> memref<128xi32, #tpu.memory_space<vmem>>
        %dma_wait3A_176 = arith.constant 0 : i32
        %dma_wait3A_177 = arith.constant 0 : i32
        %dma_wait3A_178 = tpu.memref_slice %arg2[%dma_wait3A_176, %dma_wait3A_177] : memref<10000x32xf32, #tpu.memory_space<hbm>> -> memref<10000x32xf32, #tpu.memory_space<hbm>>
        tpu.wait_indirect_dma semaphore(%arg9 : memref<!tpu.dma_semaphore, #tpu.memory_space<semaphore_mem>>) src(%dma_wait3A_178 : memref<10000x32xf32, #tpu.memory_space<hbm>>) dst(%dma_wait3A_172 : memref<128x32xf32, #tpu.memory_space<vmem>>)
        %dma_start3A_179 = arith.constant 1 : i32
        %dma_start3A_180 = arith.constant 1 : i32
        %dma_start3A_181 = arith.constant 0 : i32
        %dma_start3A_182 = arith.constant 0 : i32
        %dma_start3A_183 = tpu.memref_slice %arg6[%dma_start3A_179, %dma_start3A_181, %dma_start3A_182] : memref<4x128x32xf32, #tpu.memory_space<vmem>> -> memref<1x128x32xf32, #tpu.memory_space<vmem>>
        %dma_start3A_184 = tpu.memref_squeeze %dma_start3A_183 : memref<1x128x32xf32, #tpu.memory_space<vmem>> -> memref<128x32xf32, #tpu.memory_space<vmem>>
        %dma_start3A_185 = arith.constant 0 : i32
        %dma_start3A_186 = tpu.memref_slice %arg5[%add3A_119, %dma_start3A_180, %dma_start3A_185] : memref<79x2x128xi32, #tpu.memory_space<vmem>> -> memref<1x1x128xi32, #tpu.memory_space<vmem>>
        %dma_start3A_187 = tpu.memref_squeeze %dma_start3A_186 : memref<1x1x128xi32, #tpu.memory_space<vmem>> -> memref<128xi32, #tpu.memory_space<vmem>>
        %dma_start3A_188 = arith.constant 0 : i32
        %dma_start3A_189 = arith.constant 0 : i32
        %dma_start3A_190 = tpu.memref_slice %arg7[%dma_start3A_188, %dma_start3A_189] : memref<10240x32xf32, #tpu.memory_space<vmem_shared>> -> memref<10240x32xf32, #tpu.memory_space<vmem_shared>>
        tpu.enqueue_indirect_dma source(%dma_start3A_184 : memref<128x32xf32, #tpu.memory_space<vmem>>) target(%dma_start3A_190 : memref<10240x32xf32, #tpu.memory_space<vmem_shared>>) offsets(%dma_start3A_187 : memref<128xi32, #tpu.memory_space<vmem>>) semaphore(%arg13 : memref<!tpu.dma_semaphore, #tpu.memory_space<semaphore_mem>>) {add = true}
      } else {
      }
      %add3A_124 = arith.constant 2 : i32
      %add3A_125 = arith.addi %mul3A_111, %add3A_124 : i32
      %lt3A_126 = arith.cmpi slt, %add3A_125, %add3A_3 : i32
      %convert_element_type3A_127 = arith.extui %lt3A_126 : i1 to i32
      %cond3A_128 = arith.constant 0 : i32
      %cond3A_129 = arith.cmpi ne, %convert_element_type3A_127, %cond3A_128 : i32
      scf.if %cond3A_129 {
        %dma_wait3A = arith.constant 0 : i32
        %dma_wait3A_168 = arith.constant 2 : i32
        %dma_wait3A_169 = arith.constant 0 : i32
        %dma_wait3A_170 = arith.constant 0 : i32
        %dma_wait3A_171 = tpu.memref_slice %arg6[%dma_wait3A_168, %dma_wait3A_169, %dma_wait3A_170] : memref<4x128x32xf32, #tpu.memory_space<vmem>> -> memref<1x128x32xf32, #tpu.memory_space<vmem>>
        %dma_wait3A_172 = tpu.memref_squeeze %dma_wait3A_171 : memref<1x128x32xf32, #tpu.memory_space<vmem>> -> memref<128x32xf32, #tpu.memory_space<vmem>>
        %dma_wait3A_173 = arith.constant 0 : i32
        %dma_wait3A_174 = tpu.memref_slice %arg5[%add3A_125, %dma_wait3A, %dma_wait3A_173] : memref<79x2x128xi32, #tpu.memory_space<vmem>> -> memref<1x1x128xi32, #tpu.memory_space<vmem>>
        %dma_wait3A_175 = tpu.memref_squeeze %dma_wait3A_174 : memref<1x1x128xi32, #tpu.memory_space<vmem>> -> memref<128xi32, #tpu.memory_space<vmem>>
        %dma_wait3A_176 = arith.constant 0 : i32
        %dma_wait3A_177 = arith.constant 0 : i32
        %dma_wait3A_178 = tpu.memref_slice %arg2[%dma_wait3A_176, %dma_wait3A_177] : memref<10000x32xf32, #tpu.memory_space<hbm>> -> memref<10000x32xf32, #tpu.memory_space<hbm>>
        tpu.wait_indirect_dma semaphore(%arg10 : memref<!tpu.dma_semaphore, #tpu.memory_space<semaphore_mem>>) src(%dma_wait3A_178 : memref<10000x32xf32, #tpu.memory_space<hbm>>) dst(%dma_wait3A_172 : memref<128x32xf32, #tpu.memory_space<vmem>>)
        %dma_start3A_179 = arith.constant 2 : i32
        %dma_start3A_180 = arith.constant 1 : i32
        %dma_start3A_181 = arith.constant 0 : i32
        %dma_start3A_182 = arith.constant 0 : i32
        %dma_start3A_183 = tpu.memref_slice %arg6[%dma_start3A_179, %dma_start3A_181, %dma_start3A_182] : memref<4x128x32xf32, #tpu.memory_space<vmem>> -> memref<1x128x32xf32, #tpu.memory_space<vmem>>
        %dma_start3A_184 = tpu.memref_squeeze %dma_start3A_183 : memref<1x128x32xf32, #tpu.memory_space<vmem>> -> memref<128x32xf32, #tpu.memory_space<vmem>>
        %dma_start3A_185 = arith.constant 0 : i32
        %dma_start3A_186 = tpu.memref_slice %arg5[%add3A_125, %dma_start3A_180, %dma_start3A_185] : memref<79x2x128xi32, #tpu.memory_space<vmem>> -> memref<1x1x128xi32, #tpu.memory_space<vmem>>
        %dma_start3A_187 = tpu.memref_squeeze %dma_start3A_186 : memref<1x1x128xi32, #tpu.memory_space<vmem>> -> memref<128xi32, #tpu.memory_space<vmem>>
        %dma_start3A_188 = arith.constant 0 : i32
        %dma_start3A_189 = arith.constant 0 : i32
        %dma_start3A_190 = tpu.memref_slice %arg7[%dma_start3A_188, %dma_start3A_189] : memref<10240x32xf32, #tpu.memory_space<vmem_shared>> -> memref<10240x32xf32, #tpu.memory_space<vmem_shared>>
        tpu.enqueue_indirect_dma source(%dma_start3A_184 : memref<128x32xf32, #tpu.memory_space<vmem>>) target(%dma_start3A_190 : memref<10240x32xf32, #tpu.memory_space<vmem_shared>>) offsets(%dma_start3A_187 : memref<128xi32, #tpu.memory_space<vmem>>) semaphore(%arg14 : memref<!tpu.dma_semaphore, #tpu.memory_space<semaphore_mem>>) {add = true}
      } else {
      }
      %add3A_130 = arith.constant 3 : i32
      %add3A_131 = arith.addi %mul3A_111, %add3A_130 : i32
      %lt3A_132 = arith.cmpi slt, %add3A_131, %add3A_3 : i32
      %convert_element_type3A_133 = arith.extui %lt3A_132 : i1 to i32
      %cond3A_134 = arith.constant 0 : i32
      %cond3A_135 = arith.cmpi ne, %convert_element_type3A_133, %cond3A_134 : i32
      scf.if %cond3A_135 {
        %dma_wait3A = arith.constant 0 : i32
        %dma_wait3A_168 = arith.constant 3 : i32
        %dma_wait3A_169 = arith.constant 0 : i32
        %dma_wait3A_170 = arith.constant 0 : i32
        %dma_wait3A_171 = tpu.memref_slice %arg6[%dma_wait3A_168, %dma_wait3A_169, %dma_wait3A_170] : memref<4x128x32xf32, #tpu.memory_space<vmem>> -> memref<1x128x32xf32, #tpu.memory_space<vmem>>
        %dma_wait3A_172 = tpu.memref_squeeze %dma_wait3A_171 : memref<1x128x32xf32, #tpu.memory_space<vmem>> -> memref<128x32xf32, #tpu.memory_space<vmem>>
        %dma_wait3A_173 = arith.constant 0 : i32
        %dma_wait3A_174 = tpu.memref_slice %arg5[%add3A_131, %dma_wait3A, %dma_wait3A_173] : memref<79x2x128xi32, #tpu.memory_space<vmem>> -> memref<1x1x128xi32, #tpu.memory_space<vmem>>
        %dma_wait3A_175 = tpu.memref_squeeze %dma_wait3A_174 : memref<1x1x128xi32, #tpu.memory_space<vmem>> -> memref<128xi32, #tpu.memory_space<vmem>>
        %dma_wait3A_176 = arith.constant 0 : i32
        %dma_wait3A_177 = arith.constant 0 : i32
        %dma_wait3A_178 = tpu.memref_slice %arg2[%dma_wait3A_176, %dma_wait3A_177] : memref<10000x32xf32, #tpu.memory_space<hbm>> -> memref<10000x32xf32, #tpu.memory_space<hbm>>
        tpu.wait_indirect_dma semaphore(%arg11 : memref<!tpu.dma_semaphore, #tpu.memory_space<semaphore_mem>>) src(%dma_wait3A_178 : memref<10000x32xf32, #tpu.memory_space<hbm>>) dst(%dma_wait3A_172 : memref<128x32xf32, #tpu.memory_space<vmem>>)
        %dma_start3A_179 = arith.constant 3 : i32
        %dma_start3A_180 = arith.constant 1 : i32
        %dma_start3A_181 = arith.constant 0 : i32
        %dma_start3A_182 = arith.constant 0 : i32
        %dma_start3A_183 = tpu.memref_slice %arg6[%dma_start3A_179, %dma_start3A_181, %dma_start3A_182] : memref<4x128x32xf32, #tpu.memory_space<vmem>> -> memref<1x128x32xf32, #tpu.memory_space<vmem>>
        %dma_start3A_184 = tpu.memref_squeeze %dma_start3A_183 : memref<1x128x32xf32, #tpu.memory_space<vmem>> -> memref<128x32xf32, #tpu.memory_space<vmem>>
        %dma_start3A_185 = arith.constant 0 : i32
        %dma_start3A_186 = tpu.memref_slice %arg5[%add3A_131, %dma_start3A_180, %dma_start3A_185] : memref<79x2x128xi32, #tpu.memory_space<vmem>> -> memref<1x1x128xi32, #tpu.memory_space<vmem>>
        %dma_start3A_187 = tpu.memref_squeeze %dma_start3A_186 : memref<1x1x128xi32, #tpu.memory_space<vmem>> -> memref<128xi32, #tpu.memory_space<vmem>>
        %dma_start3A_188 = arith.constant 0 : i32
        %dma_start3A_189 = arith.constant 0 : i32
        %dma_start3A_190 = tpu.memref_slice %arg7[%dma_start3A_188, %dma_start3A_189] : memref<10240x32xf32, #tpu.memory_space<vmem_shared>> -> memref<10240x32xf32, #tpu.memory_space<vmem_shared>>
        tpu.enqueue_indirect_dma source(%dma_start3A_184 : memref<128x32xf32, #tpu.memory_space<vmem>>) target(%dma_start3A_190 : memref<10240x32xf32, #tpu.memory_space<vmem_shared>>) offsets(%dma_start3A_187 : memref<128xi32, #tpu.memory_space<vmem>>) semaphore(%arg15 : memref<!tpu.dma_semaphore, #tpu.memory_space<semaphore_mem>>) {add = true}
      } else {
      }
      %add3A_136 = arith.constant 0 : i32
      %add3A_137 = arith.addi %mul3A_111, %add3A_136 : i32
      %add3A_138 = arith.constant 4 : i32
      %add3A_139 = arith.addi %add3A_137, %add3A_138 : i32
      %lt3A_140 = arith.cmpi slt, %add3A_139, %add3A_3 : i32
      %convert_element_type3A_141 = arith.extui %lt3A_140 : i1 to i32
      %cond3A_142 = arith.constant 0 : i32
      %cond3A_143 = arith.cmpi ne, %convert_element_type3A_141, %cond3A_142 : i32
      scf.if %cond3A_143 {
        %dma_wait3A = arith.constant 0 : i32
        %dma_wait3A_168 = arith.constant 1 : i32
        %dma_wait3A_169 = arith.constant 0 : i32
        %dma_wait3A_170 = arith.constant 0 : i32
        %dma_wait3A_171 = tpu.memref_slice %arg6[%dma_wait3A, %dma_wait3A_169, %dma_wait3A_170] : memref<4x128x32xf32, #tpu.memory_space<vmem>> -> memref<1x128x32xf32, #tpu.memory_space<vmem>>
        %dma_wait3A_172 = tpu.memref_squeeze %dma_wait3A_171 : memref<1x128x32xf32, #tpu.memory_space<vmem>> -> memref<128x32xf32, #tpu.memory_space<vmem>>
        %dma_wait3A_173 = arith.constant 0 : i32
        %dma_wait3A_174 = tpu.memref_slice %arg5[%add3A_137, %dma_wait3A_168, %dma_wait3A_173] : memref<79x2x128xi32, #tpu.memory_space<vmem>> -> memref<1x1x128xi32, #tpu.memory_space<vmem>>
        %dma_wait3A_175 = tpu.memref_squeeze %dma_wait3A_174 : memref<1x1x128xi32, #tpu.memory_space<vmem>> -> memref<128xi32, #tpu.memory_space<vmem>>
        %dma_wait3A_176 = arith.constant 0 : i32
        %dma_wait3A_177 = arith.constant 0 : i32
        %dma_wait3A_178 = tpu.memref_slice %arg7[%dma_wait3A_176, %dma_wait3A_177] : memref<10240x32xf32, #tpu.memory_space<vmem_shared>> -> memref<10240x32xf32, #tpu.memory_space<vmem_shared>>
        tpu.wait_indirect_dma semaphore(%arg12 : memref<!tpu.dma_semaphore, #tpu.memory_space<semaphore_mem>>) src(%dma_wait3A_172 : memref<128x32xf32, #tpu.memory_space<vmem>>) dst(%dma_wait3A_178 : memref<10240x32xf32, #tpu.memory_space<vmem_shared>>)
        %add3A_179 = arith.constant 4 : i32
        %add3A_180 = arith.addi %add3A_137, %add3A_179 : i32
        %dma_start3A_181 = arith.constant 0 : i32
        %dma_start3A_182 = arith.constant 0 : i32
        %dma_start3A_183 = arith.constant 0 : i32
        %dma_start3A_184 = arith.constant 0 : i32
        %dma_start3A_185 = tpu.memref_slice %arg6[%dma_start3A_182, %dma_start3A_183, %dma_start3A_184] : memref<4x128x32xf32, #tpu.memory_space<vmem>> -> memref<1x128x32xf32, #tpu.memory_space<vmem>>
        %dma_start3A_186 = tpu.memref_squeeze %dma_start3A_185 : memref<1x128x32xf32, #tpu.memory_space<vmem>> -> memref<128x32xf32, #tpu.memory_space<vmem>>
        %dma_start3A_187 = arith.constant 0 : i32
        %dma_start3A_188 = tpu.memref_slice %arg5[%add3A_180, %dma_start3A_181, %dma_start3A_187] : memref<79x2x128xi32, #tpu.memory_space<vmem>> -> memref<1x1x128xi32, #tpu.memory_space<vmem>>
        %dma_start3A_189 = tpu.memref_squeeze %dma_start3A_188 : memref<1x1x128xi32, #tpu.memory_space<vmem>> -> memref<128xi32, #tpu.memory_space<vmem>>
        %dma_start3A_190 = arith.constant 0 : i32
        %dma_start3A_191 = arith.constant 0 : i32
        %dma_start3A_192 = tpu.memref_slice %arg2[%dma_start3A_190, %dma_start3A_191] : memref<10000x32xf32, #tpu.memory_space<hbm>> -> memref<10000x32xf32, #tpu.memory_space<hbm>>
        tpu.enqueue_indirect_dma source(%dma_start3A_192 : memref<10000x32xf32, #tpu.memory_space<hbm>>) target(%dma_start3A_186 : memref<128x32xf32, #tpu.memory_space<vmem>>) offsets(%dma_start3A_189 : memref<128xi32, #tpu.memory_space<vmem>>) semaphore(%arg8 : memref<!tpu.dma_semaphore, #tpu.memory_space<semaphore_mem>>)
      } else {
      }
      %add3A_144 = arith.constant 1 : i32
      %add3A_145 = arith.addi %mul3A_111, %add3A_144 : i32
      %add3A_146 = arith.constant 4 : i32
      %add3A_147 = arith.addi %add3A_145, %add3A_146 : i32
      %lt3A_148 = arith.cmpi slt, %add3A_147, %add3A_3 : i32
      %convert_element_type3A_149 = arith.extui %lt3A_148 : i1 to i32
      %cond3A_150 = arith.constant 0 : i32
      %cond3A_151 = arith.cmpi ne, %convert_element_type3A_149, %cond3A_150 : i32
      scf.if %cond3A_151 {
        %dma_wait3A = arith.constant 1 : i32
        %dma_wait3A_168 = arith.constant 1 : i32
        %dma_wait3A_169 = arith.constant 0 : i32
        %dma_wait3A_170 = arith.constant 0 : i32
        %dma_wait3A_171 = tpu.memref_slice %arg6[%dma_wait3A, %dma_wait3A_169, %dma_wait3A_170] : memref<4x128x32xf32, #tpu.memory_space<vmem>> -> memref<1x128x32xf32, #tpu.memory_space<vmem>>
        %dma_wait3A_172 = tpu.memref_squeeze %dma_wait3A_171 : memref<1x128x32xf32, #tpu.memory_space<vmem>> -> memref<128x32xf32, #tpu.memory_space<vmem>>
        %dma_wait3A_173 = arith.constant 0 : i32
        %dma_wait3A_174 = tpu.memref_slice %arg5[%add3A_145, %dma_wait3A_168, %dma_wait3A_173] : memref<79x2x128xi32, #tpu.memory_space<vmem>> -> memref<1x1x128xi32, #tpu.memory_space<vmem>>
        %dma_wait3A_175 = tpu.memref_squeeze %dma_wait3A_174 : memref<1x1x128xi32, #tpu.memory_space<vmem>> -> memref<128xi32, #tpu.memory_space<vmem>>
        %dma_wait3A_176 = arith.constant 0 : i32
        %dma_wait3A_177 = arith.constant 0 : i32
        %dma_wait3A_178 = tpu.memref_slice %arg7[%dma_wait3A_176, %dma_wait3A_177] : memref<10240x32xf32, #tpu.memory_space<vmem_shared>> -> memref<10240x32xf32, #tpu.memory_space<vmem_shared>>
        tpu.wait_indirect_dma semaphore(%arg13 : memref<!tpu.dma_semaphore, #tpu.memory_space<semaphore_mem>>) src(%dma_wait3A_172 : memref<128x32xf32, #tpu.memory_space<vmem>>) dst(%dma_wait3A_178 : memref<10240x32xf32, #tpu.memory_space<vmem_shared>>)
        %add3A_179 = arith.constant 4 : i32
        %add3A_180 = arith.addi %add3A_145, %add3A_179 : i32
        %dma_start3A_181 = arith.constant 0 : i32
        %dma_start3A_182 = arith.constant 1 : i32
        %dma_start3A_183 = arith.constant 0 : i32
        %dma_start3A_184 = arith.constant 0 : i32
        %dma_start3A_185 = tpu.memref_slice %arg6[%dma_start3A_182, %dma_start3A_183, %dma_start3A_184] : memref<4x128x32xf32, #tpu.memory_space<vmem>> -> memref<1x128x32xf32, #tpu.memory_space<vmem>>
        %dma_start3A_186 = tpu.memref_squeeze %dma_start3A_185 : memref<1x128x32xf32, #tpu.memory_space<vmem>> -> memref<128x32xf32, #tpu.memory_space<vmem>>
        %dma_start3A_187 = arith.constant 0 : i32
        %dma_start3A_188 = tpu.memref_slice %arg5[%add3A_180, %dma_start3A_181, %dma_start3A_187] : memref<79x2x128xi32, #tpu.memory_space<vmem>> -> memref<1x1x128xi32, #tpu.memory_space<vmem>>
        %dma_start3A_189 = tpu.memref_squeeze %dma_start3A_188 : memref<1x1x128xi32, #tpu.memory_space<vmem>> -> memref<128xi32, #tpu.memory_space<vmem>>
        %dma_start3A_190 = arith.constant 0 : i32
        %dma_start3A_191 = arith.constant 0 : i32
        %dma_start3A_192 = tpu.memref_slice %arg2[%dma_start3A_190, %dma_start3A_191] : memref<10000x32xf32, #tpu.memory_space<hbm>> -> memref<10000x32xf32, #tpu.memory_space<hbm>>
        tpu.enqueue_indirect_dma source(%dma_start3A_192 : memref<10000x32xf32, #tpu.memory_space<hbm>>) target(%dma_start3A_186 : memref<128x32xf32, #tpu.memory_space<vmem>>) offsets(%dma_start3A_189 : memref<128xi32, #tpu.memory_space<vmem>>) semaphore(%arg9 : memref<!tpu.dma_semaphore, #tpu.memory_space<semaphore_mem>>)
      } else {
      }
      %add3A_152 = arith.constant 2 : i32
      %add3A_153 = arith.addi %mul3A_111, %add3A_152 : i32
      %add3A_154 = arith.constant 4 : i32
      %add3A_155 = arith.addi %add3A_153, %add3A_154 : i32
      %lt3A_156 = arith.cmpi slt, %add3A_155, %add3A_3 : i32
      %convert_element_type3A_157 = arith.extui %lt3A_156 : i1 to i32
      %cond3A_158 = arith.constant 0 : i32
      %cond3A_159 = arith.cmpi ne, %convert_element_type3A_157, %cond3A_158 : i32
      scf.if %cond3A_159 {
        %dma_wait3A = arith.constant 2 : i32
        %dma_wait3A_168 = arith.constant 1 : i32
        %dma_wait3A_169 = arith.constant 0 : i32
        %dma_wait3A_170 = arith.constant 0 : i32
        %dma_wait3A_171 = tpu.memref_slice %arg6[%dma_wait3A, %dma_wait3A_169, %dma_wait3A_170] : memref<4x128x32xf32, #tpu.memory_space<vmem>> -> memref<1x128x32xf32, #tpu.memory_space<vmem>>
        %dma_wait3A_172 = tpu.memref_squeeze %dma_wait3A_171 : memref<1x128x32xf32, #tpu.memory_space<vmem>> -> memref<128x32xf32, #tpu.memory_space<vmem>>
        %dma_wait3A_173 = arith.constant 0 : i32
        %dma_wait3A_174 = tpu.memref_slice %arg5[%add3A_153, %dma_wait3A_168, %dma_wait3A_173] : memref<79x2x128xi32, #tpu.memory_space<vmem>> -> memref<1x1x128xi32, #tpu.memory_space<vmem>>
        %dma_wait3A_175 = tpu.memref_squeeze %dma_wait3A_174 : memref<1x1x128xi32, #tpu.memory_space<vmem>> -> memref<128xi32, #tpu.memory_space<vmem>>
        %dma_wait3A_176 = arith.constant 0 : i32
        %dma_wait3A_177 = arith.constant 0 : i32
        %dma_wait3A_178 = tpu.memref_slice %arg7[%dma_wait3A_176, %dma_wait3A_177] : memref<10240x32xf32, #tpu.memory_space<vmem_shared>> -> memref<10240x32xf32, #tpu.memory_space<vmem_shared>>
        tpu.wait_indirect_dma semaphore(%arg14 : memref<!tpu.dma_semaphore, #tpu.memory_space<semaphore_mem>>) src(%dma_wait3A_172 : memref<128x32xf32, #tpu.memory_space<vmem>>) dst(%dma_wait3A_178 : memref<10240x32xf32, #tpu.memory_space<vmem_shared>>)
        %add3A_179 = arith.constant 4 : i32
        %add3A_180 = arith.addi %add3A_153, %add3A_179 : i32
        %dma_start3A_181 = arith.constant 0 : i32
        %dma_start3A_182 = arith.constant 2 : i32
        %dma_start3A_183 = arith.constant 0 : i32
        %dma_start3A_184 = arith.constant 0 : i32
        %dma_start3A_185 = tpu.memref_slice %arg6[%dma_start3A_182, %dma_start3A_183, %dma_start3A_184] : memref<4x128x32xf32, #tpu.memory_space<vmem>> -> memref<1x128x32xf32, #tpu.memory_space<vmem>>
        %dma_start3A_186 = tpu.memref_squeeze %dma_start3A_185 : memref<1x128x32xf32, #tpu.memory_space<vmem>> -> memref<128x32xf32, #tpu.memory_space<vmem>>
        %dma_start3A_187 = arith.constant 0 : i32
        %dma_start3A_188 = tpu.memref_slice %arg5[%add3A_180, %dma_start3A_181, %dma_start3A_187] : memref<79x2x128xi32, #tpu.memory_space<vmem>> -> memref<1x1x128xi32, #tpu.memory_space<vmem>>
        %dma_start3A_189 = tpu.memref_squeeze %dma_start3A_188 : memref<1x1x128xi32, #tpu.memory_space<vmem>> -> memref<128xi32, #tpu.memory_space<vmem>>
        %dma_start3A_190 = arith.constant 0 : i32
        %dma_start3A_191 = arith.constant 0 : i32
        %dma_start3A_192 = tpu.memref_slice %arg2[%dma_start3A_190, %dma_start3A_191] : memref<10000x32xf32, #tpu.memory_space<hbm>> -> memref<10000x32xf32, #tpu.memory_space<hbm>>
        tpu.enqueue_indirect_dma source(%dma_start3A_192 : memref<10000x32xf32, #tpu.memory_space<hbm>>) target(%dma_start3A_186 : memref<128x32xf32, #tpu.memory_space<vmem>>) offsets(%dma_start3A_189 : memref<128xi32, #tpu.memory_space<vmem>>) semaphore(%arg10 : memref<!tpu.dma_semaphore, #tpu.memory_space<semaphore_mem>>)
      } else {
      }
      %add3A_160 = arith.constant 3 : i32
      %add3A_161 = arith.addi %mul3A_111, %add3A_160 : i32
      %add3A_162 = arith.constant 4 : i32
      %add3A_163 = arith.addi %add3A_161, %add3A_162 : i32
      %lt3A_164 = arith.cmpi slt, %add3A_163, %add3A_3 : i32
      %convert_element_type3A_165 = arith.extui %lt3A_164 : i1 to i32
      %cond3A_166 = arith.constant 0 : i32
      %cond3A_167 = arith.cmpi ne, %convert_element_type3A_165, %cond3A_166 : i32
      scf.if %cond3A_167 {
        %dma_wait3A = arith.constant 3 : i32
        %dma_wait3A_168 = arith.constant 1 : i32
        %dma_wait3A_169 = arith.constant 0 : i32
        %dma_wait3A_170 = arith.constant 0 : i32
        %dma_wait3A_171 = tpu.memref_slice %arg6[%dma_wait3A, %dma_wait3A_169, %dma_wait3A_170] : memref<4x128x32xf32, #tpu.memory_space<vmem>> -> memref<1x128x32xf32, #tpu.memory_space<vmem>>
        %dma_wait3A_172 = tpu.memref_squeeze %dma_wait3A_171 : memref<1x128x32xf32, #tpu.memory_space<vmem>> -> memref<128x32xf32, #tpu.memory_space<vmem>>
        %dma_wait3A_173 = arith.constant 0 : i32
        %dma_wait3A_174 = tpu.memref_slice %arg5[%add3A_161, %dma_wait3A_168, %dma_wait3A_173] : memref<79x2x128xi32, #tpu.memory_space<vmem>> -> memref<1x1x128xi32, #tpu.memory_space<vmem>>
        %dma_wait3A_175 = tpu.memref_squeeze %dma_wait3A_174 : memref<1x1x128xi32, #tpu.memory_space<vmem>> -> memref<128xi32, #tpu.memory_space<vmem>>
        %dma_wait3A_176 = arith.constant 0 : i32
        %dma_wait3A_177 = arith.constant 0 : i32
        %dma_wait3A_178 = tpu.memref_slice %arg7[%dma_wait3A_176, %dma_wait3A_177] : memref<10240x32xf32, #tpu.memory_space<vmem_shared>> -> memref<10240x32xf32, #tpu.memory_space<vmem_shared>>
        tpu.wait_indirect_dma semaphore(%arg15 : memref<!tpu.dma_semaphore, #tpu.memory_space<semaphore_mem>>) src(%dma_wait3A_172 : memref<128x32xf32, #tpu.memory_space<vmem>>) dst(%dma_wait3A_178 : memref<10240x32xf32, #tpu.memory_space<vmem_shared>>)
        %add3A_179 = arith.constant 4 : i32
        %add3A_180 = arith.addi %add3A_161, %add3A_179 : i32
        %dma_start3A_181 = arith.constant 0 : i32
        %dma_start3A_182 = arith.constant 3 : i32
        %dma_start3A_183 = arith.constant 0 : i32
        %dma_start3A_184 = arith.constant 0 : i32
        %dma_start3A_185 = tpu.memref_slice %arg6[%dma_start3A_182, %dma_start3A_183, %dma_start3A_184] : memref<4x128x32xf32, #tpu.memory_space<vmem>> -> memref<1x128x32xf32, #tpu.memory_space<vmem>>
        %dma_start3A_186 = tpu.memref_squeeze %dma_start3A_185 : memref<1x128x32xf32, #tpu.memory_space<vmem>> -> memref<128x32xf32, #tpu.memory_space<vmem>>
        %dma_start3A_187 = arith.constant 0 : i32
        %dma_start3A_188 = tpu.memref_slice %arg5[%add3A_180, %dma_start3A_181, %dma_start3A_187] : memref<79x2x128xi32, #tpu.memory_space<vmem>> -> memref<1x1x128xi32, #tpu.memory_space<vmem>>
        %dma_start3A_189 = tpu.memref_squeeze %dma_start3A_188 : memref<1x1x128xi32, #tpu.memory_space<vmem>> -> memref<128xi32, #tpu.memory_space<vmem>>
        %dma_start3A_190 = arith.constant 0 : i32
        %dma_start3A_191 = arith.constant 0 : i32
        %dma_start3A_192 = tpu.memref_slice %arg2[%dma_start3A_190, %dma_start3A_191] : memref<10000x32xf32, #tpu.memory_space<hbm>> -> memref<10000x32xf32, #tpu.memory_space<hbm>>
        tpu.enqueue_indirect_dma source(%dma_start3A_192 : memref<10000x32xf32, #tpu.memory_space<hbm>>) target(%dma_start3A_186 : memref<128x32xf32, #tpu.memory_space<vmem>>) offsets(%dma_start3A_189 : memref<128xi32, #tpu.memory_space<vmem>>) semaphore(%arg11 : memref<!tpu.dma_semaphore, #tpu.memory_space<semaphore_mem>>)
      } else {
      }
    }
    %scan3A_96 = arith.constant 20 : i32
    %convert_element_type3A_97 = arith.extui %lt3A_1 : i1 to i32
    %cond3A_98 = arith.constant 0 : i32
    %cond3A_99 = arith.cmpi ne, %convert_element_type3A_97, %cond3A_98 : i32
    scf.if %cond3A_99 {
      %dma_wait3A = arith.constant 3 : i32
      %dma_wait3A_109 = arith.constant 75 : i32
      %dma_wait3A_110 = arith.constant 1 : i32
      %dma_wait3A_111 = arith.constant 0 : i32
      %dma_wait3A_112 = arith.constant 0 : i32
      %dma_wait3A_113 = tpu.memref_slice %arg6[%dma_wait3A, %dma_wait3A_111, %dma_wait3A_112] : memref<4x128x32xf32, #tpu.memory_space<vmem>> -> memref<1x128x32xf32, #tpu.memory_space<vmem>>
      %dma_wait3A_114 = tpu.memref_squeeze %dma_wait3A_113 : memref<1x128x32xf32, #tpu.memory_space<vmem>> -> memref<128x32xf32, #tpu.memory_space<vmem>>
      %dma_wait3A_115 = arith.constant 0 : i32
      %dma_wait3A_116 = tpu.memref_slice %arg5[%dma_wait3A_109, %dma_wait3A_110, %dma_wait3A_115] : memref<79x2x128xi32, #tpu.memory_space<vmem>> -> memref<1x1x128xi32, #tpu.memory_space<vmem>>
      %dma_wait3A_117 = tpu.memref_squeeze %dma_wait3A_116 : memref<1x1x128xi32, #tpu.memory_space<vmem>> -> memref<128xi32, #tpu.memory_space<vmem>>
      %dma_wait3A_118 = arith.constant 0 : i32
      %dma_wait3A_119 = arith.constant 0 : i32
      %dma_wait3A_120 = tpu.memref_slice %arg7[%dma_wait3A_118, %dma_wait3A_119] : memref<10240x32xf32, #tpu.memory_space<vmem_shared>> -> memref<10240x32xf32, #tpu.memory_space<vmem_shared>>
      tpu.wait_indirect_dma semaphore(%arg15 : memref<!tpu.dma_semaphore, #tpu.memory_space<semaphore_mem>>) src(%dma_wait3A_114 : memref<128x32xf32, #tpu.memory_space<vmem>>) dst(%dma_wait3A_120 : memref<10240x32xf32, #tpu.memory_space<vmem_shared>>)
      %dma_wait3A_121 = arith.constant 0 : i32
      %dma_wait3A_122 = arith.constant 76 : i32
      %dma_wait3A_123 = arith.constant 1 : i32
      %dma_wait3A_124 = arith.constant 0 : i32
      %dma_wait3A_125 = arith.constant 0 : i32
      %dma_wait3A_126 = tpu.memref_slice %arg6[%dma_wait3A_121, %dma_wait3A_124, %dma_wait3A_125] : memref<4x128x32xf32, #tpu.memory_space<vmem>> -> memref<1x128x32xf32, #tpu.memory_space<vmem>>
      %dma_wait3A_127 = tpu.memref_squeeze %dma_wait3A_126 : memref<1x128x32xf32, #tpu.memory_space<vmem>> -> memref<128x32xf32, #tpu.memory_space<vmem>>
      %dma_wait3A_128 = arith.constant 0 : i32
      %dma_wait3A_129 = tpu.memref_slice %arg5[%dma_wait3A_122, %dma_wait3A_123, %dma_wait3A_128] : memref<79x2x128xi32, #tpu.memory_space<vmem>> -> memref<1x1x128xi32, #tpu.memory_space<vmem>>
      %dma_wait3A_130 = tpu.memref_squeeze %dma_wait3A_129 : memref<1x1x128xi32, #tpu.memory_space<vmem>> -> memref<128xi32, #tpu.memory_space<vmem>>
      %dma_wait3A_131 = arith.constant 0 : i32
      %dma_wait3A_132 = arith.constant 0 : i32
      %dma_wait3A_133 = tpu.memref_slice %arg7[%dma_wait3A_131, %dma_wait3A_132] : memref<10240x32xf32, #tpu.memory_space<vmem_shared>> -> memref<10240x32xf32, #tpu.memory_space<vmem_shared>>
      tpu.wait_indirect_dma semaphore(%arg12 : memref<!tpu.dma_semaphore, #tpu.memory_space<semaphore_mem>>) src(%dma_wait3A_127 : memref<128x32xf32, #tpu.memory_space<vmem>>) dst(%dma_wait3A_133 : memref<10240x32xf32, #tpu.memory_space<vmem_shared>>)
      %dma_wait3A_134 = arith.constant 1 : i32
      %dma_wait3A_135 = arith.constant 77 : i32
      %dma_wait3A_136 = arith.constant 1 : i32
      %dma_wait3A_137 = arith.constant 0 : i32
      %dma_wait3A_138 = arith.constant 0 : i32
      %dma_wait3A_139 = tpu.memref_slice %arg6[%dma_wait3A_134, %dma_wait3A_137, %dma_wait3A_138] : memref<4x128x32xf32, #tpu.memory_space<vmem>> -> memref<1x128x32xf32, #tpu.memory_space<vmem>>
      %dma_wait3A_140 = tpu.memref_squeeze %dma_wait3A_139 : memref<1x128x32xf32, #tpu.memory_space<vmem>> -> memref<128x32xf32, #tpu.memory_space<vmem>>
      %dma_wait3A_141 = arith.constant 0 : i32
      %dma_wait3A_142 = tpu.memref_slice %arg5[%dma_wait3A_135, %dma_wait3A_136, %dma_wait3A_141] : memref<79x2x128xi32, #tpu.memory_space<vmem>> -> memref<1x1x128xi32, #tpu.memory_space<vmem>>
      %dma_wait3A_143 = tpu.memref_squeeze %dma_wait3A_142 : memref<1x1x128xi32, #tpu.memory_space<vmem>> -> memref<128xi32, #tpu.memory_space<vmem>>
      %dma_wait3A_144 = arith.constant 0 : i32
      %dma_wait3A_145 = arith.constant 0 : i32
      %dma_wait3A_146 = tpu.memref_slice %arg7[%dma_wait3A_144, %dma_wait3A_145] : memref<10240x32xf32, #tpu.memory_space<vmem_shared>> -> memref<10240x32xf32, #tpu.memory_space<vmem_shared>>
      tpu.wait_indirect_dma semaphore(%arg13 : memref<!tpu.dma_semaphore, #tpu.memory_space<semaphore_mem>>) src(%dma_wait3A_140 : memref<128x32xf32, #tpu.memory_space<vmem>>) dst(%dma_wait3A_146 : memref<10240x32xf32, #tpu.memory_space<vmem_shared>>)
      %dma_wait3A_147 = arith.constant 2 : i32
      %dma_wait3A_148 = arith.constant 78 : i32
      %dma_wait3A_149 = arith.constant 1 : i32
      %dma_wait3A_150 = arith.constant 0 : i32
      %dma_wait3A_151 = arith.constant 0 : i32
      %dma_wait3A_152 = tpu.memref_slice %arg6[%dma_wait3A_147, %dma_wait3A_150, %dma_wait3A_151] : memref<4x128x32xf32, #tpu.memory_space<vmem>> -> memref<1x128x32xf32, #tpu.memory_space<vmem>>
      %dma_wait3A_153 = tpu.memref_squeeze %dma_wait3A_152 : memref<1x128x32xf32, #tpu.memory_space<vmem>> -> memref<128x32xf32, #tpu.memory_space<vmem>>
      %dma_wait3A_154 = arith.constant 0 : i32
      %dma_wait3A_155 = tpu.memref_slice %arg5[%dma_wait3A_148, %dma_wait3A_149, %dma_wait3A_154] : memref<79x2x128xi32, #tpu.memory_space<vmem>> -> memref<1x1x128xi32, #tpu.memory_space<vmem>>
      %dma_wait3A_156 = tpu.memref_squeeze %dma_wait3A_155 : memref<1x1x128xi32, #tpu.memory_space<vmem>> -> memref<128xi32, #tpu.memory_space<vmem>>
      %dma_wait3A_157 = arith.constant 0 : i32
      %dma_wait3A_158 = arith.constant 0 : i32
      %dma_wait3A_159 = tpu.memref_slice %arg7[%dma_wait3A_157, %dma_wait3A_158] : memref<10240x32xf32, #tpu.memory_space<vmem_shared>> -> memref<10240x32xf32, #tpu.memory_space<vmem_shared>>
      tpu.wait_indirect_dma semaphore(%arg14 : memref<!tpu.dma_semaphore, #tpu.memory_space<semaphore_mem>>) src(%dma_wait3A_153 : memref<128x32xf32, #tpu.memory_space<vmem>>) dst(%dma_wait3A_159 : memref<10240x32xf32, #tpu.memory_space<vmem_shared>>)
    } else {
    }
    %not3A = arith.constant true
    %not3A_100 = arith.xori %lt3A_1, %not3A : i1
    %convert_element_type3A_101 = arith.extui %not3A_100 : i1 to i32
    %cond3A_102 = arith.constant 0 : i32
    %cond3A_103 = arith.cmpi ne, %convert_element_type3A_101, %cond3A_102 : i32
    scf.if %cond3A_103 {
      %dma_wait3A = arith.constant 2 : i32
      %dma_wait3A_109 = arith.constant 74 : i32
      %dma_wait3A_110 = arith.constant 1 : i32
      %dma_wait3A_111 = arith.constant 0 : i32
      %dma_wait3A_112 = arith.constant 0 : i32
      %dma_wait3A_113 = tpu.memref_slice %arg6[%dma_wait3A, %dma_wait3A_111, %dma_wait3A_112] : memref<4x128x32xf32, #tpu.memory_space<vmem>> -> memref<1x128x32xf32, #tpu.memory_space<vmem>>
      %dma_wait3A_114 = tpu.memref_squeeze %dma_wait3A_113 : memref<1x128x32xf32, #tpu.memory_space<vmem>> -> memref<128x32xf32, #tpu.memory_space<vmem>>
      %dma_wait3A_115 = arith.constant 0 : i32
      %dma_wait3A_116 = tpu.memref_slice %arg5[%dma_wait3A_109, %dma_wait3A_110, %dma_wait3A_115] : memref<79x2x128xi32, #tpu.memory_space<vmem>> -> memref<1x1x128xi32, #tpu.memory_space<vmem>>
      %dma_wait3A_117 = tpu.memref_squeeze %dma_wait3A_116 : memref<1x1x128xi32, #tpu.memory_space<vmem>> -> memref<128xi32, #tpu.memory_space<vmem>>
      %dma_wait3A_118 = arith.constant 0 : i32
      %dma_wait3A_119 = arith.constant 0 : i32
      %dma_wait3A_120 = tpu.memref_slice %arg7[%dma_wait3A_118, %dma_wait3A_119] : memref<10240x32xf32, #tpu.memory_space<vmem_shared>> -> memref<10240x32xf32, #tpu.memory_space<vmem_shared>>
      tpu.wait_indirect_dma semaphore(%arg14 : memref<!tpu.dma_semaphore, #tpu.memory_space<semaphore_mem>>) src(%dma_wait3A_114 : memref<128x32xf32, #tpu.memory_space<vmem>>) dst(%dma_wait3A_120 : memref<10240x32xf32, #tpu.memory_space<vmem_shared>>)
      %dma_wait3A_121 = arith.constant 3 : i32
      %dma_wait3A_122 = arith.constant 75 : i32
      %dma_wait3A_123 = arith.constant 1 : i32
      %dma_wait3A_124 = arith.constant 0 : i32
      %dma_wait3A_125 = arith.constant 0 : i32
      %dma_wait3A_126 = tpu.memref_slice %arg6[%dma_wait3A_121, %dma_wait3A_124, %dma_wait3A_125] : memref<4x128x32xf32, #tpu.memory_space<vmem>> -> memref<1x128x32xf32, #tpu.memory_space<vmem>>
      %dma_wait3A_127 = tpu.memref_squeeze %dma_wait3A_126 : memref<1x128x32xf32, #tpu.memory_space<vmem>> -> memref<128x32xf32, #tpu.memory_space<vmem>>
      %dma_wait3A_128 = arith.constant 0 : i32
      %dma_wait3A_129 = tpu.memref_slice %arg5[%dma_wait3A_122, %dma_wait3A_123, %dma_wait3A_128] : memref<79x2x128xi32, #tpu.memory_space<vmem>> -> memref<1x1x128xi32, #tpu.memory_space<vmem>>
      %dma_wait3A_130 = tpu.memref_squeeze %dma_wait3A_129 : memref<1x1x128xi32, #tpu.memory_space<vmem>> -> memref<128xi32, #tpu.memory_space<vmem>>
      %dma_wait3A_131 = arith.constant 0 : i32
      %dma_wait3A_132 = arith.constant 0 : i32
      %dma_wait3A_133 = tpu.memref_slice %arg7[%dma_wait3A_131, %dma_wait3A_132] : memref<10240x32xf32, #tpu.memory_space<vmem_shared>> -> memref<10240x32xf32, #tpu.memory_space<vmem_shared>>
      tpu.wait_indirect_dma semaphore(%arg15 : memref<!tpu.dma_semaphore, #tpu.memory_space<semaphore_mem>>) src(%dma_wait3A_127 : memref<128x32xf32, #tpu.memory_space<vmem>>) dst(%dma_wait3A_133 : memref<10240x32xf32, #tpu.memory_space<vmem_shared>>)
      %dma_wait3A_134 = arith.constant 0 : i32
      %dma_wait3A_135 = arith.constant 76 : i32
      %dma_wait3A_136 = arith.constant 1 : i32
      %dma_wait3A_137 = arith.constant 0 : i32
      %dma_wait3A_138 = arith.constant 0 : i32
      %dma_wait3A_139 = tpu.memref_slice %arg6[%dma_wait3A_134, %dma_wait3A_137, %dma_wait3A_138] : memref<4x128x32xf32, #tpu.memory_space<vmem>> -> memref<1x128x32xf32, #tpu.memory_space<vmem>>
      %dma_wait3A_140 = tpu.memref_squeeze %dma_wait3A_139 : memref<1x128x32xf32, #tpu.memory_space<vmem>> -> memref<128x32xf32, #tpu.memory_space<vmem>>
      %dma_wait3A_141 = arith.constant 0 : i32
      %dma_wait3A_142 = tpu.memref_slice %arg5[%dma_wait3A_135, %dma_wait3A_136, %dma_wait3A_141] : memref<79x2x128xi32, #tpu.memory_space<vmem>> -> memref<1x1x128xi32, #tpu.memory_space<vmem>>
      %dma_wait3A_143 = tpu.memref_squeeze %dma_wait3A_142 : memref<1x1x128xi32, #tpu.memory_space<vmem>> -> memref<128xi32, #tpu.memory_space<vmem>>
      %dma_wait3A_144 = arith.constant 0 : i32
      %dma_wait3A_145 = arith.constant 0 : i32
      %dma_wait3A_146 = tpu.memref_slice %arg7[%dma_wait3A_144, %dma_wait3A_145] : memref<10240x32xf32, #tpu.memory_space<vmem_shared>> -> memref<10240x32xf32, #tpu.memory_space<vmem_shared>>
      tpu.wait_indirect_dma semaphore(%arg12 : memref<!tpu.dma_semaphore, #tpu.memory_space<semaphore_mem>>) src(%dma_wait3A_140 : memref<128x32xf32, #tpu.memory_space<vmem>>) dst(%dma_wait3A_146 : memref<10240x32xf32, #tpu.memory_space<vmem_shared>>)
      %dma_wait3A_147 = arith.constant 1 : i32
      %dma_wait3A_148 = arith.constant 77 : i32
      %dma_wait3A_149 = arith.constant 1 : i32
      %dma_wait3A_150 = arith.constant 0 : i32
      %dma_wait3A_151 = arith.constant 0 : i32
      %dma_wait3A_152 = tpu.memref_slice %arg6[%dma_wait3A_147, %dma_wait3A_150, %dma_wait3A_151] : memref<4x128x32xf32, #tpu.memory_space<vmem>> -> memref<1x128x32xf32, #tpu.memory_space<vmem>>
      %dma_wait3A_153 = tpu.memref_squeeze %dma_wait3A_152 : memref<1x128x32xf32, #tpu.memory_space<vmem>> -> memref<128x32xf32, #tpu.memory_space<vmem>>
      %dma_wait3A_154 = arith.constant 0 : i32
      %dma_wait3A_155 = tpu.memref_slice %arg5[%dma_wait3A_148, %dma_wait3A_149, %dma_wait3A_154] : memref<79x2x128xi32, #tpu.memory_space<vmem>> -> memref<1x1x128xi32, #tpu.memory_space<vmem>>
      %dma_wait3A_156 = tpu.memref_squeeze %dma_wait3A_155 : memref<1x1x128xi32, #tpu.memory_space<vmem>> -> memref<128xi32, #tpu.memory_space<vmem>>
      %dma_wait3A_157 = arith.constant 0 : i32
      %dma_wait3A_158 = arith.constant 0 : i32
      %dma_wait3A_159 = tpu.memref_slice %arg7[%dma_wait3A_157, %dma_wait3A_158] : memref<10240x32xf32, #tpu.memory_space<vmem_shared>> -> memref<10240x32xf32, #tpu.memory_space<vmem_shared>>
      tpu.wait_indirect_dma semaphore(%arg13 : memref<!tpu.dma_semaphore, #tpu.memory_space<semaphore_mem>>) src(%dma_wait3A_153 : memref<128x32xf32, #tpu.memory_space<vmem>>) dst(%dma_wait3A_159 : memref<10240x32xf32, #tpu.memory_space<vmem_shared>>)
    } else {
    }
    %barrier3A_104 = arith.constant 0 : index
    tpu.barrier barrier_id(%barrier3A_104)
    %mul3A_105 = arith.constant 640 : i32
    %mul3A_106 = arith.muli %arg1, %mul3A_105 : i32
    %mul3A_107 = arith.constant 640 : i32
    %mul3A_108 = arith.muli %arg1, %mul3A_107 : i32
    "tpu.region"() ({
      %run_scoped3A_109 = tpu.sem_alloc : memref<!tpu.dma_semaphore, #tpu.memory_space<semaphore_mem>>
      %dma_start3A_110 = arith.constant 0 : i32
      %dma_start3A_111 = arith.constant 0 : i32
      %dma_start3A_112 = tpu.memref_slice %arg4[%arg0, %dma_start3A_110, %dma_start3A_111] : memref<2x10240x32xf32, #tpu.memory_space<hbm>> -> memref<1x10240x32xf32, #tpu.memory_space<hbm>>
      %dma_start3A_113 = tpu.memref_squeeze %dma_start3A_112 : memref<1x10240x32xf32, #tpu.memory_space<hbm>> -> memref<10240x32xf32, #tpu.memory_space<hbm>>
      %dma_start3A_114 = arith.constant 0 : i32
      %dma_start3A_115 = tpu.memref_slice %dma_start3A_113[%mul3A_108, %dma_start3A_114] : memref<10240x32xf32, #tpu.memory_space<hbm>> -> memref<640x32xf32, #tpu.memory_space<hbm>>
      %dma_start3A_116 = arith.constant 0 : i32
      %dma_start3A_117 = tpu.memref_slice %arg7[%mul3A_106, %dma_start3A_116] : memref<10240x32xf32, #tpu.memory_space<vmem_shared>> -> memref<640x32xf32, #tpu.memory_space<vmem_shared>>
      tpu.enqueue_dma source(%dma_start3A_117 : memref<640x32xf32, #tpu.memory_space<vmem_shared>>) target(%dma_start3A_115 : memref<640x32xf32, #tpu.memory_space<hbm>>) target_semaphore(%run_scoped3A_109 : memref<!tpu.dma_semaphore, #tpu.memory_space<semaphore_mem>>)
      %dma_wait3A = arith.constant 0 : i32
      %dma_wait3A_118 = arith.constant 0 : i32
      %dma_wait3A_119 = tpu.memref_slice %arg4[%arg0, %dma_wait3A, %dma_wait3A_118] : memref<2x10240x32xf32, #tpu.memory_space<hbm>> -> memref<1x10240x32xf32, #tpu.memory_space<hbm>>
      %dma_wait3A_120 = tpu.memref_squeeze %dma_wait3A_119 : memref<1x10240x32xf32, #tpu.memory_space<hbm>> -> memref<10240x32xf32, #tpu.memory_space<hbm>>
      %dma_wait3A_121 = arith.constant 0 : i32
      %dma_wait3A_122 = tpu.memref_slice %dma_wait3A_120[%mul3A_108, %dma_wait3A_121] : memref<10240x32xf32, #tpu.memory_space<hbm>> -> memref<640x32xf32, #tpu.memory_space<hbm>>
      %dma_wait3A_123 = arith.constant 0 : i32
      %dma_wait3A_124 = tpu.memref_slice %arg7[%mul3A_106, %dma_wait3A_123] : memref<10240x32xf32, #tpu.memory_space<vmem_shared>> -> memref<640x32xf32, #tpu.memory_space<vmem_shared>>
      tpu.wait_dma2 semaphore(%run_scoped3A_109 : memref<!tpu.dma_semaphore, #tpu.memory_space<semaphore_mem>>) src(%dma_wait3A_124 : memref<640x32xf32, #tpu.memory_space<vmem_shared>>) dst(%dma_wait3A_122 : memref<640x32xf32, #tpu.memory_space<hbm>>)
      tpu.yield
    }) : () -> ()
    return
  }
}

module attributes {stable_mosaic.version = 14 : i64} {
  func.func @_scale_body(%arg0: i32, %arg1: memref<2048x32xf32, #tpu.memory_space<vmem>>, %arg2: memref<2x2048xf32, #tpu.memory_space<vmem>>, %arg3: memref<2048x32xf32, #tpu.memory_space<vmem>>, %arg4: memref<2048x1xf32, #tpu.memory_space<vmem>>) attributes {dimension_semantics = [#tpu.dimension_semantics<arbitrary>], iteration_bounds = array<i64: 5>, scalar_prefetch = 0 : i64, scratch_operands = 0 : i64, tpu.core_type = #tpu.core_type<tc>, window_params = [{transform_indices = @transform_0, window_bounds = array<i64: 2048, 32>}, {transform_indices = @transform_1, window_bounds = array<i64: 2, 2048>}, {transform_indices = @transform_2, window_bounds = array<i64: 2048, 32>}, {transform_indices = @transform_3, window_bounds = array<i64: 2048, 1>}]} {
    %get3A = arith.constant 0 : index
    %get3A_0 = arith.constant 0 : index
    %get3A_1 = vector.load %arg2[%get3A, %get3A_0] : memref<2x2048xf32, #tpu.memory_space<vmem>>, vector<2x2048xf32>
    %transpose3A = tpu.transpose %get3A_1, [1, 0] : vector<2x2048xf32> -> vector<2048x2xf32>
    %slice3A = vector.extract_strided_slice %transpose3A {offsets = [0, 0], sizes = [2048, 1], strides = [1, 1]} : vector<2048x2xf32> to vector<2048x1xf32>
    %slice3A_2 = vector.extract_strided_slice %transpose3A {offsets = [0, 1], sizes = [2048, 1], strides = [1, 1]} : vector<2048x2xf32> to vector<2048x1xf32>
    %add3A = arith.addf %slice3A, %slice3A_2 : vector<2048x1xf32>
    %add3A_3 = arith.constant 1.000000e+00 : f32
    %add3A_4 = vector.broadcast %add3A_3 : f32 to vector<2048x1xf32>
    %add3A_5 = arith.addf %add3A, %add3A_4 : vector<2048x1xf32>
    %rsqrt3A = math.rsqrt %add3A_5 : vector<2048x1xf32>
    %get3A_6 = arith.constant 0 : index
    %get3A_7 = arith.constant 0 : index
    %get3A_8 = vector.load %arg1[%get3A_6, %get3A_7] : memref<2048x32xf32, #tpu.memory_space<vmem>>, vector<2048x32xf32>
    %mul3A = vector.broadcast %rsqrt3A : vector<2048x1xf32> to vector<2048x32xf32>
    %mul3A_9 = arith.mulf %get3A_8, %mul3A : vector<2048x32xf32>
    %swap3A = arith.constant 0 : index
    %swap3A_10 = arith.constant 0 : index
    %swap3A_11 = vector.load %arg3[%swap3A, %swap3A_10] : memref<2048x32xf32, #tpu.memory_space<vmem>>, vector<2048x32xf32>
    tpu.vector_store %arg3[%swap3A, %swap3A_10], %mul3A_9 {strides = array<i32>} : memref<2048x32xf32, #tpu.memory_space<vmem>>, vector<2048x32xf32>,
    %swap3A_12 = arith.constant 0 : index
    %swap3A_13 = arith.constant 0 : index
    %swap3A_14 = vector.load %arg4[%swap3A_12, %swap3A_13] : memref<2048x1xf32, #tpu.memory_space<vmem>>, vector<2048x1xf32>
    tpu.vector_store %arg4[%swap3A_12, %swap3A_13], %rsqrt3A {strides = array<i32>} : memref<2048x1xf32, #tpu.memory_space<vmem>>, vector<2048x1xf32>,
    return
  }
  func.func @transform_0(%arg0: i32) -> (i32, i32) {
    %c0_i32 = arith.constant 0 : i32
    %c0_i32_0 = arith.constant 0 : i32
    return %arg0, %c0_i32 : i32, i32
  }
  func.func @transform_1(%arg0: i32) -> (i32, i32) {
    %c0_i32 = arith.constant 0 : i32
    %c0_i32_0 = arith.constant 0 : i32
    return %c0_i32, %arg0 : i32, i32
  }
  func.func @transform_2(%arg0: i32) -> (i32, i32) {
    %c0_i32 = arith.constant 0 : i32
    %c0_i32_0 = arith.constant 0 : i32
    return %arg0, %c0_i32 : i32, i32
  }
  func.func @transform_3(%arg0: i32) -> (i32, i32) {
    %c0_i32 = arith.constant 0 : i32
    %c0_i32_0 = arith.constant 0 : i32
    return %arg0, %c0_i32 : i32, i32
  }
}

module attributes {stable_mosaic.version = 14 : i64} {
  func.func @_enc_body(%arg0: i32, %arg1: memref<2000x128xf32, #tpu.memory_space<vmem>>, %arg2: memref<128x32xf32, #tpu.memory_space<vmem>>, %arg3: memref<1x32xf32, #tpu.memory_space<vmem>>, %arg4: memref<32x32xf32, #tpu.memory_space<vmem>>, %arg5: memref<1x32xf32, #tpu.memory_space<vmem>>, %arg6: memref<2000x32xf32, #tpu.memory_space<vmem>>) attributes {dimension_semantics = [#tpu.dimension_semantics<arbitrary>], iteration_bounds = array<i64: 5>, scalar_prefetch = 0 : i64, scratch_operands = 0 : i64, tpu.core_type = #tpu.core_type<tc>, window_params = [{transform_indices = @transform_0, window_bounds = array<i64: 2000, 128>}, {pipeline_mode = #tpu.pipeline_mode<synchronous>, transform_indices = @transform_1, window_bounds = array<i64: 128, 32>}, {pipeline_mode = #tpu.pipeline_mode<synchronous>, transform_indices = @transform_2, window_bounds = array<i64: 1, 32>}, {pipeline_mode = #tpu.pipeline_mode<synchronous>, transform_indices = @transform_3, window_bounds = array<i64: 32, 32>}, {pipeline_mode = #tpu.pipeline_mode<synchronous>, transform_indices = @transform_4, window_bounds = array<i64: 1, 32>}, {transform_indices = @transform_5, window_bounds = array<i64: 2000, 32>}]} {
    %get3A = arith.constant 0 : index
    %get3A_0 = arith.constant 0 : index
    %get3A_1 = vector.load %arg1[%get3A, %get3A_0] : memref<2000x128xf32, #tpu.memory_space<vmem>>, vector<2000x128xf32>
    %get3A_2 = arith.constant 0 : index
    %get3A_3 = arith.constant 0 : index
    %get3A_4 = vector.load %arg2[%get3A_2, %get3A_3] : memref<128x32xf32, #tpu.memory_space<vmem>>, vector<128x32xf32>
    %dot_general3A = arith.constant dense<0.000000e+00> : vector<2000x32xf32>
    %dot_general3A_5 = tpu.matmul %get3A_1, %get3A_4, %dot_general3A {dimension_numbers = #tpu.dot_dimension_numbers<[1], [0], [0], [1], [0, 0, 1, 1], [], []>, transpose_lhs_hint = false} : vector<2000x128xf32>, vector<128x32xf32>, vector<2000x32xf32> -> vector<2000x32xf32>
    %get3A_6 = arith.constant 0 : index
    %get3A_7 = arith.constant 0 : index
    %get3A_8 = vector.load %arg3[%get3A_6, %get3A_7] : memref<1x32xf32, #tpu.memory_space<vmem>>, vector<1x32xf32>
    %add3A = vector.broadcast %get3A_8 : vector<1x32xf32> to vector<2000x32xf32>
    %add3A_9 = arith.addf %dot_general3A_5, %add3A : vector<2000x32xf32>
    %gt3A = arith.constant 0.000000e+00 : f32
    %gt3A_10 = vector.broadcast %gt3A : f32 to vector<2000x32xf32>
    %gt3A_11 = arith.cmpf ogt, %add3A_9, %gt3A_10 : vector<2000x32xf32>
    %exp3A = math.exp %add3A_9 : vector<2000x32xf32>
    %sub3A = arith.constant 1.000000e+00 : f32
    %sub3A_12 = vector.broadcast %sub3A : f32 to vector<2000x32xf32>
    %sub3A_13 = arith.subf %exp3A, %sub3A_12 : vector<2000x32xf32>
    %select_n3A = arith.select %gt3A_11, %add3A_9, %sub3A_13 : vector<2000x32xi1>, vector<2000x32xf32>
    %get3A_14 = arith.constant 0 : index
    %get3A_15 = arith.constant 0 : index
    %get3A_16 = vector.load %arg4[%get3A_14, %get3A_15] : memref<32x32xf32, #tpu.memory_space<vmem>>, vector<32x32xf32>
    %dot_general3A_17 = arith.constant dense<0.000000e+00> : vector<2000x32xf32>
    %dot_general3A_18 = tpu.matmul %select_n3A, %get3A_16, %dot_general3A_17 {dimension_numbers = #tpu.dot_dimension_numbers<[1], [0], [0], [1], [0, 0, 1, 1], [], []>, transpose_lhs_hint = false} : vector<2000x32xf32>, vector<32x32xf32>, vector<2000x32xf32> -> vector<2000x32xf32>
    %get3A_19 = arith.constant 0 : index
    %get3A_20 = arith.constant 0 : index
    %get3A_21 = vector.load %arg5[%get3A_19, %get3A_20] : memref<1x32xf32, #tpu.memory_space<vmem>>, vector<1x32xf32>
    %add3A_22 = vector.broadcast %get3A_21 : vector<1x32xf32> to vector<2000x32xf32>
    %add3A_23 = arith.addf %dot_general3A_18, %add3A_22 : vector<2000x32xf32>
    %gt3A_24 = arith.constant 0.000000e+00 : f32
    %gt3A_25 = vector.broadcast %gt3A_24 : f32 to vector<2000x32xf32>
    %gt3A_26 = arith.cmpf ogt, %add3A_23, %gt3A_25 : vector<2000x32xf32>
    %exp3A_27 = math.exp %add3A_23 : vector<2000x32xf32>
    %sub3A_28 = arith.constant 1.000000e+00 : f32
    %sub3A_29 = vector.broadcast %sub3A_28 : f32 to vector<2000x32xf32>
    %sub3A_30 = arith.subf %exp3A_27, %sub3A_29 : vector<2000x32xf32>
    %select_n3A_31 = arith.select %gt3A_26, %add3A_23, %sub3A_30 : vector<2000x32xi1>, vector<2000x32xf32>
    %swap3A = arith.constant 0 : index
    %swap3A_32 = arith.constant 0 : index
    %swap3A_33 = vector.load %arg6[%swap3A, %swap3A_32] : memref<2000x32xf32, #tpu.memory_space<vmem>>, vector<2000x32xf32>
    tpu.vector_store %arg6[%swap3A, %swap3A_32], %select_n3A_31 {strides = array<i32>} : memref<2000x32xf32, #tpu.memory_space<vmem>>, vector<2000x32xf32>,
    return
  }
  func.func @transform_0(%arg0: i32) -> (i32, i32) {
    %c0_i32 = arith.constant 0 : i32
    %c0_i32_0 = arith.constant 0 : i32
    return %arg0, %c0_i32 : i32, i32
  }
  func.func @transform_1(%arg0: i32) -> (i32, i32) {
    %c0_i32 = arith.constant 0 : i32
    %c0_i32_0 = arith.constant 0 : i32
    %c0_i32_1 = arith.constant 0 : i32
    return %c0_i32, %c0_i32_0 : i32, i32
  }
  func.func @transform_2(%arg0: i32) -> (i32, i32) {
    %c0_i32 = arith.constant 0 : i32
    %c0_i32_0 = arith.constant 0 : i32
    %c0_i32_1 = arith.constant 0 : i32
    return %c0_i32, %c0_i32_0 : i32, i32
  }
  func.func @transform_3(%arg0: i32) -> (i32, i32) {
    %c0_i32 = arith.constant 0 : i32
    %c0_i32_0 = arith.constant 0 : i32
    %c0_i32_1 = arith.constant 0 : i32
    return %c0_i32, %c0_i32_0 : i32, i32
  }
  func.func @transform_4(%arg0: i32) -> (i32, i32) {
    %c0_i32 = arith.constant 0 : i32
    %c0_i32_0 = arith.constant 0 : i32
    %c0_i32_1 = arith.constant 0 : i32
    return %c0_i32, %c0_i32_0 : i32, i32
  }
  func.func @transform_5(%arg0: i32) -> (i32, i32) {
    %c0_i32 = arith.constant 0 : i32
    %c0_i32_0 = arith.constant 0 : i32
    return %arg0, %c0_i32 : i32, i32
  }
}

module attributes {stable_mosaic.version = 14 : i64} {
  func.func @_mid_body(%arg0: i32, %arg1: memref<2x2000x32xf32, #tpu.memory_space<vmem>>, %arg2: memref<2000x32xf32, #tpu.memory_space<vmem>>, %arg3: memref<2000x1xf32, #tpu.memory_space<vmem>>, %arg4: memref<32x64xf32, #tpu.memory_space<vmem>>, %arg5: memref<1x64xf32, #tpu.memory_space<vmem>>, %arg6: memref<64x16xf32, #tpu.memory_space<vmem>>, %arg7: memref<2000x16xf32, #tpu.memory_space<vmem>>) attributes {dimension_semantics = [#tpu.dimension_semantics<arbitrary>], iteration_bounds = array<i64: 5>, scalar_prefetch = 0 : i64, scratch_operands = 0 : i64, tpu.core_type = #tpu.core_type<tc>, window_params = [{transform_indices = @transform_0, window_bounds = array<i64: 2, 2000, 32>}, {transform_indices = @transform_1, window_bounds = array<i64: 2000, 32>}, {transform_indices = @transform_2, window_bounds = array<i64: 2000, 1>}, {pipeline_mode = #tpu.pipeline_mode<synchronous>, transform_indices = @transform_3, window_bounds = array<i64: 32, 64>}, {pipeline_mode = #tpu.pipeline_mode<synchronous>, transform_indices = @transform_4, window_bounds = array<i64: 1, 64>}, {pipeline_mode = #tpu.pipeline_mode<synchronous>, transform_indices = @transform_5, window_bounds = array<i64: 64, 16>}, {transform_indices = @transform_6, window_bounds = array<i64: 2000, 16>}]} {
    %get3A = arith.constant 0 : index
    %get3A_0 = arith.constant 0 : index
    %get3A_1 = arith.constant 0 : index
    %get3A_2 = vector.load %arg1[%get3A, %get3A_0, %get3A_1] : memref<2x2000x32xf32, #tpu.memory_space<vmem>>, vector<2x2000x32xf32>
    %slice3A = vector.extract_strided_slice %get3A_2 {offsets = [0, 0, 0], sizes = [1, 2000, 32], strides = [1, 1, 1]} : vector<2x2000x32xf32> to vector<1x2000x32xf32>
    %squeeze3A = vector.shape_cast %slice3A : vector<1x2000x32xf32> to vector<2000x32xf32>
    %slice3A_3 = vector.extract_strided_slice %get3A_2 {offsets = [1, 0, 0], sizes = [1, 2000, 32], strides = [1, 1, 1]} : vector<2x2000x32xf32> to vector<1x2000x32xf32>
    %squeeze3A_4 = vector.shape_cast %slice3A_3 : vector<1x2000x32xf32> to vector<2000x32xf32>
    %add3A = arith.addf %squeeze3A, %squeeze3A_4 : vector<2000x32xf32>
    %get3A_5 = arith.constant 0 : index
    %get3A_6 = arith.constant 0 : index
    %get3A_7 = vector.load %arg2[%get3A_5, %get3A_6] : memref<2000x32xf32, #tpu.memory_space<vmem>>, vector<2000x32xf32>
    %add3A_8 = arith.addf %add3A, %get3A_7 : vector<2000x32xf32>
    %get3A_9 = arith.constant 0 : index
    %get3A_10 = arith.constant 0 : index
    %get3A_11 = vector.load %arg3[%get3A_9, %get3A_10] : memref<2000x1xf32, #tpu.memory_space<vmem>>, vector<2000x1xf32>
    %mul3A = vector.broadcast %get3A_11 : vector<2000x1xf32> to vector<2000x32xf32>
    %mul3A_12 = arith.mulf %add3A_8, %mul3A : vector<2000x32xf32>
    %get3A_13 = arith.constant 0 : index
    %get3A_14 = arith.constant 0 : index
    %get3A_15 = vector.load %arg4[%get3A_13, %get3A_14] : memref<32x64xf32, #tpu.memory_space<vmem>>, vector<32x64xf32>
    %dot_general3A = arith.constant dense<0.000000e+00> : vector<2000x64xf32>
    %dot_general3A_16 = tpu.matmul %mul3A_12, %get3A_15, %dot_general3A {dimension_numbers = #tpu.dot_dimension_numbers<[1], [0], [0], [1], [0, 0, 1, 1], [], []>, transpose_lhs_hint = false} : vector<2000x32xf32>, vector<32x64xf32>, vector<2000x64xf32> -> vector<2000x64xf32>
    %get3A_17 = arith.constant 0 : index
    %get3A_18 = arith.constant 0 : index
    %get3A_19 = vector.load %arg5[%get3A_17, %get3A_18] : memref<1x64xf32, #tpu.memory_space<vmem>>, vector<1x64xf32>
    %add3A_20 = vector.broadcast %get3A_19 : vector<1x64xf32> to vector<2000x64xf32>
    %add3A_21 = arith.addf %dot_general3A_16, %add3A_20 : vector<2000x64xf32>
    %max3A = arith.constant 0.000000e+00 : f32
    %max3A_22 = vector.broadcast %max3A : f32 to vector<2000x64xf32>
    %max3A_23 = arith.maximumf %add3A_21, %max3A_22 : vector<2000x64xf32>
    %get3A_24 = arith.constant 0 : index
    %get3A_25 = arith.constant 0 : index
    %get3A_26 = vector.load %arg6[%get3A_24, %get3A_25] : memref<64x16xf32, #tpu.memory_space<vmem>>, vector<64x16xf32>
    %dot_general3A_27 = arith.constant dense<0.000000e+00> : vector<2000x16xf32>
    %dot_general3A_28 = tpu.matmul %max3A_23, %get3A_26, %dot_general3A_27 {dimension_numbers = #tpu.dot_dimension_numbers<[1], [0], [0], [1], [0, 0, 1, 1], [], []>, transpose_lhs_hint = false} : vector<2000x64xf32>, vector<64x16xf32>, vector<2000x16xf32> -> vector<2000x16xf32>
    %get3A_29 = arith.constant 0 : index
    %get3A_30 = arith.constant 0 : index
    %get3A_31 = vector.load %arg3[%get3A_29, %get3A_30] : memref<2000x1xf32, #tpu.memory_space<vmem>>, vector<2000x1xf32>
    %mul3A_32 = vector.broadcast %get3A_31 : vector<2000x1xf32> to vector<2000x16xf32>
    %mul3A_33 = arith.mulf %dot_general3A_28, %mul3A_32 : vector<2000x16xf32>
    %swap3A = arith.constant 0 : index
    %swap3A_34 = arith.constant 0 : index
    %swap3A_35 = vector.load %arg7[%swap3A, %swap3A_34] : memref<2000x16xf32, #tpu.memory_space<vmem>>, vector<2000x16xf32>
    tpu.vector_store %arg7[%swap3A, %swap3A_34], %mul3A_33 {strides = array<i32>} : memref<2000x16xf32, #tpu.memory_space<vmem>>, vector<2000x16xf32>,
    return
  }
  func.func @transform_0(%arg0: i32) -> (i32, i32, i32) {
    %c0_i32 = arith.constant 0 : i32
    %c0_i32_0 = arith.constant 0 : i32
    %c0_i32_1 = arith.constant 0 : i32
    return %c0_i32, %arg0, %c0_i32_0 : i32, i32, i32
  }
  func.func @transform_1(%arg0: i32) -> (i32, i32) {
    %c0_i32 = arith.constant 0 : i32
    %c0_i32_0 = arith.constant 0 : i32
    return %arg0, %c0_i32 : i32, i32
  }
  func.func @transform_2(%arg0: i32) -> (i32, i32) {
    %c0_i32 = arith.constant 0 : i32
    %c0_i32_0 = arith.constant 0 : i32
    return %arg0, %c0_i32 : i32, i32
  }
  func.func @transform_3(%arg0: i32) -> (i32, i32) {
    %c0_i32 = arith.constant 0 : i32
    %c0_i32_0 = arith.constant 0 : i32
    %c0_i32_1 = arith.constant 0 : i32
    return %c0_i32, %c0_i32_0 : i32, i32
  }
  func.func @transform_4(%arg0: i32) -> (i32, i32) {
    %c0_i32 = arith.constant 0 : i32
    %c0_i32_0 = arith.constant 0 : i32
    %c0_i32_1 = arith.constant 0 : i32
    return %c0_i32, %c0_i32_0 : i32, i32
  }
  func.func @transform_5(%arg0: i32) -> (i32, i32) {
    %c0_i32 = arith.constant 0 : i32
    %c0_i32_0 = arith.constant 0 : i32
    %c0_i32_1 = arith.constant 0 : i32
    return %c0_i32, %c0_i32_0 : i32, i32
  }
  func.func @transform_6(%arg0: i32) -> (i32, i32) {
    %c0_i32 = arith.constant 0 : i32
    %c0_i32_0 = arith.constant 0 : i32
    return %arg0, %c0_i32 : i32, i32
  }
}

module attributes {stable_mosaic.version = 14 : i64} {
  func.func @_tail_body(%arg0: i32, %arg1: memref<2x10000x16xf32, #tpu.memory_space<vmem>>, %arg2: memref<10000x16xf32, #tpu.memory_space<vmem>>, %arg3: memref<10000x1xf32, #tpu.memory_space<vmem>>, %arg4: memref<10000x32xf32, #tpu.memory_space<vmem>>, %arg5: memref<16x1xf32, #tpu.memory_space<vmem>>, %arg6: memref<32x28xf32, #tpu.memory_space<vmem>>, %arg7: memref<32x1xf32, #tpu.memory_space<vmem>>, %arg8: memref<32x128xf32, #tpu.memory_space<vmem>>, %arg9: memref<1x128xf32, #tpu.memory_space<vmem>>, %arg10: memref<15x28xf32, #tpu.memory_space<vmem>>, %arg11: memref<15x1xf32, #tpu.memory_space<vmem>>, %arg12: memref<28x10000xf32, #tpu.memory_space<vmem>>, %arg13: memref<8x10000xf32, #tpu.memory_space<vmem>>, %arg14: memref<8x10000xf32, #tpu.memory_space<vmem>>, %arg15: memref<10000x128xf32, #tpu.memory_space<vmem>>, %arg16: memref<15x10000xf32, #tpu.memory_space<vmem>>, %arg17: memref<20x10000xf32, #tpu.memory_space<vmem>>) attributes {dimension_semantics = [#tpu.dimension_semantics<arbitrary>], iteration_bounds = array<i64: 1>, scalar_prefetch = 0 : i64, scratch_operands = 0 : i64, tpu.core_type = #tpu.core_type<tc>, window_params = [{transform_indices = @transform_0, window_bounds = array<i64: 2, 10000, 16>}, {pipeline_mode = #tpu.pipeline_mode<synchronous>, transform_indices = @transform_1, window_bounds = array<i64: 10000, 16>}, {pipeline_mode = #tpu.pipeline_mode<synchronous>, transform_indices = @transform_2, window_bounds = array<i64: 10000, 1>}, {pipeline_mode = #tpu.pipeline_mode<synchronous>, transform_indices = @transform_3, window_bounds = array<i64: 10000, 32>}, {pipeline_mode = #tpu.pipeline_mode<synchronous>, transform_indices = @transform_4, window_bounds = array<i64: 16, 1>}, {pipeline_mode = #tpu.pipeline_mode<synchronous>, transform_indices = @transform_5, window_bounds = array<i64: 32, 28>}, {pipeline_mode = #tpu.pipeline_mode<synchronous>, transform_indices = @transform_6, window_bounds = array<i64: 32, 1>}, {pipeline_mode = #tpu.pipeline_mode<synchronous>, transform_indices = @transform_7, window_bounds = array<i64: 32, 128>}, {pipeline_mode = #tpu.pipeline_mode<synchronous>, transform_indices = @transform_8, window_bounds = array<i64: 1, 128>}, {pipeline_mode = #tpu.pipeline_mode<synchronous>, transform_indices = @transform_9, window_bounds = array<i64: 15, 28>}, {pipeline_mode = #tpu.pipeline_mode<synchronous>, transform_indices = @transform_10, window_bounds = array<i64: 15, 1>}, {pipeline_mode = #tpu.pipeline_mode<synchronous>, transform_indices = @transform_11, window_bounds = array<i64: 28, 10000>}, {pipeline_mode = #tpu.pipeline_mode<synchronous>, transform_indices = @transform_12, window_bounds = array<i64: 8, 10000>}, {pipeline_mode = #tpu.pipeline_mode<synchronous>, transform_indices = @transform_13, window_bounds = array<i64: 8, 10000>}, {pipeline_mode = #tpu.pipeline_mode<synchronous>, transform_indices = @transform_14, window_bounds = array<i64: 10000, 128>}, {pipeline_mode = #tpu.pipeline_mode<synchronous>, transform_indices = @transform_15, window_bounds = array<i64: 15, 10000>}, {pipeline_mode = #tpu.pipeline_mode<synchronous>, transform_indices = @transform_16, window_bounds = array<i64: 20, 10000>}]} {
    %get3A = arith.constant 0 : index
    %get3A_0 = arith.constant 0 : index
    %get3A_1 = arith.constant 0 : index
    %get3A_2 = vector.load %arg1[%get3A, %get3A_0, %get3A_1] : memref<2x10000x16xf32, #tpu.memory_space<vmem>>, vector<2x10000x16xf32>
    %slice3A = vector.extract_strided_slice %get3A_2 {offsets = [0, 0, 0], sizes = [1, 10000, 16], strides = [1, 1, 1]} : vector<2x10000x16xf32> to vector<1x10000x16xf32>
    %squeeze3A = vector.shape_cast %slice3A : vector<1x10000x16xf32> to vector<10000x16xf32>
    %slice3A_3 = vector.extract_strided_slice %get3A_2 {offsets = [1, 0, 0], sizes = [1, 10000, 16], strides = [1, 1, 1]} : vector<2x10000x16xf32> to vector<1x10000x16xf32>
    %squeeze3A_4 = vector.shape_cast %slice3A_3 : vector<1x10000x16xf32> to vector<10000x16xf32>
    %add3A = arith.addf %squeeze3A, %squeeze3A_4 : vector<10000x16xf32>
    %get3A_5 = arith.constant 0 : index
    %get3A_6 = arith.constant 0 : index
    %get3A_7 = vector.load %arg2[%get3A_5, %get3A_6] : memref<10000x16xf32, #tpu.memory_space<vmem>>, vector<10000x16xf32>
    %add3A_8 = arith.addf %add3A, %get3A_7 : vector<10000x16xf32>
    %get3A_9 = arith.constant 0 : index
    %get3A_10 = arith.constant 0 : index
    %get3A_11 = vector.load %arg3[%get3A_9, %get3A_10] : memref<10000x1xf32, #tpu.memory_space<vmem>>, vector<10000x1xf32>
    %mul3A = vector.broadcast %get3A_11 : vector<10000x1xf32> to vector<10000x16xf32>
    %mul3A_12 = arith.mulf %add3A_8, %mul3A : vector<10000x16xf32>
    %transpose3A = tpu.transpose %mul3A_12, [1, 0] : vector<10000x16xf32> -> vector<16x10000xf32>
    %get3A_13 = arith.constant 0 : index
    %get3A_14 = arith.constant 0 : index
    %get3A_15 = vector.load %arg5[%get3A_13, %get3A_14] : memref<16x1xf32, #tpu.memory_space<vmem>>, vector<16x1xf32>
    %add3A_16 = vector.broadcast %get3A_15 : vector<16x1xf32> to vector<16x10000xf32>
    %add3A_17 = arith.addf %transpose3A, %add3A_16 : vector<16x10000xf32>
    %slice3A_18 = vector.extract_strided_slice %add3A_17 {offsets = [0, 0], sizes = [8, 10000], strides = [1, 1]} : vector<16x10000xf32> to vector<8x10000xf32>
    %get3A_19 = arith.constant 0 : index
    %get3A_20 = arith.constant 0 : index
    %get3A_21 = vector.load %arg4[%get3A_19, %get3A_20] : memref<10000x32xf32, #tpu.memory_space<vmem>>, vector<10000x32xf32>
    %transpose3A_22 = tpu.transpose %get3A_21, [1, 0] : vector<10000x32xf32> -> vector<32x10000xf32>
    %slice3A_23 = vector.extract_strided_slice %transpose3A_22 {offsets = [0, 0], sizes = [20, 10000], strides = [1, 1]} : vector<32x10000xf32> to vector<20x10000xf32>
    %concatenate3A = tpu.concatenate %slice3A_23, %slice3A_18 in 0 : vector<20x10000xf32>, vector<8x10000xf32> -> vector<28x10000xf32>
    %get3A_24 = arith.constant 0 : index
    %get3A_25 = arith.constant 0 : index
    %get3A_26 = vector.load %arg6[%get3A_24, %get3A_25] : memref<32x28xf32, #tpu.memory_space<vmem>>, vector<32x28xf32>
    %dot_general3A = arith.constant dense<0.000000e+00> : vector<32x10000xf32>
    %dot_general3A_27 = tpu.matmul %get3A_26, %concatenate3A, %dot_general3A {dimension_numbers = #tpu.dot_dimension_numbers<[1], [0], [0], [1], [0, 0, 1, 1], [], []>, transpose_lhs_hint = false} : vector<32x28xf32>, vector<28x10000xf32>, vector<32x10000xf32> -> vector<32x10000xf32>
    %get3A_28 = arith.constant 0 : index
    %get3A_29 = arith.constant 0 : index
    %get3A_30 = vector.load %arg7[%get3A_28, %get3A_29] : memref<32x1xf32, #tpu.memory_space<vmem>>, vector<32x1xf32>
    %add3A_31 = vector.broadcast %get3A_30 : vector<32x1xf32> to vector<32x10000xf32>
    %add3A_32 = arith.addf %dot_general3A_27, %add3A_31 : vector<32x10000xf32>
    %gt3A = arith.constant 0.000000e+00 : f32
    %gt3A_33 = vector.broadcast %gt3A : f32 to vector<32x10000xf32>
    %gt3A_34 = arith.cmpf ogt, %add3A_32, %gt3A_33 : vector<32x10000xf32>
    %exp3A = math.exp %add3A_32 : vector<32x10000xf32>
    %sub3A = arith.constant 1.000000e+00 : f32
    %sub3A_35 = vector.broadcast %sub3A : f32 to vector<32x10000xf32>
    %sub3A_36 = arith.subf %exp3A, %sub3A_35 : vector<32x10000xf32>
    %select_n3A = arith.select %gt3A_34, %add3A_32, %sub3A_36 : vector<32x10000xi1>, vector<32x10000xf32>
    %transpose3A_37 = tpu.transpose %select_n3A, [1, 0] : vector<32x10000xf32> -> vector<10000x32xf32>
    %get3A_38 = arith.constant 0 : index
    %get3A_39 = arith.constant 0 : index
    %get3A_40 = vector.load %arg8[%get3A_38, %get3A_39] : memref<32x128xf32, #tpu.memory_space<vmem>>, vector<32x128xf32>
    %dot_general3A_41 = arith.constant dense<0.000000e+00> : vector<10000x128xf32>
    %dot_general3A_42 = tpu.matmul %transpose3A_37, %get3A_40, %dot_general3A_41 {dimension_numbers = #tpu.dot_dimension_numbers<[1], [0], [0], [1], [0, 0, 1, 1], [], []>, transpose_lhs_hint = false} : vector<10000x32xf32>, vector<32x128xf32>, vector<10000x128xf32> -> vector<10000x128xf32>
    %get3A_43 = arith.constant 0 : index
    %get3A_44 = arith.constant 0 : index
    %get3A_45 = vector.load %arg9[%get3A_43, %get3A_44] : memref<1x128xf32, #tpu.memory_space<vmem>>, vector<1x128xf32>
    %add3A_46 = vector.broadcast %get3A_45 : vector<1x128xf32> to vector<10000x128xf32>
    %add3A_47 = arith.addf %dot_general3A_42, %add3A_46 : vector<10000x128xf32>
    %mul3A_48 = arith.mulf %concatenate3A, %concatenate3A : vector<28x10000xf32>
    %reduce_sum3A = arith.constant dense<0.000000e+00> : vector<10000xf32>
    %reduce_sum3A_49 = vector.multi_reduction <add>, %mul3A_48, %reduce_sum3A [0] : vector<28x10000xf32> to vector<10000xf32>
    %broadcast_in_dim3A = vector.shape_cast %reduce_sum3A_49 : vector<10000xf32> to vector<1x10000xf32>
    %get3A_50 = arith.constant 0 : index
    %get3A_51 = arith.constant 0 : index
    %get3A_52 = vector.load %arg10[%get3A_50, %get3A_51] : memref<15x28xf32, #tpu.memory_space<vmem>>, vector<15x28xf32>
    %dot_general3A_53 = arith.constant dense<0.000000e+00> : vector<15x10000xf32>
    %dot_general3A_54 = tpu.matmul %get3A_52, %concatenate3A, %dot_general3A_53 {dimension_numbers = #tpu.dot_dimension_numbers<[1], [0], [0], [1], [0, 0, 1, 1], [], []>, transpose_lhs_hint = false} : vector<15x28xf32>, vector<28x10000xf32>, vector<15x10000xf32> -> vector<15x10000xf32>
    %mul3A_55 = arith.constant 2.000000e+00 : f32
    %mul3A_56 = vector.broadcast %mul3A_55 : f32 to vector<15x10000xf32>
    %mul3A_57 = arith.mulf %mul3A_56, %dot_general3A_54 : vector<15x10000xf32>
    %sub3A_58 = vector.broadcast %broadcast_in_dim3A : vector<1x10000xf32> to vector<15x10000xf32>
    %sub3A_59 = arith.subf %sub3A_58, %mul3A_57 : vector<15x10000xf32>
    %get3A_60 = arith.constant 0 : index
    %get3A_61 = arith.constant 0 : index
    %get3A_62 = vector.load %arg11[%get3A_60, %get3A_61] : memref<15x1xf32, #tpu.memory_space<vmem>>, vector<15x1xf32>
    %add3A_63 = vector.broadcast %get3A_62 : vector<15x1xf32> to vector<15x10000xf32>
    %add3A_64 = arith.addf %sub3A_59, %add3A_63 : vector<15x10000xf32>
    %mul3A_65 = arith.constant 1.11111116 : f32
    %mul3A_66 = vector.broadcast %mul3A_65 : f32 to vector<15x10000xf32>
    %mul3A_67 = arith.mulf %add3A_64, %mul3A_66 : vector<15x10000xf32>
    %add3A_68 = arith.constant 1.000000e+00 : f32
    %add3A_69 = vector.broadcast %add3A_68 : f32 to vector<15x10000xf32>
    %add3A_70 = arith.addf %add3A_69, %mul3A_67 : vector<15x10000xf32>
    %div3A = arith.constant 1.000000e+00 : f32
    %div3A_71 = vector.broadcast %div3A : f32 to vector<15x10000xf32>
    %div3A_72 = arith.divf %div3A_71, %add3A_70 : vector<15x10000xf32>
    %log3A = math.log %div3A_72 : vector<15x10000xf32>
    %mul3A_73 = arith.constant 0.949999988 : f32
    %mul3A_74 = vector.broadcast %mul3A_73 : f32 to vector<15x10000xf32>
    %mul3A_75 = arith.mulf %mul3A_74, %log3A : vector<15x10000xf32>
    %exp3A_76 = math.exp %mul3A_75 : vector<15x10000xf32>
    %swap3A = arith.constant 0 : index
    %swap3A_77 = arith.constant 0 : index
    %swap3A_78 = vector.load %arg12[%swap3A, %swap3A_77] : memref<28x10000xf32, #tpu.memory_space<vmem>>, vector<28x10000xf32>
    tpu.vector_store %arg12[%swap3A, %swap3A_77], %concatenate3A {strides = array<i32>} : memref<28x10000xf32, #tpu.memory_space<vmem>>, vector<28x10000xf32>,
    %swap3A_79 = arith.constant 0 : index
    %swap3A_80 = arith.constant 0 : index
    %swap3A_81 = vector.load %arg13[%swap3A_79, %swap3A_80] : memref<8x10000xf32, #tpu.memory_space<vmem>>, vector<8x10000xf32>
    tpu.vector_store %arg13[%swap3A_79, %swap3A_80], %slice3A_18 {strides = array<i32>} : memref<8x10000xf32, #tpu.memory_space<vmem>>, vector<8x10000xf32>,
    %slice3A_82 = vector.extract_strided_slice %add3A_17 {offsets = [8, 0], sizes = [8, 10000], strides = [1, 1]} : vector<16x10000xf32> to vector<8x10000xf32>
    %swap3A_83 = arith.constant 0 : index
    %swap3A_84 = arith.constant 0 : index
    %swap3A_85 = vector.load %arg14[%swap3A_83, %swap3A_84] : memref<8x10000xf32, #tpu.memory_space<vmem>>, vector<8x10000xf32>
    tpu.vector_store %arg14[%swap3A_83, %swap3A_84], %slice3A_82 {strides = array<i32>} : memref<8x10000xf32, #tpu.memory_space<vmem>>, vector<8x10000xf32>,
    %swap3A_86 = arith.constant 0 : index
    %swap3A_87 = arith.constant 0 : index
    %swap3A_88 = vector.load %arg15[%swap3A_86, %swap3A_87] : memref<10000x128xf32, #tpu.memory_space<vmem>>, vector<10000x128xf32>
    tpu.vector_store %arg15[%swap3A_86, %swap3A_87], %add3A_47 {strides = array<i32>} : memref<10000x128xf32, #tpu.memory_space<vmem>>, vector<10000x128xf32>,
    %reduce_sum3A_89 = arith.constant dense<0.000000e+00> : vector<10000xf32>
    %reduce_sum3A_90 = vector.multi_reduction <add>, %exp3A_76, %reduce_sum3A_89 [0] : vector<15x10000xf32> to vector<10000xf32>
    %broadcast_in_dim3A_91 = vector.shape_cast %reduce_sum3A_90 : vector<10000xf32> to vector<1x10000xf32>
    %div3A_92 = vector.broadcast %broadcast_in_dim3A_91 : vector<1x10000xf32> to vector<15x10000xf32>
    %div3A_93 = arith.divf %exp3A_76, %div3A_92 : vector<15x10000xf32>
    %swap3A_94 = arith.constant 0 : index
    %swap3A_95 = arith.constant 0 : index
    %swap3A_96 = vector.load %arg16[%swap3A_94, %swap3A_95] : memref<15x10000xf32, #tpu.memory_space<vmem>>, vector<15x10000xf32>
    tpu.vector_store %arg16[%swap3A_94, %swap3A_95], %div3A_93 {strides = array<i32>} : memref<15x10000xf32, #tpu.memory_space<vmem>>, vector<15x10000xf32>,
    %swap3A_97 = arith.constant 0 : index
    %swap3A_98 = arith.constant 0 : index
    %swap3A_99 = vector.load %arg17[%swap3A_97, %swap3A_98] : memref<20x10000xf32, #tpu.memory_space<vmem>>, vector<20x10000xf32>
    tpu.vector_store %arg17[%swap3A_97, %swap3A_98], %slice3A_23 {strides = array<i32>} : memref<20x10000xf32, #tpu.memory_space<vmem>>, vector<20x10000xf32>,
    return
  }
  func.func @transform_0(%arg0: i32) -> (i32, i32, i32) {
    %c0_i32 = arith.constant 0 : i32
    %c0_i32_0 = arith.constant 0 : i32
    %c0_i32_1 = arith.constant 0 : i32
    %c0_i32_2 = arith.constant 0 : i32
    return %c0_i32, %c0_i32_0, %c0_i32_1 : i32, i32, i32
  }
  func.func @transform_1(%arg0: i32) -> (i32, i32) {
    %c0_i32 = arith.constant 0 : i32
    %c0_i32_0 = arith.constant 0 : i32
    %c0_i32_1 = arith.constant 0 : i32
    return %c0_i32, %c0_i32_0 : i32, i32
  }
  func.func @transform_2(%arg0: i32) -> (i32, i32) {
    %c0_i32 = arith.constant 0 : i32
    %c0_i32_0 = arith.constant 0 : i32
    %c0_i32_1 = arith.constant 0 : i32
    return %c0_i32, %c0_i32_0 : i32, i32
  }
  func.func @transform_3(%arg0: i32) -> (i32, i32) {
    %c0_i32 = arith.constant 0 : i32
    %c0_i32_0 = arith.constant 0 : i32
    %c0_i32_1 = arith.constant 0 : i32
    return %c0_i32, %c0_i32_0 : i32, i32
  }
  func.func @transform_4(%arg0: i32) -> (i32, i32) {
    %c0_i32 = arith.constant 0 : i32
    %c0_i32_0 = arith.constant 0 : i32
    %c0_i32_1 = arith.constant 0 : i32
    return %c0_i32, %c0_i32_0 : i32, i32
  }
  func.func @transform_5(%arg0: i32) -> (i32, i32) {
    %c0_i32 = arith.constant 0 : i32
    %c0_i32_0 = arith.constant 0 : i32
    %c0_i32_1 = arith.constant 0 : i32
    return %c0_i32, %c0_i32_0 : i32, i32
  }
  func.func @transform_6(%arg0: i32) -> (i32, i32) {
    %c0_i32 = arith.constant 0 : i32
    %c0_i32_0 = arith.constant 0 : i32
    %c0_i32_1 = arith.constant 0 : i32
    return %c0_i32, %c0_i32_0 : i32, i32
  }
  func.func @transform_7(%arg0: i32) -> (i32, i32) {
    %c0_i32 = arith.constant 0 : i32
    %c0_i32_0 = arith.constant 0 : i32
    %c0_i32_1 = arith.constant 0 : i32
    return %c0_i32, %c0_i32_0 : i32, i32
  }
  func.func @transform_8(%arg0: i32) -> (i32, i32) {
    %c0_i32 = arith.constant 0 : i32
    %c0_i32_0 = arith.constant 0 : i32
    %c0_i32_1 = arith.constant 0 : i32
    return %c0_i32, %c0_i32_0 : i32, i32
  }
  func.func @transform_9(%arg0: i32) -> (i32, i32) {
    %c0_i32 = arith.constant 0 : i32
    %c0_i32_0 = arith.constant 0 : i32
    %c0_i32_1 = arith.constant 0 : i32
    return %c0_i32, %c0_i32_0 : i32, i32
  }
  func.func @transform_10(%arg0: i32) -> (i32, i32) {
    %c0_i32 = arith.constant 0 : i32
    %c0_i32_0 = arith.constant 0 : i32
    %c0_i32_1 = arith.constant 0 : i32
    return %c0_i32, %c0_i32_0 : i32, i32
  }
  func.func @transform_11(%arg0: i32) -> (i32, i32) {
    %c0_i32 = arith.constant 0 : i32
    %c0_i32_0 = arith.constant 0 : i32
    %c0_i32_1 = arith.constant 0 : i32
    return %c0_i32, %c0_i32_0 : i32, i32
  }
  func.func @transform_12(%arg0: i32) -> (i32, i32) {
    %c0_i32 = arith.constant 0 : i32
    %c0_i32_0 = arith.constant 0 : i32
    %c0_i32_1 = arith.constant 0 : i32
    return %c0_i32, %c0_i32_0 : i32, i32
  }
  func.func @transform_13(%arg0: i32) -> (i32, i32) {
    %c0_i32 = arith.constant 0 : i32
    %c0_i32_0 = arith.constant 0 : i32
    %c0_i32_1 = arith.constant 0 : i32
    return %c0_i32, %c0_i32_0 : i32, i32
  }
  func.func @transform_14(%arg0: i32) -> (i32, i32) {
    %c0_i32 = arith.constant 0 : i32
    %c0_i32_0 = arith.constant 0 : i32
    %c0_i32_1 = arith.constant 0 : i32
    return %c0_i32, %c0_i32_0 : i32, i32
  }
  func.func @transform_15(%arg0: i32) -> (i32, i32) {
    %c0_i32 = arith.constant 0 : i32
    %c0_i32_0 = arith.constant 0 : i32
    %c0_i32_1 = arith.constant 0 : i32
    return %c0_i32, %c0_i32_0 : i32, i32
  }
  func.func @transform_16(%arg0: i32) -> (i32, i32) {
    %c0_i32 = arith.constant 0 : i32
    %c0_i32_0 = arith.constant 0 : i32
    %c0_i32_1 = arith.constant 0 : i32
    return %c0_i32, %c0_i32_0 : i32, i32
  }
}

</mosaic_0001>

<sc_bundles>
// kernel: kernel.12.cloned.1.call-start
scs
__scs_entry_jumppad:
0x0: {  	(pc) =	sbr.rel $0x88, $3  }
0x1: {  	(tag) =	ssettag $0x0;
	lr =	simm.s32 $0x1  }
0x2: {  	[smem:$0x3F88] =	sst lr;
	_ =	strace $0xD0000000  }
0x3: {  	_ = 	snop  }
0x4: {  	_ = 	snop  }
0x5: {  	_ = 	snop  }
0x6: {  	_ = 	snop  }
0x7: {  	_ = 	snop  }
__scs_overlays_trampoline_lowered:
0x8: {  	[smem:$0x3F97] =	sst s0  }
0x9: {  	[smem:$0x3F98] =	sst s1  }
0xa: {  	[smem:$0x3F99] =	sst s2  }
0xb: {  	[smem:$0x3F9A] =	sst s3  }
0xc: {  	[smem:$0x3F9B] =	sst s4  }
0xd: {  	[smem:$0x3F9C] =	sst s5  }
0xe: {  	[smem:$0x3F9D] =	sst s6  }
0xf: {  	[smem:$0x3F9E] =	sst s7  }
0x10: {  	[smem:$0x3F9F] =	sst s8  }
0x11: {  	[smem:$0x3FA0] =	sst s9;
	s0 =	simm.s32 @!p0 $0x0  }
0x12: {  	s1 =	sld [smem:$0x3F86];
	s0 =	simm.s32 @p0 $0x1  }
0x13: {  	[smem:$0x3FA1] =	sst s0;
	s0 =	simm.s32 @!p1 $0x0  }
0x14: {  	s2 =	sld [smem:$0x3F85];
	s0 =	simm.s32 @p1 $0x1  }
0x15: {  	[smem:$0x3FA2] =	sst s0;
	s0 =	simm.s32 @!p2 $0x0  }
0x16: {  	s3 =	sld [smem:$0x3FDB];
	s0 =	simm.s32 @p2 $0x1  }
0x17: {  	s4 =	simm.s32 $0x1BF5;
	[smem:$0x3FA4] =	sst s0  }
0x18: {  	s0 =	sld [smem:$0x3F87];
	_ =	swait.ge [sflag:s4], $0x0  }
0x19: {  	s7 =	sld [smem:$0x3F88]  }
0x1a: {  	s8 =	sadd.s32 $0xFFFFE003, lr  }
0x1b: {  	s9 =	sadd.s32 $0xFFFFFEF7, lr;
	s5 =	simm.s32 $0xFFFFFFFF;
	p2 =	slt.u32 s8, $0xFFFFF086  }
0x1c: {  	p1 =	slt.u32 s9, $0xF7A;
	s5 =	simm.s32 @!p2 $0x0  }
0x1d: {  	s5 =	simm.s32 @p1 $0x1;
	p0 =	seq.s32 s7, s2  }
0x1e: {  	s7 =	smul.u32 @!p0 $0xF7A, s2;
	p2 =	seq.s32 @!p0 s5, $0x0  }
0x1f: {  	s9 =	smul.u32 $0xF7A, s1;
	s8 =	simm.s32 @!p0 $0x1BF5;
	p2 =	por !p2, p0  }
0x20: {  	[sflag:s8] =	ssyncset.s32 @!p0 $0xFFFFF086;
	s6 =	sadd.s32 @!p0 s3, s7;
	s7 =	simm.s32 @!p0 $0x108  }
0x21: {  	s3 =	sadd.s32 s3, s9;
	s6 =	sadd.s32 @!p0 $0x88, s6;
	s7 =	simm.s32 @p2 $0x1082  }
0x22: {  	[simem:s7], [sflag:s8] =	dma.local @!p0 [hbm:s6], $0xF7A  }
0x23: {  	s9 =	sor.u32 $0xD0000000, s2;
	s6 =	simm.s32 $0x108;
	_ =	swait.ge @!p0 [sflag:s8], $0x0  }
0x24: {  	s3 =	sadd.s32 $0x88, s3;
	s6 =	simm.s32 @!p1 $0x1082;
	[sflag:s4] =	ssyncset.s32 $0xFFFFF086  }
0x25: {  	[simem:s6], [sflag:s4] =	dma.local [hbm:s3], $0xF7A  }
0x26: {  	[smem:$0x3F88] =	sst s1;
	(tag) =	ssettag s2;
	_ =	strace s9  }
0x27: {  	s1 =	sld [smem:$0x3F98]  }
0x28: {  	s2 =	sld [smem:$0x3F99]  }
0x29: {  	s4 =	sld [smem:$0x3F9B]  }
0x2a: {  	p0 =	seq.s32 s5, $0x0;
	s5 =	sld [smem:$0x3F9C]  }
0x2b: {  	s6 =	sld [smem:$0x3F9D]  }
0x2c: {  	s7 =	sld [smem:$0x3F9E]  }
0x2d: {  	s3 =	simm.s32 $0x108;
	s8 =	sld [smem:$0x3F9F]  }
0x2e: {  	s3 =	simm.s32 @!p0 $0x1082;
	s9 =	sld [smem:$0x3FA0]  }
0x2f: {  	lr =	sadd.s32 s0, s3;
	s0 =	sld [smem:$0x3F97]  }
0x30: {  	s3 =	sld [smem:$0x3F9A]  }
0x31: {  	[smem:$0x3FA3] =	sst s10  }
0x32: {  	s10 =	sld [smem:$0x3FA1];
	_ =	sdelay $0x3  }
0x33: {  	p0 =	seq.s32 s10, $0x1;
	s10 =	sld [smem:$0x3FA3];
	_ =	sdelay $0x3  }
0x34: {  	[smem:$0x3FA3] =	sst s10  }
0x35: {  	s10 =	sld [smem:$0x3FA2];
	_ =	sdelay $0x3  }
0x36: {  	p1 =	seq.s32 s10, $0x1;
	s10 =	sld [smem:$0x3FA3];
	_ =	sdelay $0x3  }
0x37: {  	[smem:$0x3FA3] =	sst s10  }
0x38: {  	s10 =	sld [smem:$0x3FA4]  }
0x39: {  	_ = 	snop;
	(pc) =	sbr.ind lr, $3  }
0x3a: {  	_ = 	snop  }
0x3b: {  	_ = 	snop  }
0x3c: {  	p2 =	seq.s32 s10, $0x1;
	s10 =	sld [smem:$0x3FA3]  }
0x3d: {  	_ =	shalt  }
0x3e: {  	_ =	shalt  }
0x3f: {  	_ =	shalt  }
0x40: {  	_ =	shalt  }
0x41: {  	_ =	shalt  }
0x42: {  	_ =	shalt  }
0x43: {  	_ =	shalt  }
0x44: {  	_ =	shalt  }
0x45: {  	_ =	shalt  }
0x46: {  	_ =	shalt  }
0x47: {  	_ =	shalt  }
0x48: {  	_ =	shalt  }
0x49: {  	_ =	shalt  }
0x4a: {  	_ =	shalt  }
0x4b: {  	_ =	shalt  }
0x4c: {  	_ =	shalt  }
0x4d: {  	_ =	shalt  }
0x4e: {  	_ =	shalt  }
0x4f: {  	_ =	shalt  }
0x50: {  	_ =	shalt  }
0x51: {  	_ =	shalt  }
0x52: {  	_ =	shalt  }
0x53: {  	_ =	shalt  }
0x54: {  	_ =	shalt  }
0x55: {  	_ =	shalt  }
0x56: {  	_ =	shalt  }
0x57: {  	_ =	shalt  }
0x58: {  	_ =	shalt  }
0x59: {  	_ =	shalt  }
0x5a: {  	_ =	shalt  }
0x5b: {  	_ =	shalt  }
0x5c: {  	_ =	shalt  }
0x5d: {  	_ =	shalt  }
0x5e: {  	_ =	shalt  }
0x5f: {  	_ =	shalt  }
0x60: {  	_ =	shalt  }
0x61: {  	_ =	shalt  }
0x62: {  	_ =	shalt  }
0x63: {  	_ =	shalt  }
0x64: {  	_ =	shalt  }
0x65: {  	_ =	shalt  }
0x66: {  	_ =	shalt  }
0x67: {  	_ =	shalt  }
0x68: {  	_ =	shalt  }
0x69: {  	_ =	shalt  }
0x6a: {  	_ =	shalt  }
0x6b: {  	_ =	shalt  }
0x6c: {  	_ =	shalt  }
0x6d: {  	_ =	shalt  }
0x6e: {  	_ =	shalt  }
0x6f: {  	_ =	shalt  }
0x70: {  	_ =	shalt  }
0x71: {  	_ =	shalt  }
0x72: {  	_ =	shalt  }
0x73: {  	_ =	shalt  }
0x74: {  	_ =	shalt  }
0x75: {  	_ =	shalt  }
0x76: {  	_ =	shalt  }
0x77: {  	_ =	shalt  }
0x78: {  	_ =	shalt  }
0x79: {  	_ =	shalt  }
0x7a: {  	_ =	shalt  }
0x7b: {  	_ =	shalt  }
0x7c: {  	_ =	shalt  }
0x7d: {  	_ =	shalt  }
0x7e: {  	_ =	shalt  }
0x7f: {  	_ =	shalt  }
0x80: {  	_ =	shalt  }
0x81: {  	_ =	shalt  }
0x82: {  	_ =	shalt  }
0x83: {  	_ =	shalt  }
0x84: {  	_ =	shalt  }
0x85: {  	_ =	shalt  }
0x86: {  	_ =	shalt  }
0x87: {  	_ =	shalt  }
.Lfunc_end0:
.L_simem_size_0:
called_computation.1_lowered:
.L_overlay_start_0:
0x88: {  	s2 =	sld [smem:$0x3FD9]  }
0x89: {  	s3 =	sld [smem:$0x3FFE];
	_ =	sdelay $0x1  }
0x8a: {  	s1 =	srdreg.scid  }
0x8b: {  	s0 =	sand.u32 $0x1, s1  }
0x8c: {  	s15 =	sshll.u32 s0, $0xA;
	s2 =	sadd.s32 s3, s2  }
0x8d: {  	s2 =	sadd.s32 s2, s15  }
0x8e: {  	[smem:$0x3FAF] =	sst s2  }
0x8f: {  	_ = 	snop  }
0x90: {  	s2 =	sld [smem:$0x3FD0];
	_ =	sdelay $0x2  }
0x91: {  	s4 =	simm.s32 $0xA;
	s5 =	simm.s32 $0x10;
	s16 =	sld [smem:$0x3FB1]  }
0x92: {  	[smem:s5], [sflag:s4] =	dma.local [hbm:s2], $0x1  }
0x93: {  	_ =	swait.eq [sflag:s4], $0x1  }
0x94: {  	[sflag:s4] =	ssyncset.done $0x0  }
0x95: {  	s17 =	sld [smem:$0x10];
	[sflag:s4] =	ssyncadd.s32 $0xFFFFFFFF  }
0x96: {  	s18 =	sld [smem:$0x13];
	(tm) =	ssettm $0x1  }
0x97: {  	s19 =	sld [smem:$0x3FFB];
	_ =	sdelay $0x3  }
0x98: {  	_ =	strace s19  }
0x99: {  	s5 =	sld [smem:$0x3FFC];
	_ =	sdelay $0x3  }
0x9a: {  	_ =	strace s5  }
0x9b: {  	s5 =	sld [smem:$0x3FFD];
	_ =	sdelay $0x3  }
0x9c: {  	_ =	strace s5  }
0x9d: {  	_ =	strace $0x8FFFFFFF  }
0x9e: {  	s20 =	sld [smem:$0x3FDB];
	_ =	sdelay $0x1  }
0x9f: {  	s6 =	simm.s32 $_scs_section_size  }
0xa0: {  	s7 =	simm.s32 $_size__tile_overlayer_lowered;
	s8 =	simm.s32 $_tile_overlayer_lowered  }
0xa1: {  	s23 =	simm.s32 $0x1BFF;
	s22 =	sshll.u32 s8, $0x1;
	s5 =	sadd.s32 s6, s20  }
0xa2: {  	s9 =	simm.s32 $0x0;
	s21 =	sshll.u32 s7, $0x1;
	s7 =	sadd.s32 s22, s5  }
0xa3: {  	[timem:s9], [sflag:s23] =	dma.local [hbm:s7], s21  }
0xa4: {  	_ =	swait.ge [sflag:s23], s21  }
0xa5: {  	s6 =	ssub.s32 $0x0, s21;
	[sflag:s23] =	ssyncset.done $0x0  }
0xa6: {  	[sflag:s23] =	ssyncadd.s32 s6;
	_ =	sdelay $0x1  }
0xa7: {  	s24 =	simm.s32 $0x1B8B  }
0xa8: {  	_ =	swait.ge [sflag:s24], $0x1  }
0xa9: {  	[sflag:s24] =	ssyncset.done $0x0  }
0xaa: {  	s25 =	simm.s32 $0x1B8E;
	[sflag:s24] =	ssyncadd.s32 $0xFFFFFFFF  }
0xab: {  	s26 =	simm.s32 $execute0_lowered;
	[smem:$0x3FD2] =	sst s25  }
0xac: {  	s6 =	sshll.u32 s26, $0x1;
	_ =	strace $0x80000049;
	[dreg:$0x1] =	wrdreg $0xFFFFFFFF  }
0xad: {  	s28 =	simm.s32 $_size_execute0_lowered;
	s5 =	sadd.s32 s5, s6;
	[dreg:$0x0] =	wrdreg $0x0  }
0xae: {  	s6 =	sshll.u32 s28, $0x1;
	[dreg:$0x2] =	wrdreg s5  }
0xaf: {  	[dreg:$0x3] =	wrdreg s6  }
0xb0: {  	[dreg:$0x4] =	wrdreg $0xC0  }
0xb1: {  	_ =	task [dreg:s9], $0x5FFFF  }
0xb2: {  	[dreg:$0x1] =	wrdreg $0xFFFFFFFF  }
0xb3: {  	[dreg:$0x0] =	wrdreg $0x60  }
0xb4: {  	[dreg:$0x2] =	wrdreg s17  }
0xb5: {  	[dreg:$0x3] =	wrdreg s16  }
0xb6: {  	[dreg:$0x4] =	wrdreg s18  }
0xb7: {  	[dreg:$0x5] =	wrdreg $0x8F000  }
0xb8: {  	[dreg:$0x6] =	wrdreg $0x9  }
0xb9: {  	_ =	task.clear_ibuf [dreg:s9], $0x7FFFF;
	_ =	strace $0x90000049  }
0xba: {  	s29 =	simm.s32 $0x9;
	_ =	strace $0x8000004B  }
0xbb: {  	_ =	swait.ge [sflag:s29], $0x1  }
0xbc: {  	[sflag:s29] =	ssyncadd.s32 $0xFFFFFFFF  }
0xbd: {  	_ =	strace $0x9000004B  }
0xbe: {  	_ =	sfence  }
0xbf: {  	s30 =	sld [smem:$0x0];
	_ =	sdelay $0x2  }
0xc0: {  	s31 =	sshll.u32 s1, $0xD;
	s1 =	sshrl.u32 s1, $0x2  }
0xc1: {  	s3 =	sand.u32 $0x4000, s31;
	s1 =	sadd.s32 s1, s30  }
0xc2: {  	s0 =	sor.u32 s3, s0;
	s1 =	sshll.u32 s1, $0x11  }
0xc3: {  	s0 =	sor.u32 s1, s0  }
0xc4: {  	s0 =	sadd.s32 $0x8F2B, s0  }
0xc5: {  	[sflag:s0] =	ssyncadd.remote.s32 $0x1  }
0xc6: {  	_ =	sfence.sel $0xFFFF  }
0xc7: {  	[dreg:$0x0] =	wrdreg $0xFFFFFFFF;
	(pc) =	sbr.abs _section_cstart, $3  }
0xc8: {  	[dreg:$0x1] =	wrdreg $0xFFFFFFFF  }
0xc9: {  	_ =	task.clear_ibuf [dreg:s9], $0x2FFFF;
	_ =	strace $0x9FFFFFFF  }
0xca: {  	(tm) =	ssettm $0x7FFFFFFF  }
0xcb: {  	_ =	shalt  }
tec
execute0_lowered:
.L_overlay_start_1:
0x0: {  	(tag) =	ssettag $0x1  }
0x1: {  	s1 =	rddreg [dreg:$0x0]  }
0x2: {  	s0 =	rddreg [dreg:$0x1]  }
0x3: {  	s2 =	srdreg.scid;
	s4 =	rddreg [dreg:$0x2]  }
0x4: {  	s13 =	stileid.u32;
	s3 =	rddreg [dreg:$0x3]  }
0x5: {  	s7 =	simm.s32 $0x0;
	s14 =	simm.s32 $0x4F00;
	s15 =	simm.s32 $0x80  }
0x6: {  	s17 =	simm.s32 $0x5F00;
	s19 =	simm.s32 $0x6F00;
	s21 =	simm.s32 $0x7F00  }
0x7: {  	s22 =	simm.s32 $0x1;
	s28 =	simm.s32 $0x5;
	s29 =	simm.s32 $0x6  }
0x8: {  	s30 =	simm.s32 $0x7;
	s31 =	simm.s32 $0x8;
	s2 =	sand.u32 $0x1, s2  }
0x9: {  	s5 =	sshll.u32 s13, $0x1;
	[smem:$0x7FF] =	sst s7;
	s24 =	smul.u32 $0x14000, s13  }
0xa: {  	s25 =	smul.u32 $0x5000, s13;
	p0 =	sgt.u32 s13, $0x1;
	s13 =	simm.s32 $0x9  }
0xb: {  	s5 =	sor.u32 s2, s5;
	s23 =	ssub.s32 $0x2, s2;
	s2 =	smul.u32 $0xA000, s2  }
0xc: {  	_ =	strace $0x8000004A;
	s6 =	smul.u32 $0x4E, s5;
	s5 =	smin.u32 s5, $0x4  }
0xd: {  	s8 =	sshrl.u32 s23, $0x1;
	s26 =	sshrl.u32 s24, $0x2;
	s7 =	sadd.s32 s25, s3  }
0xe: {  	s12 =	ssub.s32 s23, s8;
	s11 =	sadd.s32 s26, s3;
	s2 =	sadd.s32 s4, s2  }
0xf: {  	s23 =	simm.s32 $0x2;
	s26 =	simm.s32 $0x4;
	s5 =	sadd.s32 s5, s6  }
0x10: {  	s8 =	sadd.s32 $0x1000, s11;
	s9 =	sadd.s32 $0x2000, s11;
	s10 =	sadd.s32 $0x3000, s11  }
0x11: {  	s11 =	sadd.s32 $0x4000, s11;
	s12 =	smax.u32 s12, $0x1;
	s5 =	sshll.u32 s5, $0x5  }
0x12: {  	s5 =	sadd.s32 s0, s5;
	s0 =	sshrl.u32 s25, $0x3;
	s25 =	simm.s32 $0x3  }
0x13: {  	v0 =	vimm.f32 $0.0e+00;
	s6 =	sadd.s32 $0x9C0, s5;
	s24 =	sadd.s32 s0, s2;
	s2 =	simm.s32 $0x0  }
.LBB2_1:
0x14: {  	s0 =	simm.s32 $0x0  }
0x15: {  	[tilespmem:s0], [sflag:$0x9] =	stream.linear.gather [hbm4b:s5+s0], $0x4E00, $0x38;
	[tilespmem:$0xDF00] =	vst v63  }
0x16: {  	_ =	swait.ge [sflag:s13], $0x4E00  }
0x17: {  	[sflag:s13] =	ssyncset.done $0x0  }
0x18: {  	s4 =	simm.s32 @!p0 $0x0;
	s16 =	simm.s32 @!p0 $0x4E00;
	[sflag:s13] =	ssyncadd.s32 $0xFFFFB200  }
0x19: {  	[tilespmem:s16], [sflag:$0x9] =	stream.linear.gather @!p0 [hbm4b:s6+s4], $0x100, $0x38;
	[tilespmem:$0xDF00] =	vst v63  }
0x1a: {  	s4 =	simm.s32 @!p0 $0x9  }
0x1b: {  	_ =	swait.ge @!p0 [sflag:s4], $0x100  }
0x1c: {  	[sflag:s4] =	ssyncset.done @!p0 $0x0  }
0x1d: {  	s16 =	simm.s32 $0x0;
	[sflag:s4] =	ssyncadd.s32 @!p0 $0xFFFFFF00;
	s4 =	simm.s32 $0x80  }
.LBB2_2:
0x1e: {  	p1 =	sne.s32 s4, $0x3F80;
	[tilespmem:s16+$0x4F00] =	vst v0;
	s18 =	smov.u32 s4;
	s4 =	sadd.s32 $0x80, s4  }
.Ltmp0:
0x1f: {  	[tilespmem:s16+$0x4F10] =	vst v0;
	(pc) =	sbr.rel @p1 .LBB2_2-.Ltmp0, $2  }
0x20: {  	_ =	sdelay $0x2  }
0x21: {  	s16 =	sshra.s32 s18, $0x2  }
0x22: {  	[tilespmem:s16+$0x4F00] =	vst v0  }
0x23: {  	[tilespmem:s16+$0x4F10] =	vst v0  }
0x24: {  	[spmem:s7] =	stream.linear.scatter [tilespmem:s14], [sflag:$0x9], $0x1000, $0x38;
	[tilespmem:$0xDF00] =	vst v63  }
0x25: {  	_ =	swait.ge [sflag:s13], $0x1000  }
0x26: {  	[sflag:s13] =	ssyncset.done $0x0  }
0x27: {  	[sflag:s13] =	ssyncadd.s32 $0xFFFFF000  }
0x28: {  	[spmem:s8] =	stream.linear.scatter [tilespmem:s14], [sflag:$0x9], $0x1000, $0x38;
	[tilespmem:$0xDF00] =	vst v63  }
0x29: {  	_ =	swait.ge [sflag:s13], $0x1000  }
0x2a: {  	[sflag:s13] =	ssyncset.done $0x0  }
0x2b: {  	[sflag:s13] =	ssyncadd.s32 $0xFFFFF000  }
0x2c: {  	[spmem:s9] =	stream.linear.scatter [tilespmem:s14], [sflag:$0x9], $0x1000, $0x38;
	[tilespmem:$0xDF00] =	vst v63  }
0x2d: {  	_ =	swait.ge [sflag:s13], $0x1000  }
0x2e: {  	[sflag:s13] =	ssyncset.done $0x0  }
0x2f: {  	[sflag:s13] =	ssyncadd.s32 $0xFFFFF000  }
0x30: {  	[spmem:s10] =	stream.linear.scatter [tilespmem:s14], [sflag:$0x9], $0x1000, $0x38;
	[tilespmem:$0xDF00] =	vst v63  }
0x31: {  	_ =	swait.ge [sflag:s13], $0x1000  }
0x32: {  	[sflag:s13] =	ssyncset.done $0x0  }
0x33: {  	[sflag:s13] =	ssyncadd.s32 $0xFFFFF000  }
0x34: {  	[spmem:s11] =	stream.linear.scatter [tilespmem:s14], [sflag:$0x9], $0x1000, $0x38;
	[tilespmem:$0xDF00] =	vst v63  }
0x35: {  	_ =	swait.ge [sflag:s13], $0x1000  }
0x36: {  	[sflag:s13] =	ssyncset.done $0x0  }
0x37: {  	[sflag:s13] =	ssyncadd.s32 $0xFFFFF000  }
0x38: {  	s4 =	simm.s32 $0x0;
	[bflag:$0x0] =	sbarrier.arrive $0xFFFF  }
0x39: {  	[tilespmem:s14], [sflag:$0x1] =	stream.indirect.gather [hbm4b:s1+s15], $0x20, s4, s15, $0xb8;
	[tilespmem:$0xDF00] =	vst v63  }
0x3a: {  	s0 =	simm.s32 $0x100  }
0x3b: {  	[tilespmem:s17], [sflag:$0x2] =	stream.indirect.gather [hbm4b:s1+s15], $0x20, s0, s15, $0xb8;
	[tilespmem:$0xDF00] =	vst v63  }
0x3c: {  	s20 =	simm.s32 $0x200  }
0x3d: {  	[tilespmem:s19], [sflag:$0x3] =	stream.indirect.gather [hbm4b:s1+s15], $0x20, s20, s15, $0xb8;
	[tilespmem:$0xDF00] =	vst v63  }
0x3e: {  	s4 =	simm.s32 $0x300  }
0x3f: {  	[tilespmem:s21], [sflag:$0x4] =	stream.indirect.gather [hbm4b:s1+s15], $0x20, s4, s15, $0xb8;
	[tilespmem:$0xDF00] =	vst v63  }
0x40: {  	_ =	swait.ge [sflag:s22], $0x1000  }
0x41: {  	[sflag:s22] =	ssyncset.done $0x0  }
0x42: {  	s16 =	simm.s32 $0x80;
	[sflag:s22] =	ssyncadd.s32 $0xFFFFF000  }
0x43: {  	[spmem:s3] =	stream.indirect.scatter.add.f32 [tilespmem:s14], [sflag:$0x5], $0x20, s16, s15, $0xb8;
	[tilespmem:$0xDF00] =	vst v63  }
0x44: {  	_ =	swait.ge [sflag:s23], $0x1000  }
0x45: {  	[sflag:s23] =	ssyncset.done $0x0  }
0x46: {  	s18 =	simm.s32 $0x180;
	[sflag:s23] =	ssyncadd.s32 $0xFFFFF000  }
0x47: {  	[spmem:s3] =	stream.indirect.scatter.add.f32 [tilespmem:s17], [sflag:$0x6], $0x20, s18, s15, $0xb8;
	[tilespmem:$0xDF00] =	vst v63  }
0x48: {  	_ =	swait.ge [sflag:s25], $0x1000  }
0x49: {  	[sflag:s25] =	ssyncset.done $0x0  }
0x4a: {  	s20 =	simm.s32 $0x280;
	[sflag:s25] =	ssyncadd.s32 $0xFFFFF000  }
0x4b: {  	[spmem:s3] =	stream.indirect.scatter.add.f32 [tilespmem:s19], [sflag:$0x7], $0x20, s20, s15, $0xb8;
	[tilespmem:$0xDF00] =	vst v63  }
0x4c: {  	_ =	swait.ge [sflag:s26], $0x1000  }
0x4d: {  	[sflag:s26] =	ssyncset.done $0x0  }
0x4e: {  	s0 =	simm.s32 $0x380;
	[sflag:s26] =	ssyncadd.s32 $0xFFFFF000  }
0x4f: {  	[spmem:s3] =	stream.indirect.scatter.add.f32 [tilespmem:s21], [sflag:$0x8], $0x20, s0, s15, $0xb8;
	[tilespmem:$0xDF00] =	vst v63  }
0x50: {  	_ =	swait.ge [sflag:s28], $0x1000  }
0x51: {  	[sflag:s28] =	ssyncset.done $0x0  }
0x52: {  	s16 =	simm.s32 $0x400;
	[sflag:s28] =	ssyncadd.s32 $0xFFFFF000  }
0x53: {  	[tilespmem:s14], [sflag:$0x1] =	stream.indirect.gather [hbm4b:s1+s15], $0x20, s16, s15, $0xb8;
	[tilespmem:$0xDF00] =	vst v63  }
0x54: {  	_ =	swait.ge [sflag:s29], $0x1000  }
0x55: {  	[sflag:s29] =	ssyncset.done $0x0  }
0x56: {  	s18 =	simm.s32 $0x500;
	[sflag:s29] =	ssyncadd.s32 $0xFFFFF000  }
0x57: {  	[tilespmem:s17], [sflag:$0x2] =	stream.indirect.gather [hbm4b:s1+s15], $0x20, s18, s15, $0xb8;
	[tilespmem:$0xDF00] =	vst v63  }
0x58: {  	_ =	swait.ge [sflag:s30], $0x1000  }
0x59: {  	[sflag:s30] =	ssyncset.done $0x0  }
0x5a: {  	s20 =	simm.s32 $0x600;
	[sflag:s30] =	ssyncadd.s32 $0xFFFFF000  }
0x5b: {  	[tilespmem:s19], [sflag:$0x3] =	stream.indirect.gather [hbm4b:s1+s15], $0x20, s20, s15, $0xb8;
	[tilespmem:$0xDF00] =	vst v63  }
0x5c: {  	_ =	swait.ge [sflag:s31], $0x1000  }
0x5d: {  	[sflag:s31] =	ssyncset.done $0x0  }
0x5e: {  	s4 =	simm.s32 $0x1000;
	s16 =	simm.s32 $0x700;
	[sflag:s31] =	ssyncadd.s32 $0xFFFFF000  }
.LBB2_4:
0x5f: {  	[tilespmem:s21], [sflag:$0x4] =	stream.indirect.gather [hbm4b:s1+s15], $0x20, s16, s15, $0xb8;
	[tilespmem:$0xDF00] =	vst v63  }
0x60: {  	s16 =	smov.u32 s4  }
0x61: {  	p1 =	sne.s32 s4, $0x11000;
	s4 =	sadd.s32 $0x1000, s4;
	_ =	swait.ge [sflag:s22], $0x1000  }
0x62: {  	s16 =	sshra.s32 s16, $0x2;
	[sflag:s22] =	ssyncset.done $0x0  }
0x63: {  	s18 =	sadd.s32 $0x80, s16;
	[sflag:s22] =	ssyncadd.s32 $0xFFFFF000  }
0x64: {  	[spmem:s3] =	stream.indirect.scatter.add.f32 [tilespmem:s14], [sflag:$0x5], $0x20, s18, s15, $0xb8;
	[tilespmem:$0xDF00] =	vst v63  }
0x65: {  	_ =	swait.ge [sflag:s23], $0x1000  }
0x66: {  	[sflag:s23] =	ssyncset.done $0x0  }
0x67: {  	s18 =	sadd.s32 $0x180, s16;
	[sflag:s23] =	ssyncadd.s32 $0xFFFFF000  }
0x68: {  	[spmem:s3] =	stream.indirect.scatter.add.f32 [tilespmem:s17], [sflag:$0x6], $0x20, s18, s15, $0xb8;
	[tilespmem:$0xDF00] =	vst v63  }
0x69: {  	_ =	swait.ge [sflag:s25], $0x1000  }
0x6a: {  	[sflag:s25] =	ssyncset.done $0x0  }
0x6b: {  	s18 =	sadd.s32 $0x280, s16;
	[sflag:s25] =	ssyncadd.s32 $0xFFFFF000  }
0x6c: {  	[spmem:s3] =	stream.indirect.scatter.add.f32 [tilespmem:s19], [sflag:$0x7], $0x20, s18, s15, $0xb8;
	[tilespmem:$0xDF00] =	vst v63  }
0x6d: {  	_ =	swait.ge [sflag:s26], $0x1000  }
0x6e: {  	[sflag:s26] =	ssyncset.done $0x0  }
0x6f: {  	s18 =	sadd.s32 $0x380, s16;
	[sflag:s26] =	ssyncadd.s32 $0xFFFFF000  }
0x70: {  	[spmem:s3] =	stream.indirect.scatter.add.f32 [tilespmem:s21], [sflag:$0x8], $0x20, s18, s15, $0xb8;
	[tilespmem:$0xDF00] =	vst v63  }
0x71: {  	_ =	swait.ge [sflag:s28], $0x1000  }
0x72: {  	[sflag:s28] =	ssyncset.done $0x0  }
0x73: {  	s18 =	sadd.s32 $0x400, s16;
	[sflag:s28] =	ssyncadd.s32 $0xFFFFF000  }
0x74: {  	[tilespmem:s14], [sflag:$0x1] =	stream.indirect.gather [hbm4b:s1+s15], $0x20, s18, s15, $0xb8;
	[tilespmem:$0xDF00] =	vst v63  }
0x75: {  	_ =	swait.ge [sflag:s29], $0x1000  }
0x76: {  	[sflag:s29] =	ssyncset.done $0x0  }
0x77: {  	s18 =	sadd.s32 $0x500, s16;
	[sflag:s29] =	ssyncadd.s32 $0xFFFFF000  }
0x78: {  	[tilespmem:s17], [sflag:$0x2] =	stream.indirect.gather [hbm4b:s1+s15], $0x20, s18, s15, $0xb8;
	[tilespmem:$0xDF00] =	vst v63  }
0x79: {  	_ =	swait.ge [sflag:s30], $0x1000  }
0x7a: {  	[sflag:s30] =	ssyncset.done $0x0  }
.Ltmp1:
0x7b: {  	s18 =	sadd.s32 $0x600, s16;
	[sflag:s30] =	ssyncadd.s32 $0xFFFFF000;
	(pc) =	sbr.rel @p1 .LBB2_4-.Ltmp1, $4  }
0x7c: {  	[tilespmem:s19], [sflag:$0x3] =	stream.indirect.gather [hbm4b:s1+s15], $0x20, s18, s15, $0xb8;
	[tilespmem:$0xDF00] =	vst v63  }
0x7d: {  	_ =	swait.ge [sflag:s31], $0x1000  }
0x7e: {  	[sflag:s31] =	ssyncset.done $0x0  }
0x7f: {  	s16 =	sadd.s32 $0x700, s16;
	[sflag:s31] =	ssyncadd.s32 $0xFFFFF000  }
0x80: {  	[tilespmem:s21], [sflag:$0x4] =	stream.indirect.gather [hbm4b:s1+s15], $0x20, s16, s15, $0xb8;
	[tilespmem:$0xDF00] =	vst v63  }
0x81: {  	_ =	swait.ge [sflag:s22], $0x1000  }
0x82: {  	[sflag:s22] =	ssyncset.done $0x0  }
0x83: {  	s0 =	simm.s32 $0x4880;
	[sflag:s22] =	ssyncadd.s32 $0xFFFFF000  }
0x84: {  	[spmem:s3] =	stream.indirect.scatter.add.f32 [tilespmem:s14], [sflag:$0x5], $0x20, s0, s15, $0xb8;
	[tilespmem:$0xDF00] =	vst v63  }
0x85: {  	_ =	swait.ge [sflag:s23], $0x1000  }
0x86: {  	[sflag:s23] =	ssyncset.done $0x0  }
0x87: {  	s16 =	simm.s32 $0x4980;
	[sflag:s23] =	ssyncadd.s32 $0xFFFFF000  }
0x88: {  	[spmem:s3] =	stream.indirect.scatter.add.f32 [tilespmem:s17], [sflag:$0x6], $0x20, s16, s15, $0xb8;
	[tilespmem:$0xDF00] =	vst v63  }
0x89: {  	_ =	swait.ge [sflag:s25], $0x1000  }
0x8a: {  	[sflag:s25] =	ssyncset.done $0x0  }
0x8b: {  	s18 =	simm.s32 $0x4A80;
	[sflag:s25] =	ssyncadd.s32 $0xFFFFF000  }
0x8c: {  	[spmem:s3] =	stream.indirect.scatter.add.f32 [tilespmem:s19], [sflag:$0x7], $0x20, s18, s15, $0xb8;
	[tilespmem:$0xDF00] =	vst v63  }
0x8d: {  	_ =	swait.ge [sflag:s26], $0x1000  }
0x8e: {  	[sflag:s26] =	ssyncset.done $0x0  }
0x8f: {  	s20 =	simm.s32 $0x4B80;
	[sflag:s26] =	ssyncadd.s32 $0xFFFFF000  }
0x90: {  	[spmem:s3] =	stream.indirect.scatter.add.f32 [tilespmem:s21], [sflag:$0x8], $0x20, s20, s15, $0xb8;
	[tilespmem:$0xDF00] =	vst v63  }
0x91: {  	_ =	swait.ge [sflag:s28], $0x1000  }
0x92: {  	[sflag:s28] =	ssyncset.done $0x0  }
0x93: {  	s4 =	simm.s32 $0x4C00;
	[sflag:s28] =	ssyncadd.s32 $0xFFFFF000  }
0x94: {  	[tilespmem:s14], [sflag:$0x1] =	stream.indirect.gather [hbm4b:s1+s15], $0x20, s4, s15, $0xb8;
	[tilespmem:$0xDF00] =	vst v63  }
0x95: {  	_ =	swait.ge [sflag:s29], $0x1000  }
0x96: {  	[sflag:s29] =	ssyncset.done $0x0  }
0x97: {  	s16 =	simm.s32 $0x4D00;
	s4 =	simm.s32 @p0 $0x1;
	[sflag:s29] =	ssyncadd.s32 $0xFFFFF000  }
0x98: {  	[tilespmem:s17], [sflag:$0x2] =	stream.indirect.gather [hbm4b:s1+s15], $0x20, s16, s15, $0xb8;
	[tilespmem:$0xDF00] =	vst v63  }
0x99: {  	_ =	swait.ge @p0 [sflag:s4], $0x1000  }
0x9a: {  	s18 =	simm.s32 @p0 $0x4F00;
	[sflag:s4] =	ssyncset.done @p0 $0x0  }
0x9b: {  	s16 =	simm.s32 @p0 $0x4C80;
	[sflag:s4] =	ssyncadd.s32 @p0 $0xFFFFF000;
	s4 =	simm.s32 @p0 $0x80  }
0x9c: {  	[spmem:s3] =	stream.indirect.scatter.add.f32 @p0 [tilespmem:s18], [sflag:$0x5], $0x20, s16, s4, $0xb8;
	[tilespmem:$0xDF00] =	vst v63  }
0x9d: {  	s16 =	simm.s32 @p0 $0x2  }
0x9e: {  	_ =	swait.ge @p0 [sflag:s16], $0x1000  }
0x9f: {  	[sflag:s16] =	ssyncset.done @p0 $0x0  }
0xa0: {  	s18 =	simm.s32 @p0 $0x5F00;
	[sflag:s16] =	ssyncadd.s32 @p0 $0xFFFFF000;
	s16 =	simm.s32 @p0 $0x4D80  }
0xa1: {  	[spmem:s3] =	stream.indirect.scatter.add.f32 @p0 [tilespmem:s18], [sflag:$0x6], $0x20, s16, s4, $0xb8;
	[tilespmem:$0xDF00] =	vst v63  }
0xa2: {  	s4 =	simm.s32 @!p0 $0x7  }
0xa3: {  	_ =	swait.ge @!p0 [sflag:s4], $0x1000  }
0xa4: {  	s20 =	simm.s32 @!p0 $0x6F00;
	[sflag:s4] =	ssyncset.done @!p0 $0x0  }
0xa5: {  	s16 =	simm.s32 @!p0 $0x80;
	s18 =	simm.s32 @!p0 $0x4E00;
	[sflag:s4] =	ssyncadd.s32 @!p0 $0xFFFFF000  }
0xa6: {  	[tilespmem:s20], [sflag:$0x3] =	stream.indirect.gather @!p0 [hbm4b:s1+s16], $0x20, s18, s16, $0xb8;
	[tilespmem:$0xDF00] =	vst v63  }
0xa7: {  	s18 =	simm.s32 @!p0 $0x1  }
0xa8: {  	_ =	swait.ge @!p0 [sflag:s18], $0x1000  }
0xa9: {  	[sflag:s18] =	ssyncset.done @!p0 $0x0  }
0xaa: {  	s0 =	simm.s32 @!p0 $0x4F00;
	[sflag:s18] =	ssyncadd.s32 @!p0 $0xFFFFF000;
	s18 =	simm.s32 @!p0 $0x4C80  }
0xab: {  	[spmem:s3] =	stream.indirect.scatter.add.f32 @!p0 [tilespmem:s0], [sflag:$0x5], $0x20, s18, s16, $0xb8;
	[tilespmem:$0xDF00] =	vst v63  }
0xac: {  	s0 =	simm.s32 @!p0 $0x2  }
0xad: {  	_ =	swait.ge @!p0 [sflag:s0], $0x1000  }
0xae: {  	[sflag:s0] =	ssyncset.done @!p0 $0x0  }
0xaf: {  	s18 =	simm.s32 @!p0 $0x5F00;
	[sflag:s0] =	ssyncadd.s32 @!p0 $0xFFFFF000;
	s0 =	simm.s32 @!p0 $0x4D80  }
0xb0: {  	[spmem:s3] =	stream.indirect.scatter.add.f32 @!p0 [tilespmem:s18], [sflag:$0x6], $0x20, s0, s16, $0xb8;
	[tilespmem:$0xDF00] =	vst v63  }
0xb1: {  	s0 =	simm.s32 @!p0 $0x3  }
0xb2: {  	_ =	swait.ge @!p0 [sflag:s0], $0x1000  }
0xb3: {  	[sflag:s0] =	ssyncset.done @!p0 $0x0  }
0xb4: {  	[sflag:s0] =	ssyncadd.s32 @!p0 $0xFFFFF000;
	s0 =	simm.s32 @!p0 $0x4E80  }
0xb5: {  	[spmem:s3] =	stream.indirect.scatter.add.f32 @!p0 [tilespmem:s20], [sflag:$0x7], $0x20, s0, s16, $0xb8;
	[tilespmem:$0xDF00] =	vst v63  }
0xb6: {  	s0 =	simm.s32 @!p0 $0x8  }
0xb7: {  	s0 =	simm.s32 @p0 $0x7  }
0xb8: {  	_ =	swait.ge [sflag:s0], $0x1000  }
0xb9: {  	s16 =	simm.s32 @!p0 $0x5;
	[sflag:s0] =	ssyncset.done $0x0  }
0xba: {  	s16 =	simm.s32 @p0 $0x8;
	[sflag:s0] =	ssyncadd.s32 $0xFFFFF000  }
0xbb: {  	_ =	swait.ge [sflag:s16], $0x1000  }
0xbc: {  	s0 =	simm.s32 @!p0 $0x6;
	[sflag:s16] =	ssyncset.done $0x0  }
0xbd: {  	s0 =	simm.s32 @p0 $0x5;
	[sflag:s16] =	ssyncadd.s32 $0xFFFFF000  }
0xbe: {  	_ =	swait.ge [sflag:s0], $0x1000  }
0xbf: {  	[sflag:s0] =	ssyncset.done $0x0  }
0xc0: {  	s4 =	simm.s32 @p0 $0x6;
	[sflag:s0] =	ssyncadd.s32 $0xFFFFF000  }
0xc1: {  	s2 =	sadd.s32 $0x1, s2;
	_ =	swait.ge [sflag:s4], $0x1000  }
0xc2: {  	p1 =	sne.s32 s2, s12;
	s18 =	stileid.u32;
	[sflag:s4] =	ssyncset.done $0x0  }
0xc3: {  	s20 =	sshrl.u32 s7, $0x3;
	s0 =	sshll.u32 s18, $0x6;
	[sflag:s4] =	ssyncadd.s32 $0xFFFFF000  }
.Ltmp2:
0xc4: {  	s0 =	sor.u32 $0x1C09, s0;
	[bflag:$0x0] =	sbarrier.arrive $0xFFFF;
	(pc) =	sbr.rel @p1 .LBB2_1-.Ltmp2, $4  }
0xc5: {  	[hbm:s24], [sflag:s0] =	dma.local [spmem:s20], $0xA00  }
0xc6: {  	_ =	swait.ge [sflag:s13], $0xA00  }
0xc7: {  	[sflag:s13] =	ssyncset.done $0x0  }
0xc8: {  	[sflag:s13] =	ssyncadd.s32 $0xFFFFF600  }
0xc9: {  	_ =	sfence.sel $0x180000  }
0xca: {  	[bflag:$0x0] =	sbarrier.arrive $0xFFFF  }
0xcb: {  	_ =	strace $0x9000004A  }
0xcc: {  	s0 =	stileid.u32;
	[bflag:$0x2] =	sbarrier.arrive $0xFFFF  }
0xcd: {  	p0 =	sne.s32 s0, $0x0;
	s0 =	rddreg [dreg:$0x4]  }
0xce: {  	s0 =	sadd.s32 @!p0 $0x100000, s0  }
0xcf: {  	[sflag:s0] =	ssyncadd.tile.s32 @!p0 $0x1;
	_ =	shalt  }
.Lfunc_end2:
_tile_overlayer_lowered:
.L_overlay_start_2:
0xd0: {  	(tag) =	ssettag $0x2  }
0xd1: {  	s0 =	rddreg [dreg:$0x0];
	s2 =	stileid.u32  }
0xd2: {  	s1 =	rddreg [dreg:$0x1];
	p0 =	sne.s32 s2, $0x0  }
0xd3: {  	s3 =	rddreg [dreg:$0x2];
	[bflag:$0x3] =	sbarrier.arrive $0xFFFF;
	s2 =	simm.s32 @!p0 $0x1C09  }
0xd4: {  	[timem:s3], [sflag:s2] =	dma.local @!p0 [hbm:s0], s1  }
0xd5: {  	s0 =	simm.s32 @!p0 $0x9  }
0xd6: {  	_ =	swait.ge @!p0 [sflag:s0], s1  }
0xd7: {  	s1 =	ssub.s32 @!p0 $0x0, s1;
	[sflag:s0] =	ssyncset.done @!p0 $0x0  }
0xd8: {  	[sflag:s0] =	ssyncadd.s32 @!p0 s1  }
0xd9: {  	[bflag:$0x3] =	sbarrier.arrive $0xFFFF  }
0xda: {  	_ =	shalt  }

// kernel: kernel.15.cloned.1.call-start
scs
__scs_entry_jumppad:
0x0: {  	(pc) =	sbr.rel $0x88, $3  }
0x1: {  	(tag) =	ssettag $0x0;
	lr =	simm.s32 $0x1  }
0x2: {  	[smem:$0x3F88] =	sst lr;
	_ =	strace $0xD0000000  }
0x3: {  	_ = 	snop  }
0x4: {  	_ = 	snop  }
0x5: {  	_ = 	snop  }
0x6: {  	_ = 	snop  }
0x7: {  	_ = 	snop  }
__scs_overlays_trampoline_lowered:
0x8: {  	[smem:$0x3F97] =	sst s0  }
0x9: {  	[smem:$0x3F98] =	sst s1  }
0xa: {  	[smem:$0x3F99] =	sst s2  }
0xb: {  	[smem:$0x3F9A] =	sst s3  }
0xc: {  	[smem:$0x3F9B] =	sst s4  }
0xd: {  	[smem:$0x3F9C] =	sst s5  }
0xe: {  	[smem:$0x3F9D] =	sst s6  }
0xf: {  	[smem:$0x3F9E] =	sst s7  }
0x10: {  	[smem:$0x3F9F] =	sst s8  }
0x11: {  	[smem:$0x3FA0] =	sst s9;
	s0 =	simm.s32 @!p0 $0x0  }
0x12: {  	s1 =	sld [smem:$0x3F86];
	s0 =	simm.s32 @p0 $0x1  }
0x13: {  	[smem:$0x3FA1] =	sst s0;
	s0 =	simm.s32 @!p1 $0x0  }
0x14: {  	s2 =	sld [smem:$0x3F85];
	s0 =	simm.s32 @p1 $0x1  }
0x15: {  	[smem:$0x3FA2] =	sst s0;
	s0 =	simm.s32 @!p2 $0x0  }
0x16: {  	s3 =	sld [smem:$0x3FDB];
	s0 =	simm.s32 @p2 $0x1  }
0x17: {  	s4 =	simm.s32 $0x1BF5;
	[smem:$0x3FA4] =	sst s0  }
0x18: {  	s0 =	sld [smem:$0x3F87];
	_ =	swait.ge [sflag:s4], $0x0  }
0x19: {  	s7 =	sld [smem:$0x3F88]  }
0x1a: {  	s8 =	sadd.s32 $0xFFFFE003, lr  }
0x1b: {  	s9 =	sadd.s32 $0xFFFFFEF7, lr;
	s5 =	simm.s32 $0xFFFFFFFF;
	p2 =	slt.u32 s8, $0xFFFFF086  }
0x1c: {  	p1 =	slt.u32 s9, $0xF7A;
	s5 =	simm.s32 @!p2 $0x0  }
0x1d: {  	s5 =	simm.s32 @p1 $0x1;
	p0 =	seq.s32 s7, s2  }
0x1e: {  	s7 =	smul.u32 @!p0 $0xF7A, s2;
	p2 =	seq.s32 @!p0 s5, $0x0  }
0x1f: {  	s9 =	smul.u32 $0xF7A, s1;
	s8 =	simm.s32 @!p0 $0x1BF5;
	p2 =	por !p2, p0  }
0x20: {  	[sflag:s8] =	ssyncset.s32 @!p0 $0xFFFFF086;
	s6 =	sadd.s32 @!p0 s3, s7;
	s7 =	simm.s32 @!p0 $0x108  }
0x21: {  	s3 =	sadd.s32 s3, s9;
	s6 =	sadd.s32 @!p0 $0x88, s6;
	s7 =	simm.s32 @p2 $0x1082  }
0x22: {  	[simem:s7], [sflag:s8] =	dma.local @!p0 [hbm:s6], $0xF7A  }
0x23: {  	s9 =	sor.u32 $0xD0000000, s2;
	s6 =	simm.s32 $0x108;
	_ =	swait.ge @!p0 [sflag:s8], $0x0  }
0x24: {  	s3 =	sadd.s32 $0x88, s3;
	s6 =	simm.s32 @!p1 $0x1082;
	[sflag:s4] =	ssyncset.s32 $0xFFFFF086  }
0x25: {  	[simem:s6], [sflag:s4] =	dma.local [hbm:s3], $0xF7A  }
0x26: {  	[smem:$0x3F88] =	sst s1;
	(tag) =	ssettag s2;
	_ =	strace s9  }
0x27: {  	s1 =	sld [smem:$0x3F98]  }
0x28: {  	s2 =	sld [smem:$0x3F99]  }
0x29: {  	s4 =	sld [smem:$0x3F9B]  }
0x2a: {  	p0 =	seq.s32 s5, $0x0;
	s5 =	sld [smem:$0x3F9C]  }
0x2b: {  	s6 =	sld [smem:$0x3F9D]  }
0x2c: {  	s7 =	sld [smem:$0x3F9E]  }
0x2d: {  	s3 =	simm.s32 $0x108;
	s8 =	sld [smem:$0x3F9F]  }
0x2e: {  	s3 =	simm.s32 @!p0 $0x1082;
	s9 =	sld [smem:$0x3FA0]  }
0x2f: {  	lr =	sadd.s32 s0, s3;
	s0 =	sld [smem:$0x3F97]  }
0x30: {  	s3 =	sld [smem:$0x3F9A]  }
0x31: {  	[smem:$0x3FA3] =	sst s10  }
0x32: {  	s10 =	sld [smem:$0x3FA1];
	_ =	sdelay $0x3  }
0x33: {  	p0 =	seq.s32 s10, $0x1;
	s10 =	sld [smem:$0x3FA3];
	_ =	sdelay $0x3  }
0x34: {  	[smem:$0x3FA3] =	sst s10  }
0x35: {  	s10 =	sld [smem:$0x3FA2];
	_ =	sdelay $0x3  }
0x36: {  	p1 =	seq.s32 s10, $0x1;
	s10 =	sld [smem:$0x3FA3];
	_ =	sdelay $0x3  }
0x37: {  	[smem:$0x3FA3] =	sst s10  }
0x38: {  	s10 =	sld [smem:$0x3FA4]  }
0x39: {  	_ = 	snop;
	(pc) =	sbr.ind lr, $3  }
0x3a: {  	_ = 	snop  }
0x3b: {  	_ = 	snop  }
0x3c: {  	p2 =	seq.s32 s10, $0x1;
	s10 =	sld [smem:$0x3FA3]  }
0x3d: {  	_ =	shalt  }
0x3e: {  	_ =	shalt  }
0x3f: {  	_ =	shalt  }
0x40: {  	_ =	shalt  }
0x41: {  	_ =	shalt  }
0x42: {  	_ =	shalt  }
0x43: {  	_ =	shalt  }
0x44: {  	_ =	shalt  }
0x45: {  	_ =	shalt  }
0x46: {  	_ =	shalt  }
0x47: {  	_ =	shalt  }
0x48: {  	_ =	shalt  }
0x49: {  	_ =	shalt  }
0x4a: {  	_ =	shalt  }
0x4b: {  	_ =	shalt  }
0x4c: {  	_ =	shalt  }
0x4d: {  	_ =	shalt  }
0x4e: {  	_ =	shalt  }
0x4f: {  	_ =	shalt  }
0x50: {  	_ =	shalt  }
0x51: {  	_ =	shalt  }
0x52: {  	_ =	shalt  }
0x53: {  	_ =	shalt  }
0x54: {  	_ =	shalt  }
0x55: {  	_ =	shalt  }
0x56: {  	_ =	shalt  }
0x57: {  	_ =	shalt  }
0x58: {  	_ =	shalt  }
0x59: {  	_ =	shalt  }
0x5a: {  	_ =	shalt  }
0x5b: {  	_ =	shalt  }
0x5c: {  	_ =	shalt  }
0x5d: {  	_ =	shalt  }
0x5e: {  	_ =	shalt  }
0x5f: {  	_ =	shalt  }
0x60: {  	_ =	shalt  }
0x61: {  	_ =	shalt  }
0x62: {  	_ =	shalt  }
0x63: {  	_ =	shalt  }
0x64: {  	_ =	shalt  }
0x65: {  	_ =	shalt  }
0x66: {  	_ =	shalt  }
0x67: {  	_ =	shalt  }
0x68: {  	_ =	shalt  }
0x69: {  	_ =	shalt  }
0x6a: {  	_ =	shalt  }
0x6b: {  	_ =	shalt  }
0x6c: {  	_ =	shalt  }
0x6d: {  	_ =	shalt  }
0x6e: {  	_ =	shalt  }
0x6f: {  	_ =	shalt  }
0x70: {  	_ =	shalt  }
0x71: {  	_ =	shalt  }
0x72: {  	_ =	shalt  }
0x73: {  	_ =	shalt  }
0x74: {  	_ =	shalt  }
0x75: {  	_ =	shalt  }
0x76: {  	_ =	shalt  }
0x77: {  	_ =	shalt  }
0x78: {  	_ =	shalt  }
0x79: {  	_ =	shalt  }
0x7a: {  	_ =	shalt  }
0x7b: {  	_ =	shalt  }
0x7c: {  	_ =	shalt  }
0x7d: {  	_ =	shalt  }
0x7e: {  	_ =	shalt  }
0x7f: {  	_ =	shalt  }
0x80: {  	_ =	shalt  }
0x81: {  	_ =	shalt  }
0x82: {  	_ =	shalt  }
0x83: {  	_ =	shalt  }
0x84: {  	_ =	shalt  }
0x85: {  	_ =	shalt  }
0x86: {  	_ =	shalt  }
0x87: {  	_ =	shalt  }
.Lfunc_end0:
.L_simem_size_0:
called_computation.2_lowered:
.L_overlay_start_0:
0x88: {  	s2 =	sld [smem:$0x3FD9]  }
0x89: {  	s3 =	sld [smem:$0x3FFE];
	_ =	sdelay $0x1  }
0x8a: {  	s1 =	srdreg.scid  }
0x8b: {  	s0 =	sand.u32 $0x1, s1  }
0x8c: {  	s15 =	sshll.u32 s0, $0xA;
	s2 =	sadd.s32 s3, s2  }
0x8d: {  	s2 =	sadd.s32 s2, s15  }
0x8e: {  	[smem:$0x3FAF] =	sst s2  }
0x8f: {  	_ = 	snop  }
0x90: {  	s2 =	sld [smem:$0x3FD0];
	_ =	sdelay $0x2  }
0x91: {  	s4 =	simm.s32 $0xA;
	s5 =	simm.s32 $0x10;
	s16 =	sld [smem:$0x3FB1]  }
0x92: {  	[smem:s5], [sflag:s4] =	dma.local [hbm:s2], $0x1  }
0x93: {  	_ =	swait.eq [sflag:s4], $0x1  }
0x94: {  	[sflag:s4] =	ssyncset.done $0x0  }
0x95: {  	s17 =	sld [smem:$0x13];
	[sflag:s4] =	ssyncadd.s32 $0xFFFFFFFF  }
0x96: {  	s18 =	sld [smem:$0x14];
	(tm) =	ssettm $0x1  }
0x97: {  	s19 =	sld [smem:$0x3FFB];
	_ =	sdelay $0x3  }
0x98: {  	_ =	strace s19  }
0x99: {  	s5 =	sld [smem:$0x3FFC];
	_ =	sdelay $0x3  }
0x9a: {  	_ =	strace s5  }
0x9b: {  	s5 =	sld [smem:$0x3FFD];
	_ =	sdelay $0x3  }
0x9c: {  	_ =	strace s5  }
0x9d: {  	_ =	strace $0x8FFFFFFF  }
0x9e: {  	s20 =	sld [smem:$0x3FDB];
	_ =	sdelay $0x1  }
0x9f: {  	s6 =	simm.s32 $_scs_section_size  }
0xa0: {  	s7 =	simm.s32 $_size__tile_overlayer_lowered;
	s8 =	simm.s32 $_tile_overlayer_lowered  }
0xa1: {  	s23 =	simm.s32 $0x1BFF;
	s22 =	sshll.u32 s8, $0x1;
	s5 =	sadd.s32 s6, s20  }
0xa2: {  	s9 =	simm.s32 $0x0;
	s21 =	sshll.u32 s7, $0x1;
	s7 =	sadd.s32 s22, s5  }
0xa3: {  	[timem:s9], [sflag:s23] =	dma.local [hbm:s7], s21  }
0xa4: {  	_ =	swait.ge [sflag:s23], s21  }
0xa5: {  	s6 =	ssub.s32 $0x0, s21;
	[sflag:s23] =	ssyncset.done $0x0  }
0xa6: {  	[sflag:s23] =	ssyncadd.s32 s6;
	_ =	sdelay $0x1  }
0xa7: {  	s24 =	simm.s32 $0x1B8B  }
0xa8: {  	_ =	swait.ge [sflag:s24], $0x1  }
0xa9: {  	[sflag:s24] =	ssyncset.done $0x0  }
0xaa: {  	s25 =	simm.s32 $0x1B8E;
	[sflag:s24] =	ssyncadd.s32 $0xFFFFFFFF  }
0xab: {  	s26 =	simm.s32 $execute0_lowered;
	[smem:$0x3FD2] =	sst s25  }
0xac: {  	s6 =	sshll.u32 s26, $0x1;
	_ =	strace $0x8000004C;
	[dreg:$0x1] =	wrdreg $0xFFFFFFFF  }
0xad: {  	s28 =	simm.s32 $_size_execute0_lowered;
	s5 =	sadd.s32 s5, s6;
	[dreg:$0x0] =	wrdreg $0x0  }
0xae: {  	s6 =	sshll.u32 s28, $0x1;
	[dreg:$0x2] =	wrdreg s5  }
0xaf: {  	[dreg:$0x3] =	wrdreg s6  }
0xb0: {  	[dreg:$0x4] =	wrdreg $0xC0  }
0xb1: {  	_ =	task [dreg:s9], $0x5FFFF  }
0xb2: {  	[dreg:$0x1] =	wrdreg $0xFFFFFFFF  }
0xb3: {  	[dreg:$0x0] =	wrdreg $0x60  }
0xb4: {  	[dreg:$0x2] =	wrdreg s18  }
0xb5: {  	[dreg:$0x3] =	wrdreg s16  }
0xb6: {  	[dreg:$0x4] =	wrdreg s17  }
0xb7: {  	[dreg:$0x5] =	wrdreg $0xBE100  }
0xb8: {  	[dreg:$0x6] =	wrdreg $0x6F000  }
0xb9: {  	[dreg:$0x7] =	wrdreg $0x9  }
0xba: {  	_ =	task.clear_ibuf [dreg:s9], $0x8FFFF;
	_ =	strace $0x9000004C  }
0xbb: {  	s29 =	simm.s32 $0x9;
	_ =	strace $0x8000004E  }
0xbc: {  	_ =	swait.ge [sflag:s29], $0x1  }
0xbd: {  	[sflag:s29] =	ssyncadd.s32 $0xFFFFFFFF  }
0xbe: {  	_ =	strace $0x9000004E  }
0xbf: {  	_ =	sfence  }
0xc0: {  	s30 =	sld [smem:$0x0];
	_ =	sdelay $0x2  }
0xc1: {  	s31 =	sshll.u32 s1, $0xD;
	s1 =	sshrl.u32 s1, $0x2  }
0xc2: {  	s3 =	sand.u32 $0x4000, s31;
	s1 =	sadd.s32 s1, s30  }
0xc3: {  	s0 =	sor.u32 s3, s0;
	s1 =	sshll.u32 s1, $0x11  }
0xc4: {  	s0 =	sor.u32 s1, s0  }
0xc5: {  	s0 =	sadd.s32 $0x8F2B, s0  }
0xc6: {  	[sflag:s0] =	ssyncadd.remote.s32 $0x1  }
0xc7: {  	_ =	sfence.sel $0xFFFF  }
0xc8: {  	[dreg:$0x0] =	wrdreg $0xFFFFFFFF;
	(pc) =	sbr.abs _section_cstart, $3  }
0xc9: {  	[dreg:$0x1] =	wrdreg $0xFFFFFFFF  }
0xca: {  	_ =	task.clear_ibuf [dreg:s9], $0x2FFFF;
	_ =	strace $0x9FFFFFFF  }
0xcb: {  	(tm) =	ssettm $0x7FFFFFFF  }
tec
execute0_lowered:
.L_overlay_start_1:
0x0: {  	(tag) =	ssettag $0x1  }
0x1: {  	s0 =	rddreg [dreg:$0x0]  }
0x2: {  	s1 =	rddreg [dreg:$0x1];
	s2 =	srdreg.scid  }
0x3: {  	s16 =	stileid.u32;
	s4 =	rddreg [dreg:$0x2];
	s7 =	simm.s32 $0x0  }
0x4: {  	s28 =	simm.s32 $0x2;
	s29 =	simm.s32 $0x3;
	s30 =	simm.s32 $0x4  }
0x5: {  	s31 =	simm.s32 $0x5;
	s11 =	sand.u32 $0x1, s2;
	s8 =	smul.u32 $0x2710, s16  }
0x6: {  	s3 =	sshll.u32 s16, $0x1;
	s2 =	rddreg [dreg:$0x3];
	s19 =	smul.u32 $0xA000, s16  }
0x7: {  	[smem:$0x7FF] =	sst s7;
	s15 =	smul.u32 $0x2800, s16;
	p0 =	sgt.u32 s16, $0x1  }
0x8: {  	s16 =	simm.s32 $0x9700;
	s5 =	sor.u32 s11, s3;
	s3 =	rddreg [dreg:$0x4]  }
0x9: {  	s17 =	ssub.s32 $0x2, s11;
	_ =	strace $0x8000004D;
	s24 =	smul.u32 $0x5000, s11  }
0xa: {  	s6 =	smul.u32 $0x4E, s5;
	s5 =	smin.u32 s5, $0x4;
	s18 =	sshrl.u32 s17, $0x1  }
0xb: {  	s21 =	sshrl.u32 s8, $0x3;
	s22 =	sadd.s32 s8, s2;
	s9 =	sadd.s32 s15, s3  }
0xc: {  	s26 =	sshrl.u32 s15, $0x3;
	s15 =	simm.s32 $0x9;
	s14 =	ssub.s32 s17, s18  }
0xd: {  	s0 =	sadd.s32 s0, s21;
	[dreg:$0x8] =	wrdreg s22;
	s25 =	sadd.s32 s4, s24  }
0xe: {  	s17 =	simm.s32 $0x4F00;
	s18 =	simm.s32 $0x80;
	s22 =	simm.s32 $0x5F00  }
0xf: {  	s21 =	simm.s32 $0x8;
	s5 =	sadd.s32 s5, s6;
	[dreg:$0x7] =	wrdreg s0  }
0x10: {  	s14 =	smax.u32 s14, $0x1;
	s24 =	sadd.s32 s26, s25;
	s5 =	sshll.u32 s5, $0x5  }
0x11: {  	s25 =	simm.s32 $0x6700;
	s26 =	simm.s32 $0x1;
	s5 =	sadd.s32 s1, s5  }
0x12: {  	s1 =	sshrl.u32 s19, $0x2;
	s19 =	simm.s32 $0x7;
	s20 =	sadd.s32 $0x9C0, s5  }
0x13: {  	s23 =	sadd.s32 s1, s3;
	s1 =	simm.s32 $0x6;
	[dreg:$0x6] =	wrdreg s20  }
0x14: {  	s10 =	sadd.s32 $0x800, s23;
	s11 =	sadd.s32 $0x1000, s23;
	s12 =	sadd.s32 $0x1800, s23  }
0x15: {  	v0 =	vimm.f32 $0.0e+00;
	s13 =	sadd.s32 $0x2000, s23;
	s20 =	simm.s32 $0x5700;
	s23 =	simm.s32 $0x0  }
.LBB2_1:
0x16: {  	s6 =	simm.s32 $0x0  }
0x17: {  	[tilespmem:s6], [sflag:$0x9] =	stream.linear.gather [hbm4b:s5+s6], $0x4E00, $0x38;
	[tilespmem:$0xE520] =	vst v63  }
0x18: {  	_ =	swait.ge [sflag:s15], $0x4E00  }
0x19: {  	s0 =	simm.s32 @!p0 $0x0;
	[sflag:s15] =	ssyncset.done $0x0  }
0x1a: {  	s4 =	simm.s32 @!p0 $0x4E00;
	s7 =	rddreg [dreg:$0x6];
	[sflag:s15] =	ssyncadd.s32 $0xFFFFB200  }
0x1b: {  	[tilespmem:s4], [sflag:$0x9] =	stream.linear.gather @!p0 [hbm4b:s7+s0], $0x100, $0x38;
	[tilespmem:$0xE520] =	vst v63  }
0x1c: {  	s0 =	simm.s32 @!p0 $0x9  }
0x1d: {  	_ =	swait.ge @!p0 [sflag:s0], $0x100  }
0x1e: {  	[sflag:s0] =	ssyncset.done @!p0 $0x0  }
0x1f: {  	s7 =	rddreg [dreg:$0x7];
	[sflag:s0] =	ssyncadd.s32 @!p0 $0xFFFFFF00  }
0x20: {  	[tilespmem:s16], [sflag:$0x9] =	stream.linear.gather [hbm4b:s7+s6], $0x2710, $0x38;
	[tilespmem:$0xE520] =	vst v63  }
0x21: {  	_ =	swait.ge [sflag:s15], $0x2710  }
0x22: {  	[sflag:s15] =	ssyncset.done $0x0  }
0x23: {  	s8 =	rddreg [dreg:$0x8];
	[sflag:s15] =	ssyncadd.s32 $0xFFFFD8F0  }
0x24: {  	[spmem:s8] =	stream.linear.scatter [tilespmem:s16], [sflag:$0x9], $0x2710, $0x38;
	[tilespmem:$0xE520] =	vst v63  }
0x25: {  	_ =	swait.ge [sflag:s15], $0x2710  }
0x26: {  	[sflag:s15] =	ssyncset.done $0x0  }
0x27: {  	s4 =	simm.s32 $0x0;
	s0 =	simm.s32 $0x40;
	[sflag:s15] =	ssyncadd.s32 $0xFFFFD8F0  }
.LBB2_2:
0x28: {  	p1 =	sne.s32 s0, $0x1FC0;
	[tilespmem:s4+$0x4F00] =	vst v0;
	s4 =	smov.u32 s0;
	s0 =	sadd.s32 $0x40, s0  }
.Ltmp0:
0x29: {  	(pc) =	sbr.rel @p1 .LBB2_2-.Ltmp0, $2  }
0x2a: {  	_ =	sdelay $0x2  }
0x2b: {  	s4 =	sshra.s32 s4, $0x2  }
0x2c: {  	[tilespmem:s4+$0x4F00] =	vst v0  }
0x2d: {  	[spmem:s9] =	stream.linear.scatter [tilespmem:s17], [sflag:$0x9], $0x800, $0x38;
	[tilespmem:$0xE520] =	vst v63  }
0x2e: {  	_ =	swait.ge [sflag:s15], $0x800  }
0x2f: {  	[sflag:s15] =	ssyncset.done $0x0  }
0x30: {  	[sflag:s15] =	ssyncadd.s32 $0xFFFFF800  }
0x31: {  	[spmem:s10] =	stream.linear.scatter [tilespmem:s17], [sflag:$0x9], $0x800, $0x38;
	[tilespmem:$0xE520] =	vst v63  }
0x32: {  	_ =	swait.ge [sflag:s15], $0x800  }
0x33: {  	[sflag:s15] =	ssyncset.done $0x0  }
0x34: {  	[sflag:s15] =	ssyncadd.s32 $0xFFFFF800  }
0x35: {  	[spmem:s11] =	stream.linear.scatter [tilespmem:s17], [sflag:$0x9], $0x800, $0x38;
	[tilespmem:$0xE520] =	vst v63  }
0x36: {  	_ =	swait.ge [sflag:s15], $0x800  }
0x37: {  	[sflag:s15] =	ssyncset.done $0x0  }
0x38: {  	[sflag:s15] =	ssyncadd.s32 $0xFFFFF800  }
0x39: {  	[spmem:s12] =	stream.linear.scatter [tilespmem:s17], [sflag:$0x9], $0x800, $0x38;
	[tilespmem:$0xE520] =	vst v63  }
0x3a: {  	_ =	swait.ge [sflag:s15], $0x800  }
0x3b: {  	[sflag:s15] =	ssyncset.done $0x0  }
0x3c: {  	[sflag:s15] =	ssyncadd.s32 $0xFFFFF800  }
0x3d: {  	[spmem:s13] =	stream.linear.scatter [tilespmem:s17], [sflag:$0x9], $0x800, $0x38;
	[tilespmem:$0xE520] =	vst v63  }
0x3e: {  	_ =	swait.ge [sflag:s15], $0x800  }
0x3f: {  	[sflag:s15] =	ssyncset.done $0x0  }
0x40: {  	[sflag:s15] =	ssyncadd.s32 $0xFFFFF800  }
0x41: {  	s0 =	simm.s32 $0x0;
	[bflag:$0x0] =	sbarrier.arrive $0xFFFF  }
0x42: {  	[tilespmem:s17], [sflag:$0x1] =	stream.indirect.gather [spmem:s2], $0x10, s0, s18, $0xb8;
	[tilespmem:$0xE520] =	vst v63  }
0x43: {  	s7 =	simm.s32 $0x100  }
0x44: {  	[tilespmem:s20], [sflag:$0x2] =	stream.indirect.gather [spmem:s2], $0x10, s7, s18, $0xb8;
	[tilespmem:$0xE520] =	vst v63  }
0x45: {  	s8 =	simm.s32 $0x200  }
0x46: {  	[tilespmem:s22], [sflag:$0x3] =	stream.indirect.gather [spmem:s2], $0x10, s8, s18, $0xb8;
	[tilespmem:$0xE520] =	vst v63  }
0x47: {  	s4 =	simm.s32 $0x300  }
0x48: {  	[tilespmem:s25], [sflag:$0x4] =	stream.indirect.gather [spmem:s2], $0x10, s4, s18, $0xb8;
	[tilespmem:$0xE520] =	vst v63  }
0x49: {  	_ =	swait.ge [sflag:s26], $0x800  }
0x4a: {  	[sflag:s26] =	ssyncset.done $0x0  }
0x4b: {  	s6 =	simm.s32 $0x80;
	[sflag:s26] =	ssyncadd.s32 $0xFFFFF800  }
0x4c: {  	[spmem:s3] =	stream.indirect.scatter.add.f32 [tilespmem:s17], [sflag:$0x5], $0x10, s6, s18, $0xb8;
	[tilespmem:$0xE520] =	vst v63  }
0x4d: {  	_ =	swait.ge [sflag:s28], $0x800  }
0x4e: {  	[sflag:s28] =	ssyncset.done $0x0  }
0x4f: {  	s7 =	simm.s32 $0x180;
	[sflag:s28] =	ssyncadd.s32 $0xFFFFF800  }
0x50: {  	[spmem:s3] =	stream.indirect.scatter.add.f32 [tilespmem:s20], [sflag:$0x6], $0x10, s7, s18, $0xb8;
	[tilespmem:$0xE520] =	vst v63  }
0x51: {  	_ =	swait.ge [sflag:s29], $0x800  }
0x52: {  	[sflag:s29] =	ssyncset.done $0x0  }
0x53: {  	s8 =	simm.s32 $0x280;
	[sflag:s29] =	ssyncadd.s32 $0xFFFFF800  }
0x54: {  	[spmem:s3] =	stream.indirect.scatter.add.f32 [tilespmem:s22], [sflag:$0x7], $0x10, s8, s18, $0xb8;
	[tilespmem:$0xE520] =	vst v63  }
0x55: {  	_ =	swait.ge [sflag:s30], $0x800  }
0x56: {  	[sflag:s30] =	ssyncset.done $0x0  }
0x57: {  	s4 =	simm.s32 $0x380;
	[sflag:s30] =	ssyncadd.s32 $0xFFFFF800  }
0x58: {  	[spmem:s3] =	stream.indirect.scatter.add.f32 [tilespmem:s25], [sflag:$0x8], $0x10, s4, s18, $0xb8;
	[tilespmem:$0xE520] =	vst v63  }
0x59: {  	_ =	swait.ge [sflag:s31], $0x800  }
0x5a: {  	[sflag:s31] =	ssyncset.done $0x0  }
0x5b: {  	s6 =	simm.s32 $0x400;
	[sflag:s31] =	ssyncadd.s32 $0xFFFFF800  }
0x5c: {  	[tilespmem:s17], [sflag:$0x1] =	stream.indirect.gather [spmem:s2], $0x10, s6, s18, $0xb8;
	[tilespmem:$0xE520] =	vst v63  }
0x5d: {  	_ =	swait.ge [sflag:s1], $0x800  }
0x5e: {  	[sflag:s1] =	ssyncset.done $0x0  }
0x5f: {  	s7 =	simm.s32 $0x500;
	[sflag:s1] =	ssyncadd.s32 $0xFFFFF800  }
0x60: {  	[tilespmem:s20], [sflag:$0x2] =	stream.indirect.gather [spmem:s2], $0x10, s7, s18, $0xb8;
	[tilespmem:$0xE520] =	vst v63  }
0x61: {  	_ =	swait.ge [sflag:s19], $0x800  }
0x62: {  	[sflag:s19] =	ssyncset.done $0x0  }
0x63: {  	s8 =	simm.s32 $0x600;
	[sflag:s19] =	ssyncadd.s32 $0xFFFFF800  }
0x64: {  	[tilespmem:s22], [sflag:$0x3] =	stream.indirect.gather [spmem:s2], $0x10, s8, s18, $0xb8;
	[tilespmem:$0xE520] =	vst v63  }
0x65: {  	_ =	swait.ge [sflag:s21], $0x800  }
0x66: {  	[sflag:s21] =	ssyncset.done $0x0  }
0x67: {  	s0 =	simm.s32 $0x1000;
	s4 =	simm.s32 $0x700;
	[sflag:s21] =	ssyncadd.s32 $0xFFFFF800  }
.LBB2_4:
0x68: {  	[tilespmem:s25], [sflag:$0x4] =	stream.indirect.gather [spmem:s2], $0x10, s4, s18, $0xb8;
	[tilespmem:$0xE520] =	vst v63  }
0x69: {  	s4 =	smov.u32 s0  }
0x6a: {  	p1 =	sne.s32 s0, $0x11000;
	s0 =	sadd.s32 $0x1000, s0;
	_ =	swait.ge [sflag:s26], $0x800  }
0x6b: {  	s4 =	sshra.s32 s4, $0x2;
	[sflag:s26] =	ssyncset.done $0x0  }
0x6c: {  	s6 =	sadd.s32 $0x80, s4;
	[sflag:s26] =	ssyncadd.s32 $0xFFFFF800  }
0x6d: {  	[spmem:s3] =	stream.indirect.scatter.add.f32 [tilespmem:s17], [sflag:$0x5], $0x10, s6, s18, $0xb8;
	[tilespmem:$0xE520] =	vst v63  }
0x6e: {  	_ =	swait.ge [sflag:s28], $0x800  }
0x6f: {  	[sflag:s28] =	ssyncset.done $0x0  }
0x70: {  	s6 =	sadd.s32 $0x180, s4;
	[sflag:s28] =	ssyncadd.s32 $0xFFFFF800  }
0x71: {  	[spmem:s3] =	stream.indirect.scatter.add.f32 [tilespmem:s20], [sflag:$0x6], $0x10, s6, s18, $0xb8;
	[tilespmem:$0xE520] =	vst v63  }
0x72: {  	_ =	swait.ge [sflag:s29], $0x800  }
0x73: {  	[sflag:s29] =	ssyncset.done $0x0  }
0x74: {  	s6 =	sadd.s32 $0x280, s4;
	[sflag:s29] =	ssyncadd.s32 $0xFFFFF800  }
0x75: {  	[spmem:s3] =	stream.indirect.scatter.add.f32 [tilespmem:s22], [sflag:$0x7], $0x10, s6, s18, $0xb8;
	[tilespmem:$0xE520] =	vst v63  }
0x76: {  	_ =	swait.ge [sflag:s30], $0x800  }
0x77: {  	[sflag:s30] =	ssyncset.done $0x0  }
0x78: {  	s6 =	sadd.s32 $0x380, s4;
	[sflag:s30] =	ssyncadd.s32 $0xFFFFF800  }
0x79: {  	[spmem:s3] =	stream.indirect.scatter.add.f32 [tilespmem:s25], [sflag:$0x8], $0x10, s6, s18, $0xb8;
	[tilespmem:$0xE520] =	vst v63  }
0x7a: {  	_ =	swait.ge [sflag:s31], $0x800  }
0x7b: {  	[sflag:s31] =	ssyncset.done $0x0  }
0x7c: {  	s6 =	sadd.s32 $0x400, s4;
	[sflag:s31] =	ssyncadd.s32 $0xFFFFF800  }
0x7d: {  	[tilespmem:s17], [sflag:$0x1] =	stream.indirect.gather [spmem:s2], $0x10, s6, s18, $0xb8;
	[tilespmem:$0xE520] =	vst v63  }
0x7e: {  	_ =	swait.ge [sflag:s1], $0x800  }
0x7f: {  	[sflag:s1] =	ssyncset.done $0x0  }
0x80: {  	s6 =	sadd.s32 $0x500, s4;
	[sflag:s1] =	ssyncadd.s32 $0xFFFFF800  }
0x81: {  	[tilespmem:s20], [sflag:$0x2] =	stream.indirect.gather [spmem:s2], $0x10, s6, s18, $0xb8;
	[tilespmem:$0xE520] =	vst v63  }
0x82: {  	_ =	swait.ge [sflag:s19], $0x800  }
0x83: {  	[sflag:s19] =	ssyncset.done $0x0  }
.Ltmp1:
0x84: {  	s6 =	sadd.s32 $0x600, s4;
	[sflag:s19] =	ssyncadd.s32 $0xFFFFF800;
	(pc) =	sbr.rel @p1 .LBB2_4-.Ltmp1, $4  }
0x85: {  	[tilespmem:s22], [sflag:$0x3] =	stream.indirect.gather [spmem:s2], $0x10, s6, s18, $0xb8;
	[tilespmem:$0xE520] =	vst v63  }
0x86: {  	_ =	swait.ge [sflag:s21], $0x800  }
0x87: {  	[sflag:s21] =	ssyncset.done $0x0  }
0x88: {  	s4 =	sadd.s32 $0x700, s4;
	[sflag:s21] =	ssyncadd.s32 $0xFFFFF800  }
0x89: {  	[tilespmem:s25], [sflag:$0x4] =	stream.indirect.gather [spmem:s2], $0x10, s4, s18, $0xb8;
	[tilespmem:$0xE520] =	vst v63  }
0x8a: {  	_ =	swait.ge [sflag:s26], $0x800  }
0x8b: {  	[sflag:s26] =	ssyncset.done $0x0  }
0x8c: {  	s0 =	simm.s32 $0x4880;
	[sflag:s26] =	ssyncadd.s32 $0xFFFFF800  }
0x8d: {  	[spmem:s3] =	stream.indirect.scatter.add.f32 [tilespmem:s17], [sflag:$0x5], $0x10, s0, s18, $0xb8;
	[tilespmem:$0xE520] =	vst v63  }
0x8e: {  	_ =	swait.ge [sflag:s28], $0x800  }
0x8f: {  	[sflag:s28] =	ssyncset.done $0x0  }
0x90: {  	s6 =	simm.s32 $0x4980;
	[sflag:s28] =	ssyncadd.s32 $0xFFFFF800  }
0x91: {  	[spmem:s3] =	stream.indirect.scatter.add.f32 [tilespmem:s20], [sflag:$0x6], $0x10, s6, s18, $0xb8;
	[tilespmem:$0xE520] =	vst v63  }
0x92: {  	_ =	swait.ge [sflag:s29], $0x800  }
0x93: {  	[sflag:s29] =	ssyncset.done $0x0  }
0x94: {  	s7 =	simm.s32 $0x4A80;
	[sflag:s29] =	ssyncadd.s32 $0xFFFFF800  }
0x95: {  	[spmem:s3] =	stream.indirect.scatter.add.f32 [tilespmem:s22], [sflag:$0x7], $0x10, s7, s18, $0xb8;
	[tilespmem:$0xE520] =	vst v63  }
0x96: {  	_ =	swait.ge [sflag:s30], $0x800  }
0x97: {  	[sflag:s30] =	ssyncset.done $0x0  }
0x98: {  	s8 =	simm.s32 $0x4B80;
	[sflag:s30] =	ssyncadd.s32 $0xFFFFF800  }
0x99: {  	[spmem:s3] =	stream.indirect.scatter.add.f32 [tilespmem:s25], [sflag:$0x8], $0x10, s8, s18, $0xb8;
	[tilespmem:$0xE520] =	vst v63  }
0x9a: {  	_ =	swait.ge [sflag:s31], $0x800  }
0x9b: {  	[sflag:s31] =	ssyncset.done $0x0  }
0x9c: {  	s4 =	simm.s32 $0x4C00;
	[sflag:s31] =	ssyncadd.s32 $0xFFFFF800  }
0x9d: {  	[tilespmem:s17], [sflag:$0x1] =	stream.indirect.gather [spmem:s2], $0x10, s4, s18, $0xb8;
	[tilespmem:$0xE520] =	vst v63  }
0x9e: {  	_ =	swait.ge [sflag:s1], $0x800  }
0x9f: {  	[sflag:s1] =	ssyncset.done $0x0  }
0xa0: {  	s0 =	simm.s32 @p0 $0x1;
	s6 =	simm.s32 $0x4D00;
	[sflag:s1] =	ssyncadd.s32 $0xFFFFF800  }
0xa1: {  	[tilespmem:s20], [sflag:$0x2] =	stream.indirect.gather [spmem:s2], $0x10, s6, s18, $0xb8;
	[tilespmem:$0xE520] =	vst v63  }
0xa2: {  	_ =	swait.ge @p0 [sflag:s0], $0x800  }
0xa3: {  	s4 =	simm.s32 @p0 $0x4C80;
	[sflag:s0] =	ssyncset.done @p0 $0x0  }
0xa4: {  	s6 =	simm.s32 @p0 $0x4F00;
	[sflag:s0] =	ssyncadd.s32 @p0 $0xFFFFF800;
	s0 =	simm.s32 @p0 $0x80  }
0xa5: {  	[spmem:s3] =	stream.indirect.scatter.add.f32 @p0 [tilespmem:s6], [sflag:$0x5], $0x10, s4, s0, $0xb8;
	[tilespmem:$0xE520] =	vst v63  }
0xa6: {  	s4 =	simm.s32 @p0 $0x2  }
0xa7: {  	_ =	swait.ge @p0 [sflag:s4], $0x800  }
0xa8: {  	[sflag:s4] =	ssyncset.done @p0 $0x0  }
0xa9: {  	s6 =	simm.s32 @p0 $0x5700;
	[sflag:s4] =	ssyncadd.s32 @p0 $0xFFFFF800;
	s4 =	simm.s32 @p0 $0x4D80  }
0xaa: {  	[spmem:s3] =	stream.indirect.scatter.add.f32 @p0 [tilespmem:s6], [sflag:$0x6], $0x10, s4, s0, $0xb8;
	[tilespmem:$0xE520] =	vst v63  }
0xab: {  	s0 =	simm.s32 @!p0 $0x7  }
0xac: {  	_ =	swait.ge @!p0 [sflag:s0], $0x800  }
0xad: {  	s7 =	simm.s32 @!p0 $0x5F00;
	[sflag:s0] =	ssyncset.done @!p0 $0x0  }
0xae: {  	s4 =	simm.s32 @!p0 $0x80;
	s6 =	simm.s32 @!p0 $0x4E00;
	[sflag:s0] =	ssyncadd.s32 @!p0 $0xFFFFF800  }
0xaf: {  	[tilespmem:s7], [sflag:$0x3] =	stream.indirect.gather @!p0 [spmem:s2], $0x10, s6, s4, $0xb8;
	[tilespmem:$0xE520] =	vst v63  }
0xb0: {  	s6 =	simm.s32 @!p0 $0x1  }
0xb1: {  	_ =	swait.ge @!p0 [sflag:s6], $0x800  }
0xb2: {  	[sflag:s6] =	ssyncset.done @!p0 $0x0  }
0xb3: {  	s8 =	simm.s32 @!p0 $0x4F00;
	[sflag:s6] =	ssyncadd.s32 @!p0 $0xFFFFF800;
	s6 =	simm.s32 @!p0 $0x4C80  }
0xb4: {  	[spmem:s3] =	stream.indirect.scatter.add.f32 @!p0 [tilespmem:s8], [sflag:$0x5], $0x10, s6, s4, $0xb8;
	[tilespmem:$0xE520] =	vst v63  }
0xb5: {  	s6 =	simm.s32 @!p0 $0x2  }
0xb6: {  	_ =	swait.ge @!p0 [sflag:s6], $0x800  }
0xb7: {  	[sflag:s6] =	ssyncset.done @!p0 $0x0  }
0xb8: {  	s8 =	simm.s32 @!p0 $0x5700;
	[sflag:s6] =	ssyncadd.s32 @!p0 $0xFFFFF800;
	s6 =	simm.s32 @!p0 $0x4D80  }
0xb9: {  	[spmem:s3] =	stream.indirect.scatter.add.f32 @!p0 [tilespmem:s8], [sflag:$0x6], $0x10, s6, s4, $0xb8;
	[tilespmem:$0xE520] =	vst v63  }
0xba: {  	s6 =	simm.s32 @!p0 $0x3  }
0xbb: {  	_ =	swait.ge @!p0 [sflag:s6], $0x800  }
0xbc: {  	[sflag:s6] =	ssyncset.done @!p0 $0x0  }
0xbd: {  	[sflag:s6] =	ssyncadd.s32 @!p0 $0xFFFFF800;
	s6 =	simm.s32 @!p0 $0x4E80  }
0xbe: {  	[spmem:s3] =	stream.indirect.scatter.add.f32 @!p0 [tilespmem:s7], [sflag:$0x7], $0x10, s6, s4, $0xb8;
	[tilespmem:$0xE520] =	vst v63  }
0xbf: {  	s4 =	simm.s32 @!p0 $0x8  }
0xc0: {  	s4 =	simm.s32 @p0 $0x7  }
0xc1: {  	_ =	swait.ge [sflag:s4], $0x800  }
0xc2: {  	s6 =	simm.s32 @!p0 $0x5;
	[sflag:s4] =	ssyncset.done $0x0  }
0xc3: {  	s6 =	simm.s32 @p0 $0x8;
	[sflag:s4] =	ssyncadd.s32 $0xFFFFF800  }
0xc4: {  	_ =	swait.ge [sflag:s6], $0x800  }
0xc5: {  	s4 =	simm.s32 @!p0 $0x6;
	[sflag:s6] =	ssyncset.done $0x0  }
0xc6: {  	s4 =	simm.s32 @p0 $0x5;
	[sflag:s6] =	ssyncadd.s32 $0xFFFFF800  }
0xc7: {  	_ =	swait.ge [sflag:s4], $0x800  }
0xc8: {  	[sflag:s4] =	ssyncset.done $0x0  }
0xc9: {  	s0 =	simm.s32 @p0 $0x6;
	[sflag:s4] =	ssyncadd.s32 $0xFFFFF800  }
0xca: {  	s23 =	sadd.s32 $0x1, s23;
	_ =	swait.ge [sflag:s0], $0x800  }
0xcb: {  	p1 =	sne.s32 s23, s14;
	s7 =	stileid.u32;
	[sflag:s0] =	ssyncset.done $0x0  }
0xcc: {  	s8 =	sshrl.u32 s9, $0x3;
	[sflag:s0] =	ssyncadd.s32 $0xFFFFF800;
	s0 =	sshll.u32 s7, $0x6  }
.Ltmp2:
0xcd: {  	[bflag:$0x0] =	sbarrier.arrive $0xFFFF;
	s0 =	sor.u32 $0x1C09, s0;
	(pc) =	sbr.rel @p1 .LBB2_1-.Ltmp2, $4  }
0xce: {  	[hbm:s24], [sflag:s0] =	dma.local [spmem:s8], $0x500  }
0xcf: {  	_ =	swait.ge [sflag:s15], $0x500  }
0xd0: {  	[sflag:s15] =	ssyncset.done $0x0  }
0xd1: {  	[sflag:s15] =	ssyncadd.s32 $0xFFFFFB00  }
0xd2: {  	_ =	sfence.sel $0x180000  }
0xd3: {  	[bflag:$0x0] =	sbarrier.arrive $0xFFFF  }
0xd4: {  	_ =	strace $0x9000004D  }
0xd5: {  	s0 =	stileid.u32;
	[bflag:$0x2] =	sbarrier.arrive $0xFFFF  }
0xd6: {  	p0 =	sne.s32 s0, $0x0;
	s0 =	rddreg [dreg:$0x5]  }
0xd7: {  	s0 =	sadd.s32 @!p0 $0x100000, s0  }
0xd8: {  	[sflag:s0] =	ssyncadd.tile.s32 @!p0 $0x1;
	_ =	shalt  }
.Lfunc_end2:
_tile_overlayer_lowered:
.L_overlay_start_2:
0xd9: {  	(tag) =	ssettag $0x2  }
0xda: {  	s0 =	rddreg [dreg:$0x0];
	s2 =	stileid.u32  }
0xdb: {  	s1 =	rddreg [dreg:$0x1];
	p0 =	sne.s32 s2, $0x0  }
0xdc: {  	s3 =	rddreg [dreg:$0x2];
	[bflag:$0x3] =	sbarrier.arrive $0xFFFF;
	s2 =	simm.s32 @!p0 $0x1C09  }
0xdd: {  	[timem:s3], [sflag:s2] =	dma.local @!p0 [hbm:s0], s1  }
0xde: {  	s0 =	simm.s32 @!p0 $0x9  }
0xdf: {  	_ =	swait.ge @!p0 [sflag:s0], s1  }
0xe0: {  	s1 =	ssub.s32 @!p0 $0x0, s1;
	[sflag:s0] =	ssyncset.done @!p0 $0x0  }
0xe1: {  	[sflag:s0] =	ssyncadd.s32 @!p0 s1  }
0xe2: {  	[bflag:$0x3] =	sbarrier.arrive $0xFFFF  }
0xe3: {  	_ =	shalt  }

// kernel: kernel.9.cloned.1.call-start
scs
__scs_entry_jumppad:
0x0: {  	(pc) =	sbr.rel $0x88, $3  }
0x1: {  	(tag) =	ssettag $0x0;
	lr =	simm.s32 $0x1  }
0x2: {  	[smem:$0x3F88] =	sst lr;
	_ =	strace $0xD0000000  }
0x3: {  	_ = 	snop  }
0x4: {  	_ = 	snop  }
0x5: {  	_ = 	snop  }
0x6: {  	_ = 	snop  }
0x7: {  	_ = 	snop  }
__scs_overlays_trampoline_lowered:
0x8: {  	[smem:$0x3F97] =	sst s0  }
0x9: {  	[smem:$0x3F98] =	sst s1  }
0xa: {  	[smem:$0x3F99] =	sst s2  }
0xb: {  	[smem:$0x3F9A] =	sst s3  }
0xc: {  	[smem:$0x3F9B] =	sst s4  }
0xd: {  	[smem:$0x3F9C] =	sst s5  }
0xe: {  	[smem:$0x3F9D] =	sst s6  }
0xf: {  	[smem:$0x3F9E] =	sst s7  }
0x10: {  	[smem:$0x3F9F] =	sst s8  }
0x11: {  	[smem:$0x3FA0] =	sst s9;
	s0 =	simm.s32 @!p0 $0x0  }
0x12: {  	s1 =	sld [smem:$0x3F86];
	s0 =	simm.s32 @p0 $0x1  }
0x13: {  	[smem:$0x3FA1] =	sst s0;
	s0 =	simm.s32 @!p1 $0x0  }
0x14: {  	s2 =	sld [smem:$0x3F85];
	s0 =	simm.s32 @p1 $0x1  }
0x15: {  	[smem:$0x3FA2] =	sst s0;
	s0 =	simm.s32 @!p2 $0x0  }
0x16: {  	s3 =	sld [smem:$0x3FDB];
	s0 =	simm.s32 @p2 $0x1  }
0x17: {  	s4 =	simm.s32 $0x1BF5;
	[smem:$0x3FA4] =	sst s0  }
0x18: {  	s0 =	sld [smem:$0x3F87];
	_ =	swait.ge [sflag:s4], $0x0  }
0x19: {  	s7 =	sld [smem:$0x3F88]  }
0x1a: {  	s8 =	sadd.s32 $0xFFFFE003, lr  }
0x1b: {  	s9 =	sadd.s32 $0xFFFFFEF7, lr;
	s5 =	simm.s32 $0xFFFFFFFF;
	p2 =	slt.u32 s8, $0xFFFFF086  }
0x1c: {  	p1 =	slt.u32 s9, $0xF7A;
	s5 =	simm.s32 @!p2 $0x0  }
0x1d: {  	s5 =	simm.s32 @p1 $0x1;
	p0 =	seq.s32 s7, s2  }
0x1e: {  	s7 =	smul.u32 @!p0 $0xF7A, s2;
	p2 =	seq.s32 @!p0 s5, $0x0  }
0x1f: {  	s9 =	smul.u32 $0xF7A, s1;
	s8 =	simm.s32 @!p0 $0x1BF5;
	p2 =	por !p2, p0  }
0x20: {  	[sflag:s8] =	ssyncset.s32 @!p0 $0xFFFFF086;
	s6 =	sadd.s32 @!p0 s3, s7;
	s7 =	simm.s32 @!p0 $0x108  }
0x21: {  	s3 =	sadd.s32 s3, s9;
	s6 =	sadd.s32 @!p0 $0x88, s6;
	s7 =	simm.s32 @p2 $0x1082  }
0x22: {  	[simem:s7], [sflag:s8] =	dma.local @!p0 [hbm:s6], $0xF7A  }
0x23: {  	s9 =	sor.u32 $0xD0000000, s2;
	s6 =	simm.s32 $0x108;
	_ =	swait.ge @!p0 [sflag:s8], $0x0  }
0x24: {  	s3 =	sadd.s32 $0x88, s3;
	s6 =	simm.s32 @!p1 $0x1082;
	[sflag:s4] =	ssyncset.s32 $0xFFFFF086  }
0x25: {  	[simem:s6], [sflag:s4] =	dma.local [hbm:s3], $0xF7A  }
0x26: {  	[smem:$0x3F88] =	sst s1;
	(tag) =	ssettag s2;
	_ =	strace s9  }
0x27: {  	s1 =	sld [smem:$0x3F98]  }
0x28: {  	s2 =	sld [smem:$0x3F99]  }
0x29: {  	s4 =	sld [smem:$0x3F9B]  }
0x2a: {  	p0 =	seq.s32 s5, $0x0;
	s5 =	sld [smem:$0x3F9C]  }
0x2b: {  	s6 =	sld [smem:$0x3F9D]  }
0x2c: {  	s7 =	sld [smem:$0x3F9E]  }
0x2d: {  	s3 =	simm.s32 $0x108;
	s8 =	sld [smem:$0x3F9F]  }
0x2e: {  	s3 =	simm.s32 @!p0 $0x1082;
	s9 =	sld [smem:$0x3FA0]  }
0x2f: {  	lr =	sadd.s32 s0, s3;
	s0 =	sld [smem:$0x3F97]  }
0x30: {  	s3 =	sld [smem:$0x3F9A]  }
0x31: {  	[smem:$0x3FA3] =	sst s10  }
0x32: {  	s10 =	sld [smem:$0x3FA1];
	_ =	sdelay $0x3  }
0x33: {  	p0 =	seq.s32 s10, $0x1;
	s10 =	sld [smem:$0x3FA3];
	_ =	sdelay $0x3  }
0x34: {  	[smem:$0x3FA3] =	sst s10  }
0x35: {  	s10 =	sld [smem:$0x3FA2];
	_ =	sdelay $0x3  }
0x36: {  	p1 =	seq.s32 s10, $0x1;
	s10 =	sld [smem:$0x3FA3];
	_ =	sdelay $0x3  }
0x37: {  	[smem:$0x3FA3] =	sst s10  }
0x38: {  	s10 =	sld [smem:$0x3FA4]  }
0x39: {  	_ = 	snop;
	(pc) =	sbr.ind lr, $3  }
0x3a: {  	_ = 	snop  }
0x3b: {  	_ = 	snop  }
0x3c: {  	p2 =	seq.s32 s10, $0x1;
	s10 =	sld [smem:$0x3FA3]  }
0x3d: {  	_ =	shalt  }
0x3e: {  	_ =	shalt  }
0x3f: {  	_ =	shalt  }
0x40: {  	_ =	shalt  }
0x41: {  	_ =	shalt  }
0x42: {  	_ =	shalt  }
0x43: {  	_ =	shalt  }
0x44: {  	_ =	shalt  }
0x45: {  	_ =	shalt  }
0x46: {  	_ =	shalt  }
0x47: {  	_ =	shalt  }
0x48: {  	_ =	shalt  }
0x49: {  	_ =	shalt  }
0x4a: {  	_ =	shalt  }
0x4b: {  	_ =	shalt  }
0x4c: {  	_ =	shalt  }
0x4d: {  	_ =	shalt  }
0x4e: {  	_ =	shalt  }
0x4f: {  	_ =	shalt  }
0x50: {  	_ =	shalt  }
0x51: {  	_ =	shalt  }
0x52: {  	_ =	shalt  }
0x53: {  	_ =	shalt  }
0x54: {  	_ =	shalt  }
0x55: {  	_ =	shalt  }
0x56: {  	_ =	shalt  }
0x57: {  	_ =	shalt  }
0x58: {  	_ =	shalt  }
0x59: {  	_ =	shalt  }
0x5a: {  	_ =	shalt  }
0x5b: {  	_ =	shalt  }
0x5c: {  	_ =	shalt  }
0x5d: {  	_ =	shalt  }
0x5e: {  	_ =	shalt  }
0x5f: {  	_ =	shalt  }
0x60: {  	_ =	shalt  }
0x61: {  	_ =	shalt  }
0x62: {  	_ =	shalt  }
0x63: {  	_ =	shalt  }
0x64: {  	_ =	shalt  }
0x65: {  	_ =	shalt  }
0x66: {  	_ =	shalt  }
0x67: {  	_ =	shalt  }
0x68: {  	_ =	shalt  }
0x69: {  	_ =	shalt  }
0x6a: {  	_ =	shalt  }
0x6b: {  	_ =	shalt  }
0x6c: {  	_ =	shalt  }
0x6d: {  	_ =	shalt  }
0x6e: {  	_ =	shalt  }
0x6f: {  	_ =	shalt  }
0x70: {  	_ =	shalt  }
0x71: {  	_ =	shalt  }
0x72: {  	_ =	shalt  }
0x73: {  	_ =	shalt  }
0x74: {  	_ =	shalt  }
0x75: {  	_ =	shalt  }
0x76: {  	_ =	shalt  }
0x77: {  	_ =	shalt  }
0x78: {  	_ =	shalt  }
0x79: {  	_ =	shalt  }
0x7a: {  	_ =	shalt  }
0x7b: {  	_ =	shalt  }
0x7c: {  	_ =	shalt  }
0x7d: {  	_ =	shalt  }
0x7e: {  	_ =	shalt  }
0x7f: {  	_ =	shalt  }
0x80: {  	_ =	shalt  }
0x81: {  	_ =	shalt  }
0x82: {  	_ =	shalt  }
0x83: {  	_ =	shalt  }
0x84: {  	_ =	shalt  }
0x85: {  	_ =	shalt  }
0x86: {  	_ =	shalt  }
0x87: {  	_ =	shalt  }
.Lfunc_end0:
.L_simem_size_0:
called_computation_lowered:
.L_overlay_start_0:
0x88: {  	s2 =	sld [smem:$0x3FD9]  }
0x89: {  	s3 =	sld [smem:$0x3FFE];
	_ =	sdelay $0x1  }
0x8a: {  	s1 =	srdreg.scid  }
0x8b: {  	s0 =	sand.u32 $0x1, s1  }
0x8c: {  	s15 =	sshll.u32 s0, $0xA;
	s2 =	sadd.s32 s3, s2  }
0x8d: {  	s2 =	sadd.s32 s2, s15  }
0x8e: {  	[smem:$0x3FAF] =	sst s2  }
0x8f: {  	_ = 	snop  }
0x90: {  	s2 =	sld [smem:$0x3FD0];
	_ =	sdelay $0x2  }
0x91: {  	s4 =	simm.s32 $0xA;
	s5 =	simm.s32 $0x10;
	s16 =	sld [smem:$0x3FB1]  }
0x92: {  	[smem:s5], [sflag:s4] =	dma.local [hbm:s2], $0x1  }
0x93: {  	_ =	swait.eq [sflag:s4], $0x1  }
0x94: {  	[sflag:s4] =	ssyncset.done $0x0  }
0x95: {  	[sflag:s4] =	ssyncadd.s32 $0xFFFFFFFF  }
0x96: {  	s17 =	sld [smem:$0x16];
	(tm) =	ssettm $0x1  }
0x97: {  	s18 =	sld [smem:$0x3FFB];
	_ =	sdelay $0x3  }
0x98: {  	_ =	strace s18  }
0x99: {  	s4 =	sld [smem:$0x3FFC];
	_ =	sdelay $0x3  }
0x9a: {  	_ =	strace s4  }
0x9b: {  	s4 =	sld [smem:$0x3FFD];
	_ =	sdelay $0x3  }
0x9c: {  	_ =	strace s4  }
0x9d: {  	_ =	strace $0x8FFFFFFF  }
0x9e: {  	s19 =	sld [smem:$0x3FDB];
	_ =	sdelay $0x1  }
0x9f: {  	s20 =	simm.s32 $_scs_section_size  }
0xa0: {  	s6 =	simm.s32 $_size__tile_overlayer_lowered;
	s7 =	simm.s32 $_tile_overlayer_lowered  }
0xa1: {  	s23 =	simm.s32 $0x1BFF;
	s22 =	sshll.u32 s7, $0x1;
	s4 =	sadd.s32 s20, s19  }
0xa2: {  	s8 =	simm.s32 $0x0;
	s21 =	sshll.u32 s6, $0x1;
	s6 =	sadd.s32 s22, s4  }
0xa3: {  	[timem:s8], [sflag:s23] =	dma.local [hbm:s6], s21  }
0xa4: {  	_ =	swait.ge [sflag:s23], s21  }
0xa5: {  	s5 =	ssub.s32 $0x0, s21;
	[sflag:s23] =	ssyncset.done $0x0  }
0xa6: {  	[sflag:s23] =	ssyncadd.s32 s5;
	_ =	sdelay $0x1  }
0xa7: {  	s24 =	simm.s32 $0x1B8B  }
0xa8: {  	_ =	swait.ge [sflag:s24], $0x1  }
0xa9: {  	[sflag:s24] =	ssyncset.done $0x0  }
0xaa: {  	s25 =	simm.s32 $0x1B8E;
	[sflag:s24] =	ssyncadd.s32 $0xFFFFFFFF  }
0xab: {  	s26 =	simm.s32 $execute0_lowered;
	[smem:$0x3FD2] =	sst s25  }
0xac: {  	s5 =	sshll.u32 s26, $0x1;
	_ =	strace $0x80000046;
	[dreg:$0x1] =	wrdreg $0xFFFFFFFF  }
0xad: {  	s28 =	simm.s32 $_size_execute0_lowered;
	s4 =	sadd.s32 s4, s5;
	[dreg:$0x0] =	wrdreg $0x0  }
0xae: {  	s5 =	sshll.u32 s28, $0x1;
	[dreg:$0x2] =	wrdreg s4  }
0xaf: {  	[dreg:$0x3] =	wrdreg s5  }
0xb0: {  	[dreg:$0x4] =	wrdreg $0xC0  }
0xb1: {  	_ =	task [dreg:s8], $0x5FFFF  }
0xb2: {  	[dreg:$0x1] =	wrdreg $0xFFFFFFFF  }
0xb3: {  	[dreg:$0x0] =	wrdreg $0x60  }
0xb4: {  	[dreg:$0x2] =	wrdreg s16  }
0xb5: {  	[dreg:$0x3] =	wrdreg s17  }
0xb6: {  	[dreg:$0x4] =	wrdreg $0x4F800  }
0xb7: {  	[dreg:$0x5] =	wrdreg $0x9  }
0xb8: {  	_ =	task.clear_ibuf [dreg:s8], $0x6FFFF;
	_ =	strace $0x90000046  }
0xb9: {  	s29 =	simm.s32 $0x9;
	_ =	strace $0x80000048  }
0xba: {  	_ =	swait.ge [sflag:s29], $0x1  }
0xbb: {  	[sflag:s29] =	ssyncadd.s32 $0xFFFFFFFF  }
0xbc: {  	_ =	strace $0x90000048  }
0xbd: {  	_ =	sfence  }
0xbe: {  	s30 =	sld [smem:$0x0];
	_ =	sdelay $0x2  }
0xbf: {  	s31 =	sshll.u32 s1, $0xD;
	s1 =	sshrl.u32 s1, $0x2  }
0xc0: {  	s3 =	sand.u32 $0x4000, s31;
	s1 =	sadd.s32 s1, s30  }
0xc1: {  	s0 =	sor.u32 s3, s0;
	s1 =	sshll.u32 s1, $0x11  }
0xc2: {  	s0 =	sor.u32 s1, s0  }
0xc3: {  	s0 =	sadd.s32 $0x8F2B, s0  }
0xc4: {  	[sflag:s0] =	ssyncadd.remote.s32 $0x1  }
0xc5: {  	_ =	sfence.sel $0xFFFF  }
0xc6: {  	[dreg:$0x0] =	wrdreg $0xFFFFFFFF;
	(pc) =	sbr.abs _section_cstart, $3  }
0xc7: {  	[dreg:$0x1] =	wrdreg $0xFFFFFFFF  }
0xc8: {  	_ =	task.clear_ibuf [dreg:s8], $0x2FFFF;
	_ =	strace $0x9FFFFFFF  }
0xc9: {  	(tm) =	ssettm $0x7FFFFFFF  }
tec
execute0_lowered:
.L_overlay_start_1:
0x0: {  	(tag) =	ssettag $0x1  }
0x1: {  	s4 =	rddreg [dreg:$0x0]  }
0x2: {  	s11 =	rddreg [dreg:$0x1];
	s1 =	srdreg.scid  }
0x3: {  	s0 =	stileid.u32;
	s2 =	rddreg [dreg:$0x2]  }
0x4: {  	s3 =	simm.s32 $0x0;
	s14 =	simm.s32 $0x4F00;
	s15 =	simm.s32 $0x80  }
0x5: {  	s16 =	simm.s32 $0x1;
	s5 =	sand.u32 $0x1, s1;
	s1 =	rddreg [dreg:$0x3]  }
0x6: {  	s19 =	simm.s32 $0x0;
	s6 =	sshll.u32 s0, $0x1;
	[smem:$0x7FF] =	sst s3  }
0x7: {  	s9 =	smul.u32 $0x280, s0;
	p0 =	sgt.u32 s0, $0x1;
	s17 =	sshll.u32 s0, $0x6  }
0x8: {  	s6 =	sor.u32 s5, s6;
	_ =	strace $0x80000047;
	s10 =	smul.u32 $0x2800, s5  }
0x9: {  	s8 =	ssub.s32 $0x2, s5;
	s17 =	sor.u32 $0x1C02, s17;
	s7 =	smul.u32 $0x4E, s6  }
0xa: {  	s6 =	smin.u32 s6, $0x4;
	s31 =	sshrl.u32 s8, $0x1;
	s5 =	sadd.s32 s9, s2  }
0xb: {  	s12 =	ssub.s32 s8, s31;
	s10 =	sadd.s32 s9, s10;
	s8 =	sadd.s32 $0x100, s5  }
0xc: {  	s9 =	sadd.s32 $0x180, s5;
	s18 =	sshrl.u32 s5, $0x3;
	s6 =	sadd.s32 s6, s7  }
0xd: {  	s7 =	sadd.s32 $0x80, s5;
	s13 =	sshrl.u32 s10, $0x3;
	s6 =	sshll.u32 s6, $0x5  }
0xe: {  	s10 =	sadd.s32 $0x200, s5;
	s12 =	smax.u32 s12, $0x1;
	s4 =	sadd.s32 s4, s6  }
0xf: {  	v0 =	vimm.f32 $0.0e+00;
	v1 =	vimm.f32 $1.000000000e+00;
	s11 =	sadd.s32 s11, s13;
	s13 =	simm.s32 $0x2;
	s6 =	sadd.s32 $0x9C0, s4  }
.LBB2_1:
0x10: {  	[tilespmem:s3], [sflag:$0x2] =	stream.linear.gather [hbm4b:s4+s3], $0x4E00, $0x38;
	[tilespmem:$0x5200] =	vst v63  }
0x11: {  	_ =	swait.ge [sflag:s13], $0x4E00  }
0x12: {  	[sflag:s13] =	ssyncset.done $0x0  }
0x13: {  	s20 =	simm.s32 @!p0 $0x0;
	s21 =	simm.s32 @!p0 $0x4E00;
	[sflag:s13] =	ssyncadd.s32 $0xFFFFB200  }
0x14: {  	[tilespmem:s21], [sflag:$0x2] =	stream.linear.gather @!p0 [hbm4b:s6+s20], $0x100, $0x38;
	[tilespmem:$0x5200] =	vst v63  }
0x15: {  	s20 =	simm.s32 @!p0 $0x2  }
0x16: {  	_ =	swait.ge @!p0 [sflag:s20], $0x100  }
0x17: {  	[sflag:s20] =	ssyncset.done @!p0 $0x0  }
0x18: {  	[sflag:s20] =	ssyncadd.s32 @!p0 $0xFFFFFF00  }
0x19: {  	[tilespmem:$0x4F00] =	vst v0  }
0x1a: {  	[tilespmem:$0x4F10] =	vst v0  }
0x1b: {  	[tilespmem:$0x4F20] =	vst v0  }
0x1c: {  	[tilespmem:$0x4F30] =	vst v0  }
0x1d: {  	[tilespmem:$0x4F40] =	vst v0  }
0x1e: {  	[tilespmem:$0x4F50] =	vst v0  }
0x1f: {  	[tilespmem:$0x4F60] =	vst v0  }
0x20: {  	[tilespmem:$0x4F70] =	vst v0  }
0x21: {  	[spmem:s5] =	stream.linear.scatter [tilespmem:s14], [sflag:$0x2], $0x80, $0x38;
	[tilespmem:$0x5200] =	vst v63  }
0x22: {  	_ =	swait.ge [sflag:s13], $0x80  }
0x23: {  	[sflag:s13] =	ssyncset.done $0x0  }
0x24: {  	[sflag:s13] =	ssyncadd.s32 $0xFFFFFF80  }
0x25: {  	[spmem:s7] =	stream.linear.scatter [tilespmem:s14], [sflag:$0x2], $0x80, $0x38;
	[tilespmem:$0x5200] =	vst v63  }
0x26: {  	_ =	swait.ge [sflag:s13], $0x80  }
0x27: {  	[sflag:s13] =	ssyncset.done $0x0  }
0x28: {  	[sflag:s13] =	ssyncadd.s32 $0xFFFFFF80  }
0x29: {  	[spmem:s8] =	stream.linear.scatter [tilespmem:s14], [sflag:$0x2], $0x80, $0x38;
	[tilespmem:$0x5200] =	vst v63  }
0x2a: {  	_ =	swait.ge [sflag:s13], $0x80  }
0x2b: {  	[sflag:s13] =	ssyncset.done $0x0  }
0x2c: {  	[sflag:s13] =	ssyncadd.s32 $0xFFFFFF80  }
0x2d: {  	[spmem:s9] =	stream.linear.scatter [tilespmem:s14], [sflag:$0x2], $0x80, $0x38;
	[tilespmem:$0x5200] =	vst v63  }
0x2e: {  	_ =	swait.ge [sflag:s13], $0x80  }
0x2f: {  	[sflag:s13] =	ssyncset.done $0x0  }
0x30: {  	[sflag:s13] =	ssyncadd.s32 $0xFFFFFF80  }
0x31: {  	[spmem:s10] =	stream.linear.scatter [tilespmem:s14], [sflag:$0x2], $0x80, $0x38;
	[tilespmem:$0x5200] =	vst v63  }
0x32: {  	_ =	swait.ge [sflag:s13], $0x80  }
0x33: {  	[sflag:s13] =	ssyncset.done $0x0  }
0x34: {  	[sflag:s13] =	ssyncadd.s32 $0xFFFFFF80  }
0x35: {  	[tilespmem:$0x4F00] =	vst v1  }
0x36: {  	[tilespmem:$0x4F10] =	vst v1  }
0x37: {  	[tilespmem:$0x4F20] =	vst v1  }
0x38: {  	[tilespmem:$0x4F30] =	vst v1  }
0x39: {  	[tilespmem:$0x4F40] =	vst v1  }
0x3a: {  	[tilespmem:$0x4F50] =	vst v1  }
0x3b: {  	[tilespmem:$0x4F60] =	vst v1  }
0x3c: {  	[tilespmem:$0x4F70] =	vst v1  }
0x3d: {  	s29 =	simm.s32 $0x80;
	[bflag:$0x0] =	sbarrier.arrive $0xFFFF  }
0x3e: {  	[spmem:s2] =	stream.indirect.scatter.add.f32 [tilespmem:s14], [sflag:$0x1], $0x1, s29, s15, $0xb8;
	[tilespmem:$0x5200] =	vst v63  }
0x3f: {  	s30 =	simm.s32 $0x180  }
0x40: {  	[spmem:s2] =	stream.indirect.scatter.add.f32 [tilespmem:s14], [sflag:$0x1], $0x1, s30, s15, $0xb8;
	[tilespmem:$0x5200] =	vst v63  }
0x41: {  	s31 =	simm.s32 $0x280  }
0x42: {  	[spmem:s2] =	stream.indirect.scatter.add.f32 [tilespmem:s14], [sflag:$0x1], $0x1, s31, s15, $0xb8;
	[tilespmem:$0x5200] =	vst v63  }
0x43: {  	s21 =	simm.s32 $0x380  }
0x44: {  	[spmem:s2] =	stream.indirect.scatter.add.f32 [tilespmem:s14], [sflag:$0x1], $0x1, s21, s15, $0xb8;
	[tilespmem:$0x5200] =	vst v63  }
0x45: {  	s22 =	simm.s32 $0x480  }
0x46: {  	[spmem:s2] =	stream.indirect.scatter.add.f32 [tilespmem:s14], [sflag:$0x1], $0x1, s22, s15, $0xb8;
	[tilespmem:$0x5200] =	vst v63  }
0x47: {  	s23 =	simm.s32 $0x580  }
0x48: {  	[spmem:s2] =	stream.indirect.scatter.add.f32 [tilespmem:s14], [sflag:$0x1], $0x1, s23, s15, $0xb8;
	[tilespmem:$0x5200] =	vst v63  }
0x49: {  	s24 =	simm.s32 $0x680  }
0x4a: {  	[spmem:s2] =	stream.indirect.scatter.add.f32 [tilespmem:s14], [sflag:$0x1], $0x1, s24, s15, $0xb8;
	[tilespmem:$0x5200] =	vst v63  }
0x4b: {  	s25 =	simm.s32 $0x780  }
0x4c: {  	[spmem:s2] =	stream.indirect.scatter.add.f32 [tilespmem:s14], [sflag:$0x1], $0x1, s25, s15, $0xb8;
	[tilespmem:$0x5200] =	vst v63  }
0x4d: {  	s26 =	simm.s32 $0x880  }
0x4e: {  	[spmem:s2] =	stream.indirect.scatter.add.f32 [tilespmem:s14], [sflag:$0x1], $0x1, s26, s15, $0xb8;
	[tilespmem:$0x5200] =	vst v63  }
0x4f: {  	s28 =	simm.s32 $0x980  }
0x50: {  	[spmem:s2] =	stream.indirect.scatter.add.f32 [tilespmem:s14], [sflag:$0x1], $0x1, s28, s15, $0xb8;
	[tilespmem:$0x5200] =	vst v63  }
0x51: {  	s29 =	simm.s32 $0xA80  }
0x52: {  	[spmem:s2] =	stream.indirect.scatter.add.f32 [tilespmem:s14], [sflag:$0x1], $0x1, s29, s15, $0xb8;
	[tilespmem:$0x5200] =	vst v63  }
0x53: {  	s30 =	simm.s32 $0xB80  }
0x54: {  	[spmem:s2] =	stream.indirect.scatter.add.f32 [tilespmem:s14], [sflag:$0x1], $0x1, s30, s15, $0xb8;
	[tilespmem:$0x5200] =	vst v63  }
0x55: {  	s31 =	simm.s32 $0xC80  }
0x56: {  	[spmem:s2] =	stream.indirect.scatter.add.f32 [tilespmem:s14], [sflag:$0x1], $0x1, s31, s15, $0xb8;
	[tilespmem:$0x5200] =	vst v63  }
0x57: {  	_ =	swait.ge [sflag:s16], $0x80  }
0x58: {  	[sflag:s16] =	ssyncset.done $0x0  }
0x59: {  	[sflag:s16] =	ssyncadd.s32 $0xFFFFFF80  }
0x5a: {  	_ =	swait.ge [sflag:s16], $0x80  }
0x5b: {  	[sflag:s16] =	ssyncset.done $0x0  }
0x5c: {  	[sflag:s16] =	ssyncadd.s32 $0xFFFFFF80  }
0x5d: {  	_ =	swait.ge [sflag:s16], $0x80  }
0x5e: {  	[sflag:s16] =	ssyncset.done $0x0  }
0x5f: {  	[sflag:s16] =	ssyncadd.s32 $0xFFFFFF80  }
0x60: {  	_ =	swait.ge [sflag:s16], $0x80  }
0x61: {  	[sflag:s16] =	ssyncset.done $0x0  }
0x62: {  	[sflag:s16] =	ssyncadd.s32 $0xFFFFFF80  }
0x63: {  	_ =	swait.ge [sflag:s16], $0x80  }
0x64: {  	[sflag:s16] =	ssyncset.done $0x0  }
0x65: {  	[sflag:s16] =	ssyncadd.s32 $0xFFFFFF80  }
0x66: {  	_ =	swait.ge [sflag:s16], $0x80  }
0x67: {  	[sflag:s16] =	ssyncset.done $0x0  }
0x68: {  	[sflag:s16] =	ssyncadd.s32 $0xFFFFFF80  }
0x69: {  	_ =	swait.ge [sflag:s16], $0x80  }
0x6a: {  	[sflag:s16] =	ssyncset.done $0x0  }
0x6b: {  	[sflag:s16] =	ssyncadd.s32 $0xFFFFFF80  }
0x6c: {  	_ =	swait.ge [sflag:s16], $0x80  }
0x6d: {  	[sflag:s16] =	ssyncset.done $0x0  }
0x6e: {  	[sflag:s16] =	ssyncadd.s32 $0xFFFFFF80  }
0x6f: {  	_ =	swait.ge [sflag:s16], $0x80  }
0x70: {  	[sflag:s16] =	ssyncset.done $0x0  }
0x71: {  	[sflag:s16] =	ssyncadd.s32 $0xFFFFFF80  }
0x72: {  	_ =	swait.ge [sflag:s16], $0x80  }
0x73: {  	[sflag:s16] =	ssyncset.done $0x0  }
0x74: {  	[sflag:s16] =	ssyncadd.s32 $0xFFFFFF80  }
0x75: {  	_ =	swait.ge [sflag:s16], $0x80  }
0x76: {  	[sflag:s16] =	ssyncset.done $0x0  }
0x77: {  	[sflag:s16] =	ssyncadd.s32 $0xFFFFFF80  }
0x78: {  	_ =	swait.ge [sflag:s16], $0x80  }
0x79: {  	[sflag:s16] =	ssyncset.done $0x0  }
0x7a: {  	[sflag:s16] =	ssyncadd.s32 $0xFFFFFF80  }
0x7b: {  	_ =	swait.ge [sflag:s16], $0x80  }
0x7c: {  	s22 =	simm.s32 $0xD00;
	s23 =	simm.s32 $0x6800;
	[sflag:s16] =	ssyncset.done $0x0  }
.LBB2_2:
0x7d: {  	s24 =	sadd.s32 $0x80, s22  }
0x7e: {  	[sflag:s16] =	ssyncadd.s32 $0xFFFFFF80;
	s21 =	smov.u32 s23;
	s20 =	sadd.s32 $0x3400, s23  }
0x7f: {  	[spmem:s2] =	stream.indirect.scatter.add.f32 [tilespmem:s14], [sflag:$0x1], $0x1, s24, s15, $0xb8;
	[tilespmem:$0x5200] =	vst v63  }
0x80: {  	p1 =	sne.s32 s23, $0x10400;
	s23 =	sadd.s32 $0x180, s22  }
0x81: {  	[spmem:s2] =	stream.indirect.scatter.add.f32 [tilespmem:s14], [sflag:$0x1], $0x1, s23, s15, $0xb8;
	[tilespmem:$0x5200] =	vst v63  }
0x82: {  	s23 =	sadd.s32 $0x280, s22  }
0x83: {  	[spmem:s2] =	stream.indirect.scatter.add.f32 [tilespmem:s14], [sflag:$0x1], $0x1, s23, s15, $0xb8;
	[tilespmem:$0x5200] =	vst v63  }
0x84: {  	s23 =	sadd.s32 $0x380, s22  }
0x85: {  	[spmem:s2] =	stream.indirect.scatter.add.f32 [tilespmem:s14], [sflag:$0x1], $0x1, s23, s15, $0xb8;
	[tilespmem:$0x5200] =	vst v63  }
0x86: {  	s23 =	sadd.s32 $0x480, s22  }
0x87: {  	[spmem:s2] =	stream.indirect.scatter.add.f32 [tilespmem:s14], [sflag:$0x1], $0x1, s23, s15, $0xb8;
	[tilespmem:$0x5200] =	vst v63  }
0x88: {  	s23 =	sadd.s32 $0x580, s22  }
0x89: {  	[spmem:s2] =	stream.indirect.scatter.add.f32 [tilespmem:s14], [sflag:$0x1], $0x1, s23, s15, $0xb8;
	[tilespmem:$0x5200] =	vst v63  }
0x8a: {  	s23 =	sadd.s32 $0x680, s22  }
0x8b: {  	[spmem:s2] =	stream.indirect.scatter.add.f32 [tilespmem:s14], [sflag:$0x1], $0x1, s23, s15, $0xb8;
	[tilespmem:$0x5200] =	vst v63  }
0x8c: {  	s23 =	sadd.s32 $0x780, s22  }
0x8d: {  	[spmem:s2] =	stream.indirect.scatter.add.f32 [tilespmem:s14], [sflag:$0x1], $0x1, s23, s15, $0xb8;
	[tilespmem:$0x5200] =	vst v63  }
0x8e: {  	s23 =	sadd.s32 $0x880, s22  }
0x8f: {  	[spmem:s2] =	stream.indirect.scatter.add.f32 [tilespmem:s14], [sflag:$0x1], $0x1, s23, s15, $0xb8;
	[tilespmem:$0x5200] =	vst v63  }
0x90: {  	s23 =	sadd.s32 $0x980, s22  }
0x91: {  	[spmem:s2] =	stream.indirect.scatter.add.f32 [tilespmem:s14], [sflag:$0x1], $0x1, s23, s15, $0xb8;
	[tilespmem:$0x5200] =	vst v63  }
0x92: {  	s23 =	sadd.s32 $0xA80, s22  }
0x93: {  	[spmem:s2] =	stream.indirect.scatter.add.f32 [tilespmem:s14], [sflag:$0x1], $0x1, s23, s15, $0xb8;
	[tilespmem:$0x5200] =	vst v63  }
0x94: {  	s23 =	sadd.s32 $0xB80, s22  }
0x95: {  	[spmem:s2] =	stream.indirect.scatter.add.f32 [tilespmem:s14], [sflag:$0x1], $0x1, s23, s15, $0xb8;
	[tilespmem:$0x5200] =	vst v63  }
0x96: {  	s22 =	sadd.s32 $0xC80, s22  }
0x97: {  	[spmem:s2] =	stream.indirect.scatter.add.f32 [tilespmem:s14], [sflag:$0x1], $0x1, s22, s15, $0xb8;
	[tilespmem:$0x5200] =	vst v63  }
0x98: {  	_ =	swait.ge [sflag:s16], $0x80  }
0x99: {  	[sflag:s16] =	ssyncset.done $0x0  }
0x9a: {  	[sflag:s16] =	ssyncadd.s32 $0xFFFFFF80  }
0x9b: {  	_ =	swait.ge [sflag:s16], $0x80  }
0x9c: {  	[sflag:s16] =	ssyncset.done $0x0  }
0x9d: {  	[sflag:s16] =	ssyncadd.s32 $0xFFFFFF80  }
0x9e: {  	_ =	swait.ge [sflag:s16], $0x80  }
0x9f: {  	[sflag:s16] =	ssyncset.done $0x0  }
0xa0: {  	[sflag:s16] =	ssyncadd.s32 $0xFFFFFF80  }
0xa1: {  	_ =	swait.ge [sflag:s16], $0x80  }
0xa2: {  	[sflag:s16] =	ssyncset.done $0x0  }
0xa3: {  	[sflag:s16] =	ssyncadd.s32 $0xFFFFFF80  }
0xa4: {  	_ =	swait.ge [sflag:s16], $0x80  }
0xa5: {  	[sflag:s16] =	ssyncset.done $0x0  }
0xa6: {  	[sflag:s16] =	ssyncadd.s32 $0xFFFFFF80  }
0xa7: {  	_ =	swait.ge [sflag:s16], $0x80  }
0xa8: {  	[sflag:s16] =	ssyncset.done $0x0  }
0xa9: {  	[sflag:s16] =	ssyncadd.s32 $0xFFFFFF80  }
0xaa: {  	_ =	swait.ge [sflag:s16], $0x80  }
0xab: {  	[sflag:s16] =	ssyncset.done $0x0  }
0xac: {  	[sflag:s16] =	ssyncadd.s32 $0xFFFFFF80  }
0xad: {  	_ =	swait.ge [sflag:s16], $0x80  }
0xae: {  	[sflag:s16] =	ssyncset.done $0x0  }
0xaf: {  	[sflag:s16] =	ssyncadd.s32 $0xFFFFFF80  }
0xb0: {  	_ =	swait.ge [sflag:s16], $0x80  }
0xb1: {  	[sflag:s16] =	ssyncset.done $0x0  }
0xb2: {  	[sflag:s16] =	ssyncadd.s32 $0xFFFFFF80  }
0xb3: {  	_ =	swait.ge [sflag:s16], $0x80  }
0xb4: {  	[sflag:s16] =	ssyncset.done $0x0  }
0xb5: {  	[sflag:s16] =	ssyncadd.s32 $0xFFFFFF80  }
0xb6: {  	_ =	swait.ge [sflag:s16], $0x80  }
0xb7: {  	[sflag:s16] =	ssyncset.done $0x0  }
0xb8: {  	[sflag:s16] =	ssyncadd.s32 $0xFFFFFF80  }
.Ltmp0:
0xb9: {  	_ =	swait.ge [sflag:s16], $0x80;
	(pc) =	sbr.rel @p1 .LBB2_2-.Ltmp0, $4  }
0xba: {  	[sflag:s16] =	ssyncset.done $0x0  }
0xbb: {  	[sflag:s16] =	ssyncadd.s32 $0xFFFFFF80  }
0xbc: {  	_ =	swait.ge [sflag:s16], $0x80  }
0xbd: {  	s23 =	smov.u32 s20;
	s22 =	sshra.s32 s21, $0x2;
	[sflag:s16] =	ssyncset.done $0x0  }
0xbe: {  	s20 =	sadd.s32 $0x80, s22;
	[sflag:s16] =	ssyncadd.s32 $0xFFFFFF80  }
0xbf: {  	[spmem:s2] =	stream.indirect.scatter.add.f32 [tilespmem:s14], [sflag:$0x1], $0x1, s20, s15, $0xb8;
	[tilespmem:$0x5200] =	vst v63  }
0xc0: {  	s29 =	sadd.s32 $0x180, s22  }
0xc1: {  	[spmem:s2] =	stream.indirect.scatter.add.f32 [tilespmem:s14], [sflag:$0x1], $0x1, s29, s15, $0xb8;
	[tilespmem:$0x5200] =	vst v63  }
0xc2: {  	s30 =	sadd.s32 $0x280, s22  }
0xc3: {  	[spmem:s2] =	stream.indirect.scatter.add.f32 [tilespmem:s14], [sflag:$0x1], $0x1, s30, s15, $0xb8;
	[tilespmem:$0x5200] =	vst v63  }
0xc4: {  	s31 =	sadd.s32 $0x380, s22  }
0xc5: {  	[spmem:s2] =	stream.indirect.scatter.add.f32 [tilespmem:s14], [sflag:$0x1], $0x1, s31, s15, $0xb8;
	[tilespmem:$0x5200] =	vst v63  }
0xc6: {  	s21 =	sadd.s32 $0x480, s22  }
0xc7: {  	[spmem:s2] =	stream.indirect.scatter.add.f32 [tilespmem:s14], [sflag:$0x1], $0x1, s21, s15, $0xb8;
	[tilespmem:$0x5200] =	vst v63  }
0xc8: {  	s23 =	sadd.s32 $0x580, s22  }
0xc9: {  	[spmem:s2] =	stream.indirect.scatter.add.f32 [tilespmem:s14], [sflag:$0x1], $0x1, s23, s15, $0xb8;
	[tilespmem:$0x5200] =	vst v63  }
0xca: {  	s24 =	sadd.s32 $0x680, s22  }
0xcb: {  	[spmem:s2] =	stream.indirect.scatter.add.f32 [tilespmem:s14], [sflag:$0x1], $0x1, s24, s15, $0xb8;
	[tilespmem:$0x5200] =	vst v63  }
0xcc: {  	s25 =	sadd.s32 $0x780, s22  }
0xcd: {  	[spmem:s2] =	stream.indirect.scatter.add.f32 [tilespmem:s14], [sflag:$0x1], $0x1, s25, s15, $0xb8;
	[tilespmem:$0x5200] =	vst v63  }
0xce: {  	s26 =	sadd.s32 $0x880, s22  }
0xcf: {  	[spmem:s2] =	stream.indirect.scatter.add.f32 [tilespmem:s14], [sflag:$0x1], $0x1, s26, s15, $0xb8;
	[tilespmem:$0x5200] =	vst v63  }
0xd0: {  	s28 =	sadd.s32 $0x980, s22  }
0xd1: {  	[spmem:s2] =	stream.indirect.scatter.add.f32 [tilespmem:s14], [sflag:$0x1], $0x1, s28, s15, $0xb8;
	[tilespmem:$0x5200] =	vst v63  }
0xd2: {  	s29 =	sadd.s32 $0xA80, s22  }
0xd3: {  	[spmem:s2] =	stream.indirect.scatter.add.f32 [tilespmem:s14], [sflag:$0x1], $0x1, s29, s15, $0xb8;
	[tilespmem:$0x5200] =	vst v63  }
0xd4: {  	s30 =	sadd.s32 $0xB80, s22  }
0xd5: {  	[spmem:s2] =	stream.indirect.scatter.add.f32 [tilespmem:s14], [sflag:$0x1], $0x1, s30, s15, $0xb8;
	[tilespmem:$0x5200] =	vst v63  }
0xd6: {  	s31 =	sadd.s32 $0xC80, s22  }
0xd7: {  	[spmem:s2] =	stream.indirect.scatter.add.f32 [tilespmem:s14], [sflag:$0x1], $0x1, s31, s15, $0xb8;
	[tilespmem:$0x5200] =	vst v63  }
0xd8: {  	_ =	swait.ge [sflag:s16], $0x80  }
0xd9: {  	[sflag:s16] =	ssyncset.done $0x0  }
0xda: {  	[sflag:s16] =	ssyncadd.s32 $0xFFFFFF80  }
0xdb: {  	_ =	swait.ge [sflag:s16], $0x80  }
0xdc: {  	[sflag:s16] =	ssyncset.done $0x0  }
0xdd: {  	[sflag:s16] =	ssyncadd.s32 $0xFFFFFF80  }
0xde: {  	_ =	swait.ge [sflag:s16], $0x80  }
0xdf: {  	[sflag:s16] =	ssyncset.done $0x0  }
0xe0: {  	[sflag:s16] =	ssyncadd.s32 $0xFFFFFF80  }
0xe1: {  	_ =	swait.ge [sflag:s16], $0x80  }
0xe2: {  	[sflag:s16] =	ssyncset.done $0x0  }
0xe3: {  	[sflag:s16] =	ssyncadd.s32 $0xFFFFFF80  }
0xe4: {  	_ =	swait.ge [sflag:s16], $0x80  }
0xe5: {  	[sflag:s16] =	ssyncset.done $0x0  }
0xe6: {  	[sflag:s16] =	ssyncadd.s32 $0xFFFFFF80  }
0xe7: {  	_ =	swait.ge [sflag:s16], $0x80  }
0xe8: {  	[sflag:s16] =	ssyncset.done $0x0  }
0xe9: {  	[sflag:s16] =	ssyncadd.s32 $0xFFFFFF80  }
0xea: {  	_ =	swait.ge [sflag:s16], $0x80  }
0xeb: {  	[sflag:s16] =	ssyncset.done $0x0  }
0xec: {  	[sflag:s16] =	ssyncadd.s32 $0xFFFFFF80  }
0xed: {  	_ =	swait.ge [sflag:s16], $0x80  }
0xee: {  	[sflag:s16] =	ssyncset.done $0x0  }
0xef: {  	[sflag:s16] =	ssyncadd.s32 $0xFFFFFF80  }
0xf0: {  	_ =	swait.ge [sflag:s16], $0x80  }
0xf1: {  	[sflag:s16] =	ssyncset.done $0x0  }
0xf2: {  	[sflag:s16] =	ssyncadd.s32 $0xFFFFFF80  }
0xf3: {  	_ =	swait.ge [sflag:s16], $0x80  }
0xf4: {  	[sflag:s16] =	ssyncset.done $0x0  }
0xf5: {  	[sflag:s16] =	ssyncadd.s32 $0xFFFFFF80  }
0xf6: {  	_ =	swait.ge [sflag:s16], $0x80  }
0xf7: {  	[sflag:s16] =	ssyncset.done $0x0  }
0xf8: {  	[sflag:s16] =	ssyncadd.s32 $0xFFFFFF80  }
0xf9: {  	_ =	swait.ge [sflag:s16], $0x80  }
0xfa: {  	[sflag:s16] =	ssyncset.done $0x0  }
0xfb: {  	[sflag:s16] =	ssyncadd.s32 $0xFFFFFF80  }
0xfc: {  	_ =	swait.ge [sflag:s16], $0x80  }
0xfd: {  	s20 =	simm.s32 @!p0 $0x80;
	[sflag:s16] =	ssyncset.done $0x0  }
0xfe: {  	s22 =	simm.s32 @!p0 $0x4F00;
	s21 =	simm.s32 @!p0 $0x4E80;
	[sflag:s16] =	ssyncadd.s32 $0xFFFFFF80  }
0xff: {  	[spmem:s2] =	stream.indirect.scatter.add.f32 @!p0 [tilespmem:s22], [sflag:$0x1], $0x1, s21, s20, $0xb8;
	[tilespmem:$0x5200] =	vst v63  }
0x100: {  	s20 =	simm.s32 @!p0 $0x1  }
0x101: {  	_ =	swait.ge @!p0 [sflag:s20], $0x80  }
0x102: {  	s19 =	sadd.s32 $0x1, s19;
	[sflag:s20] =	ssyncset.done @!p0 $0x0  }
0x103: {  	p1 =	sne.s32 s19, s12;
	[sflag:s20] =	ssyncadd.s32 @!p0 $0xFFFFFF80  }
.Ltmp1:
0x104: {  	[bflag:$0x0] =	sbarrier.arrive $0xFFFF;
	(pc) =	sbr.rel @p1 .LBB2_1-.Ltmp1, $4  }
0x105: {  	[hbm:s11], [sflag:s17] =	dma.local [spmem:s18], $0x50  }
0x106: {  	_ =	swait.ge [sflag:s13], $0x50  }
0x107: {  	[sflag:s13] =	ssyncset.done $0x0  }
0x108: {  	[sflag:s13] =	ssyncadd.s32 $0xFFFFFFB0  }
0x109: {  	_ =	sfence.sel $0x180000  }
0x10a: {  	[bflag:$0x0] =	sbarrier.arrive $0xFFFF  }
0x10b: {  	p0 =	sne.s32 s0, $0x0;
	_ =	strace $0x90000047  }
0x10c: {  	s0 =	sadd.s32 @!p0 $0x100000, s1;
	[bflag:$0x2] =	sbarrier.arrive $0xFFFF  }
0x10d: {  	[sflag:s0] =	ssyncadd.tile.s32 @!p0 $0x1;
	_ =	shalt  }
.Lfunc_end2:
_tile_overlayer_lowered:
.L_overlay_start_2:
0x10e: {  	(tag) =	ssettag $0x2  }
0x10f: {  	s0 =	rddreg [dreg:$0x0];
	s2 =	stileid.u32  }
0x110: {  	s1 =	rddreg [dreg:$0x1];
	p0 =	sne.s32 s2, $0x0  }
0x111: {  	s3 =	rddreg [dreg:$0x2];
	[bflag:$0x3] =	sbarrier.arrive $0xFFFF;
	s2 =	simm.s32 @!p0 $0x1C02  }
0x112: {  	[timem:s3], [sflag:s2] =	dma.local @!p0 [hbm:s0], s1  }
0x113: {  	s0 =	simm.s32 @!p0 $0x2  }
0x114: {  	_ =	swait.ge @!p0 [sflag:s0], s1  }
0x115: {  	s1 =	ssub.s32 @!p0 $0x0, s1;
	[sflag:s0] =	ssyncset.done @!p0 $0x0  }
0x116: {  	[sflag:s0] =	ssyncadd.s32 @!p0 s1  }
0x117: {  	[bflag:$0x3] =	sbarrier.arrive $0xFFFF  }
0x118: {  	_ =	shalt  }

</sc_bundles>
